<compile_context>
chip_gen: v7x
topology: tpu7x:2x2x1
jax: 0.10.2.dev20260603
libtpu: 0.0.44.dev20260713+nightly
codegen_flags: <defaults>
</compile_context>

<pallas_src>
import functools

import jax
import jax.numpy as jnp
from jax import lax
from jax.experimental import pallas as pl
from jax.experimental.pallas import tpu as pltpu
from jax.experimental.pallas import tpu_sc as plsc


jax.config.update('jax_default_matmul_precision', 'float32')

B, T, C = 1, 2048, 768
H, HD = 12, 64
NUM_RWKV, NUM_TRANS = 6, 2
NE = NUM_RWKV + NUM_TRANS
DFF = 1536
L = 128
F32 = jnp.float32
HI = jax.lax.Precision.HIGHEST


def _mm(a, b):
    return jnp.dot(a, b, preferred_element_type=F32, precision=HI)


def _proj_body(x_ref, g_ref, b_ref, w_ref, rkv_ref, lw_ref):
    x = x_ref[...]
    mu = jnp.mean(x, axis=1, keepdims=True)
    xc = x - mu
    var = jnp.mean(xc * xc, axis=1, keepdims=True)
    xn = xc * jax.lax.rsqrt(var + 1e-5) * g_ref[...] + b_ref[...]
    z = _mm(xn, w_ref[...])
    rkv_ref[...] = z[:, : 3 * C]
    wz = jax.nn.sigmoid(z[:, 3 * C :]) * 0.9 + 0.05
    lw_ref[...] = jnp.log(wz)


def _proj(x2, g, b, wcat, tl=256):
    nt = T // tl
    return pl.pallas_call(
        _proj_body,
        grid=(nt,),
        in_specs=[
            pl.BlockSpec((tl, C), lambda t: (t, 0)),
            pl.BlockSpec((1, C), lambda t: (0, 0)),
            pl.BlockSpec((1, C), lambda t: (0, 0)),
            pl.BlockSpec((C, 4 * C), lambda t: (0, 0)),
        ],
        out_specs=[
            pl.BlockSpec((tl, 3 * C), lambda t: (t, 0)),
            pl.BlockSpec((tl, C), lambda t: (t, 0)),
        ],
        out_shape=[
            jax.ShapeDtypeStruct((T, 3 * C), F32),
            jax.ShapeDtypeStruct((T, C), F32),
        ],
    )(x2, g, b, wcat)


def _recur_body(r_ref, k_ref, v_ref, lw_ref, o_ref, st_ref):
    c = pl.program_id(0)

    @pl.when(c == 0)
    def _():
        st_ref[...] = jnp.zeros((H // 2, 2 * HD, 2 * HD), F32)

    row = jax.lax.broadcasted_iota(jnp.int32, (L, L), 0)
    col = jax.lax.broadcasted_iota(jnp.int32, (L, L), 1)
    lane = jax.lax.broadcasted_iota(jnp.int32, (L, 2 * HD), 1)
    meven = (lane < HD).astype(F32)
    modd = 1.0 - meven
    r128 = jax.lax.broadcasted_iota(jnp.int32, (2 * HD, 2 * HD), 0)
    c128 = jax.lax.broadcasted_iota(jnp.int32, (2 * HD, 2 * HD), 1)
    bdiag = ((r128 < HD) == (c128 < HD)).astype(F32)
    ident = (r128 == c128).astype(F32)
    tril = (row >= col).astype(F32)

    lw = lw_ref[...]
    cum = _mm(tril, lw)
    tot = jnp.sum(lw, axis=0, keepdims=True)
    shift = 0.5 * tot
    ecum = jnp.exp(cum)
    rr = r_ref[...] * jnp.exp(cum - shift)
    kk = k_ref[...] * jnp.exp(shift - cum)
    rf = r_ref[...] * ecum
    kk2 = kk * jnp.exp(tot - shift)
    etot = jnp.exp(tot)
    vv = v_ref[...]
    for j in range(H // 2):
        slc = slice(2 * HD * j, 2 * HD * (j + 1))
        rrp = rr[:, slc]
        kkp = kk[:, slc]
        vvp = vv[:, slc]
        a_e = jax.lax.dot_general(rrp * meven, kkp, (((1,), (1,)), ((), ())),
                                  preferred_element_type=F32, precision=HI)
        a_o = jax.lax.dot_general(rrp * modd, kkp, (((1,), (1,)), ((), ())),
                                  preferred_element_type=F32, precision=HI)
        a_e = jnp.where(row >= col, a_e, 0.0)
        a_o = jnp.where(row >= col, a_o, 0.0)
        s0 = st_ref[j]
        outp = (_mm(a_e, vvp * meven) + _mm(a_o, vvp * modd)
                + _mm(rf[:, slc], s0))
        o_ref[:, slc] = outp
        u = jax.lax.dot_general(kk2[:, slc], vvp, (((0,), (0,)), ((), ())),
                                preferred_element_type=F32, precision=HI)
        u = u * bdiag
        ecl_col = jax.lax.dot_general(ident, etot[:, slc],
                                      (((1,), (1,)), ((), ())),
                                      preferred_element_type=F32,
                                      precision=HI)
        st_ref[j] = ecl_col * s0 + u


def _recur(r, k, v, lw):
    nc = T // L
    spec = pl.BlockSpec((L, C), lambda c: (c, 0))
    return pl.pallas_call(
        _recur_body,
        grid=(nc,),
        in_specs=[spec, spec, spec, spec],
        out_specs=spec,
        out_shape=jax.ShapeDtypeStruct((T, C), F32),
        scratch_shapes=[pltpu.VMEM((H // 2, 2 * HD, 2 * HD), F32)],
        compiler_params=pltpu.CompilerParams(
            dimension_semantics=("arbitrary",)),
    )(r, k, v, lw)


def _router_body(x_ref, s_ref, g_ref, b_ref, wo_ref,
                 wc_ref, bc_ref, wa_ref, wd_ref, cap_ref,
                 x1_ref, h_ref, bids_ref, diff_ref, aff_ref):
    s = s_ref[...]
    att = _mm(s, wo_ref[...])
    x1 = x_ref[...] + att
    x1_ref[...] = x1
    mu = jnp.mean(x1, axis=1, keepdims=True)
    xc = x1 - mu
    var = jnp.mean(xc * xc, axis=1, keepdims=True)
    h = xc * jax.lax.rsqrt(var + 1e-5) * g_ref[...] + b_ref[...]
    h_ref[...] = h
    conf = jax.nn.sigmoid(_mm(h, wc_ref[...]) + bc_ref[...])
    aff = _mm(h, wa_ref[...])
    dz = _mm(h, wd_ref[...])
    diff = jnp.maximum(dz, 0.0) + jnp.log(1.0 + jnp.exp(-jnp.abs(dz)))
    aff_ref[...] = aff
    diff_ref[...] = diff
    bids_ref[...] = conf * cap_ref[...] * diff + 0.1 * aff


def _router(x2, rwkv, g2, b2, wo, wc, bc, wa, wd, cap, tl=256):
    nt = T // tl
    big = pl.BlockSpec((tl, C), lambda t: (t, 0))
    wfull = pl.BlockSpec((C, C), lambda t: (0, 0))
    return pl.pallas_call(
        _router_body,
        grid=(nt,),
        in_specs=[
            big, big,
            pl.BlockSpec((1, C), lambda t: (0, 0)),
            pl.BlockSpec((1, C), lambda t: (0, 0)),
            wfull,
            pl.BlockSpec((C, NE), lambda t: (0, 0)),
            pl.BlockSpec((1, NE), lambda t: (0, 0)),
            pl.BlockSpec((C, NE), lambda t: (0, 0)),
            pl.BlockSpec((C, 1), lambda t: (0, 0)),
            pl.BlockSpec((1, NE), lambda t: (0, 0)),
        ],
        out_specs=[
            big, big,
            pl.BlockSpec((tl, NE), lambda t: (t, 0)),
            pl.BlockSpec((tl, 1), lambda t: (t, 0)),
            pl.BlockSpec((tl, NE), lambda t: (t, 0)),
        ],
        out_shape=[
            jax.ShapeDtypeStruct((T, C), F32),
            jax.ShapeDtypeStruct((T, C), F32),
            jax.ShapeDtypeStruct((T, NE), F32),
            jax.ShapeDtypeStruct((T, 1), F32),
            jax.ShapeDtypeStruct((T, NE), F32),
        ],
    )(x2, rwkv, g2, b2, wo, wc, bc, wa, wd, cap)


def _bridge_body(h_ref, s_ref, bw1_ref, bw2_ref, hp_ref):
    h = h_ref[...]
    br = jnp.tanh(_mm(h, bw1_ref[...]) + _mm(s_ref[...], bw2_ref[...]))
    hp_ref[...] = h + br


def _bridge(hf, rwkv, bw1, bw2, tl=256):
    nt = T // tl
    big = pl.BlockSpec((tl, C), lambda t: (t, 0))
    wfull = pl.BlockSpec((C, C), lambda t: (0, 0))
    return pl.pallas_call(
        _bridge_body,
        grid=(nt,),
        in_specs=[big, big, wfull, wfull],
        out_specs=big,
        out_shape=jax.ShapeDtypeStruct((T, C), F32),
    )(hf, rwkv, bw1, bw2)


def _sc_route(bidsT):
    info = plsc.get_sparse_core_info()
    nw = info.num_cores * info.num_subcores
    per = T // nw
    mesh = plsc.VectorSubcoreMesh(core_axis_name="c", subcore_axis_name="s")

    @functools.partial(
        pl.kernel, mesh=mesh,
        out_type=[
            jax.ShapeDtypeStruct((NE, T), F32),
            jax.ShapeDtypeStruct((2, T), jnp.int32),
            jax.ShapeDtypeStruct((T,), F32),
        ],
        scratch_types=[
            pltpu.VMEM((NE, per), F32),
            pltpu.VMEM((NE, per), F32),
            pltpu.VMEM((2, per), jnp.int32),
            pltpu.VMEM((per,), F32),
        ],
    )
    def k(bids_hbm, gates_hbm, win_hbm, cost_hbm,
          bids_v, gates_v, win_v, cost_v):
        wid = lax.axis_index("s") * info.num_cores + lax.axis_index("c")
        base = wid * per
        for e in range(NE):
            pltpu.sync_copy(bids_hbm.at[e, pl.ds(base, per)], bids_v.at[e])
        for st in range(per // 16):
            sl = pl.ds(16 * st, 16)
            b = [bids_v[e, sl] for e in range(NE)]
            m1 = b[0]
            i1 = jnp.zeros((16,), jnp.int32)
            for e in range(1, NE):
                gt = b[e] > m1
                m1 = jnp.where(gt, b[e], m1)
                i1 = jnp.where(gt, jnp.full((16,), e, jnp.int32), i1)
            m2 = jnp.full((16,), -1e30, F32)
            i2 = jnp.zeros((16,), jnp.int32)
            for e in range(NE):
                ce = jnp.where(i1 == e, jnp.full((16,), -1e30, F32), b[e])
                gt = ce > m2
                m2 = jnp.where(gt, ce, m2)
                i2 = jnp.where(gt, jnp.full((16,), e, jnp.int32), i2)
            ex = jnp.exp(m2 - m1)
            den = 1.0 + ex
            w1 = 1.0 / den
            w2 = ex / den
            zero = jnp.zeros((16,), F32)
            for e in range(NE):
                gates_v[e, sl] = (jnp.where(i1 == e, w1, zero)
                                  + jnp.where(i2 == e, w2, zero))
            win_v[0, sl] = i1
            win_v[1, sl] = i2
            cost_v[sl] = m1 + m2
        for e in range(NE):
            pltpu.sync_copy(gates_v.at[e], gates_hbm.at[e, pl.ds(base, per)])
        pltpu.sync_copy(win_v.at[0], win_hbm.at[0, pl.ds(base, per)])
        pltpu.sync_copy(win_v.at[1], win_hbm.at[1, pl.ds(base, per)])
        pltpu.sync_copy(cost_v, cost_hbm.at[pl.ds(base, per)])

    return k(bidsT)


def _ffn_body(h_ref, x1_ref, g_ref, w1_ref, w2_ref, o_ref):
    e = pl.program_id(1)
    z = jnp.dot(h_ref[...], w1_ref[0], preferred_element_type=F32,
                precision=jax.lax.Precision.DEFAULT)
    mid = jnp.square(jnp.maximum(z, 0.0))
    oe = jnp.dot(mid, w2_ref[0], preferred_element_type=F32,
                 precision=jax.lax.Precision.DEFAULT)
    ie = jax.lax.broadcasted_iota(jnp.int32, g_ref.shape, 1)
    ge = jnp.sum(jnp.where(ie == e, g_ref[...], 0.0), axis=1,
                 keepdims=True)
    contrib = ge * oe

    @pl.when(e == 0)
    def _():
        o_ref[...] = x1_ref[...] + contrib

    @pl.when(e != 0)
    def _():
        o_ref[...] = o_ref[...] + contrib


def _trans_body(p_ref, hp_ref, g_ref, w1_ref, w2_ref, o_ref):
    e = pl.program_id(1)
    z = jnp.dot(hp_ref[...], w1_ref[0], preferred_element_type=F32,
                precision=jax.lax.Precision.DEFAULT)
    mid = jax.nn.gelu(z)
    oe = jnp.dot(mid, w2_ref[0], preferred_element_type=F32,
                 precision=jax.lax.Precision.DEFAULT)
    ie = jax.lax.broadcasted_iota(jnp.int32, g_ref.shape, 1)
    ge = jnp.sum(jnp.where(ie == e + NUM_RWKV, g_ref[...], 0.0), axis=1,
                 keepdims=True)
    contrib = ge * oe

    @pl.when(e == 0)
    def _():
        o_ref[...] = p_ref[...] + contrib

    @pl.when(e != 0)
    def _():
        o_ref[...] = o_ref[...] + contrib


def _experts(hf, hpf, x1f, gates, w1f, w2f, w1t, w2t, tl=1024):
    nt = T // tl
    big = pl.BlockSpec((tl, C), lambda t, e: (t, 0))
    gspec = pl.BlockSpec((tl, NE), lambda t, e: (t, 0))
    sem = pltpu.CompilerParams(dimension_semantics=("arbitrary", "arbitrary"))
    part = pl.pallas_call(
        _ffn_body,
        grid=(nt, NUM_RWKV),
        in_specs=[
            big, big, gspec,
            pl.BlockSpec((1, C, DFF), lambda t, e: (e, 0, 0)),
            pl.BlockSpec((1, DFF, C), lambda t, e: (e, 0, 0)),
        ],
        out_specs=big,
        out_shape=jax.ShapeDtypeStruct((T, C), F32),
        compiler_params=sem,
    )(hf, x1f, gates, w1f, w2f)
    return pl.pallas_call(
        _trans_body,
        grid=(nt, NUM_TRANS),
        in_specs=[
            big, big, gspec,
            pl.BlockSpec((1, C, DFF), lambda t, e: (e, 0, 0)),
            pl.BlockSpec((1, DFF, C), lambda t, e: (e, 0, 0)),
        ],
        out_specs=big,
        out_shape=jax.ShapeDtypeStruct((T, C), F32),
        input_output_aliases={0: 0},
        compiler_params=sem,
    )(part, hpf, gates, w1t, w2t)


def kernel(x, v_first, capital_shares, params, step, warmup_steps):
    p = params
    x2 = x.reshape(T, C)
    wcat = jnp.concatenate([p['Wr'], p['Wk'], p['Wv'], p['Ww']], axis=1)
    g1 = p['ln1_g'].reshape(1, C)
    b1 = p['ln1_b'].reshape(1, C)
    rkv, lw = _proj(x2, g1, b1, wcat)
    r = rkv[:, :C]
    k = rkv[:, C:2 * C]
    v = rkv[:, 2 * C:]
    v_first_out = v.reshape(B, T, C)

    rwkv = _recur(r, k, v, lw)

    g2 = p['ln2_g'].reshape(1, C)
    b2 = p['ln2_b'].reshape(1, C)
    wc = p['conf_w'].T
    bc = p['conf_b'].reshape(1, NE)
    cap = capital_shares.reshape(1, NE)
    x1f, hf, bids, diff, aff = _router(
        x2, rwkv, g2, b2, p['Wo'], wc, bc, p['critic_Wa'],
        p['critic_wd'], cap)

    gatesT, winT, cost1d = _sc_route(bids.T)
    hpf = _bridge(hf, rwkv, p['bridge_W1'], p['bridge_W2'])

    xout = _experts(hf, hpf, x1f, gatesT.T, p['ffn_W1'], p['ffn_W2'],
                    p['trans_W1'], p['trans_W2'])

    return (xout.reshape(B, T, C),
            v_first_out,
            winT.T.reshape(B, T, 2),
            cost1d.reshape(B, T),
            diff.reshape(B, T, 1),
            aff.reshape(B, T, NE))

# --- scband reference (transcript-rebuilt; emitter-appended) ---
"""Pipeline reference for scband-ca-mo-e-block-75831942578808 (READ-ONLY COPY).

The authoritative reference and input builder live on the scoring server;
editing this copy changes nothing except your own understanding.
"""

import jax, jax.numpy as jnp
import numpy as np

B, T, C = 1, 2048, 768
H, HD = 12, 64
NUM_RWKV, NUM_TRANS = 6, 2
E = NUM_RWKV + NUM_TRANS
DFF = 1536


def setup_inputs(seed: int = 0):
    key = jax.random.key(seed)
    ks = jax.random.split(key, 16)
    def rn(k, shape, s=0.02):
        return jax.random.normal(k, shape, dtype=jnp.float32) * s
    params = {
        'ln1_g': jnp.ones((C,), jnp.float32), 'ln1_b': jnp.zeros((C,), jnp.float32),
        'ln2_g': jnp.ones((C,), jnp.float32), 'ln2_b': jnp.zeros((C,), jnp.float32),
        'Wr': rn(ks[0], (C, C)), 'Wk': rn(ks[1], (C, C)), 'Wv': rn(ks[2], (C, C)),
        'Ww': rn(ks[3], (C, C)), 'Wo': rn(ks[4], (C, C)),
        'ffn_W1': rn(ks[5], (NUM_RWKV, C, DFF)), 'ffn_W2': rn(ks[6], (NUM_RWKV, DFF, C)),
        'trans_W1': rn(ks[7], (NUM_TRANS, C, DFF)), 'trans_W2': rn(ks[8], (NUM_TRANS, DFF, C)),
        'conf_w': rn(ks[9], (E, C)), 'conf_b': jnp.zeros((E,), jnp.float32),
        'critic_wd': rn(ks[10], (C, 1)), 'critic_Wa': rn(ks[11], (C, E)),
        'bridge_W1': rn(ks[12], (C, C)), 'bridge_W2': rn(ks[13], (C, C)),
    }
    return {
        'x': jax.random.normal(ks[14], (B, T, C), dtype=jnp.float32),
        'v_first': jnp.zeros((B, T, C), jnp.float32),
        'capital_shares': jnp.ones((E,), jnp.float32),
        'params': params,
        'step': 100,
        'warmup_steps': 1000,
    }


def _layer_norm(x, g, b):
    mu = jnp.mean(x, -1, keepdims=True)
    var = jnp.var(x, -1, keepdims=True)
    return (x - mu) / jnp.sqrt(var + 1e-5) * g + b


def _time_mix(x_ln, v_first, p):
    # RWKV7-style per-head linear-attention recurrence (layer_id == 0 caches v_first)
    r = (x_ln @ p['Wr']).reshape(B, T, H, HD)
    k = (x_ln @ p['Wk']).reshape(B, T, H, HD)
    v_proj = (x_ln @ p['Wv']).reshape(B, T, H, HD)
    w = (jax.nn.sigmoid(x_ln @ p['Ww']) * 0.9 + 0.05).reshape(B, T, H, HD)
    v_first_out = v_proj.reshape(B, T, C)

    def step_fn(S, inp):
        r_t, k_t, v_t, w_t = inp
        S = S * w_t[..., :, None] + k_t[..., :, None] * v_t[..., None, :]
        out_t = jnp.einsum('bhd,bhde->bhe', r_t, S)
        return S, out_t

    S0 = jnp.zeros((B, H, HD, HD), jnp.float32)
    xs = (jnp.moveaxis(r, 1, 0), jnp.moveaxis(k, 1, 0), jnp.moveaxis(v_proj, 1, 0), jnp.moveaxis(w, 1, 0))
    _, outs = jax.lax.scan(step_fn, S0, xs)
    rwkv_state = jnp.moveaxis(outs, 0, 1).reshape(B, T, C)
    att_out = rwkv_state @ p['Wo']
    return att_out, v_first_out, rwkv_state


def _forward(x, v_first, capital_shares, params, step, warmup_steps):
    p = params
    x_ln = _layer_norm(x, p['ln1_g'], p['ln1_b'])
    att_out, v_first_out, rwkv_state = _time_mix(x_ln, v_first, p)
    x1 = x + att_out
    h = _layer_norm(x1, p['ln2_g'], p['ln2_b'])
    # per-expert confidence heads, stacked -> [B, T, E]
    confidences = jax.nn.sigmoid(jnp.einsum('btc,ec->bte', h, p['conf_w']) + p['conf_b'])
    # CriticVC
    difficulty = jax.nn.softplus(h @ p['critic_wd'])          # [B, T, 1]
    affinity = h @ p['critic_Wa']                              # [B, T, E]
    critic_subsidy = affinity * 0.1                            # apply_to_bids(zeros, affinity)
    # SparseRouter.route: capital-weighted bids, top-2 winners
    bids = confidences * capital_shares[None, None, :] * difficulty + critic_subsidy
    top_vals, winners = jax.lax.top_k(bids, 2)                 # [B, T, 2]
    weights = jax.nn.softmax(top_vals, axis=-1)                # [B, T, 2]
    costs = jnp.sum(top_vals, axis=-1)                         # [B, T]
    # bridge(flat_h, flat_state) -> prefix for transformer experts
    flat_h = h.reshape(-1, C)
    flat_state = rwkv_state.reshape(-1, C)
    bridge_prefix = jnp.tanh(flat_h @ p['bridge_W1'] + flat_state @ p['bridge_W2']).reshape(B, T, C)
    # SparseRWKVFFN experts (squared-ReLU channel mix)
    h1 = jnp.square(jax.nn.relu(jnp.einsum('btc,ecd->bted', h, p['ffn_W1'])))
    rwkv_outs = jnp.einsum('bted,edc->btec', h1, p['ffn_W2'])  # [B, T, 6, C]
    # LinearTransformerExpert experts (prefix-conditioned)
    hp = h + bridge_prefix
    t1 = jax.nn.gelu(jnp.einsum('btc,ecd->bted', hp, p['trans_W1']))
    trans_outs = jnp.einsum('bted,edc->btec', t1, p['trans_W2'])  # [B, T, 2, C]
    expert_outs = jnp.concatenate([rwkv_outs, trans_outs], axis=2)  # [B, T, E, C]
    # gather top-2 winners and weighted residual fuse (equiv. to masked expert loop)
    idx = jnp.broadcast_to(winners[..., None], (B, T, 2, C))
    sel = jnp.take_along_axis(expert_outs, idx, axis=2)        # [B, T, 2, C]
    final_out = jnp.sum(sel * weights[..., None], axis=2)
    x_out = x1 + final_out
    return x_out, v_first_out, winners, costs, difficulty, affinity


def reference(x, v_first, capital_shares, params, step, warmup_steps):
    return _forward(x, v_first, capital_shares, params, step, warmup_steps)

if __name__ == "__main__":
    import jax
    _d = setup_inputs()
    print(jax.jit(kernel)(*tuple(_d.values())))

</pallas_src>

<mosaic_0001>
#map = affine_map<(d0, d1) -> (0, 0)>
#map1 = affine_map<(d0, d1) -> (0)>
module attributes {stable_mosaic.version = 14 : i64} {
  func.func @k(%arg0: i32, %arg1: i32, %arg2: memref<8x2048xf32, #tpu.memory_space<hbm>>, %arg3: memref<8x2048xf32, #tpu.memory_space<hbm>>, %arg4: memref<2x2048xi32, #tpu.memory_space<hbm>>, %arg5: memref<2048xf32, #tpu.memory_space<hbm>>, %arg6: memref<8x64xf32, #tpu.memory_space<vmem>>, %arg7: memref<8x64xf32, #tpu.memory_space<vmem>>, %arg8: memref<2x64xi32, #tpu.memory_space<vmem>>, %arg9: memref<64xf32, #tpu.memory_space<vmem>>) attributes {dimension_semantics = [#tpu.dimension_semantics<core_parallel>, #tpu.dimension_semantics<subcore_parallel>], iteration_bounds = array<i64: 2, 16>, scalar_prefetch = 0 : i64, scratch_operands = 4 : i64, tpu.core_type = #tpu.core_type<sc_vector_subcore>, window_params = [{transform_indices = #map}, {transform_indices = #map}, {transform_indices = #map}, {transform_indices = #map1}]} {
    %mul3A = arith.constant 2 : i32
    %mul3A_0 = arith.muli %arg1, %mul3A : i32
    %add3A = arith.addi %mul3A_0, %arg0 : i32
    %mul3A_1 = arith.constant 64 : i32
    %mul3A_2 = arith.muli %add3A, %mul3A_1 : i32
    %run_scoped3A = arith.constant 0 : i32
    %run_scoped3A_3 = arith.constant 0 : i32
    "tpu.region"() ({
      %run_scoped3A_1297 = tpu.sem_alloc : memref<!tpu.dma_semaphore, #tpu.memory_space<semaphore_mem>>
      %dma_start3A = arith.constant 0 : i32
      %dma_start3A_1298 = tpu.memref_slice %arg6[%run_scoped3A_3, %dma_start3A] : memref<8x64xf32, #tpu.memory_space<vmem>> -> memref<1x64xf32, #tpu.memory_space<vmem>>
      %dma_start3A_1299 = tpu.memref_squeeze %dma_start3A_1298 : memref<1x64xf32, #tpu.memory_space<vmem>> -> memref<64xf32, #tpu.memory_space<vmem>>
      %dma_start3A_1300 = tpu.memref_slice %arg2[%run_scoped3A, %mul3A_2] : memref<8x2048xf32, #tpu.memory_space<hbm>> -> memref<1x64xf32, #tpu.memory_space<hbm>>
      %dma_start3A_1301 = tpu.memref_squeeze %dma_start3A_1300 : memref<1x64xf32, #tpu.memory_space<hbm>> -> memref<64xf32, #tpu.memory_space<hbm>>
      %dma_start3A_1302 = arith.constant 0 : i32
      %dma_start3A_1303 = tpu.memref_slice %arg6[%run_scoped3A_3, %dma_start3A_1302] : memref<8x64xf32, #tpu.memory_space<vmem>> -> memref<1x64xf32, #tpu.memory_space<vmem>>
      %dma_start3A_1304 = tpu.memref_squeeze %dma_start3A_1303 : memref<1x64xf32, #tpu.memory_space<vmem>> -> memref<64xf32, #tpu.memory_space<vmem>>
      %dma_start3A_1305 = tpu.memref_slice %arg2[%run_scoped3A, %mul3A_2] : memref<8x2048xf32, #tpu.memory_space<hbm>> -> memref<1x64xf32, #tpu.memory_space<hbm>>
      %dma_start3A_1306 = tpu.memref_squeeze %dma_start3A_1305 : memref<1x64xf32, #tpu.memory_space<hbm>> -> memref<64xf32, #tpu.memory_space<hbm>>
      tpu.enqueue_dma source(%dma_start3A_1306 : memref<64xf32, #tpu.memory_space<hbm>>) target(%dma_start3A_1304 : memref<64xf32, #tpu.memory_space<vmem>>) target_semaphore(%run_scoped3A_1297 : memref<!tpu.dma_semaphore, #tpu.memory_space<semaphore_mem>>)
      %dma_wait3A = arith.constant 0 : i32
      %dma_wait3A_1307 = tpu.memref_slice %arg6[%run_scoped3A_3, %dma_wait3A] : memref<8x64xf32, #tpu.memory_space<vmem>> -> memref<1x64xf32, #tpu.memory_space<vmem>>
      %dma_wait3A_1308 = tpu.memref_squeeze %dma_wait3A_1307 : memref<1x64xf32, #tpu.memory_space<vmem>> -> memref<64xf32, #tpu.memory_space<vmem>>
      %dma_wait3A_1309 = tpu.memref_slice %arg2[%run_scoped3A, %mul3A_2] : memref<8x2048xf32, #tpu.memory_space<hbm>> -> memref<1x64xf32, #tpu.memory_space<hbm>>
      %dma_wait3A_1310 = tpu.memref_squeeze %dma_wait3A_1309 : memref<1x64xf32, #tpu.memory_space<hbm>> -> memref<64xf32, #tpu.memory_space<hbm>>
      %dma_wait3A_1311 = arith.constant 0 : i32
      %dma_wait3A_1312 = tpu.memref_slice %arg6[%run_scoped3A_3, %dma_wait3A_1311] : memref<8x64xf32, #tpu.memory_space<vmem>> -> memref<1x64xf32, #tpu.memory_space<vmem>>
      %dma_wait3A_1313 = tpu.memref_squeeze %dma_wait3A_1312 : memref<1x64xf32, #tpu.memory_space<vmem>> -> memref<64xf32, #tpu.memory_space<vmem>>
      %dma_wait3A_1314 = tpu.memref_slice %arg2[%run_scoped3A, %mul3A_2] : memref<8x2048xf32, #tpu.memory_space<hbm>> -> memref<1x64xf32, #tpu.memory_space<hbm>>
      %dma_wait3A_1315 = tpu.memref_squeeze %dma_wait3A_1314 : memref<1x64xf32, #tpu.memory_space<hbm>> -> memref<64xf32, #tpu.memory_space<hbm>>
      tpu.wait_dma2 semaphore(%run_scoped3A_1297 : memref<!tpu.dma_semaphore, #tpu.memory_space<semaphore_mem>>) src(%dma_wait3A_1315 : memref<64xf32, #tpu.memory_space<hbm>>) dst(%dma_wait3A_1313 : memref<64xf32, #tpu.memory_space<vmem>>)
      tpu.yield
    }) : () -> ()
    %run_scoped3A_4 = arith.constant 1 : i32
    %run_scoped3A_5 = arith.constant 1 : i32
    "tpu.region"() ({
      %run_scoped3A_1297 = tpu.sem_alloc : memref<!tpu.dma_semaphore, #tpu.memory_space<semaphore_mem>>
      %dma_start3A = arith.constant 0 : i32
      %dma_start3A_1298 = tpu.memref_slice %arg6[%run_scoped3A_5, %dma_start3A] : memref<8x64xf32, #tpu.memory_space<vmem>> -> memref<1x64xf32, #tpu.memory_space<vmem>>
      %dma_start3A_1299 = tpu.memref_squeeze %dma_start3A_1298 : memref<1x64xf32, #tpu.memory_space<vmem>> -> memref<64xf32, #tpu.memory_space<vmem>>
      %dma_start3A_1300 = tpu.memref_slice %arg2[%run_scoped3A_4, %mul3A_2] : memref<8x2048xf32, #tpu.memory_space<hbm>> -> memref<1x64xf32, #tpu.memory_space<hbm>>
      %dma_start3A_1301 = tpu.memref_squeeze %dma_start3A_1300 : memref<1x64xf32, #tpu.memory_space<hbm>> -> memref<64xf32, #tpu.memory_space<hbm>>
      %dma_start3A_1302 = arith.constant 0 : i32
      %dma_start3A_1303 = tpu.memref_slice %arg6[%run_scoped3A_5, %dma_start3A_1302] : memref<8x64xf32, #tpu.memory_space<vmem>> -> memref<1x64xf32, #tpu.memory_space<vmem>>
      %dma_start3A_1304 = tpu.memref_squeeze %dma_start3A_1303 : memref<1x64xf32, #tpu.memory_space<vmem>> -> memref<64xf32, #tpu.memory_space<vmem>>
      %dma_start3A_1305 = tpu.memref_slice %arg2[%run_scoped3A_4, %mul3A_2] : memref<8x2048xf32, #tpu.memory_space<hbm>> -> memref<1x64xf32, #tpu.memory_space<hbm>>
      %dma_start3A_1306 = tpu.memref_squeeze %dma_start3A_1305 : memref<1x64xf32, #tpu.memory_space<hbm>> -> memref<64xf32, #tpu.memory_space<hbm>>
      tpu.enqueue_dma source(%dma_start3A_1306 : memref<64xf32, #tpu.memory_space<hbm>>) target(%dma_start3A_1304 : memref<64xf32, #tpu.memory_space<vmem>>) target_semaphore(%run_scoped3A_1297 : memref<!tpu.dma_semaphore, #tpu.memory_space<semaphore_mem>>)
      %dma_wait3A = arith.constant 0 : i32
      %dma_wait3A_1307 = tpu.memref_slice %arg6[%run_scoped3A_5, %dma_wait3A] : memref<8x64xf32, #tpu.memory_space<vmem>> -> memref<1x64xf32, #tpu.memory_space<vmem>>
      %dma_wait3A_1308 = tpu.memref_squeeze %dma_wait3A_1307 : memref<1x64xf32, #tpu.memory_space<vmem>> -> memref<64xf32, #tpu.memory_space<vmem>>
      %dma_wait3A_1309 = tpu.memref_slice %arg2[%run_scoped3A_4, %mul3A_2] : memref<8x2048xf32, #tpu.memory_space<hbm>> -> memref<1x64xf32, #tpu.memory_space<hbm>>
      %dma_wait3A_1310 = tpu.memref_squeeze %dma_wait3A_1309 : memref<1x64xf32, #tpu.memory_space<hbm>> -> memref<64xf32, #tpu.memory_space<hbm>>
      %dma_wait3A_1311 = arith.constant 0 : i32
      %dma_wait3A_1312 = tpu.memref_slice %arg6[%run_scoped3A_5, %dma_wait3A_1311] : memref<8x64xf32, #tpu.memory_space<vmem>> -> memref<1x64xf32, #tpu.memory_space<vmem>>
      %dma_wait3A_1313 = tpu.memref_squeeze %dma_wait3A_1312 : memref<1x64xf32, #tpu.memory_space<vmem>> -> memref<64xf32, #tpu.memory_space<vmem>>
      %dma_wait3A_1314 = tpu.memref_slice %arg2[%run_scoped3A_4, %mul3A_2] : memref<8x2048xf32, #tpu.memory_space<hbm>> -> memref<1x64xf32, #tpu.memory_space<hbm>>
      %dma_wait3A_1315 = tpu.memref_squeeze %dma_wait3A_1314 : memref<1x64xf32, #tpu.memory_space<hbm>> -> memref<64xf32, #tpu.memory_space<hbm>>
      tpu.wait_dma2 semaphore(%run_scoped3A_1297 : memref<!tpu.dma_semaphore, #tpu.memory_space<semaphore_mem>>) src(%dma_wait3A_1315 : memref<64xf32, #tpu.memory_space<hbm>>) dst(%dma_wait3A_1313 : memref<64xf32, #tpu.memory_space<vmem>>)
      tpu.yield
    }) : () -> ()
    %run_scoped3A_6 = arith.constant 2 : i32
    %run_scoped3A_7 = arith.constant 2 : i32
    "tpu.region"() ({
      %run_scoped3A_1297 = tpu.sem_alloc : memref<!tpu.dma_semaphore, #tpu.memory_space<semaphore_mem>>
      %dma_start3A = arith.constant 0 : i32
      %dma_start3A_1298 = tpu.memref_slice %arg6[%run_scoped3A_7, %dma_start3A] : memref<8x64xf32, #tpu.memory_space<vmem>> -> memref<1x64xf32, #tpu.memory_space<vmem>>
      %dma_start3A_1299 = tpu.memref_squeeze %dma_start3A_1298 : memref<1x64xf32, #tpu.memory_space<vmem>> -> memref<64xf32, #tpu.memory_space<vmem>>
      %dma_start3A_1300 = tpu.memref_slice %arg2[%run_scoped3A_6, %mul3A_2] : memref<8x2048xf32, #tpu.memory_space<hbm>> -> memref<1x64xf32, #tpu.memory_space<hbm>>
      %dma_start3A_1301 = tpu.memref_squeeze %dma_start3A_1300 : memref<1x64xf32, #tpu.memory_space<hbm>> -> memref<64xf32, #tpu.memory_space<hbm>>
      %dma_start3A_1302 = arith.constant 0 : i32
      %dma_start3A_1303 = tpu.memref_slice %arg6[%run_scoped3A_7, %dma_start3A_1302] : memref<8x64xf32, #tpu.memory_space<vmem>> -> memref<1x64xf32, #tpu.memory_space<vmem>>
      %dma_start3A_1304 = tpu.memref_squeeze %dma_start3A_1303 : memref<1x64xf32, #tpu.memory_space<vmem>> -> memref<64xf32, #tpu.memory_space<vmem>>
      %dma_start3A_1305 = tpu.memref_slice %arg2[%run_scoped3A_6, %mul3A_2] : memref<8x2048xf32, #tpu.memory_space<hbm>> -> memref<1x64xf32, #tpu.memory_space<hbm>>
      %dma_start3A_1306 = tpu.memref_squeeze %dma_start3A_1305 : memref<1x64xf32, #tpu.memory_space<hbm>> -> memref<64xf32, #tpu.memory_space<hbm>>
      tpu.enqueue_dma source(%dma_start3A_1306 : memref<64xf32, #tpu.memory_space<hbm>>) target(%dma_start3A_1304 : memref<64xf32, #tpu.memory_space<vmem>>) target_semaphore(%run_scoped3A_1297 : memref<!tpu.dma_semaphore, #tpu.memory_space<semaphore_mem>>)
      %dma_wait3A = arith.constant 0 : i32
      %dma_wait3A_1307 = tpu.memref_slice %arg6[%run_scoped3A_7, %dma_wait3A] : memref<8x64xf32, #tpu.memory_space<vmem>> -> memref<1x64xf32, #tpu.memory_space<vmem>>
      %dma_wait3A_1308 = tpu.memref_squeeze %dma_wait3A_1307 : memref<1x64xf32, #tpu.memory_space<vmem>> -> memref<64xf32, #tpu.memory_space<vmem>>
      %dma_wait3A_1309 = tpu.memref_slice %arg2[%run_scoped3A_6, %mul3A_2] : memref<8x2048xf32, #tpu.memory_space<hbm>> -> memref<1x64xf32, #tpu.memory_space<hbm>>
      %dma_wait3A_1310 = tpu.memref_squeeze %dma_wait3A_1309 : memref<1x64xf32, #tpu.memory_space<hbm>> -> memref<64xf32, #tpu.memory_space<hbm>>
      %dma_wait3A_1311 = arith.constant 0 : i32
      %dma_wait3A_1312 = tpu.memref_slice %arg6[%run_scoped3A_7, %dma_wait3A_1311] : memref<8x64xf32, #tpu.memory_space<vmem>> -> memref<1x64xf32, #tpu.memory_space<vmem>>
      %dma_wait3A_1313 = tpu.memref_squeeze %dma_wait3A_1312 : memref<1x64xf32, #tpu.memory_space<vmem>> -> memref<64xf32, #tpu.memory_space<vmem>>
      %dma_wait3A_1314 = tpu.memref_slice %arg2[%run_scoped3A_6, %mul3A_2] : memref<8x2048xf32, #tpu.memory_space<hbm>> -> memref<1x64xf32, #tpu.memory_space<hbm>>
      %dma_wait3A_1315 = tpu.memref_squeeze %dma_wait3A_1314 : memref<1x64xf32, #tpu.memory_space<hbm>> -> memref<64xf32, #tpu.memory_space<hbm>>
      tpu.wait_dma2 semaphore(%run_scoped3A_1297 : memref<!tpu.dma_semaphore, #tpu.memory_space<semaphore_mem>>) src(%dma_wait3A_1315 : memref<64xf32, #tpu.memory_space<hbm>>) dst(%dma_wait3A_1313 : memref<64xf32, #tpu.memory_space<vmem>>)
      tpu.yield
    }) : () -> ()
    %run_scoped3A_8 = arith.constant 3 : i32
    %run_scoped3A_9 = arith.constant 3 : i32
    "tpu.region"() ({
      %run_scoped3A_1297 = tpu.sem_alloc : memref<!tpu.dma_semaphore, #tpu.memory_space<semaphore_mem>>
      %dma_start3A = arith.constant 0 : i32
      %dma_start3A_1298 = tpu.memref_slice %arg6[%run_scoped3A_9, %dma_start3A] : memref<8x64xf32, #tpu.memory_space<vmem>> -> memref<1x64xf32, #tpu.memory_space<vmem>>
      %dma_start3A_1299 = tpu.memref_squeeze %dma_start3A_1298 : memref<1x64xf32, #tpu.memory_space<vmem>> -> memref<64xf32, #tpu.memory_space<vmem>>
      %dma_start3A_1300 = tpu.memref_slice %arg2[%run_scoped3A_8, %mul3A_2] : memref<8x2048xf32, #tpu.memory_space<hbm>> -> memref<1x64xf32, #tpu.memory_space<hbm>>
      %dma_start3A_1301 = tpu.memref_squeeze %dma_start3A_1300 : memref<1x64xf32, #tpu.memory_space<hbm>> -> memref<64xf32, #tpu.memory_space<hbm>>
      %dma_start3A_1302 = arith.constant 0 : i32
      %dma_start3A_1303 = tpu.memref_slice %arg6[%run_scoped3A_9, %dma_start3A_1302] : memref<8x64xf32, #tpu.memory_space<vmem>> -> memref<1x64xf32, #tpu.memory_space<vmem>>
      %dma_start3A_1304 = tpu.memref_squeeze %dma_start3A_1303 : memref<1x64xf32, #tpu.memory_space<vmem>> -> memref<64xf32, #tpu.memory_space<vmem>>
      %dma_start3A_1305 = tpu.memref_slice %arg2[%run_scoped3A_8, %mul3A_2] : memref<8x2048xf32, #tpu.memory_space<hbm>> -> memref<1x64xf32, #tpu.memory_space<hbm>>
      %dma_start3A_1306 = tpu.memref_squeeze %dma_start3A_1305 : memref<1x64xf32, #tpu.memory_space<hbm>> -> memref<64xf32, #tpu.memory_space<hbm>>
      tpu.enqueue_dma source(%dma_start3A_1306 : memref<64xf32, #tpu.memory_space<hbm>>) target(%dma_start3A_1304 : memref<64xf32, #tpu.memory_space<vmem>>) target_semaphore(%run_scoped3A_1297 : memref<!tpu.dma_semaphore, #tpu.memory_space<semaphore_mem>>)
      %dma_wait3A = arith.constant 0 : i32
      %dma_wait3A_1307 = tpu.memref_slice %arg6[%run_scoped3A_9, %dma_wait3A] : memref<8x64xf32, #tpu.memory_space<vmem>> -> memref<1x64xf32, #tpu.memory_space<vmem>>
      %dma_wait3A_1308 = tpu.memref_squeeze %dma_wait3A_1307 : memref<1x64xf32, #tpu.memory_space<vmem>> -> memref<64xf32, #tpu.memory_space<vmem>>
      %dma_wait3A_1309 = tpu.memref_slice %arg2[%run_scoped3A_8, %mul3A_2] : memref<8x2048xf32, #tpu.memory_space<hbm>> -> memref<1x64xf32, #tpu.memory_space<hbm>>
      %dma_wait3A_1310 = tpu.memref_squeeze %dma_wait3A_1309 : memref<1x64xf32, #tpu.memory_space<hbm>> -> memref<64xf32, #tpu.memory_space<hbm>>
      %dma_wait3A_1311 = arith.constant 0 : i32
      %dma_wait3A_1312 = tpu.memref_slice %arg6[%run_scoped3A_9, %dma_wait3A_1311] : memref<8x64xf32, #tpu.memory_space<vmem>> -> memref<1x64xf32, #tpu.memory_space<vmem>>
      %dma_wait3A_1313 = tpu.memref_squeeze %dma_wait3A_1312 : memref<1x64xf32, #tpu.memory_space<vmem>> -> memref<64xf32, #tpu.memory_space<vmem>>
      %dma_wait3A_1314 = tpu.memref_slice %arg2[%run_scoped3A_8, %mul3A_2] : memref<8x2048xf32, #tpu.memory_space<hbm>> -> memref<1x64xf32, #tpu.memory_space<hbm>>
      %dma_wait3A_1315 = tpu.memref_squeeze %dma_wait3A_1314 : memref<1x64xf32, #tpu.memory_space<hbm>> -> memref<64xf32, #tpu.memory_space<hbm>>
      tpu.wait_dma2 semaphore(%run_scoped3A_1297 : memref<!tpu.dma_semaphore, #tpu.memory_space<semaphore_mem>>) src(%dma_wait3A_1315 : memref<64xf32, #tpu.memory_space<hbm>>) dst(%dma_wait3A_1313 : memref<64xf32, #tpu.memory_space<vmem>>)
      tpu.yield
    }) : () -> ()
    %run_scoped3A_10 = arith.constant 4 : i32
    %run_scoped3A_11 = arith.constant 4 : i32
    "tpu.region"() ({
      %run_scoped3A_1297 = tpu.sem_alloc : memref<!tpu.dma_semaphore, #tpu.memory_space<semaphore_mem>>
      %dma_start3A = arith.constant 0 : i32
      %dma_start3A_1298 = tpu.memref_slice %arg6[%run_scoped3A_11, %dma_start3A] : memref<8x64xf32, #tpu.memory_space<vmem>> -> memref<1x64xf32, #tpu.memory_space<vmem>>
      %dma_start3A_1299 = tpu.memref_squeeze %dma_start3A_1298 : memref<1x64xf32, #tpu.memory_space<vmem>> -> memref<64xf32, #tpu.memory_space<vmem>>
      %dma_start3A_1300 = tpu.memref_slice %arg2[%run_scoped3A_10, %mul3A_2] : memref<8x2048xf32, #tpu.memory_space<hbm>> -> memref<1x64xf32, #tpu.memory_space<hbm>>
      %dma_start3A_1301 = tpu.memref_squeeze %dma_start3A_1300 : memref<1x64xf32, #tpu.memory_space<hbm>> -> memref<64xf32, #tpu.memory_space<hbm>>
      %dma_start3A_1302 = arith.constant 0 : i32
      %dma_start3A_1303 = tpu.memref_slice %arg6[%run_scoped3A_11, %dma_start3A_1302] : memref<8x64xf32, #tpu.memory_space<vmem>> -> memref<1x64xf32, #tpu.memory_space<vmem>>
      %dma_start3A_1304 = tpu.memref_squeeze %dma_start3A_1303 : memref<1x64xf32, #tpu.memory_space<vmem>> -> memref<64xf32, #tpu.memory_space<vmem>>
      %dma_start3A_1305 = tpu.memref_slice %arg2[%run_scoped3A_10, %mul3A_2] : memref<8x2048xf32, #tpu.memory_space<hbm>> -> memref<1x64xf32, #tpu.memory_space<hbm>>
      %dma_start3A_1306 = tpu.memref_squeeze %dma_start3A_1305 : memref<1x64xf32, #tpu.memory_space<hbm>> -> memref<64xf32, #tpu.memory_space<hbm>>
      tpu.enqueue_dma source(%dma_start3A_1306 : memref<64xf32, #tpu.memory_space<hbm>>) target(%dma_start3A_1304 : memref<64xf32, #tpu.memory_space<vmem>>) target_semaphore(%run_scoped3A_1297 : memref<!tpu.dma_semaphore, #tpu.memory_space<semaphore_mem>>)
      %dma_wait3A = arith.constant 0 : i32
      %dma_wait3A_1307 = tpu.memref_slice %arg6[%run_scoped3A_11, %dma_wait3A] : memref<8x64xf32, #tpu.memory_space<vmem>> -> memref<1x64xf32, #tpu.memory_space<vmem>>
      %dma_wait3A_1308 = tpu.memref_squeeze %dma_wait3A_1307 : memref<1x64xf32, #tpu.memory_space<vmem>> -> memref<64xf32, #tpu.memory_space<vmem>>
      %dma_wait3A_1309 = tpu.memref_slice %arg2[%run_scoped3A_10, %mul3A_2] : memref<8x2048xf32, #tpu.memory_space<hbm>> -> memref<1x64xf32, #tpu.memory_space<hbm>>
      %dma_wait3A_1310 = tpu.memref_squeeze %dma_wait3A_1309 : memref<1x64xf32, #tpu.memory_space<hbm>> -> memref<64xf32, #tpu.memory_space<hbm>>
      %dma_wait3A_1311 = arith.constant 0 : i32
      %dma_wait3A_1312 = tpu.memref_slice %arg6[%run_scoped3A_11, %dma_wait3A_1311] : memref<8x64xf32, #tpu.memory_space<vmem>> -> memref<1x64xf32, #tpu.memory_space<vmem>>
      %dma_wait3A_1313 = tpu.memref_squeeze %dma_wait3A_1312 : memref<1x64xf32, #tpu.memory_space<vmem>> -> memref<64xf32, #tpu.memory_space<vmem>>
      %dma_wait3A_1314 = tpu.memref_slice %arg2[%run_scoped3A_10, %mul3A_2] : memref<8x2048xf32, #tpu.memory_space<hbm>> -> memref<1x64xf32, #tpu.memory_space<hbm>>
      %dma_wait3A_1315 = tpu.memref_squeeze %dma_wait3A_1314 : memref<1x64xf32, #tpu.memory_space<hbm>> -> memref<64xf32, #tpu.memory_space<hbm>>
      tpu.wait_dma2 semaphore(%run_scoped3A_1297 : memref<!tpu.dma_semaphore, #tpu.memory_space<semaphore_mem>>) src(%dma_wait3A_1315 : memref<64xf32, #tpu.memory_space<hbm>>) dst(%dma_wait3A_1313 : memref<64xf32, #tpu.memory_space<vmem>>)
      tpu.yield
    }) : () -> ()
    %run_scoped3A_12 = arith.constant 5 : i32
    %run_scoped3A_13 = arith.constant 5 : i32
    "tpu.region"() ({
      %run_scoped3A_1297 = tpu.sem_alloc : memref<!tpu.dma_semaphore, #tpu.memory_space<semaphore_mem>>
      %dma_start3A = arith.constant 0 : i32
      %dma_start3A_1298 = tpu.memref_slice %arg6[%run_scoped3A_13, %dma_start3A] : memref<8x64xf32, #tpu.memory_space<vmem>> -> memref<1x64xf32, #tpu.memory_space<vmem>>
      %dma_start3A_1299 = tpu.memref_squeeze %dma_start3A_1298 : memref<1x64xf32, #tpu.memory_space<vmem>> -> memref<64xf32, #tpu.memory_space<vmem>>
      %dma_start3A_1300 = tpu.memref_slice %arg2[%run_scoped3A_12, %mul3A_2] : memref<8x2048xf32, #tpu.memory_space<hbm>> -> memref<1x64xf32, #tpu.memory_space<hbm>>
      %dma_start3A_1301 = tpu.memref_squeeze %dma_start3A_1300 : memref<1x64xf32, #tpu.memory_space<hbm>> -> memref<64xf32, #tpu.memory_space<hbm>>
      %dma_start3A_1302 = arith.constant 0 : i32
      %dma_start3A_1303 = tpu.memref_slice %arg6[%run_scoped3A_13, %dma_start3A_1302] : memref<8x64xf32, #tpu.memory_space<vmem>> -> memref<1x64xf32, #tpu.memory_space<vmem>>
      %dma_start3A_1304 = tpu.memref_squeeze %dma_start3A_1303 : memref<1x64xf32, #tpu.memory_space<vmem>> -> memref<64xf32, #tpu.memory_space<vmem>>
      %dma_start3A_1305 = tpu.memref_slice %arg2[%run_scoped3A_12, %mul3A_2] : memref<8x2048xf32, #tpu.memory_space<hbm>> -> memref<1x64xf32, #tpu.memory_space<hbm>>
      %dma_start3A_1306 = tpu.memref_squeeze %dma_start3A_1305 : memref<1x64xf32, #tpu.memory_space<hbm>> -> memref<64xf32, #tpu.memory_space<hbm>>
      tpu.enqueue_dma source(%dma_start3A_1306 : memref<64xf32, #tpu.memory_space<hbm>>) target(%dma_start3A_1304 : memref<64xf32, #tpu.memory_space<vmem>>) target_semaphore(%run_scoped3A_1297 : memref<!tpu.dma_semaphore, #tpu.memory_space<semaphore_mem>>)
      %dma_wait3A = arith.constant 0 : i32
      %dma_wait3A_1307 = tpu.memref_slice %arg6[%run_scoped3A_13, %dma_wait3A] : memref<8x64xf32, #tpu.memory_space<vmem>> -> memref<1x64xf32, #tpu.memory_space<vmem>>
      %dma_wait3A_1308 = tpu.memref_squeeze %dma_wait3A_1307 : memref<1x64xf32, #tpu.memory_space<vmem>> -> memref<64xf32, #tpu.memory_space<vmem>>
      %dma_wait3A_1309 = tpu.memref_slice %arg2[%run_scoped3A_12, %mul3A_2] : memref<8x2048xf32, #tpu.memory_space<hbm>> -> memref<1x64xf32, #tpu.memory_space<hbm>>
      %dma_wait3A_1310 = tpu.memref_squeeze %dma_wait3A_1309 : memref<1x64xf32, #tpu.memory_space<hbm>> -> memref<64xf32, #tpu.memory_space<hbm>>
      %dma_wait3A_1311 = arith.constant 0 : i32
      %dma_wait3A_1312 = tpu.memref_slice %arg6[%run_scoped3A_13, %dma_wait3A_1311] : memref<8x64xf32, #tpu.memory_space<vmem>> -> memref<1x64xf32, #tpu.memory_space<vmem>>
      %dma_wait3A_1313 = tpu.memref_squeeze %dma_wait3A_1312 : memref<1x64xf32, #tpu.memory_space<vmem>> -> memref<64xf32, #tpu.memory_space<vmem>>
      %dma_wait3A_1314 = tpu.memref_slice %arg2[%run_scoped3A_12, %mul3A_2] : memref<8x2048xf32, #tpu.memory_space<hbm>> -> memref<1x64xf32, #tpu.memory_space<hbm>>
      %dma_wait3A_1315 = tpu.memref_squeeze %dma_wait3A_1314 : memref<1x64xf32, #tpu.memory_space<hbm>> -> memref<64xf32, #tpu.memory_space<hbm>>
      tpu.wait_dma2 semaphore(%run_scoped3A_1297 : memref<!tpu.dma_semaphore, #tpu.memory_space<semaphore_mem>>) src(%dma_wait3A_1315 : memref<64xf32, #tpu.memory_space<hbm>>) dst(%dma_wait3A_1313 : memref<64xf32, #tpu.memory_space<vmem>>)
      tpu.yield
    }) : () -> ()
    %run_scoped3A_14 = arith.constant 6 : i32
    %run_scoped3A_15 = arith.constant 6 : i32
    "tpu.region"() ({
      %run_scoped3A_1297 = tpu.sem_alloc : memref<!tpu.dma_semaphore, #tpu.memory_space<semaphore_mem>>
      %dma_start3A = arith.constant 0 : i32
      %dma_start3A_1298 = tpu.memref_slice %arg6[%run_scoped3A_15, %dma_start3A] : memref<8x64xf32, #tpu.memory_space<vmem>> -> memref<1x64xf32, #tpu.memory_space<vmem>>
      %dma_start3A_1299 = tpu.memref_squeeze %dma_start3A_1298 : memref<1x64xf32, #tpu.memory_space<vmem>> -> memref<64xf32, #tpu.memory_space<vmem>>
      %dma_start3A_1300 = tpu.memref_slice %arg2[%run_scoped3A_14, %mul3A_2] : memref<8x2048xf32, #tpu.memory_space<hbm>> -> memref<1x64xf32, #tpu.memory_space<hbm>>
      %dma_start3A_1301 = tpu.memref_squeeze %dma_start3A_1300 : memref<1x64xf32, #tpu.memory_space<hbm>> -> memref<64xf32, #tpu.memory_space<hbm>>
      %dma_start3A_1302 = arith.constant 0 : i32
      %dma_start3A_1303 = tpu.memref_slice %arg6[%run_scoped3A_15, %dma_start3A_1302] : memref<8x64xf32, #tpu.memory_space<vmem>> -> memref<1x64xf32, #tpu.memory_space<vmem>>
      %dma_start3A_1304 = tpu.memref_squeeze %dma_start3A_1303 : memref<1x64xf32, #tpu.memory_space<vmem>> -> memref<64xf32, #tpu.memory_space<vmem>>
      %dma_start3A_1305 = tpu.memref_slice %arg2[%run_scoped3A_14, %mul3A_2] : memref<8x2048xf32, #tpu.memory_space<hbm>> -> memref<1x64xf32, #tpu.memory_space<hbm>>
      %dma_start3A_1306 = tpu.memref_squeeze %dma_start3A_1305 : memref<1x64xf32, #tpu.memory_space<hbm>> -> memref<64xf32, #tpu.memory_space<hbm>>
      tpu.enqueue_dma source(%dma_start3A_1306 : memref<64xf32, #tpu.memory_space<hbm>>) target(%dma_start3A_1304 : memref<64xf32, #tpu.memory_space<vmem>>) target_semaphore(%run_scoped3A_1297 : memref<!tpu.dma_semaphore, #tpu.memory_space<semaphore_mem>>)
      %dma_wait3A = arith.constant 0 : i32
      %dma_wait3A_1307 = tpu.memref_slice %arg6[%run_scoped3A_15, %dma_wait3A] : memref<8x64xf32, #tpu.memory_space<vmem>> -> memref<1x64xf32, #tpu.memory_space<vmem>>
      %dma_wait3A_1308 = tpu.memref_squeeze %dma_wait3A_1307 : memref<1x64xf32, #tpu.memory_space<vmem>> -> memref<64xf32, #tpu.memory_space<vmem>>
      %dma_wait3A_1309 = tpu.memref_slice %arg2[%run_scoped3A_14, %mul3A_2] : memref<8x2048xf32, #tpu.memory_space<hbm>> -> memref<1x64xf32, #tpu.memory_space<hbm>>
      %dma_wait3A_1310 = tpu.memref_squeeze %dma_wait3A_1309 : memref<1x64xf32, #tpu.memory_space<hbm>> -> memref<64xf32, #tpu.memory_space<hbm>>
      %dma_wait3A_1311 = arith.constant 0 : i32
      %dma_wait3A_1312 = tpu.memref_slice %arg6[%run_scoped3A_15, %dma_wait3A_1311] : memref<8x64xf32, #tpu.memory_space<vmem>> -> memref<1x64xf32, #tpu.memory_space<vmem>>
      %dma_wait3A_1313 = tpu.memref_squeeze %dma_wait3A_1312 : memref<1x64xf32, #tpu.memory_space<vmem>> -> memref<64xf32, #tpu.memory_space<vmem>>
      %dma_wait3A_1314 = tpu.memref_slice %arg2[%run_scoped3A_14, %mul3A_2] : memref<8x2048xf32, #tpu.memory_space<hbm>> -> memref<1x64xf32, #tpu.memory_space<hbm>>
      %dma_wait3A_1315 = tpu.memref_squeeze %dma_wait3A_1314 : memref<1x64xf32, #tpu.memory_space<hbm>> -> memref<64xf32, #tpu.memory_space<hbm>>
      tpu.wait_dma2 semaphore(%run_scoped3A_1297 : memref<!tpu.dma_semaphore, #tpu.memory_space<semaphore_mem>>) src(%dma_wait3A_1315 : memref<64xf32, #tpu.memory_space<hbm>>) dst(%dma_wait3A_1313 : memref<64xf32, #tpu.memory_space<vmem>>)
      tpu.yield
    }) : () -> ()
    %run_scoped3A_16 = arith.constant 7 : i32
    %run_scoped3A_17 = arith.constant 7 : i32
    "tpu.region"() ({
      %run_scoped3A_1297 = tpu.sem_alloc : memref<!tpu.dma_semaphore, #tpu.memory_space<semaphore_mem>>
      %dma_start3A = arith.constant 0 : i32
      %dma_start3A_1298 = tpu.memref_slice %arg6[%run_scoped3A_17, %dma_start3A] : memref<8x64xf32, #tpu.memory_space<vmem>> -> memref<1x64xf32, #tpu.memory_space<vmem>>
      %dma_start3A_1299 = tpu.memref_squeeze %dma_start3A_1298 : memref<1x64xf32, #tpu.memory_space<vmem>> -> memref<64xf32, #tpu.memory_space<vmem>>
      %dma_start3A_1300 = tpu.memref_slice %arg2[%run_scoped3A_16, %mul3A_2] : memref<8x2048xf32, #tpu.memory_space<hbm>> -> memref<1x64xf32, #tpu.memory_space<hbm>>
      %dma_start3A_1301 = tpu.memref_squeeze %dma_start3A_1300 : memref<1x64xf32, #tpu.memory_space<hbm>> -> memref<64xf32, #tpu.memory_space<hbm>>
      %dma_start3A_1302 = arith.constant 0 : i32
      %dma_start3A_1303 = tpu.memref_slice %arg6[%run_scoped3A_17, %dma_start3A_1302] : memref<8x64xf32, #tpu.memory_space<vmem>> -> memref<1x64xf32, #tpu.memory_space<vmem>>
      %dma_start3A_1304 = tpu.memref_squeeze %dma_start3A_1303 : memref<1x64xf32, #tpu.memory_space<vmem>> -> memref<64xf32, #tpu.memory_space<vmem>>
      %dma_start3A_1305 = tpu.memref_slice %arg2[%run_scoped3A_16, %mul3A_2] : memref<8x2048xf32, #tpu.memory_space<hbm>> -> memref<1x64xf32, #tpu.memory_space<hbm>>
      %dma_start3A_1306 = tpu.memref_squeeze %dma_start3A_1305 : memref<1x64xf32, #tpu.memory_space<hbm>> -> memref<64xf32, #tpu.memory_space<hbm>>
      tpu.enqueue_dma source(%dma_start3A_1306 : memref<64xf32, #tpu.memory_space<hbm>>) target(%dma_start3A_1304 : memref<64xf32, #tpu.memory_space<vmem>>) target_semaphore(%run_scoped3A_1297 : memref<!tpu.dma_semaphore, #tpu.memory_space<semaphore_mem>>)
      %dma_wait3A = arith.constant 0 : i32
      %dma_wait3A_1307 = tpu.memref_slice %arg6[%run_scoped3A_17, %dma_wait3A] : memref<8x64xf32, #tpu.memory_space<vmem>> -> memref<1x64xf32, #tpu.memory_space<vmem>>
      %dma_wait3A_1308 = tpu.memref_squeeze %dma_wait3A_1307 : memref<1x64xf32, #tpu.memory_space<vmem>> -> memref<64xf32, #tpu.memory_space<vmem>>
      %dma_wait3A_1309 = tpu.memref_slice %arg2[%run_scoped3A_16, %mul3A_2] : memref<8x2048xf32, #tpu.memory_space<hbm>> -> memref<1x64xf32, #tpu.memory_space<hbm>>
      %dma_wait3A_1310 = tpu.memref_squeeze %dma_wait3A_1309 : memref<1x64xf32, #tpu.memory_space<hbm>> -> memref<64xf32, #tpu.memory_space<hbm>>
      %dma_wait3A_1311 = arith.constant 0 : i32
      %dma_wait3A_1312 = tpu.memref_slice %arg6[%run_scoped3A_17, %dma_wait3A_1311] : memref<8x64xf32, #tpu.memory_space<vmem>> -> memref<1x64xf32, #tpu.memory_space<vmem>>
      %dma_wait3A_1313 = tpu.memref_squeeze %dma_wait3A_1312 : memref<1x64xf32, #tpu.memory_space<vmem>> -> memref<64xf32, #tpu.memory_space<vmem>>
      %dma_wait3A_1314 = tpu.memref_slice %arg2[%run_scoped3A_16, %mul3A_2] : memref<8x2048xf32, #tpu.memory_space<hbm>> -> memref<1x64xf32, #tpu.memory_space<hbm>>
      %dma_wait3A_1315 = tpu.memref_squeeze %dma_wait3A_1314 : memref<1x64xf32, #tpu.memory_space<hbm>> -> memref<64xf32, #tpu.memory_space<hbm>>
      tpu.wait_dma2 semaphore(%run_scoped3A_1297 : memref<!tpu.dma_semaphore, #tpu.memory_space<semaphore_mem>>) src(%dma_wait3A_1315 : memref<64xf32, #tpu.memory_space<hbm>>) dst(%dma_wait3A_1313 : memref<64xf32, #tpu.memory_space<vmem>>)
      tpu.yield
    }) : () -> ()
    %get3A = arith.constant 0 : i32
    %get3A_18 = arith.index_cast %get3A : i32 to index
    %get3A_19 = arith.constant 0 : index
    %get3A_20 = tpu.vector_load %arg6[%get3A_18, %get3A_19] {strides = array<i32>} : memref<8x64xf32, #tpu.memory_space<vmem>>, vector<1x16xf32>,
    %get3A_21 = vector.shape_cast %get3A_20 : vector<1x16xf32> to vector<16xf32>
    %get3A_22 = arith.constant 1 : i32
    %get3A_23 = arith.index_cast %get3A_22 : i32 to index
    %get3A_24 = arith.constant 0 : index
    %get3A_25 = tpu.vector_load %arg6[%get3A_23, %get3A_24] {strides = array<i32>} : memref<8x64xf32, #tpu.memory_space<vmem>>, vector<1x16xf32>,
    %get3A_26 = vector.shape_cast %get3A_25 : vector<1x16xf32> to vector<16xf32>
    %get3A_27 = arith.constant 2 : i32
    %get3A_28 = arith.index_cast %get3A_27 : i32 to index
    %get3A_29 = arith.constant 0 : index
    %get3A_30 = tpu.vector_load %arg6[%get3A_28, %get3A_29] {strides = array<i32>} : memref<8x64xf32, #tpu.memory_space<vmem>>, vector<1x16xf32>,
    %get3A_31 = vector.shape_cast %get3A_30 : vector<1x16xf32> to vector<16xf32>
    %get3A_32 = arith.constant 3 : i32
    %get3A_33 = arith.index_cast %get3A_32 : i32 to index
    %get3A_34 = arith.constant 0 : index
    %get3A_35 = tpu.vector_load %arg6[%get3A_33, %get3A_34] {strides = array<i32>} : memref<8x64xf32, #tpu.memory_space<vmem>>, vector<1x16xf32>,
    %get3A_36 = vector.shape_cast %get3A_35 : vector<1x16xf32> to vector<16xf32>
    %get3A_37 = arith.constant 4 : i32
    %get3A_38 = arith.index_cast %get3A_37 : i32 to index
    %get3A_39 = arith.constant 0 : index
    %get3A_40 = tpu.vector_load %arg6[%get3A_38, %get3A_39] {strides = array<i32>} : memref<8x64xf32, #tpu.memory_space<vmem>>, vector<1x16xf32>,
    %get3A_41 = vector.shape_cast %get3A_40 : vector<1x16xf32> to vector<16xf32>
    %get3A_42 = arith.constant 5 : i32
    %get3A_43 = arith.index_cast %get3A_42 : i32 to index
    %get3A_44 = arith.constant 0 : index
    %get3A_45 = tpu.vector_load %arg6[%get3A_43, %get3A_44] {strides = array<i32>} : memref<8x64xf32, #tpu.memory_space<vmem>>, vector<1x16xf32>,
    %get3A_46 = vector.shape_cast %get3A_45 : vector<1x16xf32> to vector<16xf32>
    %get3A_47 = arith.constant 6 : i32
    %get3A_48 = arith.index_cast %get3A_47 : i32 to index
    %get3A_49 = arith.constant 0 : index
    %get3A_50 = tpu.vector_load %arg6[%get3A_48, %get3A_49] {strides = array<i32>} : memref<8x64xf32, #tpu.memory_space<vmem>>, vector<1x16xf32>,
    %get3A_51 = vector.shape_cast %get3A_50 : vector<1x16xf32> to vector<16xf32>
    %get3A_52 = arith.constant 7 : i32
    %get3A_53 = arith.index_cast %get3A_52 : i32 to index
    %get3A_54 = arith.constant 0 : index
    %get3A_55 = tpu.vector_load %arg6[%get3A_53, %get3A_54] {strides = array<i32>} : memref<8x64xf32, #tpu.memory_space<vmem>>, vector<1x16xf32>,
    %get3A_56 = vector.shape_cast %get3A_55 : vector<1x16xf32> to vector<16xf32>
    %broadcast_in_dim3A = arith.constant 0 : i32
    %broadcast_in_dim3A_57 = vector.broadcast %broadcast_in_dim3A : i32 to vector<16xi32>
    %gt3A = arith.cmpf ogt, %get3A_26, %get3A_21 : vector<16xf32>
    %select_n3A = arith.select %gt3A, %get3A_26, %get3A_21 : vector<16xi1>, vector<16xf32>
    %broadcast_in_dim3A_58 = arith.constant 1 : i32
    %broadcast_in_dim3A_59 = vector.broadcast %broadcast_in_dim3A_58 : i32 to vector<16xi32>
    %select_n3A_60 = arith.select %gt3A, %broadcast_in_dim3A_59, %broadcast_in_dim3A_57 : vector<16xi1>, vector<16xi32>
    %gt3A_61 = arith.cmpf ogt, %get3A_31, %select_n3A : vector<16xf32>
    %select_n3A_62 = arith.select %gt3A_61, %get3A_31, %select_n3A : vector<16xi1>, vector<16xf32>
    %broadcast_in_dim3A_63 = arith.constant 2 : i32
    %broadcast_in_dim3A_64 = vector.broadcast %broadcast_in_dim3A_63 : i32 to vector<16xi32>
    %select_n3A_65 = arith.select %gt3A_61, %broadcast_in_dim3A_64, %select_n3A_60 : vector<16xi1>, vector<16xi32>
    %gt3A_66 = arith.cmpf ogt, %get3A_36, %select_n3A_62 : vector<16xf32>
    %select_n3A_67 = arith.select %gt3A_66, %get3A_36, %select_n3A_62 : vector<16xi1>, vector<16xf32>
    %broadcast_in_dim3A_68 = arith.constant 3 : i32
    %broadcast_in_dim3A_69 = vector.broadcast %broadcast_in_dim3A_68 : i32 to vector<16xi32>
    %select_n3A_70 = arith.select %gt3A_66, %broadcast_in_dim3A_69, %select_n3A_65 : vector<16xi1>, vector<16xi32>
    %gt3A_71 = arith.cmpf ogt, %get3A_41, %select_n3A_67 : vector<16xf32>
    %select_n3A_72 = arith.select %gt3A_71, %get3A_41, %select_n3A_67 : vector<16xi1>, vector<16xf32>
    %broadcast_in_dim3A_73 = arith.constant 4 : i32
    %broadcast_in_dim3A_74 = vector.broadcast %broadcast_in_dim3A_73 : i32 to vector<16xi32>
    %select_n3A_75 = arith.select %gt3A_71, %broadcast_in_dim3A_74, %select_n3A_70 : vector<16xi1>, vector<16xi32>
    %gt3A_76 = arith.cmpf ogt, %get3A_46, %select_n3A_72 : vector<16xf32>
    %select_n3A_77 = arith.select %gt3A_76, %get3A_46, %select_n3A_72 : vector<16xi1>, vector<16xf32>
    %broadcast_in_dim3A_78 = arith.constant 5 : i32
    %broadcast_in_dim3A_79 = vector.broadcast %broadcast_in_dim3A_78 : i32 to vector<16xi32>
    %select_n3A_80 = arith.select %gt3A_76, %broadcast_in_dim3A_79, %select_n3A_75 : vector<16xi1>, vector<16xi32>
    %gt3A_81 = arith.cmpf ogt, %get3A_51, %select_n3A_77 : vector<16xf32>
    %select_n3A_82 = arith.select %gt3A_81, %get3A_51, %select_n3A_77 : vector<16xi1>, vector<16xf32>
    %broadcast_in_dim3A_83 = arith.constant 6 : i32
    %broadcast_in_dim3A_84 = vector.broadcast %broadcast_in_dim3A_83 : i32 to vector<16xi32>
    %select_n3A_85 = arith.select %gt3A_81, %broadcast_in_dim3A_84, %select_n3A_80 : vector<16xi1>, vector<16xi32>
    %gt3A_86 = arith.cmpf ogt, %get3A_56, %select_n3A_82 : vector<16xf32>
    %select_n3A_87 = arith.select %gt3A_86, %get3A_56, %select_n3A_82 : vector<16xi1>, vector<16xf32>
    %broadcast_in_dim3A_88 = arith.constant 7 : i32
    %broadcast_in_dim3A_89 = vector.broadcast %broadcast_in_dim3A_88 : i32 to vector<16xi32>
    %select_n3A_90 = arith.select %gt3A_86, %broadcast_in_dim3A_89, %select_n3A_85 : vector<16xi1>, vector<16xi32>
    %broadcast_in_dim3A_91 = arith.constant -1.000000e+30 : f32
    %broadcast_in_dim3A_92 = vector.broadcast %broadcast_in_dim3A_91 : f32 to vector<16xf32>
    %broadcast_in_dim3A_93 = arith.constant 0 : i32
    %broadcast_in_dim3A_94 = vector.broadcast %broadcast_in_dim3A_93 : i32 to vector<16xi32>
    %eq3A = arith.constant 0 : i32
    %eq3A_95 = vector.broadcast %eq3A : i32 to vector<16xi32>
    %eq3A_96 = arith.cmpi eq, %select_n3A_90, %eq3A_95 : vector<16xi32>
    %broadcast_in_dim3A_97 = arith.constant -1.000000e+30 : f32
    %broadcast_in_dim3A_98 = vector.broadcast %broadcast_in_dim3A_97 : f32 to vector<16xf32>
    %select_n3A_99 = arith.select %eq3A_96, %broadcast_in_dim3A_98, %get3A_21 : vector<16xi1>, vector<16xf32>
    %gt3A_100 = arith.cmpf ogt, %select_n3A_99, %broadcast_in_dim3A_92 : vector<16xf32>
    %select_n3A_101 = arith.select %gt3A_100, %select_n3A_99, %broadcast_in_dim3A_92 : vector<16xi1>, vector<16xf32>
    %broadcast_in_dim3A_102 = arith.constant 0 : i32
    %broadcast_in_dim3A_103 = vector.broadcast %broadcast_in_dim3A_102 : i32 to vector<16xi32>
    %select_n3A_104 = arith.select %gt3A_100, %broadcast_in_dim3A_103, %broadcast_in_dim3A_94 : vector<16xi1>, vector<16xi32>
    %eq3A_105 = arith.constant 1 : i32
    %eq3A_106 = vector.broadcast %eq3A_105 : i32 to vector<16xi32>
    %eq3A_107 = arith.cmpi eq, %select_n3A_90, %eq3A_106 : vector<16xi32>
    %broadcast_in_dim3A_108 = arith.constant -1.000000e+30 : f32
    %broadcast_in_dim3A_109 = vector.broadcast %broadcast_in_dim3A_108 : f32 to vector<16xf32>
    %select_n3A_110 = arith.select %eq3A_107, %broadcast_in_dim3A_109, %get3A_26 : vector<16xi1>, vector<16xf32>
    %gt3A_111 = arith.cmpf ogt, %select_n3A_110, %select_n3A_101 : vector<16xf32>
    %select_n3A_112 = arith.select %gt3A_111, %select_n3A_110, %select_n3A_101 : vector<16xi1>, vector<16xf32>
    %broadcast_in_dim3A_113 = arith.constant 1 : i32
    %broadcast_in_dim3A_114 = vector.broadcast %broadcast_in_dim3A_113 : i32 to vector<16xi32>
    %select_n3A_115 = arith.select %gt3A_111, %broadcast_in_dim3A_114, %select_n3A_104 : vector<16xi1>, vector<16xi32>
    %eq3A_116 = arith.constant 2 : i32
    %eq3A_117 = vector.broadcast %eq3A_116 : i32 to vector<16xi32>
    %eq3A_118 = arith.cmpi eq, %select_n3A_90, %eq3A_117 : vector<16xi32>
    %broadcast_in_dim3A_119 = arith.constant -1.000000e+30 : f32
    %broadcast_in_dim3A_120 = vector.broadcast %broadcast_in_dim3A_119 : f32 to vector<16xf32>
    %select_n3A_121 = arith.select %eq3A_118, %broadcast_in_dim3A_120, %get3A_31 : vector<16xi1>, vector<16xf32>
    %gt3A_122 = arith.cmpf ogt, %select_n3A_121, %select_n3A_112 : vector<16xf32>
    %select_n3A_123 = arith.select %gt3A_122, %select_n3A_121, %select_n3A_112 : vector<16xi1>, vector<16xf32>
    %broadcast_in_dim3A_124 = arith.constant 2 : i32
    %broadcast_in_dim3A_125 = vector.broadcast %broadcast_in_dim3A_124 : i32 to vector<16xi32>
    %select_n3A_126 = arith.select %gt3A_122, %broadcast_in_dim3A_125, %select_n3A_115 : vector<16xi1>, vector<16xi32>
    %eq3A_127 = arith.constant 3 : i32
    %eq3A_128 = vector.broadcast %eq3A_127 : i32 to vector<16xi32>
    %eq3A_129 = arith.cmpi eq, %select_n3A_90, %eq3A_128 : vector<16xi32>
    %broadcast_in_dim3A_130 = arith.constant -1.000000e+30 : f32
    %broadcast_in_dim3A_131 = vector.broadcast %broadcast_in_dim3A_130 : f32 to vector<16xf32>
    %select_n3A_132 = arith.select %eq3A_129, %broadcast_in_dim3A_131, %get3A_36 : vector<16xi1>, vector<16xf32>
    %gt3A_133 = arith.cmpf ogt, %select_n3A_132, %select_n3A_123 : vector<16xf32>
    %select_n3A_134 = arith.select %gt3A_133, %select_n3A_132, %select_n3A_123 : vector<16xi1>, vector<16xf32>
    %broadcast_in_dim3A_135 = arith.constant 3 : i32
    %broadcast_in_dim3A_136 = vector.broadcast %broadcast_in_dim3A_135 : i32 to vector<16xi32>
    %select_n3A_137 = arith.select %gt3A_133, %broadcast_in_dim3A_136, %select_n3A_126 : vector<16xi1>, vector<16xi32>
    %eq3A_138 = arith.constant 4 : i32
    %eq3A_139 = vector.broadcast %eq3A_138 : i32 to vector<16xi32>
    %eq3A_140 = arith.cmpi eq, %select_n3A_90, %eq3A_139 : vector<16xi32>
    %broadcast_in_dim3A_141 = arith.constant -1.000000e+30 : f32
    %broadcast_in_dim3A_142 = vector.broadcast %broadcast_in_dim3A_141 : f32 to vector<16xf32>
    %select_n3A_143 = arith.select %eq3A_140, %broadcast_in_dim3A_142, %get3A_41 : vector<16xi1>, vector<16xf32>
    %gt3A_144 = arith.cmpf ogt, %select_n3A_143, %select_n3A_134 : vector<16xf32>
    %select_n3A_145 = arith.select %gt3A_144, %select_n3A_143, %select_n3A_134 : vector<16xi1>, vector<16xf32>
    %broadcast_in_dim3A_146 = arith.constant 4 : i32
    %broadcast_in_dim3A_147 = vector.broadcast %broadcast_in_dim3A_146 : i32 to vector<16xi32>
    %select_n3A_148 = arith.select %gt3A_144, %broadcast_in_dim3A_147, %select_n3A_137 : vector<16xi1>, vector<16xi32>
    %eq3A_149 = arith.constant 5 : i32
    %eq3A_150 = vector.broadcast %eq3A_149 : i32 to vector<16xi32>
    %eq3A_151 = arith.cmpi eq, %select_n3A_90, %eq3A_150 : vector<16xi32>
    %broadcast_in_dim3A_152 = arith.constant -1.000000e+30 : f32
    %broadcast_in_dim3A_153 = vector.broadcast %broadcast_in_dim3A_152 : f32 to vector<16xf32>
    %select_n3A_154 = arith.select %eq3A_151, %broadcast_in_dim3A_153, %get3A_46 : vector<16xi1>, vector<16xf32>
    %gt3A_155 = arith.cmpf ogt, %select_n3A_154, %select_n3A_145 : vector<16xf32>
    %select_n3A_156 = arith.select %gt3A_155, %select_n3A_154, %select_n3A_145 : vector<16xi1>, vector<16xf32>
    %broadcast_in_dim3A_157 = arith.constant 5 : i32
    %broadcast_in_dim3A_158 = vector.broadcast %broadcast_in_dim3A_157 : i32 to vector<16xi32>
    %select_n3A_159 = arith.select %gt3A_155, %broadcast_in_dim3A_158, %select_n3A_148 : vector<16xi1>, vector<16xi32>
    %eq3A_160 = arith.constant 6 : i32
    %eq3A_161 = vector.broadcast %eq3A_160 : i32 to vector<16xi32>
    %eq3A_162 = arith.cmpi eq, %select_n3A_90, %eq3A_161 : vector<16xi32>
    %broadcast_in_dim3A_163 = arith.constant -1.000000e+30 : f32
    %broadcast_in_dim3A_164 = vector.broadcast %broadcast_in_dim3A_163 : f32 to vector<16xf32>
    %select_n3A_165 = arith.select %eq3A_162, %broadcast_in_dim3A_164, %get3A_51 : vector<16xi1>, vector<16xf32>
    %gt3A_166 = arith.cmpf ogt, %select_n3A_165, %select_n3A_156 : vector<16xf32>
    %select_n3A_167 = arith.select %gt3A_166, %select_n3A_165, %select_n3A_156 : vector<16xi1>, vector<16xf32>
    %broadcast_in_dim3A_168 = arith.constant 6 : i32
    %broadcast_in_dim3A_169 = vector.broadcast %broadcast_in_dim3A_168 : i32 to vector<16xi32>
    %select_n3A_170 = arith.select %gt3A_166, %broadcast_in_dim3A_169, %select_n3A_159 : vector<16xi1>, vector<16xi32>
    %eq3A_171 = arith.constant 7 : i32
    %eq3A_172 = vector.broadcast %eq3A_171 : i32 to vector<16xi32>
    %eq3A_173 = arith.cmpi eq, %select_n3A_90, %eq3A_172 : vector<16xi32>
    %broadcast_in_dim3A_174 = arith.constant -1.000000e+30 : f32
    %broadcast_in_dim3A_175 = vector.broadcast %broadcast_in_dim3A_174 : f32 to vector<16xf32>
    %select_n3A_176 = arith.select %eq3A_173, %broadcast_in_dim3A_175, %get3A_56 : vector<16xi1>, vector<16xf32>
    %gt3A_177 = arith.cmpf ogt, %select_n3A_176, %select_n3A_167 : vector<16xf32>
    %select_n3A_178 = arith.select %gt3A_177, %select_n3A_176, %select_n3A_167 : vector<16xi1>, vector<16xf32>
    %broadcast_in_dim3A_179 = arith.constant 7 : i32
    %broadcast_in_dim3A_180 = vector.broadcast %broadcast_in_dim3A_179 : i32 to vector<16xi32>
    %select_n3A_181 = arith.select %gt3A_177, %broadcast_in_dim3A_180, %select_n3A_170 : vector<16xi1>, vector<16xi32>
    %sub3A = arith.subf %select_n3A_178, %select_n3A_87 : vector<16xf32>
    %exp3A = math.exp %sub3A : vector<16xf32>
    %add3A_182 = arith.constant 1.000000e+00 : f32
    %add3A_183 = vector.broadcast %add3A_182 : f32 to vector<16xf32>
    %add3A_184 = arith.addf %add3A_183, %exp3A : vector<16xf32>
    %div3A = arith.constant 1.000000e+00 : f32
    %div3A_185 = vector.broadcast %div3A : f32 to vector<16xf32>
    %div3A_186 = arith.divf %div3A_185, %add3A_184 : vector<16xf32>
    %div3A_187 = arith.divf %exp3A, %add3A_184 : vector<16xf32>
    %broadcast_in_dim3A_188 = arith.constant 0.000000e+00 : f32
    %broadcast_in_dim3A_189 = vector.broadcast %broadcast_in_dim3A_188 : f32 to vector<16xf32>
    %eq3A_190 = arith.constant 0 : i32
    %eq3A_191 = vector.broadcast %eq3A_190 : i32 to vector<16xi32>
    %eq3A_192 = arith.cmpi eq, %select_n3A_90, %eq3A_191 : vector<16xi32>
    %select_n3A_193 = arith.select %eq3A_192, %div3A_186, %broadcast_in_dim3A_189 : vector<16xi1>, vector<16xf32>
    %eq3A_194 = arith.constant 0 : i32
    %eq3A_195 = vector.broadcast %eq3A_194 : i32 to vector<16xi32>
    %eq3A_196 = arith.cmpi eq, %select_n3A_181, %eq3A_195 : vector<16xi32>
    %select_n3A_197 = arith.select %eq3A_196, %div3A_187, %broadcast_in_dim3A_189 : vector<16xi1>, vector<16xf32>
    %add3A_198 = arith.addf %select_n3A_193, %select_n3A_197 : vector<16xf32>
    %swap3A = arith.constant 0 : i32
    %swap3A_199 = arith.index_cast %swap3A : i32 to index
    %swap3A_200 = arith.constant 0 : index
    %swap3A_201 = tpu.vector_load %arg7[%swap3A_199, %swap3A_200] {strides = array<i32>} : memref<8x64xf32, #tpu.memory_space<vmem>>, vector<1x16xf32>,
    %swap3A_202 = vector.shape_cast %swap3A_201 : vector<1x16xf32> to vector<16xf32>
    %swap3A_203 = vector.shape_cast %add3A_198 : vector<16xf32> to vector<1x16xf32>
    tpu.vector_store %arg7[%swap3A_199, %swap3A_200], %swap3A_203 {strides = array<i32>} : memref<8x64xf32, #tpu.memory_space<vmem>>, vector<1x16xf32>,
    %eq3A_204 = arith.constant 1 : i32
    %eq3A_205 = vector.broadcast %eq3A_204 : i32 to vector<16xi32>
    %eq3A_206 = arith.cmpi eq, %select_n3A_90, %eq3A_205 : vector<16xi32>
    %select_n3A_207 = arith.select %eq3A_206, %div3A_186, %broadcast_in_dim3A_189 : vector<16xi1>, vector<16xf32>
    %eq3A_208 = arith.constant 1 : i32
    %eq3A_209 = vector.broadcast %eq3A_208 : i32 to vector<16xi32>
    %eq3A_210 = arith.cmpi eq, %select_n3A_181, %eq3A_209 : vector<16xi32>
    %select_n3A_211 = arith.select %eq3A_210, %div3A_187, %broadcast_in_dim3A_189 : vector<16xi1>, vector<16xf32>
    %add3A_212 = arith.addf %select_n3A_207, %select_n3A_211 : vector<16xf32>
    %swap3A_213 = arith.constant 1 : i32
    %swap3A_214 = arith.index_cast %swap3A_213 : i32 to index
    %swap3A_215 = arith.constant 0 : index
    %swap3A_216 = tpu.vector_load %arg7[%swap3A_214, %swap3A_215] {strides = array<i32>} : memref<8x64xf32, #tpu.memory_space<vmem>>, vector<1x16xf32>,
    %swap3A_217 = vector.shape_cast %swap3A_216 : vector<1x16xf32> to vector<16xf32>
    %swap3A_218 = vector.shape_cast %add3A_212 : vector<16xf32> to vector<1x16xf32>
    tpu.vector_store %arg7[%swap3A_214, %swap3A_215], %swap3A_218 {strides = array<i32>} : memref<8x64xf32, #tpu.memory_space<vmem>>, vector<1x16xf32>,
    %eq3A_219 = arith.constant 2 : i32
    %eq3A_220 = vector.broadcast %eq3A_219 : i32 to vector<16xi32>
    %eq3A_221 = arith.cmpi eq, %select_n3A_90, %eq3A_220 : vector<16xi32>
    %select_n3A_222 = arith.select %eq3A_221, %div3A_186, %broadcast_in_dim3A_189 : vector<16xi1>, vector<16xf32>
    %eq3A_223 = arith.constant 2 : i32
    %eq3A_224 = vector.broadcast %eq3A_223 : i32 to vector<16xi32>
    %eq3A_225 = arith.cmpi eq, %select_n3A_181, %eq3A_224 : vector<16xi32>
    %select_n3A_226 = arith.select %eq3A_225, %div3A_187, %broadcast_in_dim3A_189 : vector<16xi1>, vector<16xf32>
    %add3A_227 = arith.addf %select_n3A_222, %select_n3A_226 : vector<16xf32>
    %swap3A_228 = arith.constant 2 : i32
    %swap3A_229 = arith.index_cast %swap3A_228 : i32 to index
    %swap3A_230 = arith.constant 0 : index
    %swap3A_231 = tpu.vector_load %arg7[%swap3A_229, %swap3A_230] {strides = array<i32>} : memref<8x64xf32, #tpu.memory_space<vmem>>, vector<1x16xf32>,
    %swap3A_232 = vector.shape_cast %swap3A_231 : vector<1x16xf32> to vector<16xf32>
    %swap3A_233 = vector.shape_cast %add3A_227 : vector<16xf32> to vector<1x16xf32>
    tpu.vector_store %arg7[%swap3A_229, %swap3A_230], %swap3A_233 {strides = array<i32>} : memref<8x64xf32, #tpu.memory_space<vmem>>, vector<1x16xf32>,
    %eq3A_234 = arith.constant 3 : i32
    %eq3A_235 = vector.broadcast %eq3A_234 : i32 to vector<16xi32>
    %eq3A_236 = arith.cmpi eq, %select_n3A_90, %eq3A_235 : vector<16xi32>
    %select_n3A_237 = arith.select %eq3A_236, %div3A_186, %broadcast_in_dim3A_189 : vector<16xi1>, vector<16xf32>
    %eq3A_238 = arith.constant 3 : i32
    %eq3A_239 = vector.broadcast %eq3A_238 : i32 to vector<16xi32>
    %eq3A_240 = arith.cmpi eq, %select_n3A_181, %eq3A_239 : vector<16xi32>
    %select_n3A_241 = arith.select %eq3A_240, %div3A_187, %broadcast_in_dim3A_189 : vector<16xi1>, vector<16xf32>
    %add3A_242 = arith.addf %select_n3A_237, %select_n3A_241 : vector<16xf32>
    %swap3A_243 = arith.constant 3 : i32
    %swap3A_244 = arith.index_cast %swap3A_243 : i32 to index
    %swap3A_245 = arith.constant 0 : index
    %swap3A_246 = tpu.vector_load %arg7[%swap3A_244, %swap3A_245] {strides = array<i32>} : memref<8x64xf32, #tpu.memory_space<vmem>>, vector<1x16xf32>,
    %swap3A_247 = vector.shape_cast %swap3A_246 : vector<1x16xf32> to vector<16xf32>
    %swap3A_248 = vector.shape_cast %add3A_242 : vector<16xf32> to vector<1x16xf32>
    tpu.vector_store %arg7[%swap3A_244, %swap3A_245], %swap3A_248 {strides = array<i32>} : memref<8x64xf32, #tpu.memory_space<vmem>>, vector<1x16xf32>,
    %eq3A_249 = arith.constant 4 : i32
    %eq3A_250 = vector.broadcast %eq3A_249 : i32 to vector<16xi32>
    %eq3A_251 = arith.cmpi eq, %select_n3A_90, %eq3A_250 : vector<16xi32>
    %select_n3A_252 = arith.select %eq3A_251, %div3A_186, %broadcast_in_dim3A_189 : vector<16xi1>, vector<16xf32>
    %eq3A_253 = arith.constant 4 : i32
    %eq3A_254 = vector.broadcast %eq3A_253 : i32 to vector<16xi32>
    %eq3A_255 = arith.cmpi eq, %select_n3A_181, %eq3A_254 : vector<16xi32>
    %select_n3A_256 = arith.select %eq3A_255, %div3A_187, %broadcast_in_dim3A_189 : vector<16xi1>, vector<16xf32>
    %add3A_257 = arith.addf %select_n3A_252, %select_n3A_256 : vector<16xf32>
    %swap3A_258 = arith.constant 4 : i32
    %swap3A_259 = arith.index_cast %swap3A_258 : i32 to index
    %swap3A_260 = arith.constant 0 : index
    %swap3A_261 = tpu.vector_load %arg7[%swap3A_259, %swap3A_260] {strides = array<i32>} : memref<8x64xf32, #tpu.memory_space<vmem>>, vector<1x16xf32>,
    %swap3A_262 = vector.shape_cast %swap3A_261 : vector<1x16xf32> to vector<16xf32>
    %swap3A_263 = vector.shape_cast %add3A_257 : vector<16xf32> to vector<1x16xf32>
    tpu.vector_store %arg7[%swap3A_259, %swap3A_260], %swap3A_263 {strides = array<i32>} : memref<8x64xf32, #tpu.memory_space<vmem>>, vector<1x16xf32>,
    %eq3A_264 = arith.constant 5 : i32
    %eq3A_265 = vector.broadcast %eq3A_264 : i32 to vector<16xi32>
    %eq3A_266 = arith.cmpi eq, %select_n3A_90, %eq3A_265 : vector<16xi32>
    %select_n3A_267 = arith.select %eq3A_266, %div3A_186, %broadcast_in_dim3A_189 : vector<16xi1>, vector<16xf32>
    %eq3A_268 = arith.constant 5 : i32
    %eq3A_269 = vector.broadcast %eq3A_268 : i32 to vector<16xi32>
    %eq3A_270 = arith.cmpi eq, %select_n3A_181, %eq3A_269 : vector<16xi32>
    %select_n3A_271 = arith.select %eq3A_270, %div3A_187, %broadcast_in_dim3A_189 : vector<16xi1>, vector<16xf32>
    %add3A_272 = arith.addf %select_n3A_267, %select_n3A_271 : vector<16xf32>
    %swap3A_273 = arith.constant 5 : i32
    %swap3A_274 = arith.index_cast %swap3A_273 : i32 to index
    %swap3A_275 = arith.constant 0 : index
    %swap3A_276 = tpu.vector_load %arg7[%swap3A_274, %swap3A_275] {strides = array<i32>} : memref<8x64xf32, #tpu.memory_space<vmem>>, vector<1x16xf32>,
    %swap3A_277 = vector.shape_cast %swap3A_276 : vector<1x16xf32> to vector<16xf32>
    %swap3A_278 = vector.shape_cast %add3A_272 : vector<16xf32> to vector<1x16xf32>
    tpu.vector_store %arg7[%swap3A_274, %swap3A_275], %swap3A_278 {strides = array<i32>} : memref<8x64xf32, #tpu.memory_space<vmem>>, vector<1x16xf32>,
    %eq3A_279 = arith.constant 6 : i32
    %eq3A_280 = vector.broadcast %eq3A_279 : i32 to vector<16xi32>
    %eq3A_281 = arith.cmpi eq, %select_n3A_90, %eq3A_280 : vector<16xi32>
    %select_n3A_282 = arith.select %eq3A_281, %div3A_186, %broadcast_in_dim3A_189 : vector<16xi1>, vector<16xf32>
    %eq3A_283 = arith.constant 6 : i32
    %eq3A_284 = vector.broadcast %eq3A_283 : i32 to vector<16xi32>
    %eq3A_285 = arith.cmpi eq, %select_n3A_181, %eq3A_284 : vector<16xi32>
    %select_n3A_286 = arith.select %eq3A_285, %div3A_187, %broadcast_in_dim3A_189 : vector<16xi1>, vector<16xf32>
    %add3A_287 = arith.addf %select_n3A_282, %select_n3A_286 : vector<16xf32>
    %swap3A_288 = arith.constant 6 : i32
    %swap3A_289 = arith.index_cast %swap3A_288 : i32 to index
    %swap3A_290 = arith.constant 0 : index
    %swap3A_291 = tpu.vector_load %arg7[%swap3A_289, %swap3A_290] {strides = array<i32>} : memref<8x64xf32, #tpu.memory_space<vmem>>, vector<1x16xf32>,
    %swap3A_292 = vector.shape_cast %swap3A_291 : vector<1x16xf32> to vector<16xf32>
    %swap3A_293 = vector.shape_cast %add3A_287 : vector<16xf32> to vector<1x16xf32>
    tpu.vector_store %arg7[%swap3A_289, %swap3A_290], %swap3A_293 {strides = array<i32>} : memref<8x64xf32, #tpu.memory_space<vmem>>, vector<1x16xf32>,
    %eq3A_294 = arith.constant 7 : i32
    %eq3A_295 = vector.broadcast %eq3A_294 : i32 to vector<16xi32>
    %eq3A_296 = arith.cmpi eq, %select_n3A_90, %eq3A_295 : vector<16xi32>
    %select_n3A_297 = arith.select %eq3A_296, %div3A_186, %broadcast_in_dim3A_189 : vector<16xi1>, vector<16xf32>
    %eq3A_298 = arith.constant 7 : i32
    %eq3A_299 = vector.broadcast %eq3A_298 : i32 to vector<16xi32>
    %eq3A_300 = arith.cmpi eq, %select_n3A_181, %eq3A_299 : vector<16xi32>
    %select_n3A_301 = arith.select %eq3A_300, %div3A_187, %broadcast_in_dim3A_189 : vector<16xi1>, vector<16xf32>
    %add3A_302 = arith.addf %select_n3A_297, %select_n3A_301 : vector<16xf32>
    %swap3A_303 = arith.constant 7 : i32
    %swap3A_304 = arith.index_cast %swap3A_303 : i32 to index
    %swap3A_305 = arith.constant 0 : index
    %swap3A_306 = tpu.vector_load %arg7[%swap3A_304, %swap3A_305] {strides = array<i32>} : memref<8x64xf32, #tpu.memory_space<vmem>>, vector<1x16xf32>,
    %swap3A_307 = vector.shape_cast %swap3A_306 : vector<1x16xf32> to vector<16xf32>
    %swap3A_308 = vector.shape_cast %add3A_302 : vector<16xf32> to vector<1x16xf32>
    tpu.vector_store %arg7[%swap3A_304, %swap3A_305], %swap3A_308 {strides = array<i32>} : memref<8x64xf32, #tpu.memory_space<vmem>>, vector<1x16xf32>,
    %swap3A_309 = arith.constant 0 : i32
    %swap3A_310 = arith.index_cast %swap3A_309 : i32 to index
    %swap3A_311 = arith.constant 0 : index
    %swap3A_312 = tpu.vector_load %arg8[%swap3A_310, %swap3A_311] {strides = array<i32>} : memref<2x64xi32, #tpu.memory_space<vmem>>, vector<1x16xi32>,
    %swap3A_313 = vector.shape_cast %swap3A_312 : vector<1x16xi32> to vector<16xi32>
    %swap3A_314 = vector.shape_cast %select_n3A_90 : vector<16xi32> to vector<1x16xi32>
    tpu.vector_store %arg8[%swap3A_310, %swap3A_311], %swap3A_314 {strides = array<i32>} : memref<2x64xi32, #tpu.memory_space<vmem>>, vector<1x16xi32>,
    %swap3A_315 = arith.constant 1 : i32
    %swap3A_316 = arith.index_cast %swap3A_315 : i32 to index
    %swap3A_317 = arith.constant 0 : index
    %swap3A_318 = tpu.vector_load %arg8[%swap3A_316, %swap3A_317] {strides = array<i32>} : memref<2x64xi32, #tpu.memory_space<vmem>>, vector<1x16xi32>,
    %swap3A_319 = vector.shape_cast %swap3A_318 : vector<1x16xi32> to vector<16xi32>
    %swap3A_320 = vector.shape_cast %select_n3A_181 : vector<16xi32> to vector<1x16xi32>
    tpu.vector_store %arg8[%swap3A_316, %swap3A_317], %swap3A_320 {strides = array<i32>} : memref<2x64xi32, #tpu.memory_space<vmem>>, vector<1x16xi32>,
    %add3A_321 = arith.addf %select_n3A_87, %select_n3A_178 : vector<16xf32>
    %swap3A_322 = arith.constant 0 : index
    %swap3A_323 = tpu.vector_load %arg9[%swap3A_322] {strides = array<i32>} : memref<64xf32, #tpu.memory_space<vmem>>, vector<16xf32>,
    %swap3A_324 = vector.shape_cast %swap3A_323 : vector<16xf32> to vector<16xf32>
    %swap3A_325 = vector.shape_cast %add3A_321 : vector<16xf32> to vector<16xf32>
    tpu.vector_store %arg9[%swap3A_322], %swap3A_325 {strides = array<i32>} : memref<64xf32, #tpu.memory_space<vmem>>, vector<16xf32>,
    %get3A_326 = arith.constant 0 : i32
    %get3A_327 = arith.index_cast %get3A_326 : i32 to index
    %get3A_328 = arith.constant 16 : index
    %get3A_329 = tpu.vector_load %arg6[%get3A_327, %get3A_328] {strides = array<i32>} : memref<8x64xf32, #tpu.memory_space<vmem>>, vector<1x16xf32>,
    %get3A_330 = vector.shape_cast %get3A_329 : vector<1x16xf32> to vector<16xf32>
    %get3A_331 = arith.constant 1 : i32
    %get3A_332 = arith.index_cast %get3A_331 : i32 to index
    %get3A_333 = arith.constant 16 : index
    %get3A_334 = tpu.vector_load %arg6[%get3A_332, %get3A_333] {strides = array<i32>} : memref<8x64xf32, #tpu.memory_space<vmem>>, vector<1x16xf32>,
    %get3A_335 = vector.shape_cast %get3A_334 : vector<1x16xf32> to vector<16xf32>
    %get3A_336 = arith.constant 2 : i32
    %get3A_337 = arith.index_cast %get3A_336 : i32 to index
    %get3A_338 = arith.constant 16 : index
    %get3A_339 = tpu.vector_load %arg6[%get3A_337, %get3A_338] {strides = array<i32>} : memref<8x64xf32, #tpu.memory_space<vmem>>, vector<1x16xf32>,
    %get3A_340 = vector.shape_cast %get3A_339 : vector<1x16xf32> to vector<16xf32>
    %get3A_341 = arith.constant 3 : i32
    %get3A_342 = arith.index_cast %get3A_341 : i32 to index
    %get3A_343 = arith.constant 16 : index
    %get3A_344 = tpu.vector_load %arg6[%get3A_342, %get3A_343] {strides = array<i32>} : memref<8x64xf32, #tpu.memory_space<vmem>>, vector<1x16xf32>,
    %get3A_345 = vector.shape_cast %get3A_344 : vector<1x16xf32> to vector<16xf32>
    %get3A_346 = arith.constant 4 : i32
    %get3A_347 = arith.index_cast %get3A_346 : i32 to index
    %get3A_348 = arith.constant 16 : index
    %get3A_349 = tpu.vector_load %arg6[%get3A_347, %get3A_348] {strides = array<i32>} : memref<8x64xf32, #tpu.memory_space<vmem>>, vector<1x16xf32>,
    %get3A_350 = vector.shape_cast %get3A_349 : vector<1x16xf32> to vector<16xf32>
    %get3A_351 = arith.constant 5 : i32
    %get3A_352 = arith.index_cast %get3A_351 : i32 to index
    %get3A_353 = arith.constant 16 : index
    %get3A_354 = tpu.vector_load %arg6[%get3A_352, %get3A_353] {strides = array<i32>} : memref<8x64xf32, #tpu.memory_space<vmem>>, vector<1x16xf32>,
    %get3A_355 = vector.shape_cast %get3A_354 : vector<1x16xf32> to vector<16xf32>
    %get3A_356 = arith.constant 6 : i32
    %get3A_357 = arith.index_cast %get3A_356 : i32 to index
    %get3A_358 = arith.constant 16 : index
    %get3A_359 = tpu.vector_load %arg6[%get3A_357, %get3A_358] {strides = array<i32>} : memref<8x64xf32, #tpu.memory_space<vmem>>, vector<1x16xf32>,
    %get3A_360 = vector.shape_cast %get3A_359 : vector<1x16xf32> to vector<16xf32>
    %get3A_361 = arith.constant 7 : i32
    %get3A_362 = arith.index_cast %get3A_361 : i32 to index
    %get3A_363 = arith.constant 16 : index
    %get3A_364 = tpu.vector_load %arg6[%get3A_362, %get3A_363] {strides = array<i32>} : memref<8x64xf32, #tpu.memory_space<vmem>>, vector<1x16xf32>,
    %get3A_365 = vector.shape_cast %get3A_364 : vector<1x16xf32> to vector<16xf32>
    %broadcast_in_dim3A_366 = arith.constant 0 : i32
    %broadcast_in_dim3A_367 = vector.broadcast %broadcast_in_dim3A_366 : i32 to vector<16xi32>
    %gt3A_368 = arith.cmpf ogt, %get3A_335, %get3A_330 : vector<16xf32>
    %select_n3A_369 = arith.select %gt3A_368, %get3A_335, %get3A_330 : vector<16xi1>, vector<16xf32>
    %broadcast_in_dim3A_370 = arith.constant 1 : i32
    %broadcast_in_dim3A_371 = vector.broadcast %broadcast_in_dim3A_370 : i32 to vector<16xi32>
    %select_n3A_372 = arith.select %gt3A_368, %broadcast_in_dim3A_371, %broadcast_in_dim3A_367 : vector<16xi1>, vector<16xi32>
    %gt3A_373 = arith.cmpf ogt, %get3A_340, %select_n3A_369 : vector<16xf32>
    %select_n3A_374 = arith.select %gt3A_373, %get3A_340, %select_n3A_369 : vector<16xi1>, vector<16xf32>
    %broadcast_in_dim3A_375 = arith.constant 2 : i32
    %broadcast_in_dim3A_376 = vector.broadcast %broadcast_in_dim3A_375 : i32 to vector<16xi32>
    %select_n3A_377 = arith.select %gt3A_373, %broadcast_in_dim3A_376, %select_n3A_372 : vector<16xi1>, vector<16xi32>
    %gt3A_378 = arith.cmpf ogt, %get3A_345, %select_n3A_374 : vector<16xf32>
    %select_n3A_379 = arith.select %gt3A_378, %get3A_345, %select_n3A_374 : vector<16xi1>, vector<16xf32>
    %broadcast_in_dim3A_380 = arith.constant 3 : i32
    %broadcast_in_dim3A_381 = vector.broadcast %broadcast_in_dim3A_380 : i32 to vector<16xi32>
    %select_n3A_382 = arith.select %gt3A_378, %broadcast_in_dim3A_381, %select_n3A_377 : vector<16xi1>, vector<16xi32>
    %gt3A_383 = arith.cmpf ogt, %get3A_350, %select_n3A_379 : vector<16xf32>
    %select_n3A_384 = arith.select %gt3A_383, %get3A_350, %select_n3A_379 : vector<16xi1>, vector<16xf32>
    %broadcast_in_dim3A_385 = arith.constant 4 : i32
    %broadcast_in_dim3A_386 = vector.broadcast %broadcast_in_dim3A_385 : i32 to vector<16xi32>
    %select_n3A_387 = arith.select %gt3A_383, %broadcast_in_dim3A_386, %select_n3A_382 : vector<16xi1>, vector<16xi32>
    %gt3A_388 = arith.cmpf ogt, %get3A_355, %select_n3A_384 : vector<16xf32>
    %select_n3A_389 = arith.select %gt3A_388, %get3A_355, %select_n3A_384 : vector<16xi1>, vector<16xf32>
    %broadcast_in_dim3A_390 = arith.constant 5 : i32
    %broadcast_in_dim3A_391 = vector.broadcast %broadcast_in_dim3A_390 : i32 to vector<16xi32>
    %select_n3A_392 = arith.select %gt3A_388, %broadcast_in_dim3A_391, %select_n3A_387 : vector<16xi1>, vector<16xi32>
    %gt3A_393 = arith.cmpf ogt, %get3A_360, %select_n3A_389 : vector<16xf32>
    %select_n3A_394 = arith.select %gt3A_393, %get3A_360, %select_n3A_389 : vector<16xi1>, vector<16xf32>
    %broadcast_in_dim3A_395 = arith.constant 6 : i32
    %broadcast_in_dim3A_396 = vector.broadcast %broadcast_in_dim3A_395 : i32 to vector<16xi32>
    %select_n3A_397 = arith.select %gt3A_393, %broadcast_in_dim3A_396, %select_n3A_392 : vector<16xi1>, vector<16xi32>
    %gt3A_398 = arith.cmpf ogt, %get3A_365, %select_n3A_394 : vector<16xf32>
    %select_n3A_399 = arith.select %gt3A_398, %get3A_365, %select_n3A_394 : vector<16xi1>, vector<16xf32>
    %broadcast_in_dim3A_400 = arith.constant 7 : i32
    %broadcast_in_dim3A_401 = vector.broadcast %broadcast_in_dim3A_400 : i32 to vector<16xi32>
    %select_n3A_402 = arith.select %gt3A_398, %broadcast_in_dim3A_401, %select_n3A_397 : vector<16xi1>, vector<16xi32>
    %broadcast_in_dim3A_403 = arith.constant -1.000000e+30 : f32
    %broadcast_in_dim3A_404 = vector.broadcast %broadcast_in_dim3A_403 : f32 to vector<16xf32>
    %broadcast_in_dim3A_405 = arith.constant 0 : i32
    %broadcast_in_dim3A_406 = vector.broadcast %broadcast_in_dim3A_405 : i32 to vector<16xi32>
    %eq3A_407 = arith.constant 0 : i32
    %eq3A_408 = vector.broadcast %eq3A_407 : i32 to vector<16xi32>
    %eq3A_409 = arith.cmpi eq, %select_n3A_402, %eq3A_408 : vector<16xi32>
    %broadcast_in_dim3A_410 = arith.constant -1.000000e+30 : f32
    %broadcast_in_dim3A_411 = vector.broadcast %broadcast_in_dim3A_410 : f32 to vector<16xf32>
    %select_n3A_412 = arith.select %eq3A_409, %broadcast_in_dim3A_411, %get3A_330 : vector<16xi1>, vector<16xf32>
    %gt3A_413 = arith.cmpf ogt, %select_n3A_412, %broadcast_in_dim3A_404 : vector<16xf32>
    %select_n3A_414 = arith.select %gt3A_413, %select_n3A_412, %broadcast_in_dim3A_404 : vector<16xi1>, vector<16xf32>
    %broadcast_in_dim3A_415 = arith.constant 0 : i32
    %broadcast_in_dim3A_416 = vector.broadcast %broadcast_in_dim3A_415 : i32 to vector<16xi32>
    %select_n3A_417 = arith.select %gt3A_413, %broadcast_in_dim3A_416, %broadcast_in_dim3A_406 : vector<16xi1>, vector<16xi32>
    %eq3A_418 = arith.constant 1 : i32
    %eq3A_419 = vector.broadcast %eq3A_418 : i32 to vector<16xi32>
    %eq3A_420 = arith.cmpi eq, %select_n3A_402, %eq3A_419 : vector<16xi32>
    %broadcast_in_dim3A_421 = arith.constant -1.000000e+30 : f32
    %broadcast_in_dim3A_422 = vector.broadcast %broadcast_in_dim3A_421 : f32 to vector<16xf32>
    %select_n3A_423 = arith.select %eq3A_420, %broadcast_in_dim3A_422, %get3A_335 : vector<16xi1>, vector<16xf32>
    %gt3A_424 = arith.cmpf ogt, %select_n3A_423, %select_n3A_414 : vector<16xf32>
    %select_n3A_425 = arith.select %gt3A_424, %select_n3A_423, %select_n3A_414 : vector<16xi1>, vector<16xf32>
    %broadcast_in_dim3A_426 = arith.constant 1 : i32
    %broadcast_in_dim3A_427 = vector.broadcast %broadcast_in_dim3A_426 : i32 to vector<16xi32>
    %select_n3A_428 = arith.select %gt3A_424, %broadcast_in_dim3A_427, %select_n3A_417 : vector<16xi1>, vector<16xi32>
    %eq3A_429 = arith.constant 2 : i32
    %eq3A_430 = vector.broadcast %eq3A_429 : i32 to vector<16xi32>
    %eq3A_431 = arith.cmpi eq, %select_n3A_402, %eq3A_430 : vector<16xi32>
    %broadcast_in_dim3A_432 = arith.constant -1.000000e+30 : f32
    %broadcast_in_dim3A_433 = vector.broadcast %broadcast_in_dim3A_432 : f32 to vector<16xf32>
    %select_n3A_434 = arith.select %eq3A_431, %broadcast_in_dim3A_433, %get3A_340 : vector<16xi1>, vector<16xf32>
    %gt3A_435 = arith.cmpf ogt, %select_n3A_434, %select_n3A_425 : vector<16xf32>
    %select_n3A_436 = arith.select %gt3A_435, %select_n3A_434, %select_n3A_425 : vector<16xi1>, vector<16xf32>
    %broadcast_in_dim3A_437 = arith.constant 2 : i32
    %broadcast_in_dim3A_438 = vector.broadcast %broadcast_in_dim3A_437 : i32 to vector<16xi32>
    %select_n3A_439 = arith.select %gt3A_435, %broadcast_in_dim3A_438, %select_n3A_428 : vector<16xi1>, vector<16xi32>
    %eq3A_440 = arith.constant 3 : i32
    %eq3A_441 = vector.broadcast %eq3A_440 : i32 to vector<16xi32>
    %eq3A_442 = arith.cmpi eq, %select_n3A_402, %eq3A_441 : vector<16xi32>
    %broadcast_in_dim3A_443 = arith.constant -1.000000e+30 : f32
    %broadcast_in_dim3A_444 = vector.broadcast %broadcast_in_dim3A_443 : f32 to vector<16xf32>
    %select_n3A_445 = arith.select %eq3A_442, %broadcast_in_dim3A_444, %get3A_345 : vector<16xi1>, vector<16xf32>
    %gt3A_446 = arith.cmpf ogt, %select_n3A_445, %select_n3A_436 : vector<16xf32>
    %select_n3A_447 = arith.select %gt3A_446, %select_n3A_445, %select_n3A_436 : vector<16xi1>, vector<16xf32>
    %broadcast_in_dim3A_448 = arith.constant 3 : i32
    %broadcast_in_dim3A_449 = vector.broadcast %broadcast_in_dim3A_448 : i32 to vector<16xi32>
    %select_n3A_450 = arith.select %gt3A_446, %broadcast_in_dim3A_449, %select_n3A_439 : vector<16xi1>, vector<16xi32>
    %eq3A_451 = arith.constant 4 : i32
    %eq3A_452 = vector.broadcast %eq3A_451 : i32 to vector<16xi32>
    %eq3A_453 = arith.cmpi eq, %select_n3A_402, %eq3A_452 : vector<16xi32>
    %broadcast_in_dim3A_454 = arith.constant -1.000000e+30 : f32
    %broadcast_in_dim3A_455 = vector.broadcast %broadcast_in_dim3A_454 : f32 to vector<16xf32>
    %select_n3A_456 = arith.select %eq3A_453, %broadcast_in_dim3A_455, %get3A_350 : vector<16xi1>, vector<16xf32>
    %gt3A_457 = arith.cmpf ogt, %select_n3A_456, %select_n3A_447 : vector<16xf32>
    %select_n3A_458 = arith.select %gt3A_457, %select_n3A_456, %select_n3A_447 : vector<16xi1>, vector<16xf32>
    %broadcast_in_dim3A_459 = arith.constant 4 : i32
    %broadcast_in_dim3A_460 = vector.broadcast %broadcast_in_dim3A_459 : i32 to vector<16xi32>
    %select_n3A_461 = arith.select %gt3A_457, %broadcast_in_dim3A_460, %select_n3A_450 : vector<16xi1>, vector<16xi32>
    %eq3A_462 = arith.constant 5 : i32
    %eq3A_463 = vector.broadcast %eq3A_462 : i32 to vector<16xi32>
    %eq3A_464 = arith.cmpi eq, %select_n3A_402, %eq3A_463 : vector<16xi32>
    %broadcast_in_dim3A_465 = arith.constant -1.000000e+30 : f32
    %broadcast_in_dim3A_466 = vector.broadcast %broadcast_in_dim3A_465 : f32 to vector<16xf32>
    %select_n3A_467 = arith.select %eq3A_464, %broadcast_in_dim3A_466, %get3A_355 : vector<16xi1>, vector<16xf32>
    %gt3A_468 = arith.cmpf ogt, %select_n3A_467, %select_n3A_458 : vector<16xf32>
    %select_n3A_469 = arith.select %gt3A_468, %select_n3A_467, %select_n3A_458 : vector<16xi1>, vector<16xf32>
    %broadcast_in_dim3A_470 = arith.constant 5 : i32
    %broadcast_in_dim3A_471 = vector.broadcast %broadcast_in_dim3A_470 : i32 to vector<16xi32>
    %select_n3A_472 = arith.select %gt3A_468, %broadcast_in_dim3A_471, %select_n3A_461 : vector<16xi1>, vector<16xi32>
    %eq3A_473 = arith.constant 6 : i32
    %eq3A_474 = vector.broadcast %eq3A_473 : i32 to vector<16xi32>
    %eq3A_475 = arith.cmpi eq, %select_n3A_402, %eq3A_474 : vector<16xi32>
    %broadcast_in_dim3A_476 = arith.constant -1.000000e+30 : f32
    %broadcast_in_dim3A_477 = vector.broadcast %broadcast_in_dim3A_476 : f32 to vector<16xf32>
    %select_n3A_478 = arith.select %eq3A_475, %broadcast_in_dim3A_477, %get3A_360 : vector<16xi1>, vector<16xf32>
    %gt3A_479 = arith.cmpf ogt, %select_n3A_478, %select_n3A_469 : vector<16xf32>
    %select_n3A_480 = arith.select %gt3A_479, %select_n3A_478, %select_n3A_469 : vector<16xi1>, vector<16xf32>
    %broadcast_in_dim3A_481 = arith.constant 6 : i32
    %broadcast_in_dim3A_482 = vector.broadcast %broadcast_in_dim3A_481 : i32 to vector<16xi32>
    %select_n3A_483 = arith.select %gt3A_479, %broadcast_in_dim3A_482, %select_n3A_472 : vector<16xi1>, vector<16xi32>
    %eq3A_484 = arith.constant 7 : i32
    %eq3A_485 = vector.broadcast %eq3A_484 : i32 to vector<16xi32>
    %eq3A_486 = arith.cmpi eq, %select_n3A_402, %eq3A_485 : vector<16xi32>
    %broadcast_in_dim3A_487 = arith.constant -1.000000e+30 : f32
    %broadcast_in_dim3A_488 = vector.broadcast %broadcast_in_dim3A_487 : f32 to vector<16xf32>
    %select_n3A_489 = arith.select %eq3A_486, %broadcast_in_dim3A_488, %get3A_365 : vector<16xi1>, vector<16xf32>
    %gt3A_490 = arith.cmpf ogt, %select_n3A_489, %select_n3A_480 : vector<16xf32>
    %select_n3A_491 = arith.select %gt3A_490, %select_n3A_489, %select_n3A_480 : vector<16xi1>, vector<16xf32>
    %broadcast_in_dim3A_492 = arith.constant 7 : i32
    %broadcast_in_dim3A_493 = vector.broadcast %broadcast_in_dim3A_492 : i32 to vector<16xi32>
    %select_n3A_494 = arith.select %gt3A_490, %broadcast_in_dim3A_493, %select_n3A_483 : vector<16xi1>, vector<16xi32>
    %sub3A_495 = arith.subf %select_n3A_491, %select_n3A_399 : vector<16xf32>
    %exp3A_496 = math.exp %sub3A_495 : vector<16xf32>
    %add3A_497 = arith.constant 1.000000e+00 : f32
    %add3A_498 = vector.broadcast %add3A_497 : f32 to vector<16xf32>
    %add3A_499 = arith.addf %add3A_498, %exp3A_496 : vector<16xf32>
    %div3A_500 = arith.constant 1.000000e+00 : f32
    %div3A_501 = vector.broadcast %div3A_500 : f32 to vector<16xf32>
    %div3A_502 = arith.divf %div3A_501, %add3A_499 : vector<16xf32>
    %div3A_503 = arith.divf %exp3A_496, %add3A_499 : vector<16xf32>
    %broadcast_in_dim3A_504 = arith.constant 0.000000e+00 : f32
    %broadcast_in_dim3A_505 = vector.broadcast %broadcast_in_dim3A_504 : f32 to vector<16xf32>
    %eq3A_506 = arith.constant 0 : i32
    %eq3A_507 = vector.broadcast %eq3A_506 : i32 to vector<16xi32>
    %eq3A_508 = arith.cmpi eq, %select_n3A_402, %eq3A_507 : vector<16xi32>
    %select_n3A_509 = arith.select %eq3A_508, %div3A_502, %broadcast_in_dim3A_505 : vector<16xi1>, vector<16xf32>
    %eq3A_510 = arith.constant 0 : i32
    %eq3A_511 = vector.broadcast %eq3A_510 : i32 to vector<16xi32>
    %eq3A_512 = arith.cmpi eq, %select_n3A_494, %eq3A_511 : vector<16xi32>
    %select_n3A_513 = arith.select %eq3A_512, %div3A_503, %broadcast_in_dim3A_505 : vector<16xi1>, vector<16xf32>
    %add3A_514 = arith.addf %select_n3A_509, %select_n3A_513 : vector<16xf32>
    %swap3A_515 = arith.constant 0 : i32
    %swap3A_516 = arith.index_cast %swap3A_515 : i32 to index
    %swap3A_517 = arith.constant 16 : index
    %swap3A_518 = tpu.vector_load %arg7[%swap3A_516, %swap3A_517] {strides = array<i32>} : memref<8x64xf32, #tpu.memory_space<vmem>>, vector<1x16xf32>,
    %swap3A_519 = vector.shape_cast %swap3A_518 : vector<1x16xf32> to vector<16xf32>
    %swap3A_520 = vector.shape_cast %add3A_514 : vector<16xf32> to vector<1x16xf32>
    tpu.vector_store %arg7[%swap3A_516, %swap3A_517], %swap3A_520 {strides = array<i32>} : memref<8x64xf32, #tpu.memory_space<vmem>>, vector<1x16xf32>,
    %eq3A_521 = arith.constant 1 : i32
    %eq3A_522 = vector.broadcast %eq3A_521 : i32 to vector<16xi32>
    %eq3A_523 = arith.cmpi eq, %select_n3A_402, %eq3A_522 : vector<16xi32>
    %select_n3A_524 = arith.select %eq3A_523, %div3A_502, %broadcast_in_dim3A_505 : vector<16xi1>, vector<16xf32>
    %eq3A_525 = arith.constant 1 : i32
    %eq3A_526 = vector.broadcast %eq3A_525 : i32 to vector<16xi32>
    %eq3A_527 = arith.cmpi eq, %select_n3A_494, %eq3A_526 : vector<16xi32>
    %select_n3A_528 = arith.select %eq3A_527, %div3A_503, %broadcast_in_dim3A_505 : vector<16xi1>, vector<16xf32>
    %add3A_529 = arith.addf %select_n3A_524, %select_n3A_528 : vector<16xf32>
    %swap3A_530 = arith.constant 1 : i32
    %swap3A_531 = arith.index_cast %swap3A_530 : i32 to index
    %swap3A_532 = arith.constant 16 : index
    %swap3A_533 = tpu.vector_load %arg7[%swap3A_531, %swap3A_532] {strides = array<i32>} : memref<8x64xf32, #tpu.memory_space<vmem>>, vector<1x16xf32>,
    %swap3A_534 = vector.shape_cast %swap3A_533 : vector<1x16xf32> to vector<16xf32>
    %swap3A_535 = vector.shape_cast %add3A_529 : vector<16xf32> to vector<1x16xf32>
    tpu.vector_store %arg7[%swap3A_531, %swap3A_532], %swap3A_535 {strides = array<i32>} : memref<8x64xf32, #tpu.memory_space<vmem>>, vector<1x16xf32>,
    %eq3A_536 = arith.constant 2 : i32
    %eq3A_537 = vector.broadcast %eq3A_536 : i32 to vector<16xi32>
    %eq3A_538 = arith.cmpi eq, %select_n3A_402, %eq3A_537 : vector<16xi32>
    %select_n3A_539 = arith.select %eq3A_538, %div3A_502, %broadcast_in_dim3A_505 : vector<16xi1>, vector<16xf32>
    %eq3A_540 = arith.constant 2 : i32
    %eq3A_541 = vector.broadcast %eq3A_540 : i32 to vector<16xi32>
    %eq3A_542 = arith.cmpi eq, %select_n3A_494, %eq3A_541 : vector<16xi32>
    %select_n3A_543 = arith.select %eq3A_542, %div3A_503, %broadcast_in_dim3A_505 : vector<16xi1>, vector<16xf32>
    %add3A_544 = arith.addf %select_n3A_539, %select_n3A_543 : vector<16xf32>
    %swap3A_545 = arith.constant 2 : i32
    %swap3A_546 = arith.index_cast %swap3A_545 : i32 to index
    %swap3A_547 = arith.constant 16 : index
    %swap3A_548 = tpu.vector_load %arg7[%swap3A_546, %swap3A_547] {strides = array<i32>} : memref<8x64xf32, #tpu.memory_space<vmem>>, vector<1x16xf32>,
    %swap3A_549 = vector.shape_cast %swap3A_548 : vector<1x16xf32> to vector<16xf32>
    %swap3A_550 = vector.shape_cast %add3A_544 : vector<16xf32> to vector<1x16xf32>
    tpu.vector_store %arg7[%swap3A_546, %swap3A_547], %swap3A_550 {strides = array<i32>} : memref<8x64xf32, #tpu.memory_space<vmem>>, vector<1x16xf32>,
    %eq3A_551 = arith.constant 3 : i32
    %eq3A_552 = vector.broadcast %eq3A_551 : i32 to vector<16xi32>
    %eq3A_553 = arith.cmpi eq, %select_n3A_402, %eq3A_552 : vector<16xi32>
    %select_n3A_554 = arith.select %eq3A_553, %div3A_502, %broadcast_in_dim3A_505 : vector<16xi1>, vector<16xf32>
    %eq3A_555 = arith.constant 3 : i32
    %eq3A_556 = vector.broadcast %eq3A_555 : i32 to vector<16xi32>
    %eq3A_557 = arith.cmpi eq, %select_n3A_494, %eq3A_556 : vector<16xi32>
    %select_n3A_558 = arith.select %eq3A_557, %div3A_503, %broadcast_in_dim3A_505 : vector<16xi1>, vector<16xf32>
    %add3A_559 = arith.addf %select_n3A_554, %select_n3A_558 : vector<16xf32>
    %swap3A_560 = arith.constant 3 : i32
    %swap3A_561 = arith.index_cast %swap3A_560 : i32 to index
    %swap3A_562 = arith.constant 16 : index
    %swap3A_563 = tpu.vector_load %arg7[%swap3A_561, %swap3A_562] {strides = array<i32>} : memref<8x64xf32, #tpu.memory_space<vmem>>, vector<1x16xf32>,
    %swap3A_564 = vector.shape_cast %swap3A_563 : vector<1x16xf32> to vector<16xf32>
    %swap3A_565 = vector.shape_cast %add3A_559 : vector<16xf32> to vector<1x16xf32>
    tpu.vector_store %arg7[%swap3A_561, %swap3A_562], %swap3A_565 {strides = array<i32>} : memref<8x64xf32, #tpu.memory_space<vmem>>, vector<1x16xf32>,
    %eq3A_566 = arith.constant 4 : i32
    %eq3A_567 = vector.broadcast %eq3A_566 : i32 to vector<16xi32>
    %eq3A_568 = arith.cmpi eq, %select_n3A_402, %eq3A_567 : vector<16xi32>
    %select_n3A_569 = arith.select %eq3A_568, %div3A_502, %broadcast_in_dim3A_505 : vector<16xi1>, vector<16xf32>
    %eq3A_570 = arith.constant 4 : i32
    %eq3A_571 = vector.broadcast %eq3A_570 : i32 to vector<16xi32>
    %eq3A_572 = arith.cmpi eq, %select_n3A_494, %eq3A_571 : vector<16xi32>
    %select_n3A_573 = arith.select %eq3A_572, %div3A_503, %broadcast_in_dim3A_505 : vector<16xi1>, vector<16xf32>
    %add3A_574 = arith.addf %select_n3A_569, %select_n3A_573 : vector<16xf32>
    %swap3A_575 = arith.constant 4 : i32
    %swap3A_576 = arith.index_cast %swap3A_575 : i32 to index
    %swap3A_577 = arith.constant 16 : index
    %swap3A_578 = tpu.vector_load %arg7[%swap3A_576, %swap3A_577] {strides = array<i32>} : memref<8x64xf32, #tpu.memory_space<vmem>>, vector<1x16xf32>,
    %swap3A_579 = vector.shape_cast %swap3A_578 : vector<1x16xf32> to vector<16xf32>
    %swap3A_580 = vector.shape_cast %add3A_574 : vector<16xf32> to vector<1x16xf32>
    tpu.vector_store %arg7[%swap3A_576, %swap3A_577], %swap3A_580 {strides = array<i32>} : memref<8x64xf32, #tpu.memory_space<vmem>>, vector<1x16xf32>,
    %eq3A_581 = arith.constant 5 : i32
    %eq3A_582 = vector.broadcast %eq3A_581 : i32 to vector<16xi32>
    %eq3A_583 = arith.cmpi eq, %select_n3A_402, %eq3A_582 : vector<16xi32>
    %select_n3A_584 = arith.select %eq3A_583, %div3A_502, %broadcast_in_dim3A_505 : vector<16xi1>, vector<16xf32>
    %eq3A_585 = arith.constant 5 : i32
    %eq3A_586 = vector.broadcast %eq3A_585 : i32 to vector<16xi32>
    %eq3A_587 = arith.cmpi eq, %select_n3A_494, %eq3A_586 : vector<16xi32>
    %select_n3A_588 = arith.select %eq3A_587, %div3A_503, %broadcast_in_dim3A_505 : vector<16xi1>, vector<16xf32>
    %add3A_589 = arith.addf %select_n3A_584, %select_n3A_588 : vector<16xf32>
    %swap3A_590 = arith.constant 5 : i32
    %swap3A_591 = arith.index_cast %swap3A_590 : i32 to index
    %swap3A_592 = arith.constant 16 : index
    %swap3A_593 = tpu.vector_load %arg7[%swap3A_591, %swap3A_592] {strides = array<i32>} : memref<8x64xf32, #tpu.memory_space<vmem>>, vector<1x16xf32>,
    %swap3A_594 = vector.shape_cast %swap3A_593 : vector<1x16xf32> to vector<16xf32>
    %swap3A_595 = vector.shape_cast %add3A_589 : vector<16xf32> to vector<1x16xf32>
    tpu.vector_store %arg7[%swap3A_591, %swap3A_592], %swap3A_595 {strides = array<i32>} : memref<8x64xf32, #tpu.memory_space<vmem>>, vector<1x16xf32>,
    %eq3A_596 = arith.constant 6 : i32
    %eq3A_597 = vector.broadcast %eq3A_596 : i32 to vector<16xi32>
    %eq3A_598 = arith.cmpi eq, %select_n3A_402, %eq3A_597 : vector<16xi32>
    %select_n3A_599 = arith.select %eq3A_598, %div3A_502, %broadcast_in_dim3A_505 : vector<16xi1>, vector<16xf32>
    %eq3A_600 = arith.constant 6 : i32
    %eq3A_601 = vector.broadcast %eq3A_600 : i32 to vector<16xi32>
    %eq3A_602 = arith.cmpi eq, %select_n3A_494, %eq3A_601 : vector<16xi32>
    %select_n3A_603 = arith.select %eq3A_602, %div3A_503, %broadcast_in_dim3A_505 : vector<16xi1>, vector<16xf32>
    %add3A_604 = arith.addf %select_n3A_599, %select_n3A_603 : vector<16xf32>
    %swap3A_605 = arith.constant 6 : i32
    %swap3A_606 = arith.index_cast %swap3A_605 : i32 to index
    %swap3A_607 = arith.constant 16 : index
    %swap3A_608 = tpu.vector_load %arg7[%swap3A_606, %swap3A_607] {strides = array<i32>} : memref<8x64xf32, #tpu.memory_space<vmem>>, vector<1x16xf32>,
    %swap3A_609 = vector.shape_cast %swap3A_608 : vector<1x16xf32> to vector<16xf32>
    %swap3A_610 = vector.shape_cast %add3A_604 : vector<16xf32> to vector<1x16xf32>
    tpu.vector_store %arg7[%swap3A_606, %swap3A_607], %swap3A_610 {strides = array<i32>} : memref<8x64xf32, #tpu.memory_space<vmem>>, vector<1x16xf32>,
    %eq3A_611 = arith.constant 7 : i32
    %eq3A_612 = vector.broadcast %eq3A_611 : i32 to vector<16xi32>
    %eq3A_613 = arith.cmpi eq, %select_n3A_402, %eq3A_612 : vector<16xi32>
    %select_n3A_614 = arith.select %eq3A_613, %div3A_502, %broadcast_in_dim3A_505 : vector<16xi1>, vector<16xf32>
    %eq3A_615 = arith.constant 7 : i32
    %eq3A_616 = vector.broadcast %eq3A_615 : i32 to vector<16xi32>
    %eq3A_617 = arith.cmpi eq, %select_n3A_494, %eq3A_616 : vector<16xi32>
    %select_n3A_618 = arith.select %eq3A_617, %div3A_503, %broadcast_in_dim3A_505 : vector<16xi1>, vector<16xf32>
    %add3A_619 = arith.addf %select_n3A_614, %select_n3A_618 : vector<16xf32>
    %swap3A_620 = arith.constant 7 : i32
    %swap3A_621 = arith.index_cast %swap3A_620 : i32 to index
    %swap3A_622 = arith.constant 16 : index
    %swap3A_623 = tpu.vector_load %arg7[%swap3A_621, %swap3A_622] {strides = array<i32>} : memref<8x64xf32, #tpu.memory_space<vmem>>, vector<1x16xf32>,
    %swap3A_624 = vector.shape_cast %swap3A_623 : vector<1x16xf32> to vector<16xf32>
    %swap3A_625 = vector.shape_cast %add3A_619 : vector<16xf32> to vector<1x16xf32>
    tpu.vector_store %arg7[%swap3A_621, %swap3A_622], %swap3A_625 {strides = array<i32>} : memref<8x64xf32, #tpu.memory_space<vmem>>, vector<1x16xf32>,
    %swap3A_626 = arith.constant 0 : i32
    %swap3A_627 = arith.index_cast %swap3A_626 : i32 to index
    %swap3A_628 = arith.constant 16 : index
    %swap3A_629 = tpu.vector_load %arg8[%swap3A_627, %swap3A_628] {strides = array<i32>} : memref<2x64xi32, #tpu.memory_space<vmem>>, vector<1x16xi32>,
    %swap3A_630 = vector.shape_cast %swap3A_629 : vector<1x16xi32> to vector<16xi32>
    %swap3A_631 = vector.shape_cast %select_n3A_402 : vector<16xi32> to vector<1x16xi32>
    tpu.vector_store %arg8[%swap3A_627, %swap3A_628], %swap3A_631 {strides = array<i32>} : memref<2x64xi32, #tpu.memory_space<vmem>>, vector<1x16xi32>,
    %swap3A_632 = arith.constant 1 : i32
    %swap3A_633 = arith.index_cast %swap3A_632 : i32 to index
    %swap3A_634 = arith.constant 16 : index
    %swap3A_635 = tpu.vector_load %arg8[%swap3A_633, %swap3A_634] {strides = array<i32>} : memref<2x64xi32, #tpu.memory_space<vmem>>, vector<1x16xi32>,
    %swap3A_636 = vector.shape_cast %swap3A_635 : vector<1x16xi32> to vector<16xi32>
    %swap3A_637 = vector.shape_cast %select_n3A_494 : vector<16xi32> to vector<1x16xi32>
    tpu.vector_store %arg8[%swap3A_633, %swap3A_634], %swap3A_637 {strides = array<i32>} : memref<2x64xi32, #tpu.memory_space<vmem>>, vector<1x16xi32>,
    %add3A_638 = arith.addf %select_n3A_399, %select_n3A_491 : vector<16xf32>
    %swap3A_639 = arith.constant 16 : index
    %swap3A_640 = tpu.vector_load %arg9[%swap3A_639] {strides = array<i32>} : memref<64xf32, #tpu.memory_space<vmem>>, vector<16xf32>,
    %swap3A_641 = vector.shape_cast %swap3A_640 : vector<16xf32> to vector<16xf32>
    %swap3A_642 = vector.shape_cast %add3A_638 : vector<16xf32> to vector<16xf32>
    tpu.vector_store %arg9[%swap3A_639], %swap3A_642 {strides = array<i32>} : memref<64xf32, #tpu.memory_space<vmem>>, vector<16xf32>,
    %get3A_643 = arith.constant 0 : i32
    %get3A_644 = arith.index_cast %get3A_643 : i32 to index
    %get3A_645 = arith.constant 32 : index
    %get3A_646 = tpu.vector_load %arg6[%get3A_644, %get3A_645] {strides = array<i32>} : memref<8x64xf32, #tpu.memory_space<vmem>>, vector<1x16xf32>,
    %get3A_647 = vector.shape_cast %get3A_646 : vector<1x16xf32> to vector<16xf32>
    %get3A_648 = arith.constant 1 : i32
    %get3A_649 = arith.index_cast %get3A_648 : i32 to index
    %get3A_650 = arith.constant 32 : index
    %get3A_651 = tpu.vector_load %arg6[%get3A_649, %get3A_650] {strides = array<i32>} : memref<8x64xf32, #tpu.memory_space<vmem>>, vector<1x16xf32>,
    %get3A_652 = vector.shape_cast %get3A_651 : vector<1x16xf32> to vector<16xf32>
    %get3A_653 = arith.constant 2 : i32
    %get3A_654 = arith.index_cast %get3A_653 : i32 to index
    %get3A_655 = arith.constant 32 : index
    %get3A_656 = tpu.vector_load %arg6[%get3A_654, %get3A_655] {strides = array<i32>} : memref<8x64xf32, #tpu.memory_space<vmem>>, vector<1x16xf32>,
    %get3A_657 = vector.shape_cast %get3A_656 : vector<1x16xf32> to vector<16xf32>
    %get3A_658 = arith.constant 3 : i32
    %get3A_659 = arith.index_cast %get3A_658 : i32 to index
    %get3A_660 = arith.constant 32 : index
    %get3A_661 = tpu.vector_load %arg6[%get3A_659, %get3A_660] {strides = array<i32>} : memref<8x64xf32, #tpu.memory_space<vmem>>, vector<1x16xf32>,
    %get3A_662 = vector.shape_cast %get3A_661 : vector<1x16xf32> to vector<16xf32>
    %get3A_663 = arith.constant 4 : i32
    %get3A_664 = arith.index_cast %get3A_663 : i32 to index
    %get3A_665 = arith.constant 32 : index
    %get3A_666 = tpu.vector_load %arg6[%get3A_664, %get3A_665] {strides = array<i32>} : memref<8x64xf32, #tpu.memory_space<vmem>>, vector<1x16xf32>,
    %get3A_667 = vector.shape_cast %get3A_666 : vector<1x16xf32> to vector<16xf32>
    %get3A_668 = arith.constant 5 : i32
    %get3A_669 = arith.index_cast %get3A_668 : i32 to index
    %get3A_670 = arith.constant 32 : index
    %get3A_671 = tpu.vector_load %arg6[%get3A_669, %get3A_670] {strides = array<i32>} : memref<8x64xf32, #tpu.memory_space<vmem>>, vector<1x16xf32>,
    %get3A_672 = vector.shape_cast %get3A_671 : vector<1x16xf32> to vector<16xf32>
    %get3A_673 = arith.constant 6 : i32
    %get3A_674 = arith.index_cast %get3A_673 : i32 to index
    %get3A_675 = arith.constant 32 : index
    %get3A_676 = tpu.vector_load %arg6[%get3A_674, %get3A_675] {strides = array<i32>} : memref<8x64xf32, #tpu.memory_space<vmem>>, vector<1x16xf32>,
    %get3A_677 = vector.shape_cast %get3A_676 : vector<1x16xf32> to vector<16xf32>
    %get3A_678 = arith.constant 7 : i32
    %get3A_679 = arith.index_cast %get3A_678 : i32 to index
    %get3A_680 = arith.constant 32 : index
    %get3A_681 = tpu.vector_load %arg6[%get3A_679, %get3A_680] {strides = array<i32>} : memref<8x64xf32, #tpu.memory_space<vmem>>, vector<1x16xf32>,
    %get3A_682 = vector.shape_cast %get3A_681 : vector<1x16xf32> to vector<16xf32>
    %broadcast_in_dim3A_683 = arith.constant 0 : i32
    %broadcast_in_dim3A_684 = vector.broadcast %broadcast_in_dim3A_683 : i32 to vector<16xi32>
    %gt3A_685 = arith.cmpf ogt, %get3A_652, %get3A_647 : vector<16xf32>
    %select_n3A_686 = arith.select %gt3A_685, %get3A_652, %get3A_647 : vector<16xi1>, vector<16xf32>
    %broadcast_in_dim3A_687 = arith.constant 1 : i32
    %broadcast_in_dim3A_688 = vector.broadcast %broadcast_in_dim3A_687 : i32 to vector<16xi32>
    %select_n3A_689 = arith.select %gt3A_685, %broadcast_in_dim3A_688, %broadcast_in_dim3A_684 : vector<16xi1>, vector<16xi32>
    %gt3A_690 = arith.cmpf ogt, %get3A_657, %select_n3A_686 : vector<16xf32>
    %select_n3A_691 = arith.select %gt3A_690, %get3A_657, %select_n3A_686 : vector<16xi1>, vector<16xf32>
    %broadcast_in_dim3A_692 = arith.constant 2 : i32
    %broadcast_in_dim3A_693 = vector.broadcast %broadcast_in_dim3A_692 : i32 to vector<16xi32>
    %select_n3A_694 = arith.select %gt3A_690, %broadcast_in_dim3A_693, %select_n3A_689 : vector<16xi1>, vector<16xi32>
    %gt3A_695 = arith.cmpf ogt, %get3A_662, %select_n3A_691 : vector<16xf32>
    %select_n3A_696 = arith.select %gt3A_695, %get3A_662, %select_n3A_691 : vector<16xi1>, vector<16xf32>
    %broadcast_in_dim3A_697 = arith.constant 3 : i32
    %broadcast_in_dim3A_698 = vector.broadcast %broadcast_in_dim3A_697 : i32 to vector<16xi32>
    %select_n3A_699 = arith.select %gt3A_695, %broadcast_in_dim3A_698, %select_n3A_694 : vector<16xi1>, vector<16xi32>
    %gt3A_700 = arith.cmpf ogt, %get3A_667, %select_n3A_696 : vector<16xf32>
    %select_n3A_701 = arith.select %gt3A_700, %get3A_667, %select_n3A_696 : vector<16xi1>, vector<16xf32>
    %broadcast_in_dim3A_702 = arith.constant 4 : i32
    %broadcast_in_dim3A_703 = vector.broadcast %broadcast_in_dim3A_702 : i32 to vector<16xi32>
    %select_n3A_704 = arith.select %gt3A_700, %broadcast_in_dim3A_703, %select_n3A_699 : vector<16xi1>, vector<16xi32>
    %gt3A_705 = arith.cmpf ogt, %get3A_672, %select_n3A_701 : vector<16xf32>
    %select_n3A_706 = arith.select %gt3A_705, %get3A_672, %select_n3A_701 : vector<16xi1>, vector<16xf32>
    %broadcast_in_dim3A_707 = arith.constant 5 : i32
    %broadcast_in_dim3A_708 = vector.broadcast %broadcast_in_dim3A_707 : i32 to vector<16xi32>
    %select_n3A_709 = arith.select %gt3A_705, %broadcast_in_dim3A_708, %select_n3A_704 : vector<16xi1>, vector<16xi32>
    %gt3A_710 = arith.cmpf ogt, %get3A_677, %select_n3A_706 : vector<16xf32>
    %select_n3A_711 = arith.select %gt3A_710, %get3A_677, %select_n3A_706 : vector<16xi1>, vector<16xf32>
    %broadcast_in_dim3A_712 = arith.constant 6 : i32
    %broadcast_in_dim3A_713 = vector.broadcast %broadcast_in_dim3A_712 : i32 to vector<16xi32>
    %select_n3A_714 = arith.select %gt3A_710, %broadcast_in_dim3A_713, %select_n3A_709 : vector<16xi1>, vector<16xi32>
    %gt3A_715 = arith.cmpf ogt, %get3A_682, %select_n3A_711 : vector<16xf32>
    %select_n3A_716 = arith.select %gt3A_715, %get3A_682, %select_n3A_711 : vector<16xi1>, vector<16xf32>
    %broadcast_in_dim3A_717 = arith.constant 7 : i32
    %broadcast_in_dim3A_718 = vector.broadcast %broadcast_in_dim3A_717 : i32 to vector<16xi32>
    %select_n3A_719 = arith.select %gt3A_715, %broadcast_in_dim3A_718, %select_n3A_714 : vector<16xi1>, vector<16xi32>
    %broadcast_in_dim3A_720 = arith.constant -1.000000e+30 : f32
    %broadcast_in_dim3A_721 = vector.broadcast %broadcast_in_dim3A_720 : f32 to vector<16xf32>
    %broadcast_in_dim3A_722 = arith.constant 0 : i32
    %broadcast_in_dim3A_723 = vector.broadcast %broadcast_in_dim3A_722 : i32 to vector<16xi32>
    %eq3A_724 = arith.constant 0 : i32
    %eq3A_725 = vector.broadcast %eq3A_724 : i32 to vector<16xi32>
    %eq3A_726 = arith.cmpi eq, %select_n3A_719, %eq3A_725 : vector<16xi32>
    %broadcast_in_dim3A_727 = arith.constant -1.000000e+30 : f32
    %broadcast_in_dim3A_728 = vector.broadcast %broadcast_in_dim3A_727 : f32 to vector<16xf32>
    %select_n3A_729 = arith.select %eq3A_726, %broadcast_in_dim3A_728, %get3A_647 : vector<16xi1>, vector<16xf32>
    %gt3A_730 = arith.cmpf ogt, %select_n3A_729, %broadcast_in_dim3A_721 : vector<16xf32>
    %select_n3A_731 = arith.select %gt3A_730, %select_n3A_729, %broadcast_in_dim3A_721 : vector<16xi1>, vector<16xf32>
    %broadcast_in_dim3A_732 = arith.constant 0 : i32
    %broadcast_in_dim3A_733 = vector.broadcast %broadcast_in_dim3A_732 : i32 to vector<16xi32>
    %select_n3A_734 = arith.select %gt3A_730, %broadcast_in_dim3A_733, %broadcast_in_dim3A_723 : vector<16xi1>, vector<16xi32>
    %eq3A_735 = arith.constant 1 : i32
    %eq3A_736 = vector.broadcast %eq3A_735 : i32 to vector<16xi32>
    %eq3A_737 = arith.cmpi eq, %select_n3A_719, %eq3A_736 : vector<16xi32>
    %broadcast_in_dim3A_738 = arith.constant -1.000000e+30 : f32
    %broadcast_in_dim3A_739 = vector.broadcast %broadcast_in_dim3A_738 : f32 to vector<16xf32>
    %select_n3A_740 = arith.select %eq3A_737, %broadcast_in_dim3A_739, %get3A_652 : vector<16xi1>, vector<16xf32>
    %gt3A_741 = arith.cmpf ogt, %select_n3A_740, %select_n3A_731 : vector<16xf32>
    %select_n3A_742 = arith.select %gt3A_741, %select_n3A_740, %select_n3A_731 : vector<16xi1>, vector<16xf32>
    %broadcast_in_dim3A_743 = arith.constant 1 : i32
    %broadcast_in_dim3A_744 = vector.broadcast %broadcast_in_dim3A_743 : i32 to vector<16xi32>
    %select_n3A_745 = arith.select %gt3A_741, %broadcast_in_dim3A_744, %select_n3A_734 : vector<16xi1>, vector<16xi32>
    %eq3A_746 = arith.constant 2 : i32
    %eq3A_747 = vector.broadcast %eq3A_746 : i32 to vector<16xi32>
    %eq3A_748 = arith.cmpi eq, %select_n3A_719, %eq3A_747 : vector<16xi32>
    %broadcast_in_dim3A_749 = arith.constant -1.000000e+30 : f32
    %broadcast_in_dim3A_750 = vector.broadcast %broadcast_in_dim3A_749 : f32 to vector<16xf32>
    %select_n3A_751 = arith.select %eq3A_748, %broadcast_in_dim3A_750, %get3A_657 : vector<16xi1>, vector<16xf32>
    %gt3A_752 = arith.cmpf ogt, %select_n3A_751, %select_n3A_742 : vector<16xf32>
    %select_n3A_753 = arith.select %gt3A_752, %select_n3A_751, %select_n3A_742 : vector<16xi1>, vector<16xf32>
    %broadcast_in_dim3A_754 = arith.constant 2 : i32
    %broadcast_in_dim3A_755 = vector.broadcast %broadcast_in_dim3A_754 : i32 to vector<16xi32>
    %select_n3A_756 = arith.select %gt3A_752, %broadcast_in_dim3A_755, %select_n3A_745 : vector<16xi1>, vector<16xi32>
    %eq3A_757 = arith.constant 3 : i32
    %eq3A_758 = vector.broadcast %eq3A_757 : i32 to vector<16xi32>
    %eq3A_759 = arith.cmpi eq, %select_n3A_719, %eq3A_758 : vector<16xi32>
    %broadcast_in_dim3A_760 = arith.constant -1.000000e+30 : f32
    %broadcast_in_dim3A_761 = vector.broadcast %broadcast_in_dim3A_760 : f32 to vector<16xf32>
    %select_n3A_762 = arith.select %eq3A_759, %broadcast_in_dim3A_761, %get3A_662 : vector<16xi1>, vector<16xf32>
    %gt3A_763 = arith.cmpf ogt, %select_n3A_762, %select_n3A_753 : vector<16xf32>
    %select_n3A_764 = arith.select %gt3A_763, %select_n3A_762, %select_n3A_753 : vector<16xi1>, vector<16xf32>
    %broadcast_in_dim3A_765 = arith.constant 3 : i32
    %broadcast_in_dim3A_766 = vector.broadcast %broadcast_in_dim3A_765 : i32 to vector<16xi32>
    %select_n3A_767 = arith.select %gt3A_763, %broadcast_in_dim3A_766, %select_n3A_756 : vector<16xi1>, vector<16xi32>
    %eq3A_768 = arith.constant 4 : i32
    %eq3A_769 = vector.broadcast %eq3A_768 : i32 to vector<16xi32>
    %eq3A_770 = arith.cmpi eq, %select_n3A_719, %eq3A_769 : vector<16xi32>
    %broadcast_in_dim3A_771 = arith.constant -1.000000e+30 : f32
    %broadcast_in_dim3A_772 = vector.broadcast %broadcast_in_dim3A_771 : f32 to vector<16xf32>
    %select_n3A_773 = arith.select %eq3A_770, %broadcast_in_dim3A_772, %get3A_667 : vector<16xi1>, vector<16xf32>
    %gt3A_774 = arith.cmpf ogt, %select_n3A_773, %select_n3A_764 : vector<16xf32>
    %select_n3A_775 = arith.select %gt3A_774, %select_n3A_773, %select_n3A_764 : vector<16xi1>, vector<16xf32>
    %broadcast_in_dim3A_776 = arith.constant 4 : i32
    %broadcast_in_dim3A_777 = vector.broadcast %broadcast_in_dim3A_776 : i32 to vector<16xi32>
    %select_n3A_778 = arith.select %gt3A_774, %broadcast_in_dim3A_777, %select_n3A_767 : vector<16xi1>, vector<16xi32>
    %eq3A_779 = arith.constant 5 : i32
    %eq3A_780 = vector.broadcast %eq3A_779 : i32 to vector<16xi32>
    %eq3A_781 = arith.cmpi eq, %select_n3A_719, %eq3A_780 : vector<16xi32>
    %broadcast_in_dim3A_782 = arith.constant -1.000000e+30 : f32
    %broadcast_in_dim3A_783 = vector.broadcast %broadcast_in_dim3A_782 : f32 to vector<16xf32>
    %select_n3A_784 = arith.select %eq3A_781, %broadcast_in_dim3A_783, %get3A_672 : vector<16xi1>, vector<16xf32>
    %gt3A_785 = arith.cmpf ogt, %select_n3A_784, %select_n3A_775 : vector<16xf32>
    %select_n3A_786 = arith.select %gt3A_785, %select_n3A_784, %select_n3A_775 : vector<16xi1>, vector<16xf32>
    %broadcast_in_dim3A_787 = arith.constant 5 : i32
    %broadcast_in_dim3A_788 = vector.broadcast %broadcast_in_dim3A_787 : i32 to vector<16xi32>
    %select_n3A_789 = arith.select %gt3A_785, %broadcast_in_dim3A_788, %select_n3A_778 : vector<16xi1>, vector<16xi32>
    %eq3A_790 = arith.constant 6 : i32
    %eq3A_791 = vector.broadcast %eq3A_790 : i32 to vector<16xi32>
    %eq3A_792 = arith.cmpi eq, %select_n3A_719, %eq3A_791 : vector<16xi32>
    %broadcast_in_dim3A_793 = arith.constant -1.000000e+30 : f32
    %broadcast_in_dim3A_794 = vector.broadcast %broadcast_in_dim3A_793 : f32 to vector<16xf32>
    %select_n3A_795 = arith.select %eq3A_792, %broadcast_in_dim3A_794, %get3A_677 : vector<16xi1>, vector<16xf32>
    %gt3A_796 = arith.cmpf ogt, %select_n3A_795, %select_n3A_786 : vector<16xf32>
    %select_n3A_797 = arith.select %gt3A_796, %select_n3A_795, %select_n3A_786 : vector<16xi1>, vector<16xf32>
    %broadcast_in_dim3A_798 = arith.constant 6 : i32
    %broadcast_in_dim3A_799 = vector.broadcast %broadcast_in_dim3A_798 : i32 to vector<16xi32>
    %select_n3A_800 = arith.select %gt3A_796, %broadcast_in_dim3A_799, %select_n3A_789 : vector<16xi1>, vector<16xi32>
    %eq3A_801 = arith.constant 7 : i32
    %eq3A_802 = vector.broadcast %eq3A_801 : i32 to vector<16xi32>
    %eq3A_803 = arith.cmpi eq, %select_n3A_719, %eq3A_802 : vector<16xi32>
    %broadcast_in_dim3A_804 = arith.constant -1.000000e+30 : f32
    %broadcast_in_dim3A_805 = vector.broadcast %broadcast_in_dim3A_804 : f32 to vector<16xf32>
    %select_n3A_806 = arith.select %eq3A_803, %broadcast_in_dim3A_805, %get3A_682 : vector<16xi1>, vector<16xf32>
    %gt3A_807 = arith.cmpf ogt, %select_n3A_806, %select_n3A_797 : vector<16xf32>
    %select_n3A_808 = arith.select %gt3A_807, %select_n3A_806, %select_n3A_797 : vector<16xi1>, vector<16xf32>
    %broadcast_in_dim3A_809 = arith.constant 7 : i32
    %broadcast_in_dim3A_810 = vector.broadcast %broadcast_in_dim3A_809 : i32 to vector<16xi32>
    %select_n3A_811 = arith.select %gt3A_807, %broadcast_in_dim3A_810, %select_n3A_800 : vector<16xi1>, vector<16xi32>
    %sub3A_812 = arith.subf %select_n3A_808, %select_n3A_716 : vector<16xf32>
    %exp3A_813 = math.exp %sub3A_812 : vector<16xf32>
    %add3A_814 = arith.constant 1.000000e+00 : f32
    %add3A_815 = vector.broadcast %add3A_814 : f32 to vector<16xf32>
    %add3A_816 = arith.addf %add3A_815, %exp3A_813 : vector<16xf32>
    %div3A_817 = arith.constant 1.000000e+00 : f32
    %div3A_818 = vector.broadcast %div3A_817 : f32 to vector<16xf32>
    %div3A_819 = arith.divf %div3A_818, %add3A_816 : vector<16xf32>
    %div3A_820 = arith.divf %exp3A_813, %add3A_816 : vector<16xf32>
    %broadcast_in_dim3A_821 = arith.constant 0.000000e+00 : f32
    %broadcast_in_dim3A_822 = vector.broadcast %broadcast_in_dim3A_821 : f32 to vector<16xf32>
    %eq3A_823 = arith.constant 0 : i32
    %eq3A_824 = vector.broadcast %eq3A_823 : i32 to vector<16xi32>
    %eq3A_825 = arith.cmpi eq, %select_n3A_719, %eq3A_824 : vector<16xi32>
    %select_n3A_826 = arith.select %eq3A_825, %div3A_819, %broadcast_in_dim3A_822 : vector<16xi1>, vector<16xf32>
    %eq3A_827 = arith.constant 0 : i32
    %eq3A_828 = vector.broadcast %eq3A_827 : i32 to vector<16xi32>
    %eq3A_829 = arith.cmpi eq, %select_n3A_811, %eq3A_828 : vector<16xi32>
    %select_n3A_830 = arith.select %eq3A_829, %div3A_820, %broadcast_in_dim3A_822 : vector<16xi1>, vector<16xf32>
    %add3A_831 = arith.addf %select_n3A_826, %select_n3A_830 : vector<16xf32>
    %swap3A_832 = arith.constant 0 : i32
    %swap3A_833 = arith.index_cast %swap3A_832 : i32 to index
    %swap3A_834 = arith.constant 32 : index
    %swap3A_835 = tpu.vector_load %arg7[%swap3A_833, %swap3A_834] {strides = array<i32>} : memref<8x64xf32, #tpu.memory_space<vmem>>, vector<1x16xf32>,
    %swap3A_836 = vector.shape_cast %swap3A_835 : vector<1x16xf32> to vector<16xf32>
    %swap3A_837 = vector.shape_cast %add3A_831 : vector<16xf32> to vector<1x16xf32>
    tpu.vector_store %arg7[%swap3A_833, %swap3A_834], %swap3A_837 {strides = array<i32>} : memref<8x64xf32, #tpu.memory_space<vmem>>, vector<1x16xf32>,
    %eq3A_838 = arith.constant 1 : i32
    %eq3A_839 = vector.broadcast %eq3A_838 : i32 to vector<16xi32>
    %eq3A_840 = arith.cmpi eq, %select_n3A_719, %eq3A_839 : vector<16xi32>
    %select_n3A_841 = arith.select %eq3A_840, %div3A_819, %broadcast_in_dim3A_822 : vector<16xi1>, vector<16xf32>
    %eq3A_842 = arith.constant 1 : i32
    %eq3A_843 = vector.broadcast %eq3A_842 : i32 to vector<16xi32>
    %eq3A_844 = arith.cmpi eq, %select_n3A_811, %eq3A_843 : vector<16xi32>
    %select_n3A_845 = arith.select %eq3A_844, %div3A_820, %broadcast_in_dim3A_822 : vector<16xi1>, vector<16xf32>
    %add3A_846 = arith.addf %select_n3A_841, %select_n3A_845 : vector<16xf32>
    %swap3A_847 = arith.constant 1 : i32
    %swap3A_848 = arith.index_cast %swap3A_847 : i32 to index
    %swap3A_849 = arith.constant 32 : index
    %swap3A_850 = tpu.vector_load %arg7[%swap3A_848, %swap3A_849] {strides = array<i32>} : memref<8x64xf32, #tpu.memory_space<vmem>>, vector<1x16xf32>,
    %swap3A_851 = vector.shape_cast %swap3A_850 : vector<1x16xf32> to vector<16xf32>
    %swap3A_852 = vector.shape_cast %add3A_846 : vector<16xf32> to vector<1x16xf32>
    tpu.vector_store %arg7[%swap3A_848, %swap3A_849], %swap3A_852 {strides = array<i32>} : memref<8x64xf32, #tpu.memory_space<vmem>>, vector<1x16xf32>,
    %eq3A_853 = arith.constant 2 : i32
    %eq3A_854 = vector.broadcast %eq3A_853 : i32 to vector<16xi32>
    %eq3A_855 = arith.cmpi eq, %select_n3A_719, %eq3A_854 : vector<16xi32>
    %select_n3A_856 = arith.select %eq3A_855, %div3A_819, %broadcast_in_dim3A_822 : vector<16xi1>, vector<16xf32>
    %eq3A_857 = arith.constant 2 : i32
    %eq3A_858 = vector.broadcast %eq3A_857 : i32 to vector<16xi32>
    %eq3A_859 = arith.cmpi eq, %select_n3A_811, %eq3A_858 : vector<16xi32>
    %select_n3A_860 = arith.select %eq3A_859, %div3A_820, %broadcast_in_dim3A_822 : vector<16xi1>, vector<16xf32>
    %add3A_861 = arith.addf %select_n3A_856, %select_n3A_860 : vector<16xf32>
    %swap3A_862 = arith.constant 2 : i32
    %swap3A_863 = arith.index_cast %swap3A_862 : i32 to index
    %swap3A_864 = arith.constant 32 : index
    %swap3A_865 = tpu.vector_load %arg7[%swap3A_863, %swap3A_864] {strides = array<i32>} : memref<8x64xf32, #tpu.memory_space<vmem>>, vector<1x16xf32>,
    %swap3A_866 = vector.shape_cast %swap3A_865 : vector<1x16xf32> to vector<16xf32>
    %swap3A_867 = vector.shape_cast %add3A_861 : vector<16xf32> to vector<1x16xf32>
    tpu.vector_store %arg7[%swap3A_863, %swap3A_864], %swap3A_867 {strides = array<i32>} : memref<8x64xf32, #tpu.memory_space<vmem>>, vector<1x16xf32>,
    %eq3A_868 = arith.constant 3 : i32
    %eq3A_869 = vector.broadcast %eq3A_868 : i32 to vector<16xi32>
    %eq3A_870 = arith.cmpi eq, %select_n3A_719, %eq3A_869 : vector<16xi32>
    %select_n3A_871 = arith.select %eq3A_870, %div3A_819, %broadcast_in_dim3A_822 : vector<16xi1>, vector<16xf32>
    %eq3A_872 = arith.constant 3 : i32
    %eq3A_873 = vector.broadcast %eq3A_872 : i32 to vector<16xi32>
    %eq3A_874 = arith.cmpi eq, %select_n3A_811, %eq3A_873 : vector<16xi32>
    %select_n3A_875 = arith.select %eq3A_874, %div3A_820, %broadcast_in_dim3A_822 : vector<16xi1>, vector<16xf32>
    %add3A_876 = arith.addf %select_n3A_871, %select_n3A_875 : vector<16xf32>
    %swap3A_877 = arith.constant 3 : i32
    %swap3A_878 = arith.index_cast %swap3A_877 : i32 to index
    %swap3A_879 = arith.constant 32 : index
    %swap3A_880 = tpu.vector_load %arg7[%swap3A_878, %swap3A_879] {strides = array<i32>} : memref<8x64xf32, #tpu.memory_space<vmem>>, vector<1x16xf32>,
    %swap3A_881 = vector.shape_cast %swap3A_880 : vector<1x16xf32> to vector<16xf32>
    %swap3A_882 = vector.shape_cast %add3A_876 : vector<16xf32> to vector<1x16xf32>
    tpu.vector_store %arg7[%swap3A_878, %swap3A_879], %swap3A_882 {strides = array<i32>} : memref<8x64xf32, #tpu.memory_space<vmem>>, vector<1x16xf32>,
    %eq3A_883 = arith.constant 4 : i32
    %eq3A_884 = vector.broadcast %eq3A_883 : i32 to vector<16xi32>
    %eq3A_885 = arith.cmpi eq, %select_n3A_719, %eq3A_884 : vector<16xi32>
    %select_n3A_886 = arith.select %eq3A_885, %div3A_819, %broadcast_in_dim3A_822 : vector<16xi1>, vector<16xf32>
    %eq3A_887 = arith.constant 4 : i32
    %eq3A_888 = vector.broadcast %eq3A_887 : i32 to vector<16xi32>
    %eq3A_889 = arith.cmpi eq, %select_n3A_811, %eq3A_888 : vector<16xi32>
    %select_n3A_890 = arith.select %eq3A_889, %div3A_820, %broadcast_in_dim3A_822 : vector<16xi1>, vector<16xf32>
    %add3A_891 = arith.addf %select_n3A_886, %select_n3A_890 : vector<16xf32>
    %swap3A_892 = arith.constant 4 : i32
    %swap3A_893 = arith.index_cast %swap3A_892 : i32 to index
    %swap3A_894 = arith.constant 32 : index
    %swap3A_895 = tpu.vector_load %arg7[%swap3A_893, %swap3A_894] {strides = array<i32>} : memref<8x64xf32, #tpu.memory_space<vmem>>, vector<1x16xf32>,
    %swap3A_896 = vector.shape_cast %swap3A_895 : vector<1x16xf32> to vector<16xf32>
    %swap3A_897 = vector.shape_cast %add3A_891 : vector<16xf32> to vector<1x16xf32>
    tpu.vector_store %arg7[%swap3A_893, %swap3A_894], %swap3A_897 {strides = array<i32>} : memref<8x64xf32, #tpu.memory_space<vmem>>, vector<1x16xf32>,
    %eq3A_898 = arith.constant 5 : i32
    %eq3A_899 = vector.broadcast %eq3A_898 : i32 to vector<16xi32>
    %eq3A_900 = arith.cmpi eq, %select_n3A_719, %eq3A_899 : vector<16xi32>
    %select_n3A_901 = arith.select %eq3A_900, %div3A_819, %broadcast_in_dim3A_822 : vector<16xi1>, vector<16xf32>
    %eq3A_902 = arith.constant 5 : i32
    %eq3A_903 = vector.broadcast %eq3A_902 : i32 to vector<16xi32>
    %eq3A_904 = arith.cmpi eq, %select_n3A_811, %eq3A_903 : vector<16xi32>
    %select_n3A_905 = arith.select %eq3A_904, %div3A_820, %broadcast_in_dim3A_822 : vector<16xi1>, vector<16xf32>
    %add3A_906 = arith.addf %select_n3A_901, %select_n3A_905 : vector<16xf32>
    %swap3A_907 = arith.constant 5 : i32
    %swap3A_908 = arith.index_cast %swap3A_907 : i32 to index
    %swap3A_909 = arith.constant 32 : index
    %swap3A_910 = tpu.vector_load %arg7[%swap3A_908, %swap3A_909] {strides = array<i32>} : memref<8x64xf32, #tpu.memory_space<vmem>>, vector<1x16xf32>,
    %swap3A_911 = vector.shape_cast %swap3A_910 : vector<1x16xf32> to vector<16xf32>
    %swap3A_912 = vector.shape_cast %add3A_906 : vector<16xf32> to vector<1x16xf32>
    tpu.vector_store %arg7[%swap3A_908, %swap3A_909], %swap3A_912 {strides = array<i32>} : memref<8x64xf32, #tpu.memory_space<vmem>>, vector<1x16xf32>,
    %eq3A_913 = arith.constant 6 : i32
    %eq3A_914 = vector.broadcast %eq3A_913 : i32 to vector<16xi32>
    %eq3A_915 = arith.cmpi eq, %select_n3A_719, %eq3A_914 : vector<16xi32>
    %select_n3A_916 = arith.select %eq3A_915, %div3A_819, %broadcast_in_dim3A_822 : vector<16xi1>, vector<16xf32>
    %eq3A_917 = arith.constant 6 : i32
    %eq3A_918 = vector.broadcast %eq3A_917 : i32 to vector<16xi32>
    %eq3A_919 = arith.cmpi eq, %select_n3A_811, %eq3A_918 : vector<16xi32>
    %select_n3A_920 = arith.select %eq3A_919, %div3A_820, %broadcast_in_dim3A_822 : vector<16xi1>, vector<16xf32>
    %add3A_921 = arith.addf %select_n3A_916, %select_n3A_920 : vector<16xf32>
    %swap3A_922 = arith.constant 6 : i32
    %swap3A_923 = arith.index_cast %swap3A_922 : i32 to index
    %swap3A_924 = arith.constant 32 : index
    %swap3A_925 = tpu.vector_load %arg7[%swap3A_923, %swap3A_924] {strides = array<i32>} : memref<8x64xf32, #tpu.memory_space<vmem>>, vector<1x16xf32>,
    %swap3A_926 = vector.shape_cast %swap3A_925 : vector<1x16xf32> to vector<16xf32>
    %swap3A_927 = vector.shape_cast %add3A_921 : vector<16xf32> to vector<1x16xf32>
    tpu.vector_store %arg7[%swap3A_923, %swap3A_924], %swap3A_927 {strides = array<i32>} : memref<8x64xf32, #tpu.memory_space<vmem>>, vector<1x16xf32>,
    %eq3A_928 = arith.constant 7 : i32
    %eq3A_929 = vector.broadcast %eq3A_928 : i32 to vector<16xi32>
    %eq3A_930 = arith.cmpi eq, %select_n3A_719, %eq3A_929 : vector<16xi32>
    %select_n3A_931 = arith.select %eq3A_930, %div3A_819, %broadcast_in_dim3A_822 : vector<16xi1>, vector<16xf32>
    %eq3A_932 = arith.constant 7 : i32
    %eq3A_933 = vector.broadcast %eq3A_932 : i32 to vector<16xi32>
    %eq3A_934 = arith.cmpi eq, %select_n3A_811, %eq3A_933 : vector<16xi32>
    %select_n3A_935 = arith.select %eq3A_934, %div3A_820, %broadcast_in_dim3A_822 : vector<16xi1>, vector<16xf32>
    %add3A_936 = arith.addf %select_n3A_931, %select_n3A_935 : vector<16xf32>
    %swap3A_937 = arith.constant 7 : i32
    %swap3A_938 = arith.index_cast %swap3A_937 : i32 to index
    %swap3A_939 = arith.constant 32 : index
    %swap3A_940 = tpu.vector_load %arg7[%swap3A_938, %swap3A_939] {strides = array<i32>} : memref<8x64xf32, #tpu.memory_space<vmem>>, vector<1x16xf32>,
    %swap3A_941 = vector.shape_cast %swap3A_940 : vector<1x16xf32> to vector<16xf32>
    %swap3A_942 = vector.shape_cast %add3A_936 : vector<16xf32> to vector<1x16xf32>
    tpu.vector_store %arg7[%swap3A_938, %swap3A_939], %swap3A_942 {strides = array<i32>} : memref<8x64xf32, #tpu.memory_space<vmem>>, vector<1x16xf32>,
    %swap3A_943 = arith.constant 0 : i32
    %swap3A_944 = arith.index_cast %swap3A_943 : i32 to index
    %swap3A_945 = arith.constant 32 : index
    %swap3A_946 = tpu.vector_load %arg8[%swap3A_944, %swap3A_945] {strides = array<i32>} : memref<2x64xi32, #tpu.memory_space<vmem>>, vector<1x16xi32>,
    %swap3A_947 = vector.shape_cast %swap3A_946 : vector<1x16xi32> to vector<16xi32>
    %swap3A_948 = vector.shape_cast %select_n3A_719 : vector<16xi32> to vector<1x16xi32>
    tpu.vector_store %arg8[%swap3A_944, %swap3A_945], %swap3A_948 {strides = array<i32>} : memref<2x64xi32, #tpu.memory_space<vmem>>, vector<1x16xi32>,
    %swap3A_949 = arith.constant 1 : i32
    %swap3A_950 = arith.index_cast %swap3A_949 : i32 to index
    %swap3A_951 = arith.constant 32 : index
    %swap3A_952 = tpu.vector_load %arg8[%swap3A_950, %swap3A_951] {strides = array<i32>} : memref<2x64xi32, #tpu.memory_space<vmem>>, vector<1x16xi32>,
    %swap3A_953 = vector.shape_cast %swap3A_952 : vector<1x16xi32> to vector<16xi32>
    %swap3A_954 = vector.shape_cast %select_n3A_811 : vector<16xi32> to vector<1x16xi32>
    tpu.vector_store %arg8[%swap3A_950, %swap3A_951], %swap3A_954 {strides = array<i32>} : memref<2x64xi32, #tpu.memory_space<vmem>>, vector<1x16xi32>,
    %add3A_955 = arith.addf %select_n3A_716, %select_n3A_808 : vector<16xf32>
    %swap3A_956 = arith.constant 32 : index
    %swap3A_957 = tpu.vector_load %arg9[%swap3A_956] {strides = array<i32>} : memref<64xf32, #tpu.memory_space<vmem>>, vector<16xf32>,
    %swap3A_958 = vector.shape_cast %swap3A_957 : vector<16xf32> to vector<16xf32>
    %swap3A_959 = vector.shape_cast %add3A_955 : vector<16xf32> to vector<16xf32>
    tpu.vector_store %arg9[%swap3A_956], %swap3A_959 {strides = array<i32>} : memref<64xf32, #tpu.memory_space<vmem>>, vector<16xf32>,
    %get3A_960 = arith.constant 0 : i32
    %get3A_961 = arith.index_cast %get3A_960 : i32 to index
    %get3A_962 = arith.constant 48 : index
    %get3A_963 = tpu.vector_load %arg6[%get3A_961, %get3A_962] {strides = array<i32>} : memref<8x64xf32, #tpu.memory_space<vmem>>, vector<1x16xf32>,
    %get3A_964 = vector.shape_cast %get3A_963 : vector<1x16xf32> to vector<16xf32>
    %get3A_965 = arith.constant 1 : i32
    %get3A_966 = arith.index_cast %get3A_965 : i32 to index
    %get3A_967 = arith.constant 48 : index
    %get3A_968 = tpu.vector_load %arg6[%get3A_966, %get3A_967] {strides = array<i32>} : memref<8x64xf32, #tpu.memory_space<vmem>>, vector<1x16xf32>,
    %get3A_969 = vector.shape_cast %get3A_968 : vector<1x16xf32> to vector<16xf32>
    %get3A_970 = arith.constant 2 : i32
    %get3A_971 = arith.index_cast %get3A_970 : i32 to index
    %get3A_972 = arith.constant 48 : index
    %get3A_973 = tpu.vector_load %arg6[%get3A_971, %get3A_972] {strides = array<i32>} : memref<8x64xf32, #tpu.memory_space<vmem>>, vector<1x16xf32>,
    %get3A_974 = vector.shape_cast %get3A_973 : vector<1x16xf32> to vector<16xf32>
    %get3A_975 = arith.constant 3 : i32
    %get3A_976 = arith.index_cast %get3A_975 : i32 to index
    %get3A_977 = arith.constant 48 : index
    %get3A_978 = tpu.vector_load %arg6[%get3A_976, %get3A_977] {strides = array<i32>} : memref<8x64xf32, #tpu.memory_space<vmem>>, vector<1x16xf32>,
    %get3A_979 = vector.shape_cast %get3A_978 : vector<1x16xf32> to vector<16xf32>
    %get3A_980 = arith.constant 4 : i32
    %get3A_981 = arith.index_cast %get3A_980 : i32 to index
    %get3A_982 = arith.constant 48 : index
    %get3A_983 = tpu.vector_load %arg6[%get3A_981, %get3A_982] {strides = array<i32>} : memref<8x64xf32, #tpu.memory_space<vmem>>, vector<1x16xf32>,
    %get3A_984 = vector.shape_cast %get3A_983 : vector<1x16xf32> to vector<16xf32>
    %get3A_985 = arith.constant 5 : i32
    %get3A_986 = arith.index_cast %get3A_985 : i32 to index
    %get3A_987 = arith.constant 48 : index
    %get3A_988 = tpu.vector_load %arg6[%get3A_986, %get3A_987] {strides = array<i32>} : memref<8x64xf32, #tpu.memory_space<vmem>>, vector<1x16xf32>,
    %get3A_989 = vector.shape_cast %get3A_988 : vector<1x16xf32> to vector<16xf32>
    %get3A_990 = arith.constant 6 : i32
    %get3A_991 = arith.index_cast %get3A_990 : i32 to index
    %get3A_992 = arith.constant 48 : index
    %get3A_993 = tpu.vector_load %arg6[%get3A_991, %get3A_992] {strides = array<i32>} : memref<8x64xf32, #tpu.memory_space<vmem>>, vector<1x16xf32>,
    %get3A_994 = vector.shape_cast %get3A_993 : vector<1x16xf32> to vector<16xf32>
    %get3A_995 = arith.constant 7 : i32
    %get3A_996 = arith.index_cast %get3A_995 : i32 to index
    %get3A_997 = arith.constant 48 : index
    %get3A_998 = tpu.vector_load %arg6[%get3A_996, %get3A_997] {strides = array<i32>} : memref<8x64xf32, #tpu.memory_space<vmem>>, vector<1x16xf32>,
    %get3A_999 = vector.shape_cast %get3A_998 : vector<1x16xf32> to vector<16xf32>
    %broadcast_in_dim3A_1000 = arith.constant 0 : i32
    %broadcast_in_dim3A_1001 = vector.broadcast %broadcast_in_dim3A_1000 : i32 to vector<16xi32>
    %gt3A_1002 = arith.cmpf ogt, %get3A_969, %get3A_964 : vector<16xf32>
    %select_n3A_1003 = arith.select %gt3A_1002, %get3A_969, %get3A_964 : vector<16xi1>, vector<16xf32>
    %broadcast_in_dim3A_1004 = arith.constant 1 : i32
    %broadcast_in_dim3A_1005 = vector.broadcast %broadcast_in_dim3A_1004 : i32 to vector<16xi32>
    %select_n3A_1006 = arith.select %gt3A_1002, %broadcast_in_dim3A_1005, %broadcast_in_dim3A_1001 : vector<16xi1>, vector<16xi32>
    %gt3A_1007 = arith.cmpf ogt, %get3A_974, %select_n3A_1003 : vector<16xf32>
    %select_n3A_1008 = arith.select %gt3A_1007, %get3A_974, %select_n3A_1003 : vector<16xi1>, vector<16xf32>
    %broadcast_in_dim3A_1009 = arith.constant 2 : i32
    %broadcast_in_dim3A_1010 = vector.broadcast %broadcast_in_dim3A_1009 : i32 to vector<16xi32>
    %select_n3A_1011 = arith.select %gt3A_1007, %broadcast_in_dim3A_1010, %select_n3A_1006 : vector<16xi1>, vector<16xi32>
    %gt3A_1012 = arith.cmpf ogt, %get3A_979, %select_n3A_1008 : vector<16xf32>
    %select_n3A_1013 = arith.select %gt3A_1012, %get3A_979, %select_n3A_1008 : vector<16xi1>, vector<16xf32>
    %broadcast_in_dim3A_1014 = arith.constant 3 : i32
    %broadcast_in_dim3A_1015 = vector.broadcast %broadcast_in_dim3A_1014 : i32 to vector<16xi32>
    %select_n3A_1016 = arith.select %gt3A_1012, %broadcast_in_dim3A_1015, %select_n3A_1011 : vector<16xi1>, vector<16xi32>
    %gt3A_1017 = arith.cmpf ogt, %get3A_984, %select_n3A_1013 : vector<16xf32>
    %select_n3A_1018 = arith.select %gt3A_1017, %get3A_984, %select_n3A_1013 : vector<16xi1>, vector<16xf32>
    %broadcast_in_dim3A_1019 = arith.constant 4 : i32
    %broadcast_in_dim3A_1020 = vector.broadcast %broadcast_in_dim3A_1019 : i32 to vector<16xi32>
    %select_n3A_1021 = arith.select %gt3A_1017, %broadcast_in_dim3A_1020, %select_n3A_1016 : vector<16xi1>, vector<16xi32>
    %gt3A_1022 = arith.cmpf ogt, %get3A_989, %select_n3A_1018 : vector<16xf32>
    %select_n3A_1023 = arith.select %gt3A_1022, %get3A_989, %select_n3A_1018 : vector<16xi1>, vector<16xf32>
    %broadcast_in_dim3A_1024 = arith.constant 5 : i32
    %broadcast_in_dim3A_1025 = vector.broadcast %broadcast_in_dim3A_1024 : i32 to vector<16xi32>
    %select_n3A_1026 = arith.select %gt3A_1022, %broadcast_in_dim3A_1025, %select_n3A_1021 : vector<16xi1>, vector<16xi32>
    %gt3A_1027 = arith.cmpf ogt, %get3A_994, %select_n3A_1023 : vector<16xf32>
    %select_n3A_1028 = arith.select %gt3A_1027, %get3A_994, %select_n3A_1023 : vector<16xi1>, vector<16xf32>
    %broadcast_in_dim3A_1029 = arith.constant 6 : i32
    %broadcast_in_dim3A_1030 = vector.broadcast %broadcast_in_dim3A_1029 : i32 to vector<16xi32>
    %select_n3A_1031 = arith.select %gt3A_1027, %broadcast_in_dim3A_1030, %select_n3A_1026 : vector<16xi1>, vector<16xi32>
    %gt3A_1032 = arith.cmpf ogt, %get3A_999, %select_n3A_1028 : vector<16xf32>
    %select_n3A_1033 = arith.select %gt3A_1032, %get3A_999, %select_n3A_1028 : vector<16xi1>, vector<16xf32>
    %broadcast_in_dim3A_1034 = arith.constant 7 : i32
    %broadcast_in_dim3A_1035 = vector.broadcast %broadcast_in_dim3A_1034 : i32 to vector<16xi32>
    %select_n3A_1036 = arith.select %gt3A_1032, %broadcast_in_dim3A_1035, %select_n3A_1031 : vector<16xi1>, vector<16xi32>
    %broadcast_in_dim3A_1037 = arith.constant -1.000000e+30 : f32
    %broadcast_in_dim3A_1038 = vector.broadcast %broadcast_in_dim3A_1037 : f32 to vector<16xf32>
    %broadcast_in_dim3A_1039 = arith.constant 0 : i32
    %broadcast_in_dim3A_1040 = vector.broadcast %broadcast_in_dim3A_1039 : i32 to vector<16xi32>
    %eq3A_1041 = arith.constant 0 : i32
    %eq3A_1042 = vector.broadcast %eq3A_1041 : i32 to vector<16xi32>
    %eq3A_1043 = arith.cmpi eq, %select_n3A_1036, %eq3A_1042 : vector<16xi32>
    %broadcast_in_dim3A_1044 = arith.constant -1.000000e+30 : f32
    %broadcast_in_dim3A_1045 = vector.broadcast %broadcast_in_dim3A_1044 : f32 to vector<16xf32>
    %select_n3A_1046 = arith.select %eq3A_1043, %broadcast_in_dim3A_1045, %get3A_964 : vector<16xi1>, vector<16xf32>
    %gt3A_1047 = arith.cmpf ogt, %select_n3A_1046, %broadcast_in_dim3A_1038 : vector<16xf32>
    %select_n3A_1048 = arith.select %gt3A_1047, %select_n3A_1046, %broadcast_in_dim3A_1038 : vector<16xi1>, vector<16xf32>
    %broadcast_in_dim3A_1049 = arith.constant 0 : i32
    %broadcast_in_dim3A_1050 = vector.broadcast %broadcast_in_dim3A_1049 : i32 to vector<16xi32>
    %select_n3A_1051 = arith.select %gt3A_1047, %broadcast_in_dim3A_1050, %broadcast_in_dim3A_1040 : vector<16xi1>, vector<16xi32>
    %eq3A_1052 = arith.constant 1 : i32
    %eq3A_1053 = vector.broadcast %eq3A_1052 : i32 to vector<16xi32>
    %eq3A_1054 = arith.cmpi eq, %select_n3A_1036, %eq3A_1053 : vector<16xi32>
    %broadcast_in_dim3A_1055 = arith.constant -1.000000e+30 : f32
    %broadcast_in_dim3A_1056 = vector.broadcast %broadcast_in_dim3A_1055 : f32 to vector<16xf32>
    %select_n3A_1057 = arith.select %eq3A_1054, %broadcast_in_dim3A_1056, %get3A_969 : vector<16xi1>, vector<16xf32>
    %gt3A_1058 = arith.cmpf ogt, %select_n3A_1057, %select_n3A_1048 : vector<16xf32>
    %select_n3A_1059 = arith.select %gt3A_1058, %select_n3A_1057, %select_n3A_1048 : vector<16xi1>, vector<16xf32>
    %broadcast_in_dim3A_1060 = arith.constant 1 : i32
    %broadcast_in_dim3A_1061 = vector.broadcast %broadcast_in_dim3A_1060 : i32 to vector<16xi32>
    %select_n3A_1062 = arith.select %gt3A_1058, %broadcast_in_dim3A_1061, %select_n3A_1051 : vector<16xi1>, vector<16xi32>
    %eq3A_1063 = arith.constant 2 : i32
    %eq3A_1064 = vector.broadcast %eq3A_1063 : i32 to vector<16xi32>
    %eq3A_1065 = arith.cmpi eq, %select_n3A_1036, %eq3A_1064 : vector<16xi32>
    %broadcast_in_dim3A_1066 = arith.constant -1.000000e+30 : f32
    %broadcast_in_dim3A_1067 = vector.broadcast %broadcast_in_dim3A_1066 : f32 to vector<16xf32>
    %select_n3A_1068 = arith.select %eq3A_1065, %broadcast_in_dim3A_1067, %get3A_974 : vector<16xi1>, vector<16xf32>
    %gt3A_1069 = arith.cmpf ogt, %select_n3A_1068, %select_n3A_1059 : vector<16xf32>
    %select_n3A_1070 = arith.select %gt3A_1069, %select_n3A_1068, %select_n3A_1059 : vector<16xi1>, vector<16xf32>
    %broadcast_in_dim3A_1071 = arith.constant 2 : i32
    %broadcast_in_dim3A_1072 = vector.broadcast %broadcast_in_dim3A_1071 : i32 to vector<16xi32>
    %select_n3A_1073 = arith.select %gt3A_1069, %broadcast_in_dim3A_1072, %select_n3A_1062 : vector<16xi1>, vector<16xi32>
    %eq3A_1074 = arith.constant 3 : i32
    %eq3A_1075 = vector.broadcast %eq3A_1074 : i32 to vector<16xi32>
    %eq3A_1076 = arith.cmpi eq, %select_n3A_1036, %eq3A_1075 : vector<16xi32>
    %broadcast_in_dim3A_1077 = arith.constant -1.000000e+30 : f32
    %broadcast_in_dim3A_1078 = vector.broadcast %broadcast_in_dim3A_1077 : f32 to vector<16xf32>
    %select_n3A_1079 = arith.select %eq3A_1076, %broadcast_in_dim3A_1078, %get3A_979 : vector<16xi1>, vector<16xf32>
    %gt3A_1080 = arith.cmpf ogt, %select_n3A_1079, %select_n3A_1070 : vector<16xf32>
    %select_n3A_1081 = arith.select %gt3A_1080, %select_n3A_1079, %select_n3A_1070 : vector<16xi1>, vector<16xf32>
    %broadcast_in_dim3A_1082 = arith.constant 3 : i32
    %broadcast_in_dim3A_1083 = vector.broadcast %broadcast_in_dim3A_1082 : i32 to vector<16xi32>
    %select_n3A_1084 = arith.select %gt3A_1080, %broadcast_in_dim3A_1083, %select_n3A_1073 : vector<16xi1>, vector<16xi32>
    %eq3A_1085 = arith.constant 4 : i32
    %eq3A_1086 = vector.broadcast %eq3A_1085 : i32 to vector<16xi32>
    %eq3A_1087 = arith.cmpi eq, %select_n3A_1036, %eq3A_1086 : vector<16xi32>
    %broadcast_in_dim3A_1088 = arith.constant -1.000000e+30 : f32
    %broadcast_in_dim3A_1089 = vector.broadcast %broadcast_in_dim3A_1088 : f32 to vector<16xf32>
    %select_n3A_1090 = arith.select %eq3A_1087, %broadcast_in_dim3A_1089, %get3A_984 : vector<16xi1>, vector<16xf32>
    %gt3A_1091 = arith.cmpf ogt, %select_n3A_1090, %select_n3A_1081 : vector<16xf32>
    %select_n3A_1092 = arith.select %gt3A_1091, %select_n3A_1090, %select_n3A_1081 : vector<16xi1>, vector<16xf32>
    %broadcast_in_dim3A_1093 = arith.constant 4 : i32
    %broadcast_in_dim3A_1094 = vector.broadcast %broadcast_in_dim3A_1093 : i32 to vector<16xi32>
    %select_n3A_1095 = arith.select %gt3A_1091, %broadcast_in_dim3A_1094, %select_n3A_1084 : vector<16xi1>, vector<16xi32>
    %eq3A_1096 = arith.constant 5 : i32
    %eq3A_1097 = vector.broadcast %eq3A_1096 : i32 to vector<16xi32>
    %eq3A_1098 = arith.cmpi eq, %select_n3A_1036, %eq3A_1097 : vector<16xi32>
    %broadcast_in_dim3A_1099 = arith.constant -1.000000e+30 : f32
    %broadcast_in_dim3A_1100 = vector.broadcast %broadcast_in_dim3A_1099 : f32 to vector<16xf32>
    %select_n3A_1101 = arith.select %eq3A_1098, %broadcast_in_dim3A_1100, %get3A_989 : vector<16xi1>, vector<16xf32>
    %gt3A_1102 = arith.cmpf ogt, %select_n3A_1101, %select_n3A_1092 : vector<16xf32>
    %select_n3A_1103 = arith.select %gt3A_1102, %select_n3A_1101, %select_n3A_1092 : vector<16xi1>, vector<16xf32>
    %broadcast_in_dim3A_1104 = arith.constant 5 : i32
    %broadcast_in_dim3A_1105 = vector.broadcast %broadcast_in_dim3A_1104 : i32 to vector<16xi32>
    %select_n3A_1106 = arith.select %gt3A_1102, %broadcast_in_dim3A_1105, %select_n3A_1095 : vector<16xi1>, vector<16xi32>
    %eq3A_1107 = arith.constant 6 : i32
    %eq3A_1108 = vector.broadcast %eq3A_1107 : i32 to vector<16xi32>
    %eq3A_1109 = arith.cmpi eq, %select_n3A_1036, %eq3A_1108 : vector<16xi32>
    %broadcast_in_dim3A_1110 = arith.constant -1.000000e+30 : f32
    %broadcast_in_dim3A_1111 = vector.broadcast %broadcast_in_dim3A_1110 : f32 to vector<16xf32>
    %select_n3A_1112 = arith.select %eq3A_1109, %broadcast_in_dim3A_1111, %get3A_994 : vector<16xi1>, vector<16xf32>
    %gt3A_1113 = arith.cmpf ogt, %select_n3A_1112, %select_n3A_1103 : vector<16xf32>
    %select_n3A_1114 = arith.select %gt3A_1113, %select_n3A_1112, %select_n3A_1103 : vector<16xi1>, vector<16xf32>
    %broadcast_in_dim3A_1115 = arith.constant 6 : i32
    %broadcast_in_dim3A_1116 = vector.broadcast %broadcast_in_dim3A_1115 : i32 to vector<16xi32>
    %select_n3A_1117 = arith.select %gt3A_1113, %broadcast_in_dim3A_1116, %select_n3A_1106 : vector<16xi1>, vector<16xi32>
    %eq3A_1118 = arith.constant 7 : i32
    %eq3A_1119 = vector.broadcast %eq3A_1118 : i32 to vector<16xi32>
    %eq3A_1120 = arith.cmpi eq, %select_n3A_1036, %eq3A_1119 : vector<16xi32>
    %broadcast_in_dim3A_1121 = arith.constant -1.000000e+30 : f32
    %broadcast_in_dim3A_1122 = vector.broadcast %broadcast_in_dim3A_1121 : f32 to vector<16xf32>
    %select_n3A_1123 = arith.select %eq3A_1120, %broadcast_in_dim3A_1122, %get3A_999 : vector<16xi1>, vector<16xf32>
    %gt3A_1124 = arith.cmpf ogt, %select_n3A_1123, %select_n3A_1114 : vector<16xf32>
    %select_n3A_1125 = arith.select %gt3A_1124, %select_n3A_1123, %select_n3A_1114 : vector<16xi1>, vector<16xf32>
    %broadcast_in_dim3A_1126 = arith.constant 7 : i32
    %broadcast_in_dim3A_1127 = vector.broadcast %broadcast_in_dim3A_1126 : i32 to vector<16xi32>
    %select_n3A_1128 = arith.select %gt3A_1124, %broadcast_in_dim3A_1127, %select_n3A_1117 : vector<16xi1>, vector<16xi32>
    %sub3A_1129 = arith.subf %select_n3A_1125, %select_n3A_1033 : vector<16xf32>
    %exp3A_1130 = math.exp %sub3A_1129 : vector<16xf32>
    %add3A_1131 = arith.constant 1.000000e+00 : f32
    %add3A_1132 = vector.broadcast %add3A_1131 : f32 to vector<16xf32>
    %add3A_1133 = arith.addf %add3A_1132, %exp3A_1130 : vector<16xf32>
    %div3A_1134 = arith.constant 1.000000e+00 : f32
    %div3A_1135 = vector.broadcast %div3A_1134 : f32 to vector<16xf32>
    %div3A_1136 = arith.divf %div3A_1135, %add3A_1133 : vector<16xf32>
    %div3A_1137 = arith.divf %exp3A_1130, %add3A_1133 : vector<16xf32>
    %broadcast_in_dim3A_1138 = arith.constant 0.000000e+00 : f32
    %broadcast_in_dim3A_1139 = vector.broadcast %broadcast_in_dim3A_1138 : f32 to vector<16xf32>
    %eq3A_1140 = arith.constant 0 : i32
    %eq3A_1141 = vector.broadcast %eq3A_1140 : i32 to vector<16xi32>
    %eq3A_1142 = arith.cmpi eq, %select_n3A_1036, %eq3A_1141 : vector<16xi32>
    %select_n3A_1143 = arith.select %eq3A_1142, %div3A_1136, %broadcast_in_dim3A_1139 : vector<16xi1>, vector<16xf32>
    %eq3A_1144 = arith.constant 0 : i32
    %eq3A_1145 = vector.broadcast %eq3A_1144 : i32 to vector<16xi32>
    %eq3A_1146 = arith.cmpi eq, %select_n3A_1128, %eq3A_1145 : vector<16xi32>
    %select_n3A_1147 = arith.select %eq3A_1146, %div3A_1137, %broadcast_in_dim3A_1139 : vector<16xi1>, vector<16xf32>
    %add3A_1148 = arith.addf %select_n3A_1143, %select_n3A_1147 : vector<16xf32>
    %swap3A_1149 = arith.constant 0 : i32
    %swap3A_1150 = arith.index_cast %swap3A_1149 : i32 to index
    %swap3A_1151 = arith.constant 48 : index
    %swap3A_1152 = tpu.vector_load %arg7[%swap3A_1150, %swap3A_1151] {strides = array<i32>} : memref<8x64xf32, #tpu.memory_space<vmem>>, vector<1x16xf32>,
    %swap3A_1153 = vector.shape_cast %swap3A_1152 : vector<1x16xf32> to vector<16xf32>
    %swap3A_1154 = vector.shape_cast %add3A_1148 : vector<16xf32> to vector<1x16xf32>
    tpu.vector_store %arg7[%swap3A_1150, %swap3A_1151], %swap3A_1154 {strides = array<i32>} : memref<8x64xf32, #tpu.memory_space<vmem>>, vector<1x16xf32>,
    %eq3A_1155 = arith.constant 1 : i32
    %eq3A_1156 = vector.broadcast %eq3A_1155 : i32 to vector<16xi32>
    %eq3A_1157 = arith.cmpi eq, %select_n3A_1036, %eq3A_1156 : vector<16xi32>
    %select_n3A_1158 = arith.select %eq3A_1157, %div3A_1136, %broadcast_in_dim3A_1139 : vector<16xi1>, vector<16xf32>
    %eq3A_1159 = arith.constant 1 : i32
    %eq3A_1160 = vector.broadcast %eq3A_1159 : i32 to vector<16xi32>
    %eq3A_1161 = arith.cmpi eq, %select_n3A_1128, %eq3A_1160 : vector<16xi32>
    %select_n3A_1162 = arith.select %eq3A_1161, %div3A_1137, %broadcast_in_dim3A_1139 : vector<16xi1>, vector<16xf32>
    %add3A_1163 = arith.addf %select_n3A_1158, %select_n3A_1162 : vector<16xf32>
    %swap3A_1164 = arith.constant 1 : i32
    %swap3A_1165 = arith.index_cast %swap3A_1164 : i32 to index
    %swap3A_1166 = arith.constant 48 : index
    %swap3A_1167 = tpu.vector_load %arg7[%swap3A_1165, %swap3A_1166] {strides = array<i32>} : memref<8x64xf32, #tpu.memory_space<vmem>>, vector<1x16xf32>,
    %swap3A_1168 = vector.shape_cast %swap3A_1167 : vector<1x16xf32> to vector<16xf32>
    %swap3A_1169 = vector.shape_cast %add3A_1163 : vector<16xf32> to vector<1x16xf32>
    tpu.vector_store %arg7[%swap3A_1165, %swap3A_1166], %swap3A_1169 {strides = array<i32>} : memref<8x64xf32, #tpu.memory_space<vmem>>, vector<1x16xf32>,
    %eq3A_1170 = arith.constant 2 : i32
    %eq3A_1171 = vector.broadcast %eq3A_1170 : i32 to vector<16xi32>
    %eq3A_1172 = arith.cmpi eq, %select_n3A_1036, %eq3A_1171 : vector<16xi32>
    %select_n3A_1173 = arith.select %eq3A_1172, %div3A_1136, %broadcast_in_dim3A_1139 : vector<16xi1>, vector<16xf32>
    %eq3A_1174 = arith.constant 2 : i32
    %eq3A_1175 = vector.broadcast %eq3A_1174 : i32 to vector<16xi32>
    %eq3A_1176 = arith.cmpi eq, %select_n3A_1128, %eq3A_1175 : vector<16xi32>
    %select_n3A_1177 = arith.select %eq3A_1176, %div3A_1137, %broadcast_in_dim3A_1139 : vector<16xi1>, vector<16xf32>
    %add3A_1178 = arith.addf %select_n3A_1173, %select_n3A_1177 : vector<16xf32>
    %swap3A_1179 = arith.constant 2 : i32
    %swap3A_1180 = arith.index_cast %swap3A_1179 : i32 to index
    %swap3A_1181 = arith.constant 48 : index
    %swap3A_1182 = tpu.vector_load %arg7[%swap3A_1180, %swap3A_1181] {strides = array<i32>} : memref<8x64xf32, #tpu.memory_space<vmem>>, vector<1x16xf32>,
    %swap3A_1183 = vector.shape_cast %swap3A_1182 : vector<1x16xf32> to vector<16xf32>
    %swap3A_1184 = vector.shape_cast %add3A_1178 : vector<16xf32> to vector<1x16xf32>
    tpu.vector_store %arg7[%swap3A_1180, %swap3A_1181], %swap3A_1184 {strides = array<i32>} : memref<8x64xf32, #tpu.memory_space<vmem>>, vector<1x16xf32>,
    %eq3A_1185 = arith.constant 3 : i32
    %eq3A_1186 = vector.broadcast %eq3A_1185 : i32 to vector<16xi32>
    %eq3A_1187 = arith.cmpi eq, %select_n3A_1036, %eq3A_1186 : vector<16xi32>
    %select_n3A_1188 = arith.select %eq3A_1187, %div3A_1136, %broadcast_in_dim3A_1139 : vector<16xi1>, vector<16xf32>
    %eq3A_1189 = arith.constant 3 : i32
    %eq3A_1190 = vector.broadcast %eq3A_1189 : i32 to vector<16xi32>
    %eq3A_1191 = arith.cmpi eq, %select_n3A_1128, %eq3A_1190 : vector<16xi32>
    %select_n3A_1192 = arith.select %eq3A_1191, %div3A_1137, %broadcast_in_dim3A_1139 : vector<16xi1>, vector<16xf32>
    %add3A_1193 = arith.addf %select_n3A_1188, %select_n3A_1192 : vector<16xf32>
    %swap3A_1194 = arith.constant 3 : i32
    %swap3A_1195 = arith.index_cast %swap3A_1194 : i32 to index
    %swap3A_1196 = arith.constant 48 : index
    %swap3A_1197 = tpu.vector_load %arg7[%swap3A_1195, %swap3A_1196] {strides = array<i32>} : memref<8x64xf32, #tpu.memory_space<vmem>>, vector<1x16xf32>,
    %swap3A_1198 = vector.shape_cast %swap3A_1197 : vector<1x16xf32> to vector<16xf32>
    %swap3A_1199 = vector.shape_cast %add3A_1193 : vector<16xf32> to vector<1x16xf32>
    tpu.vector_store %arg7[%swap3A_1195, %swap3A_1196], %swap3A_1199 {strides = array<i32>} : memref<8x64xf32, #tpu.memory_space<vmem>>, vector<1x16xf32>,
    %eq3A_1200 = arith.constant 4 : i32
    %eq3A_1201 = vector.broadcast %eq3A_1200 : i32 to vector<16xi32>
    %eq3A_1202 = arith.cmpi eq, %select_n3A_1036, %eq3A_1201 : vector<16xi32>
    %select_n3A_1203 = arith.select %eq3A_1202, %div3A_1136, %broadcast_in_dim3A_1139 : vector<16xi1>, vector<16xf32>
    %eq3A_1204 = arith.constant 4 : i32
    %eq3A_1205 = vector.broadcast %eq3A_1204 : i32 to vector<16xi32>
    %eq3A_1206 = arith.cmpi eq, %select_n3A_1128, %eq3A_1205 : vector<16xi32>
    %select_n3A_1207 = arith.select %eq3A_1206, %div3A_1137, %broadcast_in_dim3A_1139 : vector<16xi1>, vector<16xf32>
    %add3A_1208 = arith.addf %select_n3A_1203, %select_n3A_1207 : vector<16xf32>
    %swap3A_1209 = arith.constant 4 : i32
    %swap3A_1210 = arith.index_cast %swap3A_1209 : i32 to index
    %swap3A_1211 = arith.constant 48 : index
    %swap3A_1212 = tpu.vector_load %arg7[%swap3A_1210, %swap3A_1211] {strides = array<i32>} : memref<8x64xf32, #tpu.memory_space<vmem>>, vector<1x16xf32>,
    %swap3A_1213 = vector.shape_cast %swap3A_1212 : vector<1x16xf32> to vector<16xf32>
    %swap3A_1214 = vector.shape_cast %add3A_1208 : vector<16xf32> to vector<1x16xf32>
    tpu.vector_store %arg7[%swap3A_1210, %swap3A_1211], %swap3A_1214 {strides = array<i32>} : memref<8x64xf32, #tpu.memory_space<vmem>>, vector<1x16xf32>,
    %eq3A_1215 = arith.constant 5 : i32
    %eq3A_1216 = vector.broadcast %eq3A_1215 : i32 to vector<16xi32>
    %eq3A_1217 = arith.cmpi eq, %select_n3A_1036, %eq3A_1216 : vector<16xi32>
    %select_n3A_1218 = arith.select %eq3A_1217, %div3A_1136, %broadcast_in_dim3A_1139 : vector<16xi1>, vector<16xf32>
    %eq3A_1219 = arith.constant 5 : i32
    %eq3A_1220 = vector.broadcast %eq3A_1219 : i32 to vector<16xi32>
    %eq3A_1221 = arith.cmpi eq, %select_n3A_1128, %eq3A_1220 : vector<16xi32>
    %select_n3A_1222 = arith.select %eq3A_1221, %div3A_1137, %broadcast_in_dim3A_1139 : vector<16xi1>, vector<16xf32>
    %add3A_1223 = arith.addf %select_n3A_1218, %select_n3A_1222 : vector<16xf32>
    %swap3A_1224 = arith.constant 5 : i32
    %swap3A_1225 = arith.index_cast %swap3A_1224 : i32 to index
    %swap3A_1226 = arith.constant 48 : index
    %swap3A_1227 = tpu.vector_load %arg7[%swap3A_1225, %swap3A_1226] {strides = array<i32>} : memref<8x64xf32, #tpu.memory_space<vmem>>, vector<1x16xf32>,
    %swap3A_1228 = vector.shape_cast %swap3A_1227 : vector<1x16xf32> to vector<16xf32>
    %swap3A_1229 = vector.shape_cast %add3A_1223 : vector<16xf32> to vector<1x16xf32>
    tpu.vector_store %arg7[%swap3A_1225, %swap3A_1226], %swap3A_1229 {strides = array<i32>} : memref<8x64xf32, #tpu.memory_space<vmem>>, vector<1x16xf32>,
    %eq3A_1230 = arith.constant 6 : i32
    %eq3A_1231 = vector.broadcast %eq3A_1230 : i32 to vector<16xi32>
    %eq3A_1232 = arith.cmpi eq, %select_n3A_1036, %eq3A_1231 : vector<16xi32>
    %select_n3A_1233 = arith.select %eq3A_1232, %div3A_1136, %broadcast_in_dim3A_1139 : vector<16xi1>, vector<16xf32>
    %eq3A_1234 = arith.constant 6 : i32
    %eq3A_1235 = vector.broadcast %eq3A_1234 : i32 to vector<16xi32>
    %eq3A_1236 = arith.cmpi eq, %select_n3A_1128, %eq3A_1235 : vector<16xi32>
    %select_n3A_1237 = arith.select %eq3A_1236, %div3A_1137, %broadcast_in_dim3A_1139 : vector<16xi1>, vector<16xf32>
    %add3A_1238 = arith.addf %select_n3A_1233, %select_n3A_1237 : vector<16xf32>
    %swap3A_1239 = arith.constant 6 : i32
    %swap3A_1240 = arith.index_cast %swap3A_1239 : i32 to index
    %swap3A_1241 = arith.constant 48 : index
    %swap3A_1242 = tpu.vector_load %arg7[%swap3A_1240, %swap3A_1241] {strides = array<i32>} : memref<8x64xf32, #tpu.memory_space<vmem>>, vector<1x16xf32>,
    %swap3A_1243 = vector.shape_cast %swap3A_1242 : vector<1x16xf32> to vector<16xf32>
    %swap3A_1244 = vector.shape_cast %add3A_1238 : vector<16xf32> to vector<1x16xf32>
    tpu.vector_store %arg7[%swap3A_1240, %swap3A_1241], %swap3A_1244 {strides = array<i32>} : memref<8x64xf32, #tpu.memory_space<vmem>>, vector<1x16xf32>,
    %eq3A_1245 = arith.constant 7 : i32
    %eq3A_1246 = vector.broadcast %eq3A_1245 : i32 to vector<16xi32>
    %eq3A_1247 = arith.cmpi eq, %select_n3A_1036, %eq3A_1246 : vector<16xi32>
    %select_n3A_1248 = arith.select %eq3A_1247, %div3A_1136, %broadcast_in_dim3A_1139 : vector<16xi1>, vector<16xf32>
    %eq3A_1249 = arith.constant 7 : i32
    %eq3A_1250 = vector.broadcast %eq3A_1249 : i32 to vector<16xi32>
    %eq3A_1251 = arith.cmpi eq, %select_n3A_1128, %eq3A_1250 : vector<16xi32>
    %select_n3A_1252 = arith.select %eq3A_1251, %div3A_1137, %broadcast_in_dim3A_1139 : vector<16xi1>, vector<16xf32>
    %add3A_1253 = arith.addf %select_n3A_1248, %select_n3A_1252 : vector<16xf32>
    %swap3A_1254 = arith.constant 7 : i32
    %swap3A_1255 = arith.index_cast %swap3A_1254 : i32 to index
    %swap3A_1256 = arith.constant 48 : index
    %swap3A_1257 = tpu.vector_load %arg7[%swap3A_1255, %swap3A_1256] {strides = array<i32>} : memref<8x64xf32, #tpu.memory_space<vmem>>, vector<1x16xf32>,
    %swap3A_1258 = vector.shape_cast %swap3A_1257 : vector<1x16xf32> to vector<16xf32>
    %swap3A_1259 = vector.shape_cast %add3A_1253 : vector<16xf32> to vector<1x16xf32>
    tpu.vector_store %arg7[%swap3A_1255, %swap3A_1256], %swap3A_1259 {strides = array<i32>} : memref<8x64xf32, #tpu.memory_space<vmem>>, vector<1x16xf32>,
    %swap3A_1260 = arith.constant 0 : i32
    %swap3A_1261 = arith.index_cast %swap3A_1260 : i32 to index
    %swap3A_1262 = arith.constant 48 : index
    %swap3A_1263 = tpu.vector_load %arg8[%swap3A_1261, %swap3A_1262] {strides = array<i32>} : memref<2x64xi32, #tpu.memory_space<vmem>>, vector<1x16xi32>,
    %swap3A_1264 = vector.shape_cast %swap3A_1263 : vector<1x16xi32> to vector<16xi32>
    %swap3A_1265 = vector.shape_cast %select_n3A_1036 : vector<16xi32> to vector<1x16xi32>
    tpu.vector_store %arg8[%swap3A_1261, %swap3A_1262], %swap3A_1265 {strides = array<i32>} : memref<2x64xi32, #tpu.memory_space<vmem>>, vector<1x16xi32>,
    %swap3A_1266 = arith.constant 1 : i32
    %swap3A_1267 = arith.index_cast %swap3A_1266 : i32 to index
    %swap3A_1268 = arith.constant 48 : index
    %swap3A_1269 = tpu.vector_load %arg8[%swap3A_1267, %swap3A_1268] {strides = array<i32>} : memref<2x64xi32, #tpu.memory_space<vmem>>, vector<1x16xi32>,
    %swap3A_1270 = vector.shape_cast %swap3A_1269 : vector<1x16xi32> to vector<16xi32>
    %swap3A_1271 = vector.shape_cast %select_n3A_1128 : vector<16xi32> to vector<1x16xi32>
    tpu.vector_store %arg8[%swap3A_1267, %swap3A_1268], %swap3A_1271 {strides = array<i32>} : memref<2x64xi32, #tpu.memory_space<vmem>>, vector<1x16xi32>,
    %add3A_1272 = arith.addf %select_n3A_1033, %select_n3A_1125 : vector<16xf32>
    %swap3A_1273 = arith.constant 48 : index
    %swap3A_1274 = tpu.vector_load %arg9[%swap3A_1273] {strides = array<i32>} : memref<64xf32, #tpu.memory_space<vmem>>, vector<16xf32>,
    %swap3A_1275 = vector.shape_cast %swap3A_1274 : vector<16xf32> to vector<16xf32>
    %swap3A_1276 = vector.shape_cast %add3A_1272 : vector<16xf32> to vector<16xf32>
    tpu.vector_store %arg9[%swap3A_1273], %swap3A_1276 {strides = array<i32>} : memref<64xf32, #tpu.memory_space<vmem>>, vector<16xf32>,
    %run_scoped3A_1277 = arith.constant 0 : i32
    %run_scoped3A_1278 = arith.constant 0 : i32
    "tpu.region"() ({
      %run_scoped3A_1297 = tpu.sem_alloc : memref<!tpu.dma_semaphore, #tpu.memory_space<semaphore_mem>>
      %dma_start3A = arith.constant 0 : i32
      %dma_start3A_1298 = tpu.memref_slice %arg7[%run_scoped3A_1277, %dma_start3A] : memref<8x64xf32, #tpu.memory_space<vmem>> -> memref<1x64xf32, #tpu.memory_space<vmem>>
      %dma_start3A_1299 = tpu.memref_squeeze %dma_start3A_1298 : memref<1x64xf32, #tpu.memory_space<vmem>> -> memref<64xf32, #tpu.memory_space<vmem>>
      %dma_start3A_1300 = tpu.memref_slice %arg3[%run_scoped3A_1278, %mul3A_2] : memref<8x2048xf32, #tpu.memory_space<hbm>> -> memref<1x64xf32, #tpu.memory_space<hbm>>
      %dma_start3A_1301 = tpu.memref_squeeze %dma_start3A_1300 : memref<1x64xf32, #tpu.memory_space<hbm>> -> memref<64xf32, #tpu.memory_space<hbm>>
      %dma_start3A_1302 = tpu.memref_slice %arg3[%run_scoped3A_1278, %mul3A_2] : memref<8x2048xf32, #tpu.memory_space<hbm>> -> memref<1x64xf32, #tpu.memory_space<hbm>>
      %dma_start3A_1303 = tpu.memref_squeeze %dma_start3A_1302 : memref<1x64xf32, #tpu.memory_space<hbm>> -> memref<64xf32, #tpu.memory_space<hbm>>
      %dma_start3A_1304 = arith.constant 0 : i32
      %dma_start3A_1305 = tpu.memref_slice %arg7[%run_scoped3A_1277, %dma_start3A_1304] : memref<8x64xf32, #tpu.memory_space<vmem>> -> memref<1x64xf32, #tpu.memory_space<vmem>>
      %dma_start3A_1306 = tpu.memref_squeeze %dma_start3A_1305 : memref<1x64xf32, #tpu.memory_space<vmem>> -> memref<64xf32, #tpu.memory_space<vmem>>
      tpu.enqueue_dma source(%dma_start3A_1306 : memref<64xf32, #tpu.memory_space<vmem>>) target(%dma_start3A_1303 : memref<64xf32, #tpu.memory_space<hbm>>) target_semaphore(%run_scoped3A_1297 : memref<!tpu.dma_semaphore, #tpu.memory_space<semaphore_mem>>)
      %dma_wait3A = arith.constant 0 : i32
      %dma_wait3A_1307 = tpu.memref_slice %arg7[%run_scoped3A_1277, %dma_wait3A] : memref<8x64xf32, #tpu.memory_space<vmem>> -> memref<1x64xf32, #tpu.memory_space<vmem>>
      %dma_wait3A_1308 = tpu.memref_squeeze %dma_wait3A_1307 : memref<1x64xf32, #tpu.memory_space<vmem>> -> memref<64xf32, #tpu.memory_space<vmem>>
      %dma_wait3A_1309 = tpu.memref_slice %arg3[%run_scoped3A_1278, %mul3A_2] : memref<8x2048xf32, #tpu.memory_space<hbm>> -> memref<1x64xf32, #tpu.memory_space<hbm>>
      %dma_wait3A_1310 = tpu.memref_squeeze %dma_wait3A_1309 : memref<1x64xf32, #tpu.memory_space<hbm>> -> memref<64xf32, #tpu.memory_space<hbm>>
      %dma_wait3A_1311 = tpu.memref_slice %arg3[%run_scoped3A_1278, %mul3A_2] : memref<8x2048xf32, #tpu.memory_space<hbm>> -> memref<1x64xf32, #tpu.memory_space<hbm>>
      %dma_wait3A_1312 = tpu.memref_squeeze %dma_wait3A_1311 : memref<1x64xf32, #tpu.memory_space<hbm>> -> memref<64xf32, #tpu.memory_space<hbm>>
      %dma_wait3A_1313 = arith.constant 0 : i32
      %dma_wait3A_1314 = tpu.memref_slice %arg7[%run_scoped3A_1277, %dma_wait3A_1313] : memref<8x64xf32, #tpu.memory_space<vmem>> -> memref<1x64xf32, #tpu.memory_space<vmem>>
      %dma_wait3A_1315 = tpu.memref_squeeze %dma_wait3A_1314 : memref<1x64xf32, #tpu.memory_space<vmem>> -> memref<64xf32, #tpu.memory_space<vmem>>
      tpu.wait_dma2 semaphore(%run_scoped3A_1297 : memref<!tpu.dma_semaphore, #tpu.memory_space<semaphore_mem>>) src(%dma_wait3A_1315 : memref<64xf32, #tpu.memory_space<vmem>>) dst(%dma_wait3A_1312 : memref<64xf32, #tpu.memory_space<hbm>>)
      tpu.yield
    }) : () -> ()
    %run_scoped3A_1279 = arith.constant 1 : i32
    %run_scoped3A_1280 = arith.constant 1 : i32
    "tpu.region"() ({
      %run_scoped3A_1297 = tpu.sem_alloc : memref<!tpu.dma_semaphore, #tpu.memory_space<semaphore_mem>>
      %dma_start3A = arith.constant 0 : i32
      %dma_start3A_1298 = tpu.memref_slice %arg7[%run_scoped3A_1279, %dma_start3A] : memref<8x64xf32, #tpu.memory_space<vmem>> -> memref<1x64xf32, #tpu.memory_space<vmem>>
      %dma_start3A_1299 = tpu.memref_squeeze %dma_start3A_1298 : memref<1x64xf32, #tpu.memory_space<vmem>> -> memref<64xf32, #tpu.memory_space<vmem>>
      %dma_start3A_1300 = tpu.memref_slice %arg3[%run_scoped3A_1280, %mul3A_2] : memref<8x2048xf32, #tpu.memory_space<hbm>> -> memref<1x64xf32, #tpu.memory_space<hbm>>
      %dma_start3A_1301 = tpu.memref_squeeze %dma_start3A_1300 : memref<1x64xf32, #tpu.memory_space<hbm>> -> memref<64xf32, #tpu.memory_space<hbm>>
      %dma_start3A_1302 = tpu.memref_slice %arg3[%run_scoped3A_1280, %mul3A_2] : memref<8x2048xf32, #tpu.memory_space<hbm>> -> memref<1x64xf32, #tpu.memory_space<hbm>>
      %dma_start3A_1303 = tpu.memref_squeeze %dma_start3A_1302 : memref<1x64xf32, #tpu.memory_space<hbm>> -> memref<64xf32, #tpu.memory_space<hbm>>
      %dma_start3A_1304 = arith.constant 0 : i32
      %dma_start3A_1305 = tpu.memref_slice %arg7[%run_scoped3A_1279, %dma_start3A_1304] : memref<8x64xf32, #tpu.memory_space<vmem>> -> memref<1x64xf32, #tpu.memory_space<vmem>>
      %dma_start3A_1306 = tpu.memref_squeeze %dma_start3A_1305 : memref<1x64xf32, #tpu.memory_space<vmem>> -> memref<64xf32, #tpu.memory_space<vmem>>
      tpu.enqueue_dma source(%dma_start3A_1306 : memref<64xf32, #tpu.memory_space<vmem>>) target(%dma_start3A_1303 : memref<64xf32, #tpu.memory_space<hbm>>) target_semaphore(%run_scoped3A_1297 : memref<!tpu.dma_semaphore, #tpu.memory_space<semaphore_mem>>)
      %dma_wait3A = arith.constant 0 : i32
      %dma_wait3A_1307 = tpu.memref_slice %arg7[%run_scoped3A_1279, %dma_wait3A] : memref<8x64xf32, #tpu.memory_space<vmem>> -> memref<1x64xf32, #tpu.memory_space<vmem>>
      %dma_wait3A_1308 = tpu.memref_squeeze %dma_wait3A_1307 : memref<1x64xf32, #tpu.memory_space<vmem>> -> memref<64xf32, #tpu.memory_space<vmem>>
      %dma_wait3A_1309 = tpu.memref_slice %arg3[%run_scoped3A_1280, %mul3A_2] : memref<8x2048xf32, #tpu.memory_space<hbm>> -> memref<1x64xf32, #tpu.memory_space<hbm>>
      %dma_wait3A_1310 = tpu.memref_squeeze %dma_wait3A_1309 : memref<1x64xf32, #tpu.memory_space<hbm>> -> memref<64xf32, #tpu.memory_space<hbm>>
      %dma_wait3A_1311 = tpu.memref_slice %arg3[%run_scoped3A_1280, %mul3A_2] : memref<8x2048xf32, #tpu.memory_space<hbm>> -> memref<1x64xf32, #tpu.memory_space<hbm>>
      %dma_wait3A_1312 = tpu.memref_squeeze %dma_wait3A_1311 : memref<1x64xf32, #tpu.memory_space<hbm>> -> memref<64xf32, #tpu.memory_space<hbm>>
      %dma_wait3A_1313 = arith.constant 0 : i32
      %dma_wait3A_1314 = tpu.memref_slice %arg7[%run_scoped3A_1279, %dma_wait3A_1313] : memref<8x64xf32, #tpu.memory_space<vmem>> -> memref<1x64xf32, #tpu.memory_space<vmem>>
      %dma_wait3A_1315 = tpu.memref_squeeze %dma_wait3A_1314 : memref<1x64xf32, #tpu.memory_space<vmem>> -> memref<64xf32, #tpu.memory_space<vmem>>
      tpu.wait_dma2 semaphore(%run_scoped3A_1297 : memref<!tpu.dma_semaphore, #tpu.memory_space<semaphore_mem>>) src(%dma_wait3A_1315 : memref<64xf32, #tpu.memory_space<vmem>>) dst(%dma_wait3A_1312 : memref<64xf32, #tpu.memory_space<hbm>>)
      tpu.yield
    }) : () -> ()
    %run_scoped3A_1281 = arith.constant 2 : i32
    %run_scoped3A_1282 = arith.constant 2 : i32
    "tpu.region"() ({
      %run_scoped3A_1297 = tpu.sem_alloc : memref<!tpu.dma_semaphore, #tpu.memory_space<semaphore_mem>>
      %dma_start3A = arith.constant 0 : i32
      %dma_start3A_1298 = tpu.memref_slice %arg7[%run_scoped3A_1281, %dma_start3A] : memref<8x64xf32, #tpu.memory_space<vmem>> -> memref<1x64xf32, #tpu.memory_space<vmem>>
      %dma_start3A_1299 = tpu.memref_squeeze %dma_start3A_1298 : memref<1x64xf32, #tpu.memory_space<vmem>> -> memref<64xf32, #tpu.memory_space<vmem>>
      %dma_start3A_1300 = tpu.memref_slice %arg3[%run_scoped3A_1282, %mul3A_2] : memref<8x2048xf32, #tpu.memory_space<hbm>> -> memref<1x64xf32, #tpu.memory_space<hbm>>
      %dma_start3A_1301 = tpu.memref_squeeze %dma_start3A_1300 : memref<1x64xf32, #tpu.memory_space<hbm>> -> memref<64xf32, #tpu.memory_space<hbm>>
      %dma_start3A_1302 = tpu.memref_slice %arg3[%run_scoped3A_1282, %mul3A_2] : memref<8x2048xf32, #tpu.memory_space<hbm>> -> memref<1x64xf32, #tpu.memory_space<hbm>>
      %dma_start3A_1303 = tpu.memref_squeeze %dma_start3A_1302 : memref<1x64xf32, #tpu.memory_space<hbm>> -> memref<64xf32, #tpu.memory_space<hbm>>
      %dma_start3A_1304 = arith.constant 0 : i32
      %dma_start3A_1305 = tpu.memref_slice %arg7[%run_scoped3A_1281, %dma_start3A_1304] : memref<8x64xf32, #tpu.memory_space<vmem>> -> memref<1x64xf32, #tpu.memory_space<vmem>>
      %dma_start3A_1306 = tpu.memref_squeeze %dma_start3A_1305 : memref<1x64xf32, #tpu.memory_space<vmem>> -> memref<64xf32, #tpu.memory_space<vmem>>
      tpu.enqueue_dma source(%dma_start3A_1306 : memref<64xf32, #tpu.memory_space<vmem>>) target(%dma_start3A_1303 : memref<64xf32, #tpu.memory_space<hbm>>) target_semaphore(%run_scoped3A_1297 : memref<!tpu.dma_semaphore, #tpu.memory_space<semaphore_mem>>)
      %dma_wait3A = arith.constant 0 : i32
      %dma_wait3A_1307 = tpu.memref_slice %arg7[%run_scoped3A_1281, %dma_wait3A] : memref<8x64xf32, #tpu.memory_space<vmem>> -> memref<1x64xf32, #tpu.memory_space<vmem>>
      %dma_wait3A_1308 = tpu.memref_squeeze %dma_wait3A_1307 : memref<1x64xf32, #tpu.memory_space<vmem>> -> memref<64xf32, #tpu.memory_space<vmem>>
      %dma_wait3A_1309 = tpu.memref_slice %arg3[%run_scoped3A_1282, %mul3A_2] : memref<8x2048xf32, #tpu.memory_space<hbm>> -> memref<1x64xf32, #tpu.memory_space<hbm>>
      %dma_wait3A_1310 = tpu.memref_squeeze %dma_wait3A_1309 : memref<1x64xf32, #tpu.memory_space<hbm>> -> memref<64xf32, #tpu.memory_space<hbm>>
      %dma_wait3A_1311 = tpu.memref_slice %arg3[%run_scoped3A_1282, %mul3A_2] : memref<8x2048xf32, #tpu.memory_space<hbm>> -> memref<1x64xf32, #tpu.memory_space<hbm>>
      %dma_wait3A_1312 = tpu.memref_squeeze %dma_wait3A_1311 : memref<1x64xf32, #tpu.memory_space<hbm>> -> memref<64xf32, #tpu.memory_space<hbm>>
      %dma_wait3A_1313 = arith.constant 0 : i32
      %dma_wait3A_1314 = tpu.memref_slice %arg7[%run_scoped3A_1281, %dma_wait3A_1313] : memref<8x64xf32, #tpu.memory_space<vmem>> -> memref<1x64xf32, #tpu.memory_space<vmem>>
      %dma_wait3A_1315 = tpu.memref_squeeze %dma_wait3A_1314 : memref<1x64xf32, #tpu.memory_space<vmem>> -> memref<64xf32, #tpu.memory_space<vmem>>
      tpu.wait_dma2 semaphore(%run_scoped3A_1297 : memref<!tpu.dma_semaphore, #tpu.memory_space<semaphore_mem>>) src(%dma_wait3A_1315 : memref<64xf32, #tpu.memory_space<vmem>>) dst(%dma_wait3A_1312 : memref<64xf32, #tpu.memory_space<hbm>>)
      tpu.yield
    }) : () -> ()
    %run_scoped3A_1283 = arith.constant 3 : i32
    %run_scoped3A_1284 = arith.constant 3 : i32
    "tpu.region"() ({
      %run_scoped3A_1297 = tpu.sem_alloc : memref<!tpu.dma_semaphore, #tpu.memory_space<semaphore_mem>>
      %dma_start3A = arith.constant 0 : i32
      %dma_start3A_1298 = tpu.memref_slice %arg7[%run_scoped3A_1283, %dma_start3A] : memref<8x64xf32, #tpu.memory_space<vmem>> -> memref<1x64xf32, #tpu.memory_space<vmem>>
      %dma_start3A_1299 = tpu.memref_squeeze %dma_start3A_1298 : memref<1x64xf32, #tpu.memory_space<vmem>> -> memref<64xf32, #tpu.memory_space<vmem>>
      %dma_start3A_1300 = tpu.memref_slice %arg3[%run_scoped3A_1284, %mul3A_2] : memref<8x2048xf32, #tpu.memory_space<hbm>> -> memref<1x64xf32, #tpu.memory_space<hbm>>
      %dma_start3A_1301 = tpu.memref_squeeze %dma_start3A_1300 : memref<1x64xf32, #tpu.memory_space<hbm>> -> memref<64xf32, #tpu.memory_space<hbm>>
      %dma_start3A_1302 = tpu.memref_slice %arg3[%run_scoped3A_1284, %mul3A_2] : memref<8x2048xf32, #tpu.memory_space<hbm>> -> memref<1x64xf32, #tpu.memory_space<hbm>>
      %dma_start3A_1303 = tpu.memref_squeeze %dma_start3A_1302 : memref<1x64xf32, #tpu.memory_space<hbm>> -> memref<64xf32, #tpu.memory_space<hbm>>
      %dma_start3A_1304 = arith.constant 0 : i32
      %dma_start3A_1305 = tpu.memref_slice %arg7[%run_scoped3A_1283, %dma_start3A_1304] : memref<8x64xf32, #tpu.memory_space<vmem>> -> memref<1x64xf32, #tpu.memory_space<vmem>>
      %dma_start3A_1306 = tpu.memref_squeeze %dma_start3A_1305 : memref<1x64xf32, #tpu.memory_space<vmem>> -> memref<64xf32, #tpu.memory_space<vmem>>
      tpu.enqueue_dma source(%dma_start3A_1306 : memref<64xf32, #tpu.memory_space<vmem>>) target(%dma_start3A_1303 : memref<64xf32, #tpu.memory_space<hbm>>) target_semaphore(%run_scoped3A_1297 : memref<!tpu.dma_semaphore, #tpu.memory_space<semaphore_mem>>)
      %dma_wait3A = arith.constant 0 : i32
      %dma_wait3A_1307 = tpu.memref_slice %arg7[%run_scoped3A_1283, %dma_wait3A] : memref<8x64xf32, #tpu.memory_space<vmem>> -> memref<1x64xf32, #tpu.memory_space<vmem>>
      %dma_wait3A_1308 = tpu.memref_squeeze %dma_wait3A_1307 : memref<1x64xf32, #tpu.memory_space<vmem>> -> memref<64xf32, #tpu.memory_space<vmem>>
      %dma_wait3A_1309 = tpu.memref_slice %arg3[%run_scoped3A_1284, %mul3A_2] : memref<8x2048xf32, #tpu.memory_space<hbm>> -> memref<1x64xf32, #tpu.memory_space<hbm>>
      %dma_wait3A_1310 = tpu.memref_squeeze %dma_wait3A_1309 : memref<1x64xf32, #tpu.memory_space<hbm>> -> memref<64xf32, #tpu.memory_space<hbm>>
      %dma_wait3A_1311 = tpu.memref_slice %arg3[%run_scoped3A_1284, %mul3A_2] : memref<8x2048xf32, #tpu.memory_space<hbm>> -> memref<1x64xf32, #tpu.memory_space<hbm>>
      %dma_wait3A_1312 = tpu.memref_squeeze %dma_wait3A_1311 : memref<1x64xf32, #tpu.memory_space<hbm>> -> memref<64xf32, #tpu.memory_space<hbm>>
      %dma_wait3A_1313 = arith.constant 0 : i32
      %dma_wait3A_1314 = tpu.memref_slice %arg7[%run_scoped3A_1283, %dma_wait3A_1313] : memref<8x64xf32, #tpu.memory_space<vmem>> -> memref<1x64xf32, #tpu.memory_space<vmem>>
      %dma_wait3A_1315 = tpu.memref_squeeze %dma_wait3A_1314 : memref<1x64xf32, #tpu.memory_space<vmem>> -> memref<64xf32, #tpu.memory_space<vmem>>
      tpu.wait_dma2 semaphore(%run_scoped3A_1297 : memref<!tpu.dma_semaphore, #tpu.memory_space<semaphore_mem>>) src(%dma_wait3A_1315 : memref<64xf32, #tpu.memory_space<vmem>>) dst(%dma_wait3A_1312 : memref<64xf32, #tpu.memory_space<hbm>>)
      tpu.yield
    }) : () -> ()
    %run_scoped3A_1285 = arith.constant 4 : i32
    %run_scoped3A_1286 = arith.constant 4 : i32
    "tpu.region"() ({
      %run_scoped3A_1297 = tpu.sem_alloc : memref<!tpu.dma_semaphore, #tpu.memory_space<semaphore_mem>>
      %dma_start3A = arith.constant 0 : i32
      %dma_start3A_1298 = tpu.memref_slice %arg7[%run_scoped3A_1285, %dma_start3A] : memref<8x64xf32, #tpu.memory_space<vmem>> -> memref<1x64xf32, #tpu.memory_space<vmem>>
      %dma_start3A_1299 = tpu.memref_squeeze %dma_start3A_1298 : memref<1x64xf32, #tpu.memory_space<vmem>> -> memref<64xf32, #tpu.memory_space<vmem>>
      %dma_start3A_1300 = tpu.memref_slice %arg3[%run_scoped3A_1286, %mul3A_2] : memref<8x2048xf32, #tpu.memory_space<hbm>> -> memref<1x64xf32, #tpu.memory_space<hbm>>
      %dma_start3A_1301 = tpu.memref_squeeze %dma_start3A_1300 : memref<1x64xf32, #tpu.memory_space<hbm>> -> memref<64xf32, #tpu.memory_space<hbm>>
      %dma_start3A_1302 = tpu.memref_slice %arg3[%run_scoped3A_1286, %mul3A_2] : memref<8x2048xf32, #tpu.memory_space<hbm>> -> memref<1x64xf32, #tpu.memory_space<hbm>>
      %dma_start3A_1303 = tpu.memref_squeeze %dma_start3A_1302 : memref<1x64xf32, #tpu.memory_space<hbm>> -> memref<64xf32, #tpu.memory_space<hbm>>
      %dma_start3A_1304 = arith.constant 0 : i32
      %dma_start3A_1305 = tpu.memref_slice %arg7[%run_scoped3A_1285, %dma_start3A_1304] : memref<8x64xf32, #tpu.memory_space<vmem>> -> memref<1x64xf32, #tpu.memory_space<vmem>>
      %dma_start3A_1306 = tpu.memref_squeeze %dma_start3A_1305 : memref<1x64xf32, #tpu.memory_space<vmem>> -> memref<64xf32, #tpu.memory_space<vmem>>
      tpu.enqueue_dma source(%dma_start3A_1306 : memref<64xf32, #tpu.memory_space<vmem>>) target(%dma_start3A_1303 : memref<64xf32, #tpu.memory_space<hbm>>) target_semaphore(%run_scoped3A_1297 : memref<!tpu.dma_semaphore, #tpu.memory_space<semaphore_mem>>)
      %dma_wait3A = arith.constant 0 : i32
      %dma_wait3A_1307 = tpu.memref_slice %arg7[%run_scoped3A_1285, %dma_wait3A] : memref<8x64xf32, #tpu.memory_space<vmem>> -> memref<1x64xf32, #tpu.memory_space<vmem>>
      %dma_wait3A_1308 = tpu.memref_squeeze %dma_wait3A_1307 : memref<1x64xf32, #tpu.memory_space<vmem>> -> memref<64xf32, #tpu.memory_space<vmem>>
      %dma_wait3A_1309 = tpu.memref_slice %arg3[%run_scoped3A_1286, %mul3A_2] : memref<8x2048xf32, #tpu.memory_space<hbm>> -> memref<1x64xf32, #tpu.memory_space<hbm>>
      %dma_wait3A_1310 = tpu.memref_squeeze %dma_wait3A_1309 : memref<1x64xf32, #tpu.memory_space<hbm>> -> memref<64xf32, #tpu.memory_space<hbm>>
      %dma_wait3A_1311 = tpu.memref_slice %arg3[%run_scoped3A_1286, %mul3A_2] : memref<8x2048xf32, #tpu.memory_space<hbm>> -> memref<1x64xf32, #tpu.memory_space<hbm>>
      %dma_wait3A_1312 = tpu.memref_squeeze %dma_wait3A_1311 : memref<1x64xf32, #tpu.memory_space<hbm>> -> memref<64xf32, #tpu.memory_space<hbm>>
      %dma_wait3A_1313 = arith.constant 0 : i32
      %dma_wait3A_1314 = tpu.memref_slice %arg7[%run_scoped3A_1285, %dma_wait3A_1313] : memref<8x64xf32, #tpu.memory_space<vmem>> -> memref<1x64xf32, #tpu.memory_space<vmem>>
      %dma_wait3A_1315 = tpu.memref_squeeze %dma_wait3A_1314 : memref<1x64xf32, #tpu.memory_space<vmem>> -> memref<64xf32, #tpu.memory_space<vmem>>
      tpu.wait_dma2 semaphore(%run_scoped3A_1297 : memref<!tpu.dma_semaphore, #tpu.memory_space<semaphore_mem>>) src(%dma_wait3A_1315 : memref<64xf32, #tpu.memory_space<vmem>>) dst(%dma_wait3A_1312 : memref<64xf32, #tpu.memory_space<hbm>>)
      tpu.yield
    }) : () -> ()
    %run_scoped3A_1287 = arith.constant 5 : i32
    %run_scoped3A_1288 = arith.constant 5 : i32
    "tpu.region"() ({
      %run_scoped3A_1297 = tpu.sem_alloc : memref<!tpu.dma_semaphore, #tpu.memory_space<semaphore_mem>>
      %dma_start3A = arith.constant 0 : i32
      %dma_start3A_1298 = tpu.memref_slice %arg7[%run_scoped3A_1287, %dma_start3A] : memref<8x64xf32, #tpu.memory_space<vmem>> -> memref<1x64xf32, #tpu.memory_space<vmem>>
      %dma_start3A_1299 = tpu.memref_squeeze %dma_start3A_1298 : memref<1x64xf32, #tpu.memory_space<vmem>> -> memref<64xf32, #tpu.memory_space<vmem>>
      %dma_start3A_1300 = tpu.memref_slice %arg3[%run_scoped3A_1288, %mul3A_2] : memref<8x2048xf32, #tpu.memory_space<hbm>> -> memref<1x64xf32, #tpu.memory_space<hbm>>
      %dma_start3A_1301 = tpu.memref_squeeze %dma_start3A_1300 : memref<1x64xf32, #tpu.memory_space<hbm>> -> memref<64xf32, #tpu.memory_space<hbm>>
      %dma_start3A_1302 = tpu.memref_slice %arg3[%run_scoped3A_1288, %mul3A_2] : memref<8x2048xf32, #tpu.memory_space<hbm>> -> memref<1x64xf32, #tpu.memory_space<hbm>>
      %dma_start3A_1303 = tpu.memref_squeeze %dma_start3A_1302 : memref<1x64xf32, #tpu.memory_space<hbm>> -> memref<64xf32, #tpu.memory_space<hbm>>
      %dma_start3A_1304 = arith.constant 0 : i32
      %dma_start3A_1305 = tpu.memref_slice %arg7[%run_scoped3A_1287, %dma_start3A_1304] : memref<8x64xf32, #tpu.memory_space<vmem>> -> memref<1x64xf32, #tpu.memory_space<vmem>>
      %dma_start3A_1306 = tpu.memref_squeeze %dma_start3A_1305 : memref<1x64xf32, #tpu.memory_space<vmem>> -> memref<64xf32, #tpu.memory_space<vmem>>
      tpu.enqueue_dma source(%dma_start3A_1306 : memref<64xf32, #tpu.memory_space<vmem>>) target(%dma_start3A_1303 : memref<64xf32, #tpu.memory_space<hbm>>) target_semaphore(%run_scoped3A_1297 : memref<!tpu.dma_semaphore, #tpu.memory_space<semaphore_mem>>)
      %dma_wait3A = arith.constant 0 : i32
      %dma_wait3A_1307 = tpu.memref_slice %arg7[%run_scoped3A_1287, %dma_wait3A] : memref<8x64xf32, #tpu.memory_space<vmem>> -> memref<1x64xf32, #tpu.memory_space<vmem>>
      %dma_wait3A_1308 = tpu.memref_squeeze %dma_wait3A_1307 : memref<1x64xf32, #tpu.memory_space<vmem>> -> memref<64xf32, #tpu.memory_space<vmem>>
      %dma_wait3A_1309 = tpu.memref_slice %arg3[%run_scoped3A_1288, %mul3A_2] : memref<8x2048xf32, #tpu.memory_space<hbm>> -> memref<1x64xf32, #tpu.memory_space<hbm>>
      %dma_wait3A_1310 = tpu.memref_squeeze %dma_wait3A_1309 : memref<1x64xf32, #tpu.memory_space<hbm>> -> memref<64xf32, #tpu.memory_space<hbm>>
      %dma_wait3A_1311 = tpu.memref_slice %arg3[%run_scoped3A_1288, %mul3A_2] : memref<8x2048xf32, #tpu.memory_space<hbm>> -> memref<1x64xf32, #tpu.memory_space<hbm>>
      %dma_wait3A_1312 = tpu.memref_squeeze %dma_wait3A_1311 : memref<1x64xf32, #tpu.memory_space<hbm>> -> memref<64xf32, #tpu.memory_space<hbm>>
      %dma_wait3A_1313 = arith.constant 0 : i32
      %dma_wait3A_1314 = tpu.memref_slice %arg7[%run_scoped3A_1287, %dma_wait3A_1313] : memref<8x64xf32, #tpu.memory_space<vmem>> -> memref<1x64xf32, #tpu.memory_space<vmem>>
      %dma_wait3A_1315 = tpu.memref_squeeze %dma_wait3A_1314 : memref<1x64xf32, #tpu.memory_space<vmem>> -> memref<64xf32, #tpu.memory_space<vmem>>
      tpu.wait_dma2 semaphore(%run_scoped3A_1297 : memref<!tpu.dma_semaphore, #tpu.memory_space<semaphore_mem>>) src(%dma_wait3A_1315 : memref<64xf32, #tpu.memory_space<vmem>>) dst(%dma_wait3A_1312 : memref<64xf32, #tpu.memory_space<hbm>>)
      tpu.yield
    }) : () -> ()
    %run_scoped3A_1289 = arith.constant 6 : i32
    %run_scoped3A_1290 = arith.constant 6 : i32
    "tpu.region"() ({
      %run_scoped3A_1297 = tpu.sem_alloc : memref<!tpu.dma_semaphore, #tpu.memory_space<semaphore_mem>>
      %dma_start3A = arith.constant 0 : i32
      %dma_start3A_1298 = tpu.memref_slice %arg7[%run_scoped3A_1289, %dma_start3A] : memref<8x64xf32, #tpu.memory_space<vmem>> -> memref<1x64xf32, #tpu.memory_space<vmem>>
      %dma_start3A_1299 = tpu.memref_squeeze %dma_start3A_1298 : memref<1x64xf32, #tpu.memory_space<vmem>> -> memref<64xf32, #tpu.memory_space<vmem>>
      %dma_start3A_1300 = tpu.memref_slice %arg3[%run_scoped3A_1290, %mul3A_2] : memref<8x2048xf32, #tpu.memory_space<hbm>> -> memref<1x64xf32, #tpu.memory_space<hbm>>
      %dma_start3A_1301 = tpu.memref_squeeze %dma_start3A_1300 : memref<1x64xf32, #tpu.memory_space<hbm>> -> memref<64xf32, #tpu.memory_space<hbm>>
      %dma_start3A_1302 = tpu.memref_slice %arg3[%run_scoped3A_1290, %mul3A_2] : memref<8x2048xf32, #tpu.memory_space<hbm>> -> memref<1x64xf32, #tpu.memory_space<hbm>>
      %dma_start3A_1303 = tpu.memref_squeeze %dma_start3A_1302 : memref<1x64xf32, #tpu.memory_space<hbm>> -> memref<64xf32, #tpu.memory_space<hbm>>
      %dma_start3A_1304 = arith.constant 0 : i32
      %dma_start3A_1305 = tpu.memref_slice %arg7[%run_scoped3A_1289, %dma_start3A_1304] : memref<8x64xf32, #tpu.memory_space<vmem>> -> memref<1x64xf32, #tpu.memory_space<vmem>>
      %dma_start3A_1306 = tpu.memref_squeeze %dma_start3A_1305 : memref<1x64xf32, #tpu.memory_space<vmem>> -> memref<64xf32, #tpu.memory_space<vmem>>
      tpu.enqueue_dma source(%dma_start3A_1306 : memref<64xf32, #tpu.memory_space<vmem>>) target(%dma_start3A_1303 : memref<64xf32, #tpu.memory_space<hbm>>) target_semaphore(%run_scoped3A_1297 : memref<!tpu.dma_semaphore, #tpu.memory_space<semaphore_mem>>)
      %dma_wait3A = arith.constant 0 : i32
      %dma_wait3A_1307 = tpu.memref_slice %arg7[%run_scoped3A_1289, %dma_wait3A] : memref<8x64xf32, #tpu.memory_space<vmem>> -> memref<1x64xf32, #tpu.memory_space<vmem>>
      %dma_wait3A_1308 = tpu.memref_squeeze %dma_wait3A_1307 : memref<1x64xf32, #tpu.memory_space<vmem>> -> memref<64xf32, #tpu.memory_space<vmem>>
      %dma_wait3A_1309 = tpu.memref_slice %arg3[%run_scoped3A_1290, %mul3A_2] : memref<8x2048xf32, #tpu.memory_space<hbm>> -> memref<1x64xf32, #tpu.memory_space<hbm>>
      %dma_wait3A_1310 = tpu.memref_squeeze %dma_wait3A_1309 : memref<1x64xf32, #tpu.memory_space<hbm>> -> memref<64xf32, #tpu.memory_space<hbm>>
      %dma_wait3A_1311 = tpu.memref_slice %arg3[%run_scoped3A_1290, %mul3A_2] : memref<8x2048xf32, #tpu.memory_space<hbm>> -> memref<1x64xf32, #tpu.memory_space<hbm>>
      %dma_wait3A_1312 = tpu.memref_squeeze %dma_wait3A_1311 : memref<1x64xf32, #tpu.memory_space<hbm>> -> memref<64xf32, #tpu.memory_space<hbm>>
      %dma_wait3A_1313 = arith.constant 0 : i32
      %dma_wait3A_1314 = tpu.memref_slice %arg7[%run_scoped3A_1289, %dma_wait3A_1313] : memref<8x64xf32, #tpu.memory_space<vmem>> -> memref<1x64xf32, #tpu.memory_space<vmem>>
      %dma_wait3A_1315 = tpu.memref_squeeze %dma_wait3A_1314 : memref<1x64xf32, #tpu.memory_space<vmem>> -> memref<64xf32, #tpu.memory_space<vmem>>
      tpu.wait_dma2 semaphore(%run_scoped3A_1297 : memref<!tpu.dma_semaphore, #tpu.memory_space<semaphore_mem>>) src(%dma_wait3A_1315 : memref<64xf32, #tpu.memory_space<vmem>>) dst(%dma_wait3A_1312 : memref<64xf32, #tpu.memory_space<hbm>>)
      tpu.yield
    }) : () -> ()
    %run_scoped3A_1291 = arith.constant 7 : i32
    %run_scoped3A_1292 = arith.constant 7 : i32
    "tpu.region"() ({
      %run_scoped3A_1297 = tpu.sem_alloc : memref<!tpu.dma_semaphore, #tpu.memory_space<semaphore_mem>>
      %dma_start3A = arith.constant 0 : i32
      %dma_start3A_1298 = tpu.memref_slice %arg7[%run_scoped3A_1291, %dma_start3A] : memref<8x64xf32, #tpu.memory_space<vmem>> -> memref<1x64xf32, #tpu.memory_space<vmem>>
      %dma_start3A_1299 = tpu.memref_squeeze %dma_start3A_1298 : memref<1x64xf32, #tpu.memory_space<vmem>> -> memref<64xf32, #tpu.memory_space<vmem>>
      %dma_start3A_1300 = tpu.memref_slice %arg3[%run_scoped3A_1292, %mul3A_2] : memref<8x2048xf32, #tpu.memory_space<hbm>> -> memref<1x64xf32, #tpu.memory_space<hbm>>
      %dma_start3A_1301 = tpu.memref_squeeze %dma_start3A_1300 : memref<1x64xf32, #tpu.memory_space<hbm>> -> memref<64xf32, #tpu.memory_space<hbm>>
      %dma_start3A_1302 = tpu.memref_slice %arg3[%run_scoped3A_1292, %mul3A_2] : memref<8x2048xf32, #tpu.memory_space<hbm>> -> memref<1x64xf32, #tpu.memory_space<hbm>>
      %dma_start3A_1303 = tpu.memref_squeeze %dma_start3A_1302 : memref<1x64xf32, #tpu.memory_space<hbm>> -> memref<64xf32, #tpu.memory_space<hbm>>
      %dma_start3A_1304 = arith.constant 0 : i32
      %dma_start3A_1305 = tpu.memref_slice %arg7[%run_scoped3A_1291, %dma_start3A_1304] : memref<8x64xf32, #tpu.memory_space<vmem>> -> memref<1x64xf32, #tpu.memory_space<vmem>>
      %dma_start3A_1306 = tpu.memref_squeeze %dma_start3A_1305 : memref<1x64xf32, #tpu.memory_space<vmem>> -> memref<64xf32, #tpu.memory_space<vmem>>
      tpu.enqueue_dma source(%dma_start3A_1306 : memref<64xf32, #tpu.memory_space<vmem>>) target(%dma_start3A_1303 : memref<64xf32, #tpu.memory_space<hbm>>) target_semaphore(%run_scoped3A_1297 : memref<!tpu.dma_semaphore, #tpu.memory_space<semaphore_mem>>)
      %dma_wait3A = arith.constant 0 : i32
      %dma_wait3A_1307 = tpu.memref_slice %arg7[%run_scoped3A_1291, %dma_wait3A] : memref<8x64xf32, #tpu.memory_space<vmem>> -> memref<1x64xf32, #tpu.memory_space<vmem>>
      %dma_wait3A_1308 = tpu.memref_squeeze %dma_wait3A_1307 : memref<1x64xf32, #tpu.memory_space<vmem>> -> memref<64xf32, #tpu.memory_space<vmem>>
      %dma_wait3A_1309 = tpu.memref_slice %arg3[%run_scoped3A_1292, %mul3A_2] : memref<8x2048xf32, #tpu.memory_space<hbm>> -> memref<1x64xf32, #tpu.memory_space<hbm>>
      %dma_wait3A_1310 = tpu.memref_squeeze %dma_wait3A_1309 : memref<1x64xf32, #tpu.memory_space<hbm>> -> memref<64xf32, #tpu.memory_space<hbm>>
      %dma_wait3A_1311 = tpu.memref_slice %arg3[%run_scoped3A_1292, %mul3A_2] : memref<8x2048xf32, #tpu.memory_space<hbm>> -> memref<1x64xf32, #tpu.memory_space<hbm>>
      %dma_wait3A_1312 = tpu.memref_squeeze %dma_wait3A_1311 : memref<1x64xf32, #tpu.memory_space<hbm>> -> memref<64xf32, #tpu.memory_space<hbm>>
      %dma_wait3A_1313 = arith.constant 0 : i32
      %dma_wait3A_1314 = tpu.memref_slice %arg7[%run_scoped3A_1291, %dma_wait3A_1313] : memref<8x64xf32, #tpu.memory_space<vmem>> -> memref<1x64xf32, #tpu.memory_space<vmem>>
      %dma_wait3A_1315 = tpu.memref_squeeze %dma_wait3A_1314 : memref<1x64xf32, #tpu.memory_space<vmem>> -> memref<64xf32, #tpu.memory_space<vmem>>
      tpu.wait_dma2 semaphore(%run_scoped3A_1297 : memref<!tpu.dma_semaphore, #tpu.memory_space<semaphore_mem>>) src(%dma_wait3A_1315 : memref<64xf32, #tpu.memory_space<vmem>>) dst(%dma_wait3A_1312 : memref<64xf32, #tpu.memory_space<hbm>>)
      tpu.yield
    }) : () -> ()
    %run_scoped3A_1293 = arith.constant 0 : i32
    %run_scoped3A_1294 = arith.constant 0 : i32
    "tpu.region"() ({
      %run_scoped3A_1297 = tpu.sem_alloc : memref<!tpu.dma_semaphore, #tpu.memory_space<semaphore_mem>>
      %dma_start3A = arith.constant 0 : i32
      %dma_start3A_1298 = tpu.memref_slice %arg8[%run_scoped3A_1293, %dma_start3A] : memref<2x64xi32, #tpu.memory_space<vmem>> -> memref<1x64xi32, #tpu.memory_space<vmem>>
      %dma_start3A_1299 = tpu.memref_squeeze %dma_start3A_1298 : memref<1x64xi32, #tpu.memory_space<vmem>> -> memref<64xi32, #tpu.memory_space<vmem>>
      %dma_start3A_1300 = tpu.memref_slice %arg4[%run_scoped3A_1294, %mul3A_2] : memref<2x2048xi32, #tpu.memory_space<hbm>> -> memref<1x64xi32, #tpu.memory_space<hbm>>
      %dma_start3A_1301 = tpu.memref_squeeze %dma_start3A_1300 : memref<1x64xi32, #tpu.memory_space<hbm>> -> memref<64xi32, #tpu.memory_space<hbm>>
      %dma_start3A_1302 = tpu.memref_slice %arg4[%run_scoped3A_1294, %mul3A_2] : memref<2x2048xi32, #tpu.memory_space<hbm>> -> memref<1x64xi32, #tpu.memory_space<hbm>>
      %dma_start3A_1303 = tpu.memref_squeeze %dma_start3A_1302 : memref<1x64xi32, #tpu.memory_space<hbm>> -> memref<64xi32, #tpu.memory_space<hbm>>
      %dma_start3A_1304 = arith.constant 0 : i32
      %dma_start3A_1305 = tpu.memref_slice %arg8[%run_scoped3A_1293, %dma_start3A_1304] : memref<2x64xi32, #tpu.memory_space<vmem>> -> memref<1x64xi32, #tpu.memory_space<vmem>>
      %dma_start3A_1306 = tpu.memref_squeeze %dma_start3A_1305 : memref<1x64xi32, #tpu.memory_space<vmem>> -> memref<64xi32, #tpu.memory_space<vmem>>
      tpu.enqueue_dma source(%dma_start3A_1306 : memref<64xi32, #tpu.memory_space<vmem>>) target(%dma_start3A_1303 : memref<64xi32, #tpu.memory_space<hbm>>) target_semaphore(%run_scoped3A_1297 : memref<!tpu.dma_semaphore, #tpu.memory_space<semaphore_mem>>)
      %dma_wait3A = arith.constant 0 : i32
      %dma_wait3A_1307 = tpu.memref_slice %arg8[%run_scoped3A_1293, %dma_wait3A] : memref<2x64xi32, #tpu.memory_space<vmem>> -> memref<1x64xi32, #tpu.memory_space<vmem>>
      %dma_wait3A_1308 = tpu.memref_squeeze %dma_wait3A_1307 : memref<1x64xi32, #tpu.memory_space<vmem>> -> memref<64xi32, #tpu.memory_space<vmem>>
      %dma_wait3A_1309 = tpu.memref_slice %arg4[%run_scoped3A_1294, %mul3A_2] : memref<2x2048xi32, #tpu.memory_space<hbm>> -> memref<1x64xi32, #tpu.memory_space<hbm>>
      %dma_wait3A_1310 = tpu.memref_squeeze %dma_wait3A_1309 : memref<1x64xi32, #tpu.memory_space<hbm>> -> memref<64xi32, #tpu.memory_space<hbm>>
      %dma_wait3A_1311 = tpu.memref_slice %arg4[%run_scoped3A_1294, %mul3A_2] : memref<2x2048xi32, #tpu.memory_space<hbm>> -> memref<1x64xi32, #tpu.memory_space<hbm>>
      %dma_wait3A_1312 = tpu.memref_squeeze %dma_wait3A_1311 : memref<1x64xi32, #tpu.memory_space<hbm>> -> memref<64xi32, #tpu.memory_space<hbm>>
      %dma_wait3A_1313 = arith.constant 0 : i32
      %dma_wait3A_1314 = tpu.memref_slice %arg8[%run_scoped3A_1293, %dma_wait3A_1313] : memref<2x64xi32, #tpu.memory_space<vmem>> -> memref<1x64xi32, #tpu.memory_space<vmem>>
      %dma_wait3A_1315 = tpu.memref_squeeze %dma_wait3A_1314 : memref<1x64xi32, #tpu.memory_space<vmem>> -> memref<64xi32, #tpu.memory_space<vmem>>
      tpu.wait_dma2 semaphore(%run_scoped3A_1297 : memref<!tpu.dma_semaphore, #tpu.memory_space<semaphore_mem>>) src(%dma_wait3A_1315 : memref<64xi32, #tpu.memory_space<vmem>>) dst(%dma_wait3A_1312 : memref<64xi32, #tpu.memory_space<hbm>>)
      tpu.yield
    }) : () -> ()
    %run_scoped3A_1295 = arith.constant 1 : i32
    %run_scoped3A_1296 = arith.constant 1 : i32
    "tpu.region"() ({
      %run_scoped3A_1297 = tpu.sem_alloc : memref<!tpu.dma_semaphore, #tpu.memory_space<semaphore_mem>>
      %dma_start3A = arith.constant 0 : i32
      %dma_start3A_1298 = tpu.memref_slice %arg8[%run_scoped3A_1295, %dma_start3A] : memref<2x64xi32, #tpu.memory_space<vmem>> -> memref<1x64xi32, #tpu.memory_space<vmem>>
      %dma_start3A_1299 = tpu.memref_squeeze %dma_start3A_1298 : memref<1x64xi32, #tpu.memory_space<vmem>> -> memref<64xi32, #tpu.memory_space<vmem>>
      %dma_start3A_1300 = tpu.memref_slice %arg4[%run_scoped3A_1296, %mul3A_2] : memref<2x2048xi32, #tpu.memory_space<hbm>> -> memref<1x64xi32, #tpu.memory_space<hbm>>
      %dma_start3A_1301 = tpu.memref_squeeze %dma_start3A_1300 : memref<1x64xi32, #tpu.memory_space<hbm>> -> memref<64xi32, #tpu.memory_space<hbm>>
      %dma_start3A_1302 = tpu.memref_slice %arg4[%run_scoped3A_1296, %mul3A_2] : memref<2x2048xi32, #tpu.memory_space<hbm>> -> memref<1x64xi32, #tpu.memory_space<hbm>>
      %dma_start3A_1303 = tpu.memref_squeeze %dma_start3A_1302 : memref<1x64xi32, #tpu.memory_space<hbm>> -> memref<64xi32, #tpu.memory_space<hbm>>
      %dma_start3A_1304 = arith.constant 0 : i32
      %dma_start3A_1305 = tpu.memref_slice %arg8[%run_scoped3A_1295, %dma_start3A_1304] : memref<2x64xi32, #tpu.memory_space<vmem>> -> memref<1x64xi32, #tpu.memory_space<vmem>>
      %dma_start3A_1306 = tpu.memref_squeeze %dma_start3A_1305 : memref<1x64xi32, #tpu.memory_space<vmem>> -> memref<64xi32, #tpu.memory_space<vmem>>
      tpu.enqueue_dma source(%dma_start3A_1306 : memref<64xi32, #tpu.memory_space<vmem>>) target(%dma_start3A_1303 : memref<64xi32, #tpu.memory_space<hbm>>) target_semaphore(%run_scoped3A_1297 : memref<!tpu.dma_semaphore, #tpu.memory_space<semaphore_mem>>)
      %dma_wait3A = arith.constant 0 : i32
      %dma_wait3A_1307 = tpu.memref_slice %arg8[%run_scoped3A_1295, %dma_wait3A] : memref<2x64xi32, #tpu.memory_space<vmem>> -> memref<1x64xi32, #tpu.memory_space<vmem>>
      %dma_wait3A_1308 = tpu.memref_squeeze %dma_wait3A_1307 : memref<1x64xi32, #tpu.memory_space<vmem>> -> memref<64xi32, #tpu.memory_space<vmem>>
      %dma_wait3A_1309 = tpu.memref_slice %arg4[%run_scoped3A_1296, %mul3A_2] : memref<2x2048xi32, #tpu.memory_space<hbm>> -> memref<1x64xi32, #tpu.memory_space<hbm>>
      %dma_wait3A_1310 = tpu.memref_squeeze %dma_wait3A_1309 : memref<1x64xi32, #tpu.memory_space<hbm>> -> memref<64xi32, #tpu.memory_space<hbm>>
      %dma_wait3A_1311 = tpu.memref_slice %arg4[%run_scoped3A_1296, %mul3A_2] : memref<2x2048xi32, #tpu.memory_space<hbm>> -> memref<1x64xi32, #tpu.memory_space<hbm>>
      %dma_wait3A_1312 = tpu.memref_squeeze %dma_wait3A_1311 : memref<1x64xi32, #tpu.memory_space<hbm>> -> memref<64xi32, #tpu.memory_space<hbm>>
      %dma_wait3A_1313 = arith.constant 0 : i32
      %dma_wait3A_1314 = tpu.memref_slice %arg8[%run_scoped3A_1295, %dma_wait3A_1313] : memref<2x64xi32, #tpu.memory_space<vmem>> -> memref<1x64xi32, #tpu.memory_space<vmem>>
      %dma_wait3A_1315 = tpu.memref_squeeze %dma_wait3A_1314 : memref<1x64xi32, #tpu.memory_space<vmem>> -> memref<64xi32, #tpu.memory_space<vmem>>
      tpu.wait_dma2 semaphore(%run_scoped3A_1297 : memref<!tpu.dma_semaphore, #tpu.memory_space<semaphore_mem>>) src(%dma_wait3A_1315 : memref<64xi32, #tpu.memory_space<vmem>>) dst(%dma_wait3A_1312 : memref<64xi32, #tpu.memory_space<hbm>>)
      tpu.yield
    }) : () -> ()
    "tpu.region"() ({
      %run_scoped3A_1297 = tpu.sem_alloc : memref<!tpu.dma_semaphore, #tpu.memory_space<semaphore_mem>>
      %dma_start3A = tpu.memref_slice %arg5[%mul3A_2] : memref<2048xf32, #tpu.memory_space<hbm>> -> memref<64xf32, #tpu.memory_space<hbm>>
      %dma_start3A_1298 = tpu.memref_slice %arg5[%mul3A_2] : memref<2048xf32, #tpu.memory_space<hbm>> -> memref<64xf32, #tpu.memory_space<hbm>>
      tpu.enqueue_dma source(%arg9 : memref<64xf32, #tpu.memory_space<vmem>>) target(%dma_start3A_1298 : memref<64xf32, #tpu.memory_space<hbm>>) target_semaphore(%run_scoped3A_1297 : memref<!tpu.dma_semaphore, #tpu.memory_space<semaphore_mem>>)
      %dma_wait3A = tpu.memref_slice %arg5[%mul3A_2] : memref<2048xf32, #tpu.memory_space<hbm>> -> memref<64xf32, #tpu.memory_space<hbm>>
      %dma_wait3A_1299 = tpu.memref_slice %arg5[%mul3A_2] : memref<2048xf32, #tpu.memory_space<hbm>> -> memref<64xf32, #tpu.memory_space<hbm>>
      tpu.wait_dma2 semaphore(%run_scoped3A_1297 : memref<!tpu.dma_semaphore, #tpu.memory_space<semaphore_mem>>) src(%arg9 : memref<64xf32, #tpu.memory_space<vmem>>) dst(%dma_wait3A_1299 : memref<64xf32, #tpu.memory_space<hbm>>)
      tpu.yield
    }) : () -> ()
    return
  }
}

module attributes {stable_mosaic.version = 14 : i64} {
  func.func @_proj_body(%arg0: i32, %arg1: memref<256x768xf32, #tpu.memory_space<vmem>>, %arg2: memref<1x768xf32, #tpu.memory_space<vmem>>, %arg3: memref<1x768xf32, #tpu.memory_space<vmem>>, %arg4: memref<768x3072xf32, #tpu.memory_space<vmem>>, %arg5: memref<256x2304xf32, #tpu.memory_space<vmem>>, %arg6: memref<256x768xf32, #tpu.memory_space<vmem>>) attributes {dimension_semantics = [#tpu.dimension_semantics<arbitrary>], iteration_bounds = array<i64: 8>, scalar_prefetch = 0 : i64, scratch_operands = 0 : i64, tpu.core_type = #tpu.core_type<tc>, window_params = [{transform_indices = @transform_0, window_bounds = array<i64: 256, 768>}, {pipeline_mode = #tpu.pipeline_mode<synchronous>, transform_indices = @transform_1, window_bounds = array<i64: 1, 768>}, {pipeline_mode = #tpu.pipeline_mode<synchronous>, transform_indices = @transform_2, window_bounds = array<i64: 1, 768>}, {pipeline_mode = #tpu.pipeline_mode<synchronous>, transform_indices = @transform_3, window_bounds = array<i64: 768, 3072>}, {transform_indices = @transform_4, window_bounds = array<i64: 256, 2304>}, {transform_indices = @transform_5, window_bounds = array<i64: 256, 768>}]} {
    %get3A = arith.constant 0 : index
    %get3A_0 = arith.constant 0 : index
    %get3A_1 = vector.load %arg1[%get3A, %get3A_0] : memref<256x768xf32, #tpu.memory_space<vmem>>, vector<256x768xf32>
    %reduce_sum3A = arith.constant dense<0.000000e+00> : vector<256xf32>
    %reduce_sum3A_2 = vector.multi_reduction <add>, %get3A_1, %reduce_sum3A [1] : vector<256x768xf32> to vector<256xf32>
    %broadcast_in_dim3A = vector.shape_cast %reduce_sum3A_2 : vector<256xf32> to vector<256x1xf32>
    %div3A = arith.constant 7.680000e+02 : f32
    %div3A_3 = vector.broadcast %div3A : f32 to vector<256x1xf32>
    %div3A_4 = arith.divf %broadcast_in_dim3A, %div3A_3 : vector<256x1xf32>
    %sub3A = vector.broadcast %div3A_4 : vector<256x1xf32> to vector<256x768xf32>
    %sub3A_5 = arith.subf %get3A_1, %sub3A : vector<256x768xf32>
    %mul3A = arith.mulf %sub3A_5, %sub3A_5 : vector<256x768xf32>
    %reduce_sum3A_6 = arith.constant dense<0.000000e+00> : vector<256xf32>
    %reduce_sum3A_7 = vector.multi_reduction <add>, %mul3A, %reduce_sum3A_6 [1] : vector<256x768xf32> to vector<256xf32>
    %broadcast_in_dim3A_8 = vector.shape_cast %reduce_sum3A_7 : vector<256xf32> to vector<256x1xf32>
    %div3A_9 = arith.constant 7.680000e+02 : f32
    %div3A_10 = vector.broadcast %div3A_9 : f32 to vector<256x1xf32>
    %div3A_11 = arith.divf %broadcast_in_dim3A_8, %div3A_10 : vector<256x1xf32>
    %add3A = arith.constant 9.99999974E-6 : f32
    %add3A_12 = vector.broadcast %add3A : f32 to vector<256x1xf32>
    %add3A_13 = arith.addf %div3A_11, %add3A_12 : vector<256x1xf32>
    %rsqrt3A = math.rsqrt %add3A_13 : vector<256x1xf32>
    %mul3A_14 = vector.broadcast %rsqrt3A : vector<256x1xf32> to vector<256x768xf32>
    %mul3A_15 = arith.mulf %sub3A_5, %mul3A_14 : vector<256x768xf32>
    %get3A_16 = arith.constant 0 : index
    %get3A_17 = arith.constant 0 : index
    %get3A_18 = vector.load %arg2[%get3A_16, %get3A_17] : memref<1x768xf32, #tpu.memory_space<vmem>>, vector<1x768xf32>
    %mul3A_19 = vector.broadcast %get3A_18 : vector<1x768xf32> to vector<256x768xf32>
    %mul3A_20 = arith.mulf %mul3A_15, %mul3A_19 : vector<256x768xf32>
    %get3A_21 = arith.constant 0 : index
    %get3A_22 = arith.constant 0 : index
    %get3A_23 = vector.load %arg3[%get3A_21, %get3A_22] : memref<1x768xf32, #tpu.memory_space<vmem>>, vector<1x768xf32>
    %add3A_24 = vector.broadcast %get3A_23 : vector<1x768xf32> to vector<256x768xf32>
    %add3A_25 = arith.addf %mul3A_20, %add3A_24 : vector<256x768xf32>
    %get3A_26 = arith.constant 0 : index
    %get3A_27 = arith.constant 0 : index
    %get3A_28 = vector.load %arg4[%get3A_26, %get3A_27] : memref<768x3072xf32, #tpu.memory_space<vmem>>, vector<768x3072xf32>
    %dot_general3A = arith.constant dense<0.000000e+00> : vector<256x3072xf32>
    %dot_general3A_29 = tpu.matmul %add3A_25, %get3A_28, %dot_general3A {dimension_numbers = #tpu.dot_dimension_numbers<[1], [0], [0], [1], [0, 0, 1, 1], [], []>, precision = #tpu.contract_precision<fp32>, transpose_lhs_hint = false} : vector<256x768xf32>, vector<768x3072xf32>, vector<256x3072xf32> -> vector<256x3072xf32>
    %slice3A = vector.extract_strided_slice %dot_general3A_29 {offsets = [0, 0], sizes = [256, 2304], strides = [1, 1]} : vector<256x3072xf32> to vector<256x2304xf32>
    %swap3A = arith.constant 0 : index
    %swap3A_30 = arith.constant 0 : index
    %swap3A_31 = vector.load %arg5[%swap3A, %swap3A_30] : memref<256x2304xf32, #tpu.memory_space<vmem>>, vector<256x2304xf32>
    tpu.vector_store %arg5[%swap3A, %swap3A_30], %slice3A {strides = array<i32>} : memref<256x2304xf32, #tpu.memory_space<vmem>>, vector<256x2304xf32>,
    %slice3A_32 = vector.extract_strided_slice %dot_general3A_29 {offsets = [0, 2304], sizes = [256, 768], strides = [1, 1]} : vector<256x3072xf32> to vector<256x768xf32>
    %logistic3A = arith.negf %slice3A_32 : vector<256x768xf32>
    %logistic3A_33 = math.exp %logistic3A : vector<256x768xf32>
    %logistic3A_34 = arith.constant 1.000000e+00 : f32
    %logistic3A_35 = vector.broadcast %logistic3A_34 : f32 to vector<256x768xf32>
    %logistic3A_36 = arith.addf %logistic3A_35, %logistic3A_33 : vector<256x768xf32>
    %logistic3A_37 = arith.divf %logistic3A_35, %logistic3A_36 : vector<256x768xf32>
    %mul3A_38 = arith.constant 0.899999976 : f32
    %mul3A_39 = vector.broadcast %mul3A_38 : f32 to vector<256x768xf32>
    %mul3A_40 = arith.mulf %logistic3A_37, %mul3A_39 : vector<256x768xf32>
    %add3A_41 = arith.constant 5.000000e-02 : f32
    %add3A_42 = vector.broadcast %add3A_41 : f32 to vector<256x768xf32>
    %add3A_43 = arith.addf %mul3A_40, %add3A_42 : vector<256x768xf32>
    %log3A = math.log %add3A_43 : vector<256x768xf32>
    %swap3A_44 = arith.constant 0 : index
    %swap3A_45 = arith.constant 0 : index
    %swap3A_46 = vector.load %arg6[%swap3A_44, %swap3A_45] : memref<256x768xf32, #tpu.memory_space<vmem>>, vector<256x768xf32>
    tpu.vector_store %arg6[%swap3A_44, %swap3A_45], %log3A {strides = array<i32>} : memref<256x768xf32, #tpu.memory_space<vmem>>, vector<256x768xf32>,
    return
  }
  func.func @transform_0(%arg0: i32) -> (i32, i32) {
    %c0_i32 = arith.constant 0 : i32
    %c0_i32_0 = arith.constant 0 : i32
    return %arg0, %c0_i32 : i32, i32
  }
  func.func @transform_1(%arg0: i32) -> (i32, i32) {
    %c0_i32 = arith.constant 0 : i32
    %c0_i32_0 = arith.constant 0 : i32
    %c0_i32_1 = arith.constant 0 : i32
    return %c0_i32, %c0_i32_0 : i32, i32
  }
  func.func @transform_2(%arg0: i32) -> (i32, i32) {
    %c0_i32 = arith.constant 0 : i32
    %c0_i32_0 = arith.constant 0 : i32
    %c0_i32_1 = arith.constant 0 : i32
    return %c0_i32, %c0_i32_0 : i32, i32
  }
  func.func @transform_3(%arg0: i32) -> (i32, i32) {
    %c0_i32 = arith.constant 0 : i32
    %c0_i32_0 = arith.constant 0 : i32
    %c0_i32_1 = arith.constant 0 : i32
    return %c0_i32, %c0_i32_0 : i32, i32
  }
  func.func @transform_4(%arg0: i32) -> (i32, i32) {
    %c0_i32 = arith.constant 0 : i32
    %c0_i32_0 = arith.constant 0 : i32
    return %arg0, %c0_i32 : i32, i32
  }
  func.func @transform_5(%arg0: i32) -> (i32, i32) {
    %c0_i32 = arith.constant 0 : i32
    %c0_i32_0 = arith.constant 0 : i32
    return %arg0, %c0_i32 : i32, i32
  }
}

module attributes {stable_mosaic.version = 14 : i64} {
  func.func @_recur_body(%arg0: i32, %arg1: memref<128x768xf32, #tpu.memory_space<vmem>>, %arg2: memref<128x768xf32, #tpu.memory_space<vmem>>, %arg3: memref<128x768xf32, #tpu.memory_space<vmem>>, %arg4: memref<128x768xf32, #tpu.memory_space<vmem>>, %arg5: memref<128x768xf32, #tpu.memory_space<vmem>>, %arg6: memref<6x128x128xf32, #tpu.memory_space<vmem>>) attributes {dimension_semantics = [#tpu.dimension_semantics<arbitrary>], iteration_bounds = array<i64: 16>, scalar_prefetch = 0 : i64, scratch_operands = 1 : i64, tpu.core_type = #tpu.core_type<tc>, window_params = [{transform_indices = @transform_0, window_bounds = array<i64: 128, 768>}, {transform_indices = @transform_1, window_bounds = array<i64: 128, 768>}, {transform_indices = @transform_2, window_bounds = array<i64: 128, 768>}, {transform_indices = @transform_3, window_bounds = array<i64: 128, 768>}, {transform_indices = @transform_4, window_bounds = array<i64: 128, 768>}]} {
    %eq3A = arith.constant 0 : i32
    %eq3A_0 = arith.cmpi eq, %arg0, %eq3A : i32
    %convert_element_type3A = arith.extui %eq3A_0 : i1 to i32
    %cond3A = arith.constant 0 : i32
    %cond3A_1 = arith.cmpi ne, %convert_element_type3A, %cond3A : i32
    scf.if %cond3A_1 {
      %broadcast_in_dim3A_367 = arith.constant 0.000000e+00 : f32
      %broadcast_in_dim3A_368 = vector.broadcast %broadcast_in_dim3A_367 : f32 to vector<6x128x128xf32>
      %swap3A_369 = arith.constant 0 : index
      %swap3A_370 = arith.constant 0 : index
      %swap3A_371 = arith.constant 0 : index
      %swap3A_372 = vector.load %arg6[%swap3A_369, %swap3A_370, %swap3A_371] : memref<6x128x128xf32, #tpu.memory_space<vmem>>, vector<6x128x128xf32>
      tpu.vector_store %arg6[%swap3A_369, %swap3A_370, %swap3A_371], %broadcast_in_dim3A_368 {strides = array<i32>} : memref<6x128x128xf32, #tpu.memory_space<vmem>>, vector<6x128x128xf32>,
    } else {
    }
    %iota3A = tpu.iota {dimensions = array<i32: 0>} : vector<128x128xi32>
    %iota3A_2 = tpu.iota {dimensions = array<i32: 1>} : vector<128x128xi32>
    %iota3A_3 = tpu.iota {dimensions = array<i32: 1>} : vector<128x128xi32>
    %lt3A = arith.constant 64 : i32
    %lt3A_4 = vector.broadcast %lt3A : i32 to vector<128x128xi32>
    %lt3A_5 = arith.cmpi slt, %iota3A_3, %lt3A_4 : vector<128x128xi32>
    %convert_element_type3A_6 = arith.extui %lt3A_5 : vector<128x128xi1> to vector<128x128xi32>
    %convert_element_type3A_7 = arith.sitofp %convert_element_type3A_6 : vector<128x128xi32> to vector<128x128xf32>
    %sub3A = arith.constant 1.000000e+00 : f32
    %sub3A_8 = vector.broadcast %sub3A : f32 to vector<128x128xf32>
    %sub3A_9 = arith.subf %sub3A_8, %convert_element_type3A_7 : vector<128x128xf32>
    %iota3A_10 = tpu.iota {dimensions = array<i32: 0>} : vector<128x128xi32>
    %iota3A_11 = tpu.iota {dimensions = array<i32: 1>} : vector<128x128xi32>
    %lt3A_12 = arith.constant 64 : i32
    %lt3A_13 = vector.broadcast %lt3A_12 : i32 to vector<128x128xi32>
    %lt3A_14 = arith.cmpi slt, %iota3A_10, %lt3A_13 : vector<128x128xi32>
    %lt3A_15 = arith.constant 64 : i32
    %lt3A_16 = vector.broadcast %lt3A_15 : i32 to vector<128x128xi32>
    %lt3A_17 = arith.cmpi slt, %iota3A_11, %lt3A_16 : vector<128x128xi32>
    %eq3A_18 = arith.xori %lt3A_14, %lt3A_17 : vector<128x128xi1>
    %eq3A_19 = arith.constant dense<true> : vector<128x128xi1>
    %eq3A_20 = arith.xori %eq3A_18, %eq3A_19 : vector<128x128xi1>
    %convert_element_type3A_21 = arith.extui %eq3A_20 : vector<128x128xi1> to vector<128x128xi32>
    %convert_element_type3A_22 = arith.sitofp %convert_element_type3A_21 : vector<128x128xi32> to vector<128x128xf32>
    %eq3A_23 = arith.cmpi eq, %iota3A_10, %iota3A_11 : vector<128x128xi32>
    %convert_element_type3A_24 = arith.extui %eq3A_23 : vector<128x128xi1> to vector<128x128xi32>
    %convert_element_type3A_25 = arith.sitofp %convert_element_type3A_24 : vector<128x128xi32> to vector<128x128xf32>
    %ge3A = arith.cmpi sge, %iota3A, %iota3A_2 : vector<128x128xi32>
    %convert_element_type3A_26 = arith.extui %ge3A : vector<128x128xi1> to vector<128x128xi32>
    %convert_element_type3A_27 = arith.sitofp %convert_element_type3A_26 : vector<128x128xi32> to vector<128x128xf32>
    %get3A = arith.constant 0 : index
    %get3A_28 = arith.constant 0 : index
    %get3A_29 = vector.load %arg4[%get3A, %get3A_28] : memref<128x768xf32, #tpu.memory_space<vmem>>, vector<128x768xf32>
    %dot_general3A = arith.constant dense<0.000000e+00> : vector<128x768xf32>
    %dot_general3A_30 = tpu.matmul %convert_element_type3A_27, %get3A_29, %dot_general3A {dimension_numbers = #tpu.dot_dimension_numbers<[1], [0], [0], [1], [0, 0, 1, 1], [], []>, precision = #tpu.contract_precision<fp32>, transpose_lhs_hint = false} : vector<128x128xf32>, vector<128x768xf32>, vector<128x768xf32> -> vector<128x768xf32>
    %reduce_sum3A = arith.constant dense<0.000000e+00> : vector<768xf32>
    %reduce_sum3A_31 = vector.multi_reduction <add>, %get3A_29, %reduce_sum3A [0] : vector<128x768xf32> to vector<768xf32>
    %broadcast_in_dim3A = vector.shape_cast %reduce_sum3A_31 : vector<768xf32> to vector<1x768xf32>
    %mul3A = arith.constant 5.000000e-01 : f32
    %mul3A_32 = vector.broadcast %mul3A : f32 to vector<1x768xf32>
    %mul3A_33 = arith.mulf %mul3A_32, %broadcast_in_dim3A : vector<1x768xf32>
    %exp3A = math.exp %dot_general3A_30 : vector<128x768xf32>
    %get3A_34 = arith.constant 0 : index
    %get3A_35 = arith.constant 0 : index
    %get3A_36 = vector.load %arg1[%get3A_34, %get3A_35] : memref<128x768xf32, #tpu.memory_space<vmem>>, vector<128x768xf32>
    %sub3A_37 = vector.broadcast %mul3A_33 : vector<1x768xf32> to vector<128x768xf32>
    %sub3A_38 = arith.subf %dot_general3A_30, %sub3A_37 : vector<128x768xf32>
    %exp3A_39 = math.exp %sub3A_38 : vector<128x768xf32>
    %mul3A_40 = arith.mulf %get3A_36, %exp3A_39 : vector<128x768xf32>
    %get3A_41 = arith.constant 0 : index
    %get3A_42 = arith.constant 0 : index
    %get3A_43 = vector.load %arg2[%get3A_41, %get3A_42] : memref<128x768xf32, #tpu.memory_space<vmem>>, vector<128x768xf32>
    %sub3A_44 = vector.broadcast %mul3A_33 : vector<1x768xf32> to vector<128x768xf32>
    %sub3A_45 = arith.subf %sub3A_44, %dot_general3A_30 : vector<128x768xf32>
    %exp3A_46 = math.exp %sub3A_45 : vector<128x768xf32>
    %mul3A_47 = arith.mulf %get3A_43, %exp3A_46 : vector<128x768xf32>
    %get3A_48 = arith.constant 0 : index
    %get3A_49 = arith.constant 0 : index
    %get3A_50 = vector.load %arg1[%get3A_48, %get3A_49] : memref<128x768xf32, #tpu.memory_space<vmem>>, vector<128x768xf32>
    %mul3A_51 = arith.mulf %get3A_50, %exp3A : vector<128x768xf32>
    %sub3A_52 = arith.subf %broadcast_in_dim3A, %mul3A_33 : vector<1x768xf32>
    %exp3A_53 = math.exp %sub3A_52 : vector<1x768xf32>
    %mul3A_54 = vector.broadcast %exp3A_53 : vector<1x768xf32> to vector<128x768xf32>
    %mul3A_55 = arith.mulf %mul3A_47, %mul3A_54 : vector<128x768xf32>
    %exp3A_56 = math.exp %broadcast_in_dim3A : vector<1x768xf32>
    %get3A_57 = arith.constant 0 : index
    %get3A_58 = arith.constant 0 : index
    %get3A_59 = vector.load %arg3[%get3A_57, %get3A_58] : memref<128x768xf32, #tpu.memory_space<vmem>>, vector<128x768xf32>
    %slice3A = vector.extract_strided_slice %mul3A_40 {offsets = [0, 0], sizes = [128, 128], strides = [1, 1]} : vector<128x768xf32> to vector<128x128xf32>
    %slice3A_60 = vector.extract_strided_slice %mul3A_47 {offsets = [0, 0], sizes = [128, 128], strides = [1, 1]} : vector<128x768xf32> to vector<128x128xf32>
    %slice3A_61 = vector.extract_strided_slice %get3A_59 {offsets = [0, 0], sizes = [128, 128], strides = [1, 1]} : vector<128x768xf32> to vector<128x128xf32>
    %mul3A_62 = arith.mulf %slice3A, %convert_element_type3A_7 : vector<128x128xf32>
    %dot_general3A_63 = arith.constant dense<0.000000e+00> : vector<128x128xf32>
    %dot_general3A_64 = tpu.matmul %mul3A_62, %slice3A_60, %dot_general3A_63 {dimension_numbers = #tpu.dot_dimension_numbers<[1], [1], [0], [0], [0, 0, 1, 0], [], []>, precision = #tpu.contract_precision<fp32>, transpose_lhs_hint = false} : vector<128x128xf32>, vector<128x128xf32>, vector<128x128xf32> -> vector<128x128xf32>
    %mul3A_65 = arith.mulf %slice3A, %sub3A_9 : vector<128x128xf32>
    %dot_general3A_66 = arith.constant dense<0.000000e+00> : vector<128x128xf32>
    %dot_general3A_67 = tpu.matmul %mul3A_65, %slice3A_60, %dot_general3A_66 {dimension_numbers = #tpu.dot_dimension_numbers<[1], [1], [0], [0], [0, 0, 1, 0], [], []>, precision = #tpu.contract_precision<fp32>, transpose_lhs_hint = false} : vector<128x128xf32>, vector<128x128xf32>, vector<128x128xf32> -> vector<128x128xf32>
    %ge3A_68 = arith.cmpi sge, %iota3A, %iota3A_2 : vector<128x128xi32>
    %jit3A = arith.constant 0.000000e+00 : f32
    %broadcast_in_dim3A_69 = vector.broadcast %jit3A : f32 to vector<128x128xf32>
    %select_n3A = arith.select %ge3A_68, %dot_general3A_64, %broadcast_in_dim3A_69 : vector<128x128xi1>, vector<128x128xf32>
    %ge3A_70 = arith.cmpi sge, %iota3A, %iota3A_2 : vector<128x128xi32>
    %jit3A_71 = arith.constant 0.000000e+00 : f32
    %broadcast_in_dim3A_72 = vector.broadcast %jit3A_71 : f32 to vector<128x128xf32>
    %select_n3A_73 = arith.select %ge3A_70, %dot_general3A_67, %broadcast_in_dim3A_72 : vector<128x128xi1>, vector<128x128xf32>
    %get3A_74 = arith.constant 0 : index
    %get3A_75 = arith.constant 0 : index
    %get3A_76 = arith.constant 0 : index
    %get3A_77 = vector.load %arg6[%get3A_74, %get3A_75, %get3A_76] : memref<6x128x128xf32, #tpu.memory_space<vmem>>, vector<1x128x128xf32>
    %get3A_78 = vector.shape_cast %get3A_77 : vector<1x128x128xf32> to vector<128x128xf32>
    %mul3A_79 = arith.mulf %slice3A_61, %convert_element_type3A_7 : vector<128x128xf32>
    %dot_general3A_80 = arith.constant dense<0.000000e+00> : vector<128x128xf32>
    %dot_general3A_81 = tpu.matmul %select_n3A, %mul3A_79, %dot_general3A_80 {dimension_numbers = #tpu.dot_dimension_numbers<[1], [0], [0], [1], [0, 0, 1, 1], [], []>, precision = #tpu.contract_precision<fp32>, transpose_lhs_hint = false} : vector<128x128xf32>, vector<128x128xf32>, vector<128x128xf32> -> vector<128x128xf32>
    %mul3A_82 = arith.mulf %slice3A_61, %sub3A_9 : vector<128x128xf32>
    %dot_general3A_83 = arith.constant dense<0.000000e+00> : vector<128x128xf32>
    %dot_general3A_84 = tpu.matmul %select_n3A_73, %mul3A_82, %dot_general3A_83 {dimension_numbers = #tpu.dot_dimension_numbers<[1], [0], [0], [1], [0, 0, 1, 1], [], []>, precision = #tpu.contract_precision<fp32>, transpose_lhs_hint = false} : vector<128x128xf32>, vector<128x128xf32>, vector<128x128xf32> -> vector<128x128xf32>
    %add3A = arith.addf %dot_general3A_81, %dot_general3A_84 : vector<128x128xf32>
    %slice3A_85 = vector.extract_strided_slice %mul3A_51 {offsets = [0, 0], sizes = [128, 128], strides = [1, 1]} : vector<128x768xf32> to vector<128x128xf32>
    %dot_general3A_86 = arith.constant dense<0.000000e+00> : vector<128x128xf32>
    %dot_general3A_87 = tpu.matmul %slice3A_85, %get3A_78, %dot_general3A_86 {dimension_numbers = #tpu.dot_dimension_numbers<[1], [0], [0], [1], [0, 0, 1, 1], [], []>, precision = #tpu.contract_precision<fp32>, transpose_lhs_hint = false} : vector<128x128xf32>, vector<128x128xf32>, vector<128x128xf32> -> vector<128x128xf32>
    %add3A_88 = arith.addf %add3A, %dot_general3A_87 : vector<128x128xf32>
    %swap3A = arith.constant 0 : index
    %swap3A_89 = arith.constant 0 : index
    %swap3A_90 = vector.load %arg5[%swap3A, %swap3A_89] : memref<128x768xf32, #tpu.memory_space<vmem>>, vector<128x128xf32>
    tpu.vector_store %arg5[%swap3A, %swap3A_89], %add3A_88 {strides = array<i32>} : memref<128x768xf32, #tpu.memory_space<vmem>>, vector<128x128xf32>,
    %slice3A_91 = vector.extract_strided_slice %mul3A_55 {offsets = [0, 0], sizes = [128, 128], strides = [1, 1]} : vector<128x768xf32> to vector<128x128xf32>
    %dot_general3A_92 = arith.constant dense<0.000000e+00> : vector<128x128xf32>
    %dot_general3A_93 = tpu.matmul %slice3A_91, %slice3A_61, %dot_general3A_92 {dimension_numbers = #tpu.dot_dimension_numbers<[0], [0], [1], [1], [0, 1, 1, 1], [], []>, precision = #tpu.contract_precision<fp32>, transpose_lhs_hint = false} : vector<128x128xf32>, vector<128x128xf32>, vector<128x128xf32> -> vector<128x128xf32>
    %mul3A_94 = arith.mulf %dot_general3A_93, %convert_element_type3A_22 : vector<128x128xf32>
    %slice3A_95 = vector.extract_strided_slice %exp3A_56 {offsets = [0, 0], sizes = [1, 128], strides = [1, 1]} : vector<1x768xf32> to vector<1x128xf32>
    %dot_general3A_96 = arith.constant dense<0.000000e+00> : vector<128x1xf32>
    %dot_general3A_97 = tpu.matmul %convert_element_type3A_25, %slice3A_95, %dot_general3A_96 {dimension_numbers = #tpu.dot_dimension_numbers<[1], [1], [0], [0], [0, 0, 1, 0], [], []>, precision = #tpu.contract_precision<fp32>, transpose_lhs_hint = false} : vector<128x128xf32>, vector<1x128xf32>, vector<128x1xf32> -> vector<128x1xf32>
    %mul3A_98 = vector.broadcast %dot_general3A_97 : vector<128x1xf32> to vector<128x128xf32>
    %mul3A_99 = arith.mulf %mul3A_98, %get3A_78 : vector<128x128xf32>
    %add3A_100 = arith.addf %mul3A_99, %mul3A_94 : vector<128x128xf32>
    %swap3A_101 = arith.constant 0 : index
    %swap3A_102 = arith.constant 0 : index
    %swap3A_103 = arith.constant 0 : index
    %swap3A_104 = vector.load %arg6[%swap3A_101, %swap3A_102, %swap3A_103] : memref<6x128x128xf32, #tpu.memory_space<vmem>>, vector<1x128x128xf32>
    %swap3A_105 = vector.shape_cast %swap3A_104 : vector<1x128x128xf32> to vector<128x128xf32>
    %swap3A_106 = vector.shape_cast %add3A_100 : vector<128x128xf32> to vector<1x128x128xf32>
    tpu.vector_store %arg6[%swap3A_101, %swap3A_102, %swap3A_103], %swap3A_106 {strides = array<i32>} : memref<6x128x128xf32, #tpu.memory_space<vmem>>, vector<1x128x128xf32>,
    %slice3A_107 = vector.extract_strided_slice %mul3A_40 {offsets = [0, 128], sizes = [128, 128], strides = [1, 1]} : vector<128x768xf32> to vector<128x128xf32>
    %slice3A_108 = vector.extract_strided_slice %mul3A_47 {offsets = [0, 128], sizes = [128, 128], strides = [1, 1]} : vector<128x768xf32> to vector<128x128xf32>
    %slice3A_109 = vector.extract_strided_slice %get3A_59 {offsets = [0, 128], sizes = [128, 128], strides = [1, 1]} : vector<128x768xf32> to vector<128x128xf32>
    %mul3A_110 = arith.mulf %slice3A_107, %convert_element_type3A_7 : vector<128x128xf32>
    %dot_general3A_111 = arith.constant dense<0.000000e+00> : vector<128x128xf32>
    %dot_general3A_112 = tpu.matmul %mul3A_110, %slice3A_108, %dot_general3A_111 {dimension_numbers = #tpu.dot_dimension_numbers<[1], [1], [0], [0], [0, 0, 1, 0], [], []>, precision = #tpu.contract_precision<fp32>, transpose_lhs_hint = false} : vector<128x128xf32>, vector<128x128xf32>, vector<128x128xf32> -> vector<128x128xf32>
    %mul3A_113 = arith.mulf %slice3A_107, %sub3A_9 : vector<128x128xf32>
    %dot_general3A_114 = arith.constant dense<0.000000e+00> : vector<128x128xf32>
    %dot_general3A_115 = tpu.matmul %mul3A_113, %slice3A_108, %dot_general3A_114 {dimension_numbers = #tpu.dot_dimension_numbers<[1], [1], [0], [0], [0, 0, 1, 0], [], []>, precision = #tpu.contract_precision<fp32>, transpose_lhs_hint = false} : vector<128x128xf32>, vector<128x128xf32>, vector<128x128xf32> -> vector<128x128xf32>
    %ge3A_116 = arith.cmpi sge, %iota3A, %iota3A_2 : vector<128x128xi32>
    %jit3A_117 = arith.constant 0.000000e+00 : f32
    %broadcast_in_dim3A_118 = vector.broadcast %jit3A_117 : f32 to vector<128x128xf32>
    %select_n3A_119 = arith.select %ge3A_116, %dot_general3A_112, %broadcast_in_dim3A_118 : vector<128x128xi1>, vector<128x128xf32>
    %ge3A_120 = arith.cmpi sge, %iota3A, %iota3A_2 : vector<128x128xi32>
    %jit3A_121 = arith.constant 0.000000e+00 : f32
    %broadcast_in_dim3A_122 = vector.broadcast %jit3A_121 : f32 to vector<128x128xf32>
    %select_n3A_123 = arith.select %ge3A_120, %dot_general3A_115, %broadcast_in_dim3A_122 : vector<128x128xi1>, vector<128x128xf32>
    %get3A_124 = arith.constant 1 : index
    %get3A_125 = arith.constant 0 : index
    %get3A_126 = arith.constant 0 : index
    %get3A_127 = vector.load %arg6[%get3A_124, %get3A_125, %get3A_126] : memref<6x128x128xf32, #tpu.memory_space<vmem>>, vector<1x128x128xf32>
    %get3A_128 = vector.shape_cast %get3A_127 : vector<1x128x128xf32> to vector<128x128xf32>
    %mul3A_129 = arith.mulf %slice3A_109, %convert_element_type3A_7 : vector<128x128xf32>
    %dot_general3A_130 = arith.constant dense<0.000000e+00> : vector<128x128xf32>
    %dot_general3A_131 = tpu.matmul %select_n3A_119, %mul3A_129, %dot_general3A_130 {dimension_numbers = #tpu.dot_dimension_numbers<[1], [0], [0], [1], [0, 0, 1, 1], [], []>, precision = #tpu.contract_precision<fp32>, transpose_lhs_hint = false} : vector<128x128xf32>, vector<128x128xf32>, vector<128x128xf32> -> vector<128x128xf32>
    %mul3A_132 = arith.mulf %slice3A_109, %sub3A_9 : vector<128x128xf32>
    %dot_general3A_133 = arith.constant dense<0.000000e+00> : vector<128x128xf32>
    %dot_general3A_134 = tpu.matmul %select_n3A_123, %mul3A_132, %dot_general3A_133 {dimension_numbers = #tpu.dot_dimension_numbers<[1], [0], [0], [1], [0, 0, 1, 1], [], []>, precision = #tpu.contract_precision<fp32>, transpose_lhs_hint = false} : vector<128x128xf32>, vector<128x128xf32>, vector<128x128xf32> -> vector<128x128xf32>
    %add3A_135 = arith.addf %dot_general3A_131, %dot_general3A_134 : vector<128x128xf32>
    %slice3A_136 = vector.extract_strided_slice %mul3A_51 {offsets = [0, 128], sizes = [128, 128], strides = [1, 1]} : vector<128x768xf32> to vector<128x128xf32>
    %dot_general3A_137 = arith.constant dense<0.000000e+00> : vector<128x128xf32>
    %dot_general3A_138 = tpu.matmul %slice3A_136, %get3A_128, %dot_general3A_137 {dimension_numbers = #tpu.dot_dimension_numbers<[1], [0], [0], [1], [0, 0, 1, 1], [], []>, precision = #tpu.contract_precision<fp32>, transpose_lhs_hint = false} : vector<128x128xf32>, vector<128x128xf32>, vector<128x128xf32> -> vector<128x128xf32>
    %add3A_139 = arith.addf %add3A_135, %dot_general3A_138 : vector<128x128xf32>
    %swap3A_140 = arith.constant 0 : index
    %swap3A_141 = arith.constant 128 : index
    %swap3A_142 = vector.load %arg5[%swap3A_140, %swap3A_141] : memref<128x768xf32, #tpu.memory_space<vmem>>, vector<128x128xf32>
    tpu.vector_store %arg5[%swap3A_140, %swap3A_141], %add3A_139 {strides = array<i32>} : memref<128x768xf32, #tpu.memory_space<vmem>>, vector<128x128xf32>,
    %slice3A_143 = vector.extract_strided_slice %mul3A_55 {offsets = [0, 128], sizes = [128, 128], strides = [1, 1]} : vector<128x768xf32> to vector<128x128xf32>
    %dot_general3A_144 = arith.constant dense<0.000000e+00> : vector<128x128xf32>
    %dot_general3A_145 = tpu.matmul %slice3A_143, %slice3A_109, %dot_general3A_144 {dimension_numbers = #tpu.dot_dimension_numbers<[0], [0], [1], [1], [0, 1, 1, 1], [], []>, precision = #tpu.contract_precision<fp32>, transpose_lhs_hint = false} : vector<128x128xf32>, vector<128x128xf32>, vector<128x128xf32> -> vector<128x128xf32>
    %mul3A_146 = arith.mulf %dot_general3A_145, %convert_element_type3A_22 : vector<128x128xf32>
    %slice3A_147 = vector.extract_strided_slice %exp3A_56 {offsets = [0, 128], sizes = [1, 128], strides = [1, 1]} : vector<1x768xf32> to vector<1x128xf32>
    %dot_general3A_148 = arith.constant dense<0.000000e+00> : vector<128x1xf32>
    %dot_general3A_149 = tpu.matmul %convert_element_type3A_25, %slice3A_147, %dot_general3A_148 {dimension_numbers = #tpu.dot_dimension_numbers<[1], [1], [0], [0], [0, 0, 1, 0], [], []>, precision = #tpu.contract_precision<fp32>, transpose_lhs_hint = false} : vector<128x128xf32>, vector<1x128xf32>, vector<128x1xf32> -> vector<128x1xf32>
    %mul3A_150 = vector.broadcast %dot_general3A_149 : vector<128x1xf32> to vector<128x128xf32>
    %mul3A_151 = arith.mulf %mul3A_150, %get3A_128 : vector<128x128xf32>
    %add3A_152 = arith.addf %mul3A_151, %mul3A_146 : vector<128x128xf32>
    %swap3A_153 = arith.constant 1 : index
    %swap3A_154 = arith.constant 0 : index
    %swap3A_155 = arith.constant 0 : index
    %swap3A_156 = vector.load %arg6[%swap3A_153, %swap3A_154, %swap3A_155] : memref<6x128x128xf32, #tpu.memory_space<vmem>>, vector<1x128x128xf32>
    %swap3A_157 = vector.shape_cast %swap3A_156 : vector<1x128x128xf32> to vector<128x128xf32>
    %swap3A_158 = vector.shape_cast %add3A_152 : vector<128x128xf32> to vector<1x128x128xf32>
    tpu.vector_store %arg6[%swap3A_153, %swap3A_154, %swap3A_155], %swap3A_158 {strides = array<i32>} : memref<6x128x128xf32, #tpu.memory_space<vmem>>, vector<1x128x128xf32>,
    %slice3A_159 = vector.extract_strided_slice %mul3A_40 {offsets = [0, 256], sizes = [128, 128], strides = [1, 1]} : vector<128x768xf32> to vector<128x128xf32>
    %slice3A_160 = vector.extract_strided_slice %mul3A_47 {offsets = [0, 256], sizes = [128, 128], strides = [1, 1]} : vector<128x768xf32> to vector<128x128xf32>
    %slice3A_161 = vector.extract_strided_slice %get3A_59 {offsets = [0, 256], sizes = [128, 128], strides = [1, 1]} : vector<128x768xf32> to vector<128x128xf32>
    %mul3A_162 = arith.mulf %slice3A_159, %convert_element_type3A_7 : vector<128x128xf32>
    %dot_general3A_163 = arith.constant dense<0.000000e+00> : vector<128x128xf32>
    %dot_general3A_164 = tpu.matmul %mul3A_162, %slice3A_160, %dot_general3A_163 {dimension_numbers = #tpu.dot_dimension_numbers<[1], [1], [0], [0], [0, 0, 1, 0], [], []>, precision = #tpu.contract_precision<fp32>, transpose_lhs_hint = false} : vector<128x128xf32>, vector<128x128xf32>, vector<128x128xf32> -> vector<128x128xf32>
    %mul3A_165 = arith.mulf %slice3A_159, %sub3A_9 : vector<128x128xf32>
    %dot_general3A_166 = arith.constant dense<0.000000e+00> : vector<128x128xf32>
    %dot_general3A_167 = tpu.matmul %mul3A_165, %slice3A_160, %dot_general3A_166 {dimension_numbers = #tpu.dot_dimension_numbers<[1], [1], [0], [0], [0, 0, 1, 0], [], []>, precision = #tpu.contract_precision<fp32>, transpose_lhs_hint = false} : vector<128x128xf32>, vector<128x128xf32>, vector<128x128xf32> -> vector<128x128xf32>
    %ge3A_168 = arith.cmpi sge, %iota3A, %iota3A_2 : vector<128x128xi32>
    %jit3A_169 = arith.constant 0.000000e+00 : f32
    %broadcast_in_dim3A_170 = vector.broadcast %jit3A_169 : f32 to vector<128x128xf32>
    %select_n3A_171 = arith.select %ge3A_168, %dot_general3A_164, %broadcast_in_dim3A_170 : vector<128x128xi1>, vector<128x128xf32>
    %ge3A_172 = arith.cmpi sge, %iota3A, %iota3A_2 : vector<128x128xi32>
    %jit3A_173 = arith.constant 0.000000e+00 : f32
    %broadcast_in_dim3A_174 = vector.broadcast %jit3A_173 : f32 to vector<128x128xf32>
    %select_n3A_175 = arith.select %ge3A_172, %dot_general3A_167, %broadcast_in_dim3A_174 : vector<128x128xi1>, vector<128x128xf32>
    %get3A_176 = arith.constant 2 : index
    %get3A_177 = arith.constant 0 : index
    %get3A_178 = arith.constant 0 : index
    %get3A_179 = vector.load %arg6[%get3A_176, %get3A_177, %get3A_178] : memref<6x128x128xf32, #tpu.memory_space<vmem>>, vector<1x128x128xf32>
    %get3A_180 = vector.shape_cast %get3A_179 : vector<1x128x128xf32> to vector<128x128xf32>
    %mul3A_181 = arith.mulf %slice3A_161, %convert_element_type3A_7 : vector<128x128xf32>
    %dot_general3A_182 = arith.constant dense<0.000000e+00> : vector<128x128xf32>
    %dot_general3A_183 = tpu.matmul %select_n3A_171, %mul3A_181, %dot_general3A_182 {dimension_numbers = #tpu.dot_dimension_numbers<[1], [0], [0], [1], [0, 0, 1, 1], [], []>, precision = #tpu.contract_precision<fp32>, transpose_lhs_hint = false} : vector<128x128xf32>, vector<128x128xf32>, vector<128x128xf32> -> vector<128x128xf32>
    %mul3A_184 = arith.mulf %slice3A_161, %sub3A_9 : vector<128x128xf32>
    %dot_general3A_185 = arith.constant dense<0.000000e+00> : vector<128x128xf32>
    %dot_general3A_186 = tpu.matmul %select_n3A_175, %mul3A_184, %dot_general3A_185 {dimension_numbers = #tpu.dot_dimension_numbers<[1], [0], [0], [1], [0, 0, 1, 1], [], []>, precision = #tpu.contract_precision<fp32>, transpose_lhs_hint = false} : vector<128x128xf32>, vector<128x128xf32>, vector<128x128xf32> -> vector<128x128xf32>
    %add3A_187 = arith.addf %dot_general3A_183, %dot_general3A_186 : vector<128x128xf32>
    %slice3A_188 = vector.extract_strided_slice %mul3A_51 {offsets = [0, 256], sizes = [128, 128], strides = [1, 1]} : vector<128x768xf32> to vector<128x128xf32>
    %dot_general3A_189 = arith.constant dense<0.000000e+00> : vector<128x128xf32>
    %dot_general3A_190 = tpu.matmul %slice3A_188, %get3A_180, %dot_general3A_189 {dimension_numbers = #tpu.dot_dimension_numbers<[1], [0], [0], [1], [0, 0, 1, 1], [], []>, precision = #tpu.contract_precision<fp32>, transpose_lhs_hint = false} : vector<128x128xf32>, vector<128x128xf32>, vector<128x128xf32> -> vector<128x128xf32>
    %add3A_191 = arith.addf %add3A_187, %dot_general3A_190 : vector<128x128xf32>
    %swap3A_192 = arith.constant 0 : index
    %swap3A_193 = arith.constant 256 : index
    %swap3A_194 = vector.load %arg5[%swap3A_192, %swap3A_193] : memref<128x768xf32, #tpu.memory_space<vmem>>, vector<128x128xf32>
    tpu.vector_store %arg5[%swap3A_192, %swap3A_193], %add3A_191 {strides = array<i32>} : memref<128x768xf32, #tpu.memory_space<vmem>>, vector<128x128xf32>,
    %slice3A_195 = vector.extract_strided_slice %mul3A_55 {offsets = [0, 256], sizes = [128, 128], strides = [1, 1]} : vector<128x768xf32> to vector<128x128xf32>
    %dot_general3A_196 = arith.constant dense<0.000000e+00> : vector<128x128xf32>
    %dot_general3A_197 = tpu.matmul %slice3A_195, %slice3A_161, %dot_general3A_196 {dimension_numbers = #tpu.dot_dimension_numbers<[0], [0], [1], [1], [0, 1, 1, 1], [], []>, precision = #tpu.contract_precision<fp32>, transpose_lhs_hint = false} : vector<128x128xf32>, vector<128x128xf32>, vector<128x128xf32> -> vector<128x128xf32>
    %mul3A_198 = arith.mulf %dot_general3A_197, %convert_element_type3A_22 : vector<128x128xf32>
    %slice3A_199 = vector.extract_strided_slice %exp3A_56 {offsets = [0, 256], sizes = [1, 128], strides = [1, 1]} : vector<1x768xf32> to vector<1x128xf32>
    %dot_general3A_200 = arith.constant dense<0.000000e+00> : vector<128x1xf32>
    %dot_general3A_201 = tpu.matmul %convert_element_type3A_25, %slice3A_199, %dot_general3A_200 {dimension_numbers = #tpu.dot_dimension_numbers<[1], [1], [0], [0], [0, 0, 1, 0], [], []>, precision = #tpu.contract_precision<fp32>, transpose_lhs_hint = false} : vector<128x128xf32>, vector<1x128xf32>, vector<128x1xf32> -> vector<128x1xf32>
    %mul3A_202 = vector.broadcast %dot_general3A_201 : vector<128x1xf32> to vector<128x128xf32>
    %mul3A_203 = arith.mulf %mul3A_202, %get3A_180 : vector<128x128xf32>
    %add3A_204 = arith.addf %mul3A_203, %mul3A_198 : vector<128x128xf32>
    %swap3A_205 = arith.constant 2 : index
    %swap3A_206 = arith.constant 0 : index
    %swap3A_207 = arith.constant 0 : index
    %swap3A_208 = vector.load %arg6[%swap3A_205, %swap3A_206, %swap3A_207] : memref<6x128x128xf32, #tpu.memory_space<vmem>>, vector<1x128x128xf32>
    %swap3A_209 = vector.shape_cast %swap3A_208 : vector<1x128x128xf32> to vector<128x128xf32>
    %swap3A_210 = vector.shape_cast %add3A_204 : vector<128x128xf32> to vector<1x128x128xf32>
    tpu.vector_store %arg6[%swap3A_205, %swap3A_206, %swap3A_207], %swap3A_210 {strides = array<i32>} : memref<6x128x128xf32, #tpu.memory_space<vmem>>, vector<1x128x128xf32>,
    %slice3A_211 = vector.extract_strided_slice %mul3A_40 {offsets = [0, 384], sizes = [128, 128], strides = [1, 1]} : vector<128x768xf32> to vector<128x128xf32>
    %slice3A_212 = vector.extract_strided_slice %mul3A_47 {offsets = [0, 384], sizes = [128, 128], strides = [1, 1]} : vector<128x768xf32> to vector<128x128xf32>
    %slice3A_213 = vector.extract_strided_slice %get3A_59 {offsets = [0, 384], sizes = [128, 128], strides = [1, 1]} : vector<128x768xf32> to vector<128x128xf32>
    %mul3A_214 = arith.mulf %slice3A_211, %convert_element_type3A_7 : vector<128x128xf32>
    %dot_general3A_215 = arith.constant dense<0.000000e+00> : vector<128x128xf32>
    %dot_general3A_216 = tpu.matmul %mul3A_214, %slice3A_212, %dot_general3A_215 {dimension_numbers = #tpu.dot_dimension_numbers<[1], [1], [0], [0], [0, 0, 1, 0], [], []>, precision = #tpu.contract_precision<fp32>, transpose_lhs_hint = false} : vector<128x128xf32>, vector<128x128xf32>, vector<128x128xf32> -> vector<128x128xf32>
    %mul3A_217 = arith.mulf %slice3A_211, %sub3A_9 : vector<128x128xf32>
    %dot_general3A_218 = arith.constant dense<0.000000e+00> : vector<128x128xf32>
    %dot_general3A_219 = tpu.matmul %mul3A_217, %slice3A_212, %dot_general3A_218 {dimension_numbers = #tpu.dot_dimension_numbers<[1], [1], [0], [0], [0, 0, 1, 0], [], []>, precision = #tpu.contract_precision<fp32>, transpose_lhs_hint = false} : vector<128x128xf32>, vector<128x128xf32>, vector<128x128xf32> -> vector<128x128xf32>
    %ge3A_220 = arith.cmpi sge, %iota3A, %iota3A_2 : vector<128x128xi32>
    %jit3A_221 = arith.constant 0.000000e+00 : f32
    %broadcast_in_dim3A_222 = vector.broadcast %jit3A_221 : f32 to vector<128x128xf32>
    %select_n3A_223 = arith.select %ge3A_220, %dot_general3A_216, %broadcast_in_dim3A_222 : vector<128x128xi1>, vector<128x128xf32>
    %ge3A_224 = arith.cmpi sge, %iota3A, %iota3A_2 : vector<128x128xi32>
    %jit3A_225 = arith.constant 0.000000e+00 : f32
    %broadcast_in_dim3A_226 = vector.broadcast %jit3A_225 : f32 to vector<128x128xf32>
    %select_n3A_227 = arith.select %ge3A_224, %dot_general3A_219, %broadcast_in_dim3A_226 : vector<128x128xi1>, vector<128x128xf32>
    %get3A_228 = arith.constant 3 : index
    %get3A_229 = arith.constant 0 : index
    %get3A_230 = arith.constant 0 : index
    %get3A_231 = vector.load %arg6[%get3A_228, %get3A_229, %get3A_230] : memref<6x128x128xf32, #tpu.memory_space<vmem>>, vector<1x128x128xf32>
    %get3A_232 = vector.shape_cast %get3A_231 : vector<1x128x128xf32> to vector<128x128xf32>
    %mul3A_233 = arith.mulf %slice3A_213, %convert_element_type3A_7 : vector<128x128xf32>
    %dot_general3A_234 = arith.constant dense<0.000000e+00> : vector<128x128xf32>
    %dot_general3A_235 = tpu.matmul %select_n3A_223, %mul3A_233, %dot_general3A_234 {dimension_numbers = #tpu.dot_dimension_numbers<[1], [0], [0], [1], [0, 0, 1, 1], [], []>, precision = #tpu.contract_precision<fp32>, transpose_lhs_hint = false} : vector<128x128xf32>, vector<128x128xf32>, vector<128x128xf32> -> vector<128x128xf32>
    %mul3A_236 = arith.mulf %slice3A_213, %sub3A_9 : vector<128x128xf32>
    %dot_general3A_237 = arith.constant dense<0.000000e+00> : vector<128x128xf32>
    %dot_general3A_238 = tpu.matmul %select_n3A_227, %mul3A_236, %dot_general3A_237 {dimension_numbers = #tpu.dot_dimension_numbers<[1], [0], [0], [1], [0, 0, 1, 1], [], []>, precision = #tpu.contract_precision<fp32>, transpose_lhs_hint = false} : vector<128x128xf32>, vector<128x128xf32>, vector<128x128xf32> -> vector<128x128xf32>
    %add3A_239 = arith.addf %dot_general3A_235, %dot_general3A_238 : vector<128x128xf32>
    %slice3A_240 = vector.extract_strided_slice %mul3A_51 {offsets = [0, 384], sizes = [128, 128], strides = [1, 1]} : vector<128x768xf32> to vector<128x128xf32>
    %dot_general3A_241 = arith.constant dense<0.000000e+00> : vector<128x128xf32>
    %dot_general3A_242 = tpu.matmul %slice3A_240, %get3A_232, %dot_general3A_241 {dimension_numbers = #tpu.dot_dimension_numbers<[1], [0], [0], [1], [0, 0, 1, 1], [], []>, precision = #tpu.contract_precision<fp32>, transpose_lhs_hint = false} : vector<128x128xf32>, vector<128x128xf32>, vector<128x128xf32> -> vector<128x128xf32>
    %add3A_243 = arith.addf %add3A_239, %dot_general3A_242 : vector<128x128xf32>
    %swap3A_244 = arith.constant 0 : index
    %swap3A_245 = arith.constant 384 : index
    %swap3A_246 = vector.load %arg5[%swap3A_244, %swap3A_245] : memref<128x768xf32, #tpu.memory_space<vmem>>, vector<128x128xf32>
    tpu.vector_store %arg5[%swap3A_244, %swap3A_245], %add3A_243 {strides = array<i32>} : memref<128x768xf32, #tpu.memory_space<vmem>>, vector<128x128xf32>,
    %slice3A_247 = vector.extract_strided_slice %mul3A_55 {offsets = [0, 384], sizes = [128, 128], strides = [1, 1]} : vector<128x768xf32> to vector<128x128xf32>
    %dot_general3A_248 = arith.constant dense<0.000000e+00> : vector<128x128xf32>
    %dot_general3A_249 = tpu.matmul %slice3A_247, %slice3A_213, %dot_general3A_248 {dimension_numbers = #tpu.dot_dimension_numbers<[0], [0], [1], [1], [0, 1, 1, 1], [], []>, precision = #tpu.contract_precision<fp32>, transpose_lhs_hint = false} : vector<128x128xf32>, vector<128x128xf32>, vector<128x128xf32> -> vector<128x128xf32>
    %mul3A_250 = arith.mulf %dot_general3A_249, %convert_element_type3A_22 : vector<128x128xf32>
    %slice3A_251 = vector.extract_strided_slice %exp3A_56 {offsets = [0, 384], sizes = [1, 128], strides = [1, 1]} : vector<1x768xf32> to vector<1x128xf32>
    %dot_general3A_252 = arith.constant dense<0.000000e+00> : vector<128x1xf32>
    %dot_general3A_253 = tpu.matmul %convert_element_type3A_25, %slice3A_251, %dot_general3A_252 {dimension_numbers = #tpu.dot_dimension_numbers<[1], [1], [0], [0], [0, 0, 1, 0], [], []>, precision = #tpu.contract_precision<fp32>, transpose_lhs_hint = false} : vector<128x128xf32>, vector<1x128xf32>, vector<128x1xf32> -> vector<128x1xf32>
    %mul3A_254 = vector.broadcast %dot_general3A_253 : vector<128x1xf32> to vector<128x128xf32>
    %mul3A_255 = arith.mulf %mul3A_254, %get3A_232 : vector<128x128xf32>
    %add3A_256 = arith.addf %mul3A_255, %mul3A_250 : vector<128x128xf32>
    %swap3A_257 = arith.constant 3 : index
    %swap3A_258 = arith.constant 0 : index
    %swap3A_259 = arith.constant 0 : index
    %swap3A_260 = vector.load %arg6[%swap3A_257, %swap3A_258, %swap3A_259] : memref<6x128x128xf32, #tpu.memory_space<vmem>>, vector<1x128x128xf32>
    %swap3A_261 = vector.shape_cast %swap3A_260 : vector<1x128x128xf32> to vector<128x128xf32>
    %swap3A_262 = vector.shape_cast %add3A_256 : vector<128x128xf32> to vector<1x128x128xf32>
    tpu.vector_store %arg6[%swap3A_257, %swap3A_258, %swap3A_259], %swap3A_262 {strides = array<i32>} : memref<6x128x128xf32, #tpu.memory_space<vmem>>, vector<1x128x128xf32>,
    %slice3A_263 = vector.extract_strided_slice %mul3A_40 {offsets = [0, 512], sizes = [128, 128], strides = [1, 1]} : vector<128x768xf32> to vector<128x128xf32>
    %slice3A_264 = vector.extract_strided_slice %mul3A_47 {offsets = [0, 512], sizes = [128, 128], strides = [1, 1]} : vector<128x768xf32> to vector<128x128xf32>
    %slice3A_265 = vector.extract_strided_slice %get3A_59 {offsets = [0, 512], sizes = [128, 128], strides = [1, 1]} : vector<128x768xf32> to vector<128x128xf32>
    %mul3A_266 = arith.mulf %slice3A_263, %convert_element_type3A_7 : vector<128x128xf32>
    %dot_general3A_267 = arith.constant dense<0.000000e+00> : vector<128x128xf32>
    %dot_general3A_268 = tpu.matmul %mul3A_266, %slice3A_264, %dot_general3A_267 {dimension_numbers = #tpu.dot_dimension_numbers<[1], [1], [0], [0], [0, 0, 1, 0], [], []>, precision = #tpu.contract_precision<fp32>, transpose_lhs_hint = false} : vector<128x128xf32>, vector<128x128xf32>, vector<128x128xf32> -> vector<128x128xf32>
    %mul3A_269 = arith.mulf %slice3A_263, %sub3A_9 : vector<128x128xf32>
    %dot_general3A_270 = arith.constant dense<0.000000e+00> : vector<128x128xf32>
    %dot_general3A_271 = tpu.matmul %mul3A_269, %slice3A_264, %dot_general3A_270 {dimension_numbers = #tpu.dot_dimension_numbers<[1], [1], [0], [0], [0, 0, 1, 0], [], []>, precision = #tpu.contract_precision<fp32>, transpose_lhs_hint = false} : vector<128x128xf32>, vector<128x128xf32>, vector<128x128xf32> -> vector<128x128xf32>
    %ge3A_272 = arith.cmpi sge, %iota3A, %iota3A_2 : vector<128x128xi32>
    %jit3A_273 = arith.constant 0.000000e+00 : f32
    %broadcast_in_dim3A_274 = vector.broadcast %jit3A_273 : f32 to vector<128x128xf32>
    %select_n3A_275 = arith.select %ge3A_272, %dot_general3A_268, %broadcast_in_dim3A_274 : vector<128x128xi1>, vector<128x128xf32>
    %ge3A_276 = arith.cmpi sge, %iota3A, %iota3A_2 : vector<128x128xi32>
    %jit3A_277 = arith.constant 0.000000e+00 : f32
    %broadcast_in_dim3A_278 = vector.broadcast %jit3A_277 : f32 to vector<128x128xf32>
    %select_n3A_279 = arith.select %ge3A_276, %dot_general3A_271, %broadcast_in_dim3A_278 : vector<128x128xi1>, vector<128x128xf32>
    %get3A_280 = arith.constant 4 : index
    %get3A_281 = arith.constant 0 : index
    %get3A_282 = arith.constant 0 : index
    %get3A_283 = vector.load %arg6[%get3A_280, %get3A_281, %get3A_282] : memref<6x128x128xf32, #tpu.memory_space<vmem>>, vector<1x128x128xf32>
    %get3A_284 = vector.shape_cast %get3A_283 : vector<1x128x128xf32> to vector<128x128xf32>
    %mul3A_285 = arith.mulf %slice3A_265, %convert_element_type3A_7 : vector<128x128xf32>
    %dot_general3A_286 = arith.constant dense<0.000000e+00> : vector<128x128xf32>
    %dot_general3A_287 = tpu.matmul %select_n3A_275, %mul3A_285, %dot_general3A_286 {dimension_numbers = #tpu.dot_dimension_numbers<[1], [0], [0], [1], [0, 0, 1, 1], [], []>, precision = #tpu.contract_precision<fp32>, transpose_lhs_hint = false} : vector<128x128xf32>, vector<128x128xf32>, vector<128x128xf32> -> vector<128x128xf32>
    %mul3A_288 = arith.mulf %slice3A_265, %sub3A_9 : vector<128x128xf32>
    %dot_general3A_289 = arith.constant dense<0.000000e+00> : vector<128x128xf32>
    %dot_general3A_290 = tpu.matmul %select_n3A_279, %mul3A_288, %dot_general3A_289 {dimension_numbers = #tpu.dot_dimension_numbers<[1], [0], [0], [1], [0, 0, 1, 1], [], []>, precision = #tpu.contract_precision<fp32>, transpose_lhs_hint = false} : vector<128x128xf32>, vector<128x128xf32>, vector<128x128xf32> -> vector<128x128xf32>
    %add3A_291 = arith.addf %dot_general3A_287, %dot_general3A_290 : vector<128x128xf32>
    %slice3A_292 = vector.extract_strided_slice %mul3A_51 {offsets = [0, 512], sizes = [128, 128], strides = [1, 1]} : vector<128x768xf32> to vector<128x128xf32>
    %dot_general3A_293 = arith.constant dense<0.000000e+00> : vector<128x128xf32>
    %dot_general3A_294 = tpu.matmul %slice3A_292, %get3A_284, %dot_general3A_293 {dimension_numbers = #tpu.dot_dimension_numbers<[1], [0], [0], [1], [0, 0, 1, 1], [], []>, precision = #tpu.contract_precision<fp32>, transpose_lhs_hint = false} : vector<128x128xf32>, vector<128x128xf32>, vector<128x128xf32> -> vector<128x128xf32>
    %add3A_295 = arith.addf %add3A_291, %dot_general3A_294 : vector<128x128xf32>
    %swap3A_296 = arith.constant 0 : index
    %swap3A_297 = arith.constant 512 : index
    %swap3A_298 = vector.load %arg5[%swap3A_296, %swap3A_297] : memref<128x768xf32, #tpu.memory_space<vmem>>, vector<128x128xf32>
    tpu.vector_store %arg5[%swap3A_296, %swap3A_297], %add3A_295 {strides = array<i32>} : memref<128x768xf32, #tpu.memory_space<vmem>>, vector<128x128xf32>,
    %slice3A_299 = vector.extract_strided_slice %mul3A_55 {offsets = [0, 512], sizes = [128, 128], strides = [1, 1]} : vector<128x768xf32> to vector<128x128xf32>
    %dot_general3A_300 = arith.constant dense<0.000000e+00> : vector<128x128xf32>
    %dot_general3A_301 = tpu.matmul %slice3A_299, %slice3A_265, %dot_general3A_300 {dimension_numbers = #tpu.dot_dimension_numbers<[0], [0], [1], [1], [0, 1, 1, 1], [], []>, precision = #tpu.contract_precision<fp32>, transpose_lhs_hint = false} : vector<128x128xf32>, vector<128x128xf32>, vector<128x128xf32> -> vector<128x128xf32>
    %mul3A_302 = arith.mulf %dot_general3A_301, %convert_element_type3A_22 : vector<128x128xf32>
    %slice3A_303 = vector.extract_strided_slice %exp3A_56 {offsets = [0, 512], sizes = [1, 128], strides = [1, 1]} : vector<1x768xf32> to vector<1x128xf32>
    %dot_general3A_304 = arith.constant dense<0.000000e+00> : vector<128x1xf32>
    %dot_general3A_305 = tpu.matmul %convert_element_type3A_25, %slice3A_303, %dot_general3A_304 {dimension_numbers = #tpu.dot_dimension_numbers<[1], [1], [0], [0], [0, 0, 1, 0], [], []>, precision = #tpu.contract_precision<fp32>, transpose_lhs_hint = false} : vector<128x128xf32>, vector<1x128xf32>, vector<128x1xf32> -> vector<128x1xf32>
    %mul3A_306 = vector.broadcast %dot_general3A_305 : vector<128x1xf32> to vector<128x128xf32>
    %mul3A_307 = arith.mulf %mul3A_306, %get3A_284 : vector<128x128xf32>
    %add3A_308 = arith.addf %mul3A_307, %mul3A_302 : vector<128x128xf32>
    %swap3A_309 = arith.constant 4 : index
    %swap3A_310 = arith.constant 0 : index
    %swap3A_311 = arith.constant 0 : index
    %swap3A_312 = vector.load %arg6[%swap3A_309, %swap3A_310, %swap3A_311] : memref<6x128x128xf32, #tpu.memory_space<vmem>>, vector<1x128x128xf32>
    %swap3A_313 = vector.shape_cast %swap3A_312 : vector<1x128x128xf32> to vector<128x128xf32>
    %swap3A_314 = vector.shape_cast %add3A_308 : vector<128x128xf32> to vector<1x128x128xf32>
    tpu.vector_store %arg6[%swap3A_309, %swap3A_310, %swap3A_311], %swap3A_314 {strides = array<i32>} : memref<6x128x128xf32, #tpu.memory_space<vmem>>, vector<1x128x128xf32>,
    %slice3A_315 = vector.extract_strided_slice %mul3A_40 {offsets = [0, 640], sizes = [128, 128], strides = [1, 1]} : vector<128x768xf32> to vector<128x128xf32>
    %slice3A_316 = vector.extract_strided_slice %mul3A_47 {offsets = [0, 640], sizes = [128, 128], strides = [1, 1]} : vector<128x768xf32> to vector<128x128xf32>
    %slice3A_317 = vector.extract_strided_slice %get3A_59 {offsets = [0, 640], sizes = [128, 128], strides = [1, 1]} : vector<128x768xf32> to vector<128x128xf32>
    %mul3A_318 = arith.mulf %slice3A_315, %convert_element_type3A_7 : vector<128x128xf32>
    %dot_general3A_319 = arith.constant dense<0.000000e+00> : vector<128x128xf32>
    %dot_general3A_320 = tpu.matmul %mul3A_318, %slice3A_316, %dot_general3A_319 {dimension_numbers = #tpu.dot_dimension_numbers<[1], [1], [0], [0], [0, 0, 1, 0], [], []>, precision = #tpu.contract_precision<fp32>, transpose_lhs_hint = false} : vector<128x128xf32>, vector<128x128xf32>, vector<128x128xf32> -> vector<128x128xf32>
    %mul3A_321 = arith.mulf %slice3A_315, %sub3A_9 : vector<128x128xf32>
    %dot_general3A_322 = arith.constant dense<0.000000e+00> : vector<128x128xf32>
    %dot_general3A_323 = tpu.matmul %mul3A_321, %slice3A_316, %dot_general3A_322 {dimension_numbers = #tpu.dot_dimension_numbers<[1], [1], [0], [0], [0, 0, 1, 0], [], []>, precision = #tpu.contract_precision<fp32>, transpose_lhs_hint = false} : vector<128x128xf32>, vector<128x128xf32>, vector<128x128xf32> -> vector<128x128xf32>
    %ge3A_324 = arith.cmpi sge, %iota3A, %iota3A_2 : vector<128x128xi32>
    %jit3A_325 = arith.constant 0.000000e+00 : f32
    %broadcast_in_dim3A_326 = vector.broadcast %jit3A_325 : f32 to vector<128x128xf32>
    %select_n3A_327 = arith.select %ge3A_324, %dot_general3A_320, %broadcast_in_dim3A_326 : vector<128x128xi1>, vector<128x128xf32>
    %ge3A_328 = arith.cmpi sge, %iota3A, %iota3A_2 : vector<128x128xi32>
    %jit3A_329 = arith.constant 0.000000e+00 : f32
    %broadcast_in_dim3A_330 = vector.broadcast %jit3A_329 : f32 to vector<128x128xf32>
    %select_n3A_331 = arith.select %ge3A_328, %dot_general3A_323, %broadcast_in_dim3A_330 : vector<128x128xi1>, vector<128x128xf32>
    %get3A_332 = arith.constant 5 : index
    %get3A_333 = arith.constant 0 : index
    %get3A_334 = arith.constant 0 : index
    %get3A_335 = vector.load %arg6[%get3A_332, %get3A_333, %get3A_334] : memref<6x128x128xf32, #tpu.memory_space<vmem>>, vector<1x128x128xf32>
    %get3A_336 = vector.shape_cast %get3A_335 : vector<1x128x128xf32> to vector<128x128xf32>
    %mul3A_337 = arith.mulf %slice3A_317, %convert_element_type3A_7 : vector<128x128xf32>
    %dot_general3A_338 = arith.constant dense<0.000000e+00> : vector<128x128xf32>
    %dot_general3A_339 = tpu.matmul %select_n3A_327, %mul3A_337, %dot_general3A_338 {dimension_numbers = #tpu.dot_dimension_numbers<[1], [0], [0], [1], [0, 0, 1, 1], [], []>, precision = #tpu.contract_precision<fp32>, transpose_lhs_hint = false} : vector<128x128xf32>, vector<128x128xf32>, vector<128x128xf32> -> vector<128x128xf32>
    %mul3A_340 = arith.mulf %slice3A_317, %sub3A_9 : vector<128x128xf32>
    %dot_general3A_341 = arith.constant dense<0.000000e+00> : vector<128x128xf32>
    %dot_general3A_342 = tpu.matmul %select_n3A_331, %mul3A_340, %dot_general3A_341 {dimension_numbers = #tpu.dot_dimension_numbers<[1], [0], [0], [1], [0, 0, 1, 1], [], []>, precision = #tpu.contract_precision<fp32>, transpose_lhs_hint = false} : vector<128x128xf32>, vector<128x128xf32>, vector<128x128xf32> -> vector<128x128xf32>
    %add3A_343 = arith.addf %dot_general3A_339, %dot_general3A_342 : vector<128x128xf32>
    %slice3A_344 = vector.extract_strided_slice %mul3A_51 {offsets = [0, 640], sizes = [128, 128], strides = [1, 1]} : vector<128x768xf32> to vector<128x128xf32>
    %dot_general3A_345 = arith.constant dense<0.000000e+00> : vector<128x128xf32>
    %dot_general3A_346 = tpu.matmul %slice3A_344, %get3A_336, %dot_general3A_345 {dimension_numbers = #tpu.dot_dimension_numbers<[1], [0], [0], [1], [0, 0, 1, 1], [], []>, precision = #tpu.contract_precision<fp32>, transpose_lhs_hint = false} : vector<128x128xf32>, vector<128x128xf32>, vector<128x128xf32> -> vector<128x128xf32>
    %add3A_347 = arith.addf %add3A_343, %dot_general3A_346 : vector<128x128xf32>
    %swap3A_348 = arith.constant 0 : index
    %swap3A_349 = arith.constant 640 : index
    %swap3A_350 = vector.load %arg5[%swap3A_348, %swap3A_349] : memref<128x768xf32, #tpu.memory_space<vmem>>, vector<128x128xf32>
    tpu.vector_store %arg5[%swap3A_348, %swap3A_349], %add3A_347 {strides = array<i32>} : memref<128x768xf32, #tpu.memory_space<vmem>>, vector<128x128xf32>,
    %slice3A_351 = vector.extract_strided_slice %mul3A_55 {offsets = [0, 640], sizes = [128, 128], strides = [1, 1]} : vector<128x768xf32> to vector<128x128xf32>
    %dot_general3A_352 = arith.constant dense<0.000000e+00> : vector<128x128xf32>
    %dot_general3A_353 = tpu.matmul %slice3A_351, %slice3A_317, %dot_general3A_352 {dimension_numbers = #tpu.dot_dimension_numbers<[0], [0], [1], [1], [0, 1, 1, 1], [], []>, precision = #tpu.contract_precision<fp32>, transpose_lhs_hint = false} : vector<128x128xf32>, vector<128x128xf32>, vector<128x128xf32> -> vector<128x128xf32>
    %mul3A_354 = arith.mulf %dot_general3A_353, %convert_element_type3A_22 : vector<128x128xf32>
    %slice3A_355 = vector.extract_strided_slice %exp3A_56 {offsets = [0, 640], sizes = [1, 128], strides = [1, 1]} : vector<1x768xf32> to vector<1x128xf32>
    %dot_general3A_356 = arith.constant dense<0.000000e+00> : vector<128x1xf32>
    %dot_general3A_357 = tpu.matmul %convert_element_type3A_25, %slice3A_355, %dot_general3A_356 {dimension_numbers = #tpu.dot_dimension_numbers<[1], [1], [0], [0], [0, 0, 1, 0], [], []>, precision = #tpu.contract_precision<fp32>, transpose_lhs_hint = false} : vector<128x128xf32>, vector<1x128xf32>, vector<128x1xf32> -> vector<128x1xf32>
    %mul3A_358 = vector.broadcast %dot_general3A_357 : vector<128x1xf32> to vector<128x128xf32>
    %mul3A_359 = arith.mulf %mul3A_358, %get3A_336 : vector<128x128xf32>
    %add3A_360 = arith.addf %mul3A_359, %mul3A_354 : vector<128x128xf32>
    %swap3A_361 = arith.constant 5 : index
    %swap3A_362 = arith.constant 0 : index
    %swap3A_363 = arith.constant 0 : index
    %swap3A_364 = vector.load %arg6[%swap3A_361, %swap3A_362, %swap3A_363] : memref<6x128x128xf32, #tpu.memory_space<vmem>>, vector<1x128x128xf32>
    %swap3A_365 = vector.shape_cast %swap3A_364 : vector<1x128x128xf32> to vector<128x128xf32>
    %swap3A_366 = vector.shape_cast %add3A_360 : vector<128x128xf32> to vector<1x128x128xf32>
    tpu.vector_store %arg6[%swap3A_361, %swap3A_362, %swap3A_363], %swap3A_366 {strides = array<i32>} : memref<6x128x128xf32, #tpu.memory_space<vmem>>, vector<1x128x128xf32>,
    return
  }
  func.func @transform_0(%arg0: i32) -> (i32, i32) {
    %c0_i32 = arith.constant 0 : i32
    %c0_i32_0 = arith.constant 0 : i32
    return %arg0, %c0_i32 : i32, i32
  }
  func.func @transform_1(%arg0: i32) -> (i32, i32) {
    %c0_i32 = arith.constant 0 : i32
    %c0_i32_0 = arith.constant 0 : i32
    return %arg0, %c0_i32 : i32, i32
  }
  func.func @transform_2(%arg0: i32) -> (i32, i32) {
    %c0_i32 = arith.constant 0 : i32
    %c0_i32_0 = arith.constant 0 : i32
    return %arg0, %c0_i32 : i32, i32
  }
  func.func @transform_3(%arg0: i32) -> (i32, i32) {
    %c0_i32 = arith.constant 0 : i32
    %c0_i32_0 = arith.constant 0 : i32
    return %arg0, %c0_i32 : i32, i32
  }
  func.func @transform_4(%arg0: i32) -> (i32, i32) {
    %c0_i32 = arith.constant 0 : i32
    %c0_i32_0 = arith.constant 0 : i32
    return %arg0, %c0_i32 : i32, i32
  }
}

module attributes {stable_mosaic.version = 14 : i64} {
  func.func @_router_body(%arg0: i32, %arg1: memref<256x768xf32, #tpu.memory_space<vmem>>, %arg2: memref<256x768xf32, #tpu.memory_space<vmem>>, %arg3: memref<1x768xf32, #tpu.memory_space<vmem>>, %arg4: memref<1x768xf32, #tpu.memory_space<vmem>>, %arg5: memref<768x768xf32, #tpu.memory_space<vmem>>, %arg6: memref<768x8xf32, #tpu.memory_space<vmem>>, %arg7: memref<1x8xf32, #tpu.memory_space<vmem>>, %arg8: memref<768x8xf32, #tpu.memory_space<vmem>>, %arg9: memref<768x1xf32, #tpu.memory_space<vmem>>, %arg10: memref<1x8xf32, #tpu.memory_space<vmem>>, %arg11: memref<256x768xf32, #tpu.memory_space<vmem>>, %arg12: memref<256x768xf32, #tpu.memory_space<vmem>>, %arg13: memref<256x8xf32, #tpu.memory_space<vmem>>, %arg14: memref<256x1xf32, #tpu.memory_space<vmem>>, %arg15: memref<256x8xf32, #tpu.memory_space<vmem>>) attributes {dimension_semantics = [#tpu.dimension_semantics<arbitrary>], iteration_bounds = array<i64: 8>, scalar_prefetch = 0 : i64, scratch_operands = 0 : i64, tpu.core_type = #tpu.core_type<tc>, window_params = [{transform_indices = @transform_0, window_bounds = array<i64: 256, 768>}, {transform_indices = @transform_1, window_bounds = array<i64: 256, 768>}, {pipeline_mode = #tpu.pipeline_mode<synchronous>, transform_indices = @transform_2, window_bounds = array<i64: 1, 768>}, {pipeline_mode = #tpu.pipeline_mode<synchronous>, transform_indices = @transform_3, window_bounds = array<i64: 1, 768>}, {pipeline_mode = #tpu.pipeline_mode<synchronous>, transform_indices = @transform_4, window_bounds = array<i64: 768, 768>}, {pipeline_mode = #tpu.pipeline_mode<synchronous>, transform_indices = @transform_5, window_bounds = array<i64: 768, 8>}, {pipeline_mode = #tpu.pipeline_mode<synchronous>, transform_indices = @transform_6, window_bounds = array<i64: 1, 8>}, {pipeline_mode = #tpu.pipeline_mode<synchronous>, transform_indices = @transform_7, window_bounds = array<i64: 768, 8>}, {pipeline_mode = #tpu.pipeline_mode<synchronous>, transform_indices = @transform_8, window_bounds = array<i64: 768, 1>}, {pipeline_mode = #tpu.pipeline_mode<synchronous>, transform_indices = @transform_9, window_bounds = array<i64: 1, 8>}, {transform_indices = @transform_10, window_bounds = array<i64: 256, 768>}, {transform_indices = @transform_11, window_bounds = array<i64: 256, 768>}, {transform_indices = @transform_12, window_bounds = array<i64: 256, 8>}, {transform_indices = @transform_13, window_bounds = array<i64: 256, 1>}, {transform_indices = @transform_14, window_bounds = array<i64: 256, 8>}]} {
    %get3A = arith.constant 0 : index
    %get3A_0 = arith.constant 0 : index
    %get3A_1 = vector.load %arg2[%get3A, %get3A_0] : memref<256x768xf32, #tpu.memory_space<vmem>>, vector<256x768xf32>
    %get3A_2 = arith.constant 0 : index
    %get3A_3 = arith.constant 0 : index
    %get3A_4 = vector.load %arg5[%get3A_2, %get3A_3] : memref<768x768xf32, #tpu.memory_space<vmem>>, vector<768x768xf32>
    %dot_general3A = arith.constant dense<0.000000e+00> : vector<256x768xf32>
    %dot_general3A_5 = tpu.matmul %get3A_1, %get3A_4, %dot_general3A {dimension_numbers = #tpu.dot_dimension_numbers<[1], [0], [0], [1], [0, 0, 1, 1], [], []>, precision = #tpu.contract_precision<fp32>, transpose_lhs_hint = false} : vector<256x768xf32>, vector<768x768xf32>, vector<256x768xf32> -> vector<256x768xf32>
    %get3A_6 = arith.constant 0 : index
    %get3A_7 = arith.constant 0 : index
    %get3A_8 = vector.load %arg1[%get3A_6, %get3A_7] : memref<256x768xf32, #tpu.memory_space<vmem>>, vector<256x768xf32>
    %add3A = arith.addf %get3A_8, %dot_general3A_5 : vector<256x768xf32>
    %swap3A = arith.constant 0 : index
    %swap3A_9 = arith.constant 0 : index
    %swap3A_10 = vector.load %arg11[%swap3A, %swap3A_9] : memref<256x768xf32, #tpu.memory_space<vmem>>, vector<256x768xf32>
    tpu.vector_store %arg11[%swap3A, %swap3A_9], %add3A {strides = array<i32>} : memref<256x768xf32, #tpu.memory_space<vmem>>, vector<256x768xf32>,
    %reduce_sum3A = arith.constant dense<0.000000e+00> : vector<256xf32>
    %reduce_sum3A_11 = vector.multi_reduction <add>, %add3A, %reduce_sum3A [1] : vector<256x768xf32> to vector<256xf32>
    %broadcast_in_dim3A = vector.shape_cast %reduce_sum3A_11 : vector<256xf32> to vector<256x1xf32>
    %div3A = arith.constant 7.680000e+02 : f32
    %div3A_12 = vector.broadcast %div3A : f32 to vector<256x1xf32>
    %div3A_13 = arith.divf %broadcast_in_dim3A, %div3A_12 : vector<256x1xf32>
    %sub3A = vector.broadcast %div3A_13 : vector<256x1xf32> to vector<256x768xf32>
    %sub3A_14 = arith.subf %add3A, %sub3A : vector<256x768xf32>
    %mul3A = arith.mulf %sub3A_14, %sub3A_14 : vector<256x768xf32>
    %reduce_sum3A_15 = arith.constant dense<0.000000e+00> : vector<256xf32>
    %reduce_sum3A_16 = vector.multi_reduction <add>, %mul3A, %reduce_sum3A_15 [1] : vector<256x768xf32> to vector<256xf32>
    %broadcast_in_dim3A_17 = vector.shape_cast %reduce_sum3A_16 : vector<256xf32> to vector<256x1xf32>
    %div3A_18 = arith.constant 7.680000e+02 : f32
    %div3A_19 = vector.broadcast %div3A_18 : f32 to vector<256x1xf32>
    %div3A_20 = arith.divf %broadcast_in_dim3A_17, %div3A_19 : vector<256x1xf32>
    %add3A_21 = arith.constant 9.99999974E-6 : f32
    %add3A_22 = vector.broadcast %add3A_21 : f32 to vector<256x1xf32>
    %add3A_23 = arith.addf %div3A_20, %add3A_22 : vector<256x1xf32>
    %rsqrt3A = math.rsqrt %add3A_23 : vector<256x1xf32>
    %mul3A_24 = vector.broadcast %rsqrt3A : vector<256x1xf32> to vector<256x768xf32>
    %mul3A_25 = arith.mulf %sub3A_14, %mul3A_24 : vector<256x768xf32>
    %get3A_26 = arith.constant 0 : index
    %get3A_27 = arith.constant 0 : index
    %get3A_28 = vector.load %arg3[%get3A_26, %get3A_27] : memref<1x768xf32, #tpu.memory_space<vmem>>, vector<1x768xf32>
    %mul3A_29 = vector.broadcast %get3A_28 : vector<1x768xf32> to vector<256x768xf32>
    %mul3A_30 = arith.mulf %mul3A_25, %mul3A_29 : vector<256x768xf32>
    %get3A_31 = arith.constant 0 : index
    %get3A_32 = arith.constant 0 : index
    %get3A_33 = vector.load %arg4[%get3A_31, %get3A_32] : memref<1x768xf32, #tpu.memory_space<vmem>>, vector<1x768xf32>
    %add3A_34 = vector.broadcast %get3A_33 : vector<1x768xf32> to vector<256x768xf32>
    %add3A_35 = arith.addf %mul3A_30, %add3A_34 : vector<256x768xf32>
    %swap3A_36 = arith.constant 0 : index
    %swap3A_37 = arith.constant 0 : index
    %swap3A_38 = vector.load %arg12[%swap3A_36, %swap3A_37] : memref<256x768xf32, #tpu.memory_space<vmem>>, vector<256x768xf32>
    tpu.vector_store %arg12[%swap3A_36, %swap3A_37], %add3A_35 {strides = array<i32>} : memref<256x768xf32, #tpu.memory_space<vmem>>, vector<256x768xf32>,
    %get3A_39 = arith.constant 0 : index
    %get3A_40 = arith.constant 0 : index
    %get3A_41 = vector.load %arg6[%get3A_39, %get3A_40] : memref<768x8xf32, #tpu.memory_space<vmem>>, vector<768x8xf32>
    %dot_general3A_42 = arith.constant dense<0.000000e+00> : vector<256x8xf32>
    %dot_general3A_43 = tpu.matmul %add3A_35, %get3A_41, %dot_general3A_42 {dimension_numbers = #tpu.dot_dimension_numbers<[1], [0], [0], [1], [0, 0, 1, 1], [], []>, precision = #tpu.contract_precision<fp32>, transpose_lhs_hint = false} : vector<256x768xf32>, vector<768x8xf32>, vector<256x8xf32> -> vector<256x8xf32>
    %get3A_44 = arith.constant 0 : index
    %get3A_45 = arith.constant 0 : index
    %get3A_46 = vector.load %arg7[%get3A_44, %get3A_45] : memref<1x8xf32, #tpu.memory_space<vmem>>, vector<1x8xf32>
    %add3A_47 = vector.broadcast %get3A_46 : vector<1x8xf32> to vector<256x8xf32>
    %add3A_48 = arith.addf %dot_general3A_43, %add3A_47 : vector<256x8xf32>
    %logistic3A = arith.negf %add3A_48 : vector<256x8xf32>
    %logistic3A_49 = math.exp %logistic3A : vector<256x8xf32>
    %logistic3A_50 = arith.constant 1.000000e+00 : f32
    %logistic3A_51 = vector.broadcast %logistic3A_50 : f32 to vector<256x8xf32>
    %logistic3A_52 = arith.addf %logistic3A_51, %logistic3A_49 : vector<256x8xf32>
    %logistic3A_53 = arith.divf %logistic3A_51, %logistic3A_52 : vector<256x8xf32>
    %get3A_54 = arith.constant 0 : index
    %get3A_55 = arith.constant 0 : index
    %get3A_56 = vector.load %arg8[%get3A_54, %get3A_55] : memref<768x8xf32, #tpu.memory_space<vmem>>, vector<768x8xf32>
    %dot_general3A_57 = arith.constant dense<0.000000e+00> : vector<256x8xf32>
    %dot_general3A_58 = tpu.matmul %add3A_35, %get3A_56, %dot_general3A_57 {dimension_numbers = #tpu.dot_dimension_numbers<[1], [0], [0], [1], [0, 0, 1, 1], [], []>, precision = #tpu.contract_precision<fp32>, transpose_lhs_hint = false} : vector<256x768xf32>, vector<768x8xf32>, vector<256x8xf32> -> vector<256x8xf32>
    %get3A_59 = arith.constant 0 : index
    %get3A_60 = arith.constant 0 : index
    %get3A_61 = vector.load %arg9[%get3A_59, %get3A_60] : memref<768x1xf32, #tpu.memory_space<vmem>>, vector<768x1xf32>
    %dot_general3A_62 = arith.constant dense<0.000000e+00> : vector<256x1xf32>
    %dot_general3A_63 = tpu.matmul %add3A_35, %get3A_61, %dot_general3A_62 {dimension_numbers = #tpu.dot_dimension_numbers<[1], [0], [0], [1], [0, 0, 1, 1], [], []>, precision = #tpu.contract_precision<fp32>, transpose_lhs_hint = false} : vector<256x768xf32>, vector<768x1xf32>, vector<256x1xf32> -> vector<256x1xf32>
    %max3A = arith.constant 0.000000e+00 : f32
    %max3A_64 = vector.broadcast %max3A : f32 to vector<256x1xf32>
    %max3A_65 = arith.maximumf %dot_general3A_63, %max3A_64 : vector<256x1xf32>
    %abs3A = math.absf %dot_general3A_63 : vector<256x1xf32>
    %neg3A = arith.constant 0.000000e+00 : f32
    %neg3A_66 = vector.broadcast %neg3A : f32 to vector<256x1xf32>
    %neg3A_67 = arith.subf %neg3A_66, %abs3A : vector<256x1xf32>
    %exp3A = math.exp %neg3A_67 : vector<256x1xf32>
    %add3A_68 = arith.constant 1.000000e+00 : f32
    %add3A_69 = vector.broadcast %add3A_68 : f32 to vector<256x1xf32>
    %add3A_70 = arith.addf %add3A_69, %exp3A : vector<256x1xf32>
    %log3A = math.log %add3A_70 : vector<256x1xf32>
    %add3A_71 = arith.addf %max3A_65, %log3A : vector<256x1xf32>
    %swap3A_72 = arith.constant 0 : index
    %swap3A_73 = arith.constant 0 : index
    %swap3A_74 = vector.load %arg15[%swap3A_72, %swap3A_73] : memref<256x8xf32, #tpu.memory_space<vmem>>, vector<256x8xf32>
    tpu.vector_store %arg15[%swap3A_72, %swap3A_73], %dot_general3A_58 {strides = array<i32>} : memref<256x8xf32, #tpu.memory_space<vmem>>, vector<256x8xf32>,
    %swap3A_75 = arith.constant 0 : index
    %swap3A_76 = arith.constant 0 : index
    %swap3A_77 = vector.load %arg14[%swap3A_75, %swap3A_76] : memref<256x1xf32, #tpu.memory_space<vmem>>, vector<256x1xf32>
    tpu.vector_store %arg14[%swap3A_75, %swap3A_76], %add3A_71 {strides = array<i32>} : memref<256x1xf32, #tpu.memory_space<vmem>>, vector<256x1xf32>,
    %get3A_78 = arith.constant 0 : index
    %get3A_79 = arith.constant 0 : index
    %get3A_80 = vector.load %arg10[%get3A_78, %get3A_79] : memref<1x8xf32, #tpu.memory_space<vmem>>, vector<1x8xf32>
    %mul3A_81 = vector.broadcast %get3A_80 : vector<1x8xf32> to vector<256x8xf32>
    %mul3A_82 = arith.mulf %logistic3A_53, %mul3A_81 : vector<256x8xf32>
    %mul3A_83 = vector.broadcast %add3A_71 : vector<256x1xf32> to vector<256x8xf32>
    %mul3A_84 = arith.mulf %mul3A_82, %mul3A_83 : vector<256x8xf32>
    %mul3A_85 = arith.constant 1.000000e-01 : f32
    %mul3A_86 = vector.broadcast %mul3A_85 : f32 to vector<256x8xf32>
    %mul3A_87 = arith.mulf %mul3A_86, %dot_general3A_58 : vector<256x8xf32>
    %add3A_88 = arith.addf %mul3A_84, %mul3A_87 : vector<256x8xf32>
    %swap3A_89 = arith.constant 0 : index
    %swap3A_90 = arith.constant 0 : index
    %swap3A_91 = vector.load %arg13[%swap3A_89, %swap3A_90] : memref<256x8xf32, #tpu.memory_space<vmem>>, vector<256x8xf32>
    tpu.vector_store %arg13[%swap3A_89, %swap3A_90], %add3A_88 {strides = array<i32>} : memref<256x8xf32, #tpu.memory_space<vmem>>, vector<256x8xf32>,
    return
  }
  func.func @transform_0(%arg0: i32) -> (i32, i32) {
    %c0_i32 = arith.constant 0 : i32
    %c0_i32_0 = arith.constant 0 : i32
    return %arg0, %c0_i32 : i32, i32
  }
  func.func @transform_1(%arg0: i32) -> (i32, i32) {
    %c0_i32 = arith.constant 0 : i32
    %c0_i32_0 = arith.constant 0 : i32
    return %arg0, %c0_i32 : i32, i32
  }
  func.func @transform_2(%arg0: i32) -> (i32, i32) {
    %c0_i32 = arith.constant 0 : i32
    %c0_i32_0 = arith.constant 0 : i32
    %c0_i32_1 = arith.constant 0 : i32
    return %c0_i32, %c0_i32_0 : i32, i32
  }
  func.func @transform_3(%arg0: i32) -> (i32, i32) {
    %c0_i32 = arith.constant 0 : i32
    %c0_i32_0 = arith.constant 0 : i32
    %c0_i32_1 = arith.constant 0 : i32
    return %c0_i32, %c0_i32_0 : i32, i32
  }
  func.func @transform_4(%arg0: i32) -> (i32, i32) {
    %c0_i32 = arith.constant 0 : i32
    %c0_i32_0 = arith.constant 0 : i32
    %c0_i32_1 = arith.constant 0 : i32
    return %c0_i32, %c0_i32_0 : i32, i32
  }
  func.func @transform_5(%arg0: i32) -> (i32, i32) {
    %c0_i32 = arith.constant 0 : i32
    %c0_i32_0 = arith.constant 0 : i32
    %c0_i32_1 = arith.constant 0 : i32
    return %c0_i32, %c0_i32_0 : i32, i32
  }
  func.func @transform_6(%arg0: i32) -> (i32, i32) {
    %c0_i32 = arith.constant 0 : i32
    %c0_i32_0 = arith.constant 0 : i32
    %c0_i32_1 = arith.constant 0 : i32
    return %c0_i32, %c0_i32_0 : i32, i32
  }
  func.func @transform_7(%arg0: i32) -> (i32, i32) {
    %c0_i32 = arith.constant 0 : i32
    %c0_i32_0 = arith.constant 0 : i32
    %c0_i32_1 = arith.constant 0 : i32
    return %c0_i32, %c0_i32_0 : i32, i32
  }
  func.func @transform_8(%arg0: i32) -> (i32, i32) {
    %c0_i32 = arith.constant 0 : i32
    %c0_i32_0 = arith.constant 0 : i32
    %c0_i32_1 = arith.constant 0 : i32
    return %c0_i32, %c0_i32_0 : i32, i32
  }
  func.func @transform_9(%arg0: i32) -> (i32, i32) {
    %c0_i32 = arith.constant 0 : i32
    %c0_i32_0 = arith.constant 0 : i32
    %c0_i32_1 = arith.constant 0 : i32
    return %c0_i32, %c0_i32_0 : i32, i32
  }
  func.func @transform_10(%arg0: i32) -> (i32, i32) {
    %c0_i32 = arith.constant 0 : i32
    %c0_i32_0 = arith.constant 0 : i32
    return %arg0, %c0_i32 : i32, i32
  }
  func.func @transform_11(%arg0: i32) -> (i32, i32) {
    %c0_i32 = arith.constant 0 : i32
    %c0_i32_0 = arith.constant 0 : i32
    return %arg0, %c0_i32 : i32, i32
  }
  func.func @transform_12(%arg0: i32) -> (i32, i32) {
    %c0_i32 = arith.constant 0 : i32
    %c0_i32_0 = arith.constant 0 : i32
    return %arg0, %c0_i32 : i32, i32
  }
  func.func @transform_13(%arg0: i32) -> (i32, i32) {
    %c0_i32 = arith.constant 0 : i32
    %c0_i32_0 = arith.constant 0 : i32
    return %arg0, %c0_i32 : i32, i32
  }
  func.func @transform_14(%arg0: i32) -> (i32, i32) {
    %c0_i32 = arith.constant 0 : i32
    %c0_i32_0 = arith.constant 0 : i32
    return %arg0, %c0_i32 : i32, i32
  }
}

module attributes {stable_mosaic.version = 14 : i64} {
  func.func @_bridge_body(%arg0: i32, %arg1: memref<256x768xf32, #tpu.memory_space<vmem>>, %arg2: memref<256x768xf32, #tpu.memory_space<vmem>>, %arg3: memref<768x768xf32, #tpu.memory_space<vmem>>, %arg4: memref<768x768xf32, #tpu.memory_space<vmem>>, %arg5: memref<256x768xf32, #tpu.memory_space<vmem>>) attributes {dimension_semantics = [#tpu.dimension_semantics<arbitrary>], iteration_bounds = array<i64: 8>, scalar_prefetch = 0 : i64, scratch_operands = 0 : i64, tpu.core_type = #tpu.core_type<tc>, window_params = [{transform_indices = @transform_0, window_bounds = array<i64: 256, 768>}, {transform_indices = @transform_1, window_bounds = array<i64: 256, 768>}, {pipeline_mode = #tpu.pipeline_mode<synchronous>, transform_indices = @transform_2, window_bounds = array<i64: 768, 768>}, {pipeline_mode = #tpu.pipeline_mode<synchronous>, transform_indices = @transform_3, window_bounds = array<i64: 768, 768>}, {transform_indices = @transform_4, window_bounds = array<i64: 256, 768>}]} {
    %get3A = arith.constant 0 : index
    %get3A_0 = arith.constant 0 : index
    %get3A_1 = vector.load %arg1[%get3A, %get3A_0] : memref<256x768xf32, #tpu.memory_space<vmem>>, vector<256x768xf32>
    %get3A_2 = arith.constant 0 : index
    %get3A_3 = arith.constant 0 : index
    %get3A_4 = vector.load %arg3[%get3A_2, %get3A_3] : memref<768x768xf32, #tpu.memory_space<vmem>>, vector<768x768xf32>
    %dot_general3A = arith.constant dense<0.000000e+00> : vector<256x768xf32>
    %dot_general3A_5 = tpu.matmul %get3A_1, %get3A_4, %dot_general3A {dimension_numbers = #tpu.dot_dimension_numbers<[1], [0], [0], [1], [0, 0, 1, 1], [], []>, precision = #tpu.contract_precision<fp32>, transpose_lhs_hint = false} : vector<256x768xf32>, vector<768x768xf32>, vector<256x768xf32> -> vector<256x768xf32>
    %get3A_6 = arith.constant 0 : index
    %get3A_7 = arith.constant 0 : index
    %get3A_8 = vector.load %arg2[%get3A_6, %get3A_7] : memref<256x768xf32, #tpu.memory_space<vmem>>, vector<256x768xf32>
    %get3A_9 = arith.constant 0 : index
    %get3A_10 = arith.constant 0 : index
    %get3A_11 = vector.load %arg4[%get3A_9, %get3A_10] : memref<768x768xf32, #tpu.memory_space<vmem>>, vector<768x768xf32>
    %dot_general3A_12 = arith.constant dense<0.000000e+00> : vector<256x768xf32>
    %dot_general3A_13 = tpu.matmul %get3A_8, %get3A_11, %dot_general3A_12 {dimension_numbers = #tpu.dot_dimension_numbers<[1], [0], [0], [1], [0, 0, 1, 1], [], []>, precision = #tpu.contract_precision<fp32>, transpose_lhs_hint = false} : vector<256x768xf32>, vector<768x768xf32>, vector<256x768xf32> -> vector<256x768xf32>
    %add3A = arith.addf %dot_general3A_5, %dot_general3A_13 : vector<256x768xf32>
    %tanh3A = math.tanh %add3A : vector<256x768xf32>
    %add3A_14 = arith.addf %get3A_1, %tanh3A : vector<256x768xf32>
    %swap3A = arith.constant 0 : index
    %swap3A_15 = arith.constant 0 : index
    %swap3A_16 = vector.load %arg5[%swap3A, %swap3A_15] : memref<256x768xf32, #tpu.memory_space<vmem>>, vector<256x768xf32>
    tpu.vector_store %arg5[%swap3A, %swap3A_15], %add3A_14 {strides = array<i32>} : memref<256x768xf32, #tpu.memory_space<vmem>>, vector<256x768xf32>,
    return
  }
  func.func @transform_0(%arg0: i32) -> (i32, i32) {
    %c0_i32 = arith.constant 0 : i32
    %c0_i32_0 = arith.constant 0 : i32
    return %arg0, %c0_i32 : i32, i32
  }
  func.func @transform_1(%arg0: i32) -> (i32, i32) {
    %c0_i32 = arith.constant 0 : i32
    %c0_i32_0 = arith.constant 0 : i32
    return %arg0, %c0_i32 : i32, i32
  }
  func.func @transform_2(%arg0: i32) -> (i32, i32) {
    %c0_i32 = arith.constant 0 : i32
    %c0_i32_0 = arith.constant 0 : i32
    %c0_i32_1 = arith.constant 0 : i32
    return %c0_i32, %c0_i32_0 : i32, i32
  }
  func.func @transform_3(%arg0: i32) -> (i32, i32) {
    %c0_i32 = arith.constant 0 : i32
    %c0_i32_0 = arith.constant 0 : i32
    %c0_i32_1 = arith.constant 0 : i32
    return %c0_i32, %c0_i32_0 : i32, i32
  }
  func.func @transform_4(%arg0: i32) -> (i32, i32) {
    %c0_i32 = arith.constant 0 : i32
    %c0_i32_0 = arith.constant 0 : i32
    return %arg0, %c0_i32 : i32, i32
  }
}

module attributes {stable_mosaic.version = 14 : i64} {
  func.func @_ffn_body(%arg0: i32, %arg1: i32, %arg2: memref<1024x768xf32, #tpu.memory_space<vmem>>, %arg3: memref<1024x768xf32, #tpu.memory_space<vmem>>, %arg4: memref<1024x8xf32, #tpu.memory_space<vmem>>, %arg5: memref<1x768x1536xf32, #tpu.memory_space<vmem>>, %arg6: memref<1x1536x768xf32, #tpu.memory_space<vmem>>, %arg7: memref<1024x768xf32, #tpu.memory_space<vmem>>) attributes {dimension_semantics = [#tpu.dimension_semantics<arbitrary>, #tpu.dimension_semantics<arbitrary>], iteration_bounds = array<i64: 2, 6>, scalar_prefetch = 0 : i64, scratch_operands = 0 : i64, tpu.core_type = #tpu.core_type<tc>, window_params = [{transform_indices = @transform_0, window_bounds = array<i64: 1024, 768>}, {transform_indices = @transform_1, window_bounds = array<i64: 1024, 768>}, {transform_indices = @transform_2, window_bounds = array<i64: 1024, 8>}, {transform_indices = @transform_3, window_bounds = array<i64: 1, 768, 1536>}, {transform_indices = @transform_4, window_bounds = array<i64: 1, 1536, 768>}, {transform_indices = @transform_5, window_bounds = array<i64: 1024, 768>}]} {
    %get3A = arith.constant 0 : index
    %get3A_0 = arith.constant 0 : index
    %get3A_1 = vector.load %arg2[%get3A, %get3A_0] : memref<1024x768xf32, #tpu.memory_space<vmem>>, vector<1024x768xf32>
    %get3A_2 = arith.constant 0 : index
    %get3A_3 = arith.constant 0 : index
    %get3A_4 = arith.constant 0 : index
    %get3A_5 = vector.load %arg5[%get3A_2, %get3A_3, %get3A_4] : memref<1x768x1536xf32, #tpu.memory_space<vmem>>, vector<1x768x1536xf32>
    %get3A_6 = vector.shape_cast %get3A_5 : vector<1x768x1536xf32> to vector<768x1536xf32>
    %dot_general3A = arith.constant dense<0.000000e+00> : vector<1024x1536xf32>
    %dot_general3A_7 = tpu.matmul %get3A_1, %get3A_6, %dot_general3A {dimension_numbers = #tpu.dot_dimension_numbers<[1], [0], [0], [1], [0, 0, 1, 1], [], []>, transpose_lhs_hint = false} : vector<1024x768xf32>, vector<768x1536xf32>, vector<1024x1536xf32> -> vector<1024x1536xf32>
    %max3A = arith.constant 0.000000e+00 : f32
    %max3A_8 = vector.broadcast %max3A : f32 to vector<1024x1536xf32>
    %max3A_9 = arith.maximumf %dot_general3A_7, %max3A_8 : vector<1024x1536xf32>
    %square3A = arith.mulf %max3A_9, %max3A_9 : vector<1024x1536xf32>
    %get3A_10 = arith.constant 0 : index
    %get3A_11 = arith.constant 0 : index
    %get3A_12 = arith.constant 0 : index
    %get3A_13 = vector.load %arg6[%get3A_10, %get3A_11, %get3A_12] : memref<1x1536x768xf32, #tpu.memory_space<vmem>>, vector<1x1536x768xf32>
    %get3A_14 = vector.shape_cast %get3A_13 : vector<1x1536x768xf32> to vector<1536x768xf32>
    %dot_general3A_15 = arith.constant dense<0.000000e+00> : vector<1024x768xf32>
    %dot_general3A_16 = tpu.matmul %square3A, %get3A_14, %dot_general3A_15 {dimension_numbers = #tpu.dot_dimension_numbers<[1], [0], [0], [1], [0, 0, 1, 1], [], []>, transpose_lhs_hint = false} : vector<1024x1536xf32>, vector<1536x768xf32>, vector<1024x768xf32> -> vector<1024x768xf32>
    %iota3A = tpu.iota {dimensions = array<i32: 1>} : vector<1024x8xi32>
    %eq3A = vector.broadcast %arg1 : i32 to vector<1024x8xi32>
    %eq3A_17 = arith.cmpi eq, %iota3A, %eq3A : vector<1024x8xi32>
    %get3A_18 = arith.constant 0 : index
    %get3A_19 = arith.constant 0 : index
    %get3A_20 = vector.load %arg4[%get3A_18, %get3A_19] : memref<1024x8xf32, #tpu.memory_space<vmem>>, vector<1024x8xf32>
    %jit3A = arith.constant 0.000000e+00 : f32
    %broadcast_in_dim3A = vector.broadcast %jit3A : f32 to vector<1024x8xf32>
    %select_n3A = arith.select %eq3A_17, %get3A_20, %broadcast_in_dim3A : vector<1024x8xi1>, vector<1024x8xf32>
    %reduce_sum3A = arith.constant dense<0.000000e+00> : vector<1024xf32>
    %reduce_sum3A_21 = vector.multi_reduction <add>, %select_n3A, %reduce_sum3A [1] : vector<1024x8xf32> to vector<1024xf32>
    %broadcast_in_dim3A_22 = vector.shape_cast %reduce_sum3A_21 : vector<1024xf32> to vector<1024x1xf32>
    %mul3A = vector.broadcast %broadcast_in_dim3A_22 : vector<1024x1xf32> to vector<1024x768xf32>
    %mul3A_23 = arith.mulf %mul3A, %dot_general3A_16 : vector<1024x768xf32>
    %eq3A_24 = arith.constant 0 : i32
    %eq3A_25 = arith.cmpi eq, %arg1, %eq3A_24 : i32
    %convert_element_type3A = arith.extui %eq3A_25 : i1 to i32
    %cond3A = arith.constant 0 : i32
    %cond3A_26 = arith.cmpi ne, %convert_element_type3A, %cond3A : i32
    scf.if %cond3A_26 {
      %get3A_31 = arith.constant 0 : index
      %get3A_32 = arith.constant 0 : index
      %get3A_33 = vector.load %arg3[%get3A_31, %get3A_32] : memref<1024x768xf32, #tpu.memory_space<vmem>>, vector<1024x768xf32>
      %add3A = arith.addf %get3A_33, %mul3A_23 : vector<1024x768xf32>
      %swap3A = arith.constant 0 : index
      %swap3A_34 = arith.constant 0 : index
      %swap3A_35 = vector.load %arg7[%swap3A, %swap3A_34] : memref<1024x768xf32, #tpu.memory_space<vmem>>, vector<1024x768xf32>
      tpu.vector_store %arg7[%swap3A, %swap3A_34], %add3A {strides = array<i32>} : memref<1024x768xf32, #tpu.memory_space<vmem>>, vector<1024x768xf32>,
    } else {
    }
    %ne3A = arith.constant 0 : i32
    %ne3A_27 = arith.cmpi ne, %arg1, %ne3A : i32
    %convert_element_type3A_28 = arith.extui %ne3A_27 : i1 to i32
    %cond3A_29 = arith.constant 0 : i32
    %cond3A_30 = arith.cmpi ne, %convert_element_type3A_28, %cond3A_29 : i32
    scf.if %cond3A_30 {
      %get3A_31 = arith.constant 0 : index
      %get3A_32 = arith.constant 0 : index
      %get3A_33 = vector.load %arg7[%get3A_31, %get3A_32] : memref<1024x768xf32, #tpu.memory_space<vmem>>, vector<1024x768xf32>
      %add3A = arith.addf %get3A_33, %mul3A_23 : vector<1024x768xf32>
      %swap3A = arith.constant 0 : index
      %swap3A_34 = arith.constant 0 : index
      %swap3A_35 = vector.load %arg7[%swap3A, %swap3A_34] : memref<1024x768xf32, #tpu.memory_space<vmem>>, vector<1024x768xf32>
      tpu.vector_store %arg7[%swap3A, %swap3A_34], %add3A {strides = array<i32>} : memref<1024x768xf32, #tpu.memory_space<vmem>>, vector<1024x768xf32>,
    } else {
    }
    return
  }
  func.func @transform_0(%arg0: i32, %arg1: i32) -> (i32, i32) {
    %c0_i32 = arith.constant 0 : i32
    %c0_i32_0 = arith.constant 0 : i32
    return %arg0, %c0_i32 : i32, i32
  }
  func.func @transform_1(%arg0: i32, %arg1: i32) -> (i32, i32) {
    %c0_i32 = arith.constant 0 : i32
    %c0_i32_0 = arith.constant 0 : i32
    return %arg0, %c0_i32 : i32, i32
  }
  func.func @transform_2(%arg0: i32, %arg1: i32) -> (i32, i32) {
    %c0_i32 = arith.constant 0 : i32
    %c0_i32_0 = arith.constant 0 : i32
    return %arg0, %c0_i32 : i32, i32
  }
  func.func @transform_3(%arg0: i32, %arg1: i32) -> (i32, i32, i32) {
    %c0_i32 = arith.constant 0 : i32
    %c0_i32_0 = arith.constant 0 : i32
    %c0_i32_1 = arith.constant 0 : i32
    return %arg1, %c0_i32, %c0_i32_0 : i32, i32, i32
  }
  func.func @transform_4(%arg0: i32, %arg1: i32) -> (i32, i32, i32) {
    %c0_i32 = arith.constant 0 : i32
    %c0_i32_0 = arith.constant 0 : i32
    %c0_i32_1 = arith.constant 0 : i32
    return %arg1, %c0_i32, %c0_i32_0 : i32, i32, i32
  }
  func.func @transform_5(%arg0: i32, %arg1: i32) -> (i32, i32) {
    %c0_i32 = arith.constant 0 : i32
    %c0_i32_0 = arith.constant 0 : i32
    return %arg0, %c0_i32 : i32, i32
  }
}

module attributes {stable_mosaic.version = 14 : i64} {
  func.func @_trans_body(%arg0: i32, %arg1: i32, %arg2: memref<1024x768xf32, #tpu.memory_space<vmem>>, %arg3: memref<1024x768xf32, #tpu.memory_space<vmem>>, %arg4: memref<1024x8xf32, #tpu.memory_space<vmem>>, %arg5: memref<1x768x1536xf32, #tpu.memory_space<vmem>>, %arg6: memref<1x1536x768xf32, #tpu.memory_space<vmem>>, %arg7: memref<1024x768xf32, #tpu.memory_space<vmem>>) attributes {dimension_semantics = [#tpu.dimension_semantics<arbitrary>, #tpu.dimension_semantics<arbitrary>], iteration_bounds = array<i64: 2, 2>, scalar_prefetch = 0 : i64, scratch_operands = 0 : i64, tpu.core_type = #tpu.core_type<tc>, window_params = [{transform_indices = @transform_0, window_bounds = array<i64: 1024, 768>}, {transform_indices = @transform_1, window_bounds = array<i64: 1024, 768>}, {transform_indices = @transform_2, window_bounds = array<i64: 1024, 8>}, {transform_indices = @transform_3, window_bounds = array<i64: 1, 768, 1536>}, {transform_indices = @transform_4, window_bounds = array<i64: 1, 1536, 768>}, {transform_indices = @transform_5, window_bounds = array<i64: 1024, 768>}]} {
    %get3A = arith.constant 0 : index
    %get3A_0 = arith.constant 0 : index
    %get3A_1 = vector.load %arg3[%get3A, %get3A_0] : memref<1024x768xf32, #tpu.memory_space<vmem>>, vector<1024x768xf32>
    %get3A_2 = arith.constant 0 : index
    %get3A_3 = arith.constant 0 : index
    %get3A_4 = arith.constant 0 : index
    %get3A_5 = vector.load %arg5[%get3A_2, %get3A_3, %get3A_4] : memref<1x768x1536xf32, #tpu.memory_space<vmem>>, vector<1x768x1536xf32>
    %get3A_6 = vector.shape_cast %get3A_5 : vector<1x768x1536xf32> to vector<768x1536xf32>
    %dot_general3A = arith.constant dense<0.000000e+00> : vector<1024x1536xf32>
    %dot_general3A_7 = tpu.matmul %get3A_1, %get3A_6, %dot_general3A {dimension_numbers = #tpu.dot_dimension_numbers<[1], [0], [0], [1], [0, 0, 1, 1], [], []>, transpose_lhs_hint = false} : vector<1024x768xf32>, vector<768x1536xf32>, vector<1024x1536xf32> -> vector<1024x1536xf32>
    %integer_pow3A = arith.mulf %dot_general3A_7, %dot_general3A_7 : vector<1024x1536xf32>
    %integer_pow3A_8 = arith.mulf %dot_general3A_7, %integer_pow3A : vector<1024x1536xf32>
    %mul3A = arith.constant 4.471500e-02 : f32
    %mul3A_9 = vector.broadcast %mul3A : f32 to vector<1024x1536xf32>
    %mul3A_10 = arith.mulf %mul3A_9, %integer_pow3A_8 : vector<1024x1536xf32>
    %add3A = arith.addf %dot_general3A_7, %mul3A_10 : vector<1024x1536xf32>
    %mul3A_11 = arith.constant 0.797884583 : f32
    %mul3A_12 = vector.broadcast %mul3A_11 : f32 to vector<1024x1536xf32>
    %mul3A_13 = arith.mulf %mul3A_12, %add3A : vector<1024x1536xf32>
    %tanh3A = math.tanh %mul3A_13 : vector<1024x1536xf32>
    %add3A_14 = arith.constant 1.000000e+00 : f32
    %add3A_15 = vector.broadcast %add3A_14 : f32 to vector<1024x1536xf32>
    %add3A_16 = arith.addf %add3A_15, %tanh3A : vector<1024x1536xf32>
    %mul3A_17 = arith.constant 5.000000e-01 : f32
    %mul3A_18 = vector.broadcast %mul3A_17 : f32 to vector<1024x1536xf32>
    %mul3A_19 = arith.mulf %mul3A_18, %add3A_16 : vector<1024x1536xf32>
    %mul3A_20 = arith.mulf %dot_general3A_7, %mul3A_19 : vector<1024x1536xf32>
    %get3A_21 = arith.constant 0 : index
    %get3A_22 = arith.constant 0 : index
    %get3A_23 = arith.constant 0 : index
    %get3A_24 = vector.load %arg6[%get3A_21, %get3A_22, %get3A_23] : memref<1x1536x768xf32, #tpu.memory_space<vmem>>, vector<1x1536x768xf32>
    %get3A_25 = vector.shape_cast %get3A_24 : vector<1x1536x768xf32> to vector<1536x768xf32>
    %dot_general3A_26 = arith.constant dense<0.000000e+00> : vector<1024x768xf32>
    %dot_general3A_27 = tpu.matmul %mul3A_20, %get3A_25, %dot_general3A_26 {dimension_numbers = #tpu.dot_dimension_numbers<[1], [0], [0], [1], [0, 0, 1, 1], [], []>, transpose_lhs_hint = false} : vector<1024x1536xf32>, vector<1536x768xf32>, vector<1024x768xf32> -> vector<1024x768xf32>
    %iota3A = tpu.iota {dimensions = array<i32: 1>} : vector<1024x8xi32>
    %add3A_28 = arith.constant 6 : i32
    %add3A_29 = arith.addi %arg1, %add3A_28 : i32
    %eq3A = vector.broadcast %add3A_29 : i32 to vector<1024x8xi32>
    %eq3A_30 = arith.cmpi eq, %iota3A, %eq3A : vector<1024x8xi32>
    %get3A_31 = arith.constant 0 : index
    %get3A_32 = arith.constant 0 : index
    %get3A_33 = vector.load %arg4[%get3A_31, %get3A_32] : memref<1024x8xf32, #tpu.memory_space<vmem>>, vector<1024x8xf32>
    %jit3A = arith.constant 0.000000e+00 : f32
    %broadcast_in_dim3A = vector.broadcast %jit3A : f32 to vector<1024x8xf32>
    %select_n3A = arith.select %eq3A_30, %get3A_33, %broadcast_in_dim3A : vector<1024x8xi1>, vector<1024x8xf32>
    %reduce_sum3A = arith.constant dense<0.000000e+00> : vector<1024xf32>
    %reduce_sum3A_34 = vector.multi_reduction <add>, %select_n3A, %reduce_sum3A [1] : vector<1024x8xf32> to vector<1024xf32>
    %broadcast_in_dim3A_35 = vector.shape_cast %reduce_sum3A_34 : vector<1024xf32> to vector<1024x1xf32>
    %mul3A_36 = vector.broadcast %broadcast_in_dim3A_35 : vector<1024x1xf32> to vector<1024x768xf32>
    %mul3A_37 = arith.mulf %mul3A_36, %dot_general3A_27 : vector<1024x768xf32>
    %eq3A_38 = arith.constant 0 : i32
    %eq3A_39 = arith.cmpi eq, %arg1, %eq3A_38 : i32
    %convert_element_type3A = arith.extui %eq3A_39 : i1 to i32
    %cond3A = arith.constant 0 : i32
    %cond3A_40 = arith.cmpi ne, %convert_element_type3A, %cond3A : i32
    scf.if %cond3A_40 {
      %get3A_45 = arith.constant 0 : index
      %get3A_46 = arith.constant 0 : index
      %get3A_47 = vector.load %arg2[%get3A_45, %get3A_46] : memref<1024x768xf32, #tpu.memory_space<vmem>>, vector<1024x768xf32>
      %add3A_48 = arith.addf %get3A_47, %mul3A_37 : vector<1024x768xf32>
      %swap3A = arith.constant 0 : index
      %swap3A_49 = arith.constant 0 : index
      %swap3A_50 = vector.load %arg7[%swap3A, %swap3A_49] : memref<1024x768xf32, #tpu.memory_space<vmem>>, vector<1024x768xf32>
      tpu.vector_store %arg7[%swap3A, %swap3A_49], %add3A_48 {strides = array<i32>} : memref<1024x768xf32, #tpu.memory_space<vmem>>, vector<1024x768xf32>,
    } else {
    }
    %ne3A = arith.constant 0 : i32
    %ne3A_41 = arith.cmpi ne, %arg1, %ne3A : i32
    %convert_element_type3A_42 = arith.extui %ne3A_41 : i1 to i32
    %cond3A_43 = arith.constant 0 : i32
    %cond3A_44 = arith.cmpi ne, %convert_element_type3A_42, %cond3A_43 : i32
    scf.if %cond3A_44 {
      %get3A_45 = arith.constant 0 : index
      %get3A_46 = arith.constant 0 : index
      %get3A_47 = vector.load %arg7[%get3A_45, %get3A_46] : memref<1024x768xf32, #tpu.memory_space<vmem>>, vector<1024x768xf32>
      %add3A_48 = arith.addf %get3A_47, %mul3A_37 : vector<1024x768xf32>
      %swap3A = arith.constant 0 : index
      %swap3A_49 = arith.constant 0 : index
      %swap3A_50 = vector.load %arg7[%swap3A, %swap3A_49] : memref<1024x768xf32, #tpu.memory_space<vmem>>, vector<1024x768xf32>
      tpu.vector_store %arg7[%swap3A, %swap3A_49], %add3A_48 {strides = array<i32>} : memref<1024x768xf32, #tpu.memory_space<vmem>>, vector<1024x768xf32>,
    } else {
    }
    return
  }
  func.func @transform_0(%arg0: i32, %arg1: i32) -> (i32, i32) {
    %c0_i32 = arith.constant 0 : i32
    %c0_i32_0 = arith.constant 0 : i32
    return %arg0, %c0_i32 : i32, i32
  }
  func.func @transform_1(%arg0: i32, %arg1: i32) -> (i32, i32) {
    %c0_i32 = arith.constant 0 : i32
    %c0_i32_0 = arith.constant 0 : i32
    return %arg0, %c0_i32 : i32, i32
  }
  func.func @transform_2(%arg0: i32, %arg1: i32) -> (i32, i32) {
    %c0_i32 = arith.constant 0 : i32
    %c0_i32_0 = arith.constant 0 : i32
    return %arg0, %c0_i32 : i32, i32
  }
  func.func @transform_3(%arg0: i32, %arg1: i32) -> (i32, i32, i32) {
    %c0_i32 = arith.constant 0 : i32
    %c0_i32_0 = arith.constant 0 : i32
    %c0_i32_1 = arith.constant 0 : i32
    return %arg1, %c0_i32, %c0_i32_0 : i32, i32, i32
  }
  func.func @transform_4(%arg0: i32, %arg1: i32) -> (i32, i32, i32) {
    %c0_i32 = arith.constant 0 : i32
    %c0_i32_0 = arith.constant 0 : i32
    %c0_i32_1 = arith.constant 0 : i32
    return %arg1, %c0_i32, %c0_i32_0 : i32, i32, i32
  }
  func.func @transform_5(%arg0: i32, %arg1: i32) -> (i32, i32) {
    %c0_i32 = arith.constant 0 : i32
    %c0_i32_0 = arith.constant 0 : i32
    return %arg0, %c0_i32 : i32, i32
  }
}

</mosaic_0001>

<sc_bundles>
// kernel: kernel.9.cloned.1.call-start
scs
__scs_entry_jumppad:
0x0: {  	(pc) =	sbr.rel $0x88, $3  }
0x1: {  	(tag) =	ssettag $0x0;
	lr =	simm.s32 $0x1  }
0x2: {  	[smem:$0x3F8C] =	sst lr;
	_ =	strace $0xD0000000  }
0x3: {  	_ = 	snop  }
0x4: {  	_ = 	snop  }
0x5: {  	_ = 	snop  }
0x6: {  	_ = 	snop  }
0x7: {  	_ = 	snop  }
__scs_overlays_trampoline_lowered:
0x8: {  	[smem:$0x3F9B] =	sst s0  }
0x9: {  	[smem:$0x3F9C] =	sst s1  }
0xa: {  	[smem:$0x3F9D] =	sst s2  }
0xb: {  	[smem:$0x3F9E] =	sst s3  }
0xc: {  	[smem:$0x3F9F] =	sst s4  }
0xd: {  	[smem:$0x3FA0] =	sst s5  }
0xe: {  	[smem:$0x3FA1] =	sst s6  }
0xf: {  	[smem:$0x3FA2] =	sst s7  }
0x10: {  	[smem:$0x3FA3] =	sst s8  }
0x11: {  	[smem:$0x3FA4] =	sst s9;
	s0 =	simm.s32 @!p0 $0x0  }
0x12: {  	s1 =	sld [smem:$0x3F8A];
	s0 =	simm.s32 @p0 $0x1  }
0x13: {  	[smem:$0x3FA5] =	sst s0;
	s0 =	simm.s32 @!p1 $0x0  }
0x14: {  	s2 =	sld [smem:$0x3F89];
	s0 =	simm.s32 @p1 $0x1  }
0x15: {  	[smem:$0x3FA6] =	sst s0;
	s0 =	simm.s32 @!p2 $0x0  }
0x16: {  	s3 =	sld [smem:$0x3FDB];
	s0 =	simm.s32 @p2 $0x1  }
0x17: {  	s4 =	simm.s32 $0x1BF5;
	[smem:$0x3FA8] =	sst s0  }
0x18: {  	s0 =	sld [smem:$0x3F8B];
	_ =	swait.ge [sflag:s4], $0x0  }
0x19: {  	s7 =	sld [smem:$0x3F8C]  }
0x1a: {  	s8 =	sadd.s32 $0xFFFFE003, lr  }
0x1b: {  	s9 =	sadd.s32 $0xFFFFFEF7, lr;
	s5 =	simm.s32 $0xFFFFFFFF;
	p2 =	slt.u32 s8, $0xFFFFF086  }
0x1c: {  	p1 =	slt.u32 s9, $0xF7A;
	s5 =	simm.s32 @!p2 $0x0  }
0x1d: {  	s5 =	simm.s32 @p1 $0x1;
	p0 =	seq.s32 s7, s2  }
0x1e: {  	s7 =	smul.u32 @!p0 $0xF7A, s2;
	p2 =	seq.s32 @!p0 s5, $0x0  }
0x1f: {  	s9 =	smul.u32 $0xF7A, s1;
	s8 =	simm.s32 @!p0 $0x1BF5;
	p2 =	por !p2, p0  }
0x20: {  	[sflag:s8] =	ssyncset.s32 @!p0 $0xFFFFF086;
	s6 =	sadd.s32 @!p0 s3, s7;
	s7 =	simm.s32 @!p0 $0x108  }
0x21: {  	s3 =	sadd.s32 s3, s9;
	s6 =	sadd.s32 @!p0 $0x88, s6;
	s7 =	simm.s32 @p2 $0x1082  }
0x22: {  	[simem:s7], [sflag:s8] =	dma.local @!p0 [hbm:s6], $0xF7A  }
0x23: {  	s9 =	sor.u32 $0xD0000000, s2;
	s6 =	simm.s32 $0x108;
	_ =	swait.ge @!p0 [sflag:s8], $0x0  }
0x24: {  	s3 =	sadd.s32 $0x88, s3;
	s6 =	simm.s32 @!p1 $0x1082;
	[sflag:s4] =	ssyncset.s32 $0xFFFFF086  }
0x25: {  	[simem:s6], [sflag:s4] =	dma.local [hbm:s3], $0xF7A  }
0x26: {  	[smem:$0x3F8C] =	sst s1;
	(tag) =	ssettag s2;
	_ =	strace s9  }
0x27: {  	s1 =	sld [smem:$0x3F9C]  }
0x28: {  	s2 =	sld [smem:$0x3F9D]  }
0x29: {  	s4 =	sld [smem:$0x3F9F]  }
0x2a: {  	p0 =	seq.s32 s5, $0x0;
	s5 =	sld [smem:$0x3FA0]  }
0x2b: {  	s6 =	sld [smem:$0x3FA1]  }
0x2c: {  	s7 =	sld [smem:$0x3FA2]  }
0x2d: {  	s3 =	simm.s32 $0x108;
	s8 =	sld [smem:$0x3FA3]  }
0x2e: {  	s3 =	simm.s32 @!p0 $0x1082;
	s9 =	sld [smem:$0x3FA4]  }
0x2f: {  	lr =	sadd.s32 s0, s3;
	s0 =	sld [smem:$0x3F9B]  }
0x30: {  	s3 =	sld [smem:$0x3F9E]  }
0x31: {  	[smem:$0x3FA7] =	sst s10  }
0x32: {  	s10 =	sld [smem:$0x3FA5];
	_ =	sdelay $0x3  }
0x33: {  	p0 =	seq.s32 s10, $0x1;
	s10 =	sld [smem:$0x3FA7];
	_ =	sdelay $0x3  }
0x34: {  	[smem:$0x3FA7] =	sst s10  }
0x35: {  	s10 =	sld [smem:$0x3FA6];
	_ =	sdelay $0x3  }
0x36: {  	p1 =	seq.s32 s10, $0x1;
	s10 =	sld [smem:$0x3FA7];
	_ =	sdelay $0x3  }
0x37: {  	[smem:$0x3FA7] =	sst s10  }
0x38: {  	s10 =	sld [smem:$0x3FA8]  }
0x39: {  	_ = 	snop;
	(pc) =	sbr.ind lr, $3  }
0x3a: {  	_ = 	snop  }
0x3b: {  	_ = 	snop  }
0x3c: {  	p2 =	seq.s32 s10, $0x1;
	s10 =	sld [smem:$0x3FA7]  }
0x3d: {  	_ =	shalt  }
0x3e: {  	_ =	shalt  }
0x3f: {  	_ =	shalt  }
0x40: {  	_ =	shalt  }
0x41: {  	_ =	shalt  }
0x42: {  	_ =	shalt  }
0x43: {  	_ =	shalt  }
0x44: {  	_ =	shalt  }
0x45: {  	_ =	shalt  }
0x46: {  	_ =	shalt  }
0x47: {  	_ =	shalt  }
0x48: {  	_ =	shalt  }
0x49: {  	_ =	shalt  }
0x4a: {  	_ =	shalt  }
0x4b: {  	_ =	shalt  }
0x4c: {  	_ =	shalt  }
0x4d: {  	_ =	shalt  }
0x4e: {  	_ =	shalt  }
0x4f: {  	_ =	shalt  }
0x50: {  	_ =	shalt  }
0x51: {  	_ =	shalt  }
0x52: {  	_ =	shalt  }
0x53: {  	_ =	shalt  }
0x54: {  	_ =	shalt  }
0x55: {  	_ =	shalt  }
0x56: {  	_ =	shalt  }
0x57: {  	_ =	shalt  }
0x58: {  	_ =	shalt  }
0x59: {  	_ =	shalt  }
0x5a: {  	_ =	shalt  }
0x5b: {  	_ =	shalt  }
0x5c: {  	_ =	shalt  }
0x5d: {  	_ =	shalt  }
0x5e: {  	_ =	shalt  }
0x5f: {  	_ =	shalt  }
0x60: {  	_ =	shalt  }
0x61: {  	_ =	shalt  }
0x62: {  	_ =	shalt  }
0x63: {  	_ =	shalt  }
0x64: {  	_ =	shalt  }
0x65: {  	_ =	shalt  }
0x66: {  	_ =	shalt  }
0x67: {  	_ =	shalt  }
0x68: {  	_ =	shalt  }
0x69: {  	_ =	shalt  }
0x6a: {  	_ =	shalt  }
0x6b: {  	_ =	shalt  }
0x6c: {  	_ =	shalt  }
0x6d: {  	_ =	shalt  }
0x6e: {  	_ =	shalt  }
0x6f: {  	_ =	shalt  }
0x70: {  	_ =	shalt  }
0x71: {  	_ =	shalt  }
0x72: {  	_ =	shalt  }
0x73: {  	_ =	shalt  }
0x74: {  	_ =	shalt  }
0x75: {  	_ =	shalt  }
0x76: {  	_ =	shalt  }
0x77: {  	_ =	shalt  }
0x78: {  	_ =	shalt  }
0x79: {  	_ =	shalt  }
0x7a: {  	_ =	shalt  }
0x7b: {  	_ =	shalt  }
0x7c: {  	_ =	shalt  }
0x7d: {  	_ =	shalt  }
0x7e: {  	_ =	shalt  }
0x7f: {  	_ =	shalt  }
0x80: {  	_ =	shalt  }
0x81: {  	_ =	shalt  }
0x82: {  	_ =	shalt  }
0x83: {  	_ =	shalt  }
0x84: {  	_ =	shalt  }
0x85: {  	_ =	shalt  }
0x86: {  	_ =	shalt  }
0x87: {  	_ =	shalt  }
.Lfunc_end0:
.L_simem_size_0:
called_computation_lowered:
.L_overlay_start_0:
0x88: {  	s2 =	sld [smem:$0x3FD9]  }
0x89: {  	s3 =	sld [smem:$0x3FFE];
	_ =	sdelay $0x1  }
0x8a: {  	s1 =	srdreg.scid  }
0x8b: {  	s0 =	sand.u32 $0x1, s1  }
0x8c: {  	s14 =	sshll.u32 s0, $0xA;
	s2 =	sadd.s32 s3, s2  }
0x8d: {  	s2 =	sadd.s32 s2, s14  }
0x8e: {  	[smem:$0x3FB3] =	sst s2  }
0x8f: {  	_ = 	snop  }
0x90: {  	s2 =	sld [smem:$0x3FD0];
	_ =	sdelay $0x2  }
0x91: {  	s15 =	simm.s32 $0xA;
	s4 =	simm.s32 $0x10  }
0x92: {  	[smem:s4], [sflag:s15] =	dma.local [hbm:s2], $0x1  }
0x93: {  	_ =	swait.eq [sflag:s15], $0x1  }
0x94: {  	[sflag:s15] =	ssyncset.done $0x0  }
0x95: {  	s16 =	sld [smem:$0x12];
	[sflag:s15] =	ssyncadd.s32 $0xFFFFFFFF  }
0x96: {  	s17 =	sld [smem:$0x13];
	(tm) =	ssettm $0x1  }
0x97: {  	s18 =	sld [smem:$0x3FFB];
	_ =	sdelay $0x3  }
0x98: {  	_ =	strace s18  }
0x99: {  	s4 =	sld [smem:$0x3FFC];
	_ =	sdelay $0x3  }
0x9a: {  	_ =	strace s4  }
0x9b: {  	s4 =	sld [smem:$0x3FFD];
	_ =	sdelay $0x3  }
0x9c: {  	_ =	strace s4  }
0x9d: {  	_ =	strace $0x8FFFFFFF  }
0x9e: {  	s19 =	sld [smem:$0x3FDB];
	_ =	sdelay $0x1  }
0x9f: {  	s5 =	simm.s32 $_scs_section_size  }
0xa0: {  	s6 =	simm.s32 $_size__tile_overlayer_lowered;
	s7 =	simm.s32 $_tile_overlayer_lowered  }
0xa1: {  	s22 =	simm.s32 $0x1BFF;
	s21 =	sshll.u32 s7, $0x1;
	s4 =	sadd.s32 s5, s19  }
0xa2: {  	s8 =	simm.s32 $0x0;
	s20 =	sshll.u32 s6, $0x1;
	s6 =	sadd.s32 s21, s4  }
0xa3: {  	[timem:s8], [sflag:s22] =	dma.local [hbm:s6], s20  }
0xa4: {  	_ =	swait.ge [sflag:s22], s20  }
0xa5: {  	s5 =	ssub.s32 $0x0, s20;
	[sflag:s22] =	ssyncset.done $0x0  }
0xa6: {  	[sflag:s22] =	ssyncadd.s32 s5;
	_ =	sdelay $0x1  }
0xa7: {  	s23 =	simm.s32 $0x1B8B  }
0xa8: {  	_ =	swait.ge [sflag:s23], $0x1  }
0xa9: {  	[sflag:s23] =	ssyncset.done $0x0  }
0xaa: {  	s25 =	simm.s32 $0x1B8E;
	s24 =	sld [smem:$0x3FFE];
	[sflag:s23] =	ssyncadd.s32 $0xFFFFFFFF  }
0xab: {  	s26 =	simm.s32 $execute0_lowered;
	[smem:$0x3FD2] =	sst s25  }
0xac: {  	s6 =	sshll.u32 s26, $0x1;
	_ =	strace $0x80000046;
	[dreg:$0x1] =	wrdreg $0xFFFFFFFF  }
0xad: {  	s28 =	simm.s32 $_size_execute0_lowered;
	s4 =	sadd.s32 s4, s6;
	[dreg:$0x0] =	wrdreg $0x0  }
0xae: {  	s6 =	sshll.u32 s28, $0x1;
	[dreg:$0x2] =	wrdreg s4  }
0xaf: {  	[dreg:$0x3] =	wrdreg s6  }
0xb0: {  	[dreg:$0x4] =	wrdreg $0xC0  }
0xb1: {  	_ =	task [dreg:s8], $0x5FFFF  }
0xb2: {  	[dreg:$0x1] =	wrdreg $0xFFFFFFFF  }
0xb3: {  	[dreg:$0x0] =	wrdreg $0x60  }
0xb4: {  	[dreg:$0x2] =	wrdreg s24  }
0xb5: {  	[dreg:$0x3] =	wrdreg s16  }
0xb6: {  	[dreg:$0x4] =	wrdreg s17  }
0xb7: {  	[dreg:$0x5] =	wrdreg $0x9  }
0xb8: {  	_ =	task.clear_ibuf [dreg:s8], $0x6FFFF;
	_ =	strace $0x90000046  }
0xb9: {  	s29 =	simm.s32 $0x9;
	_ =	strace $0x80000048  }
0xba: {  	_ =	swait.ge [sflag:s29], $0x1  }
0xbb: {  	[sflag:s29] =	ssyncadd.s32 $0xFFFFFFFF  }
0xbc: {  	_ =	strace $0x90000048  }
0xbd: {  	_ =	sfence  }
0xbe: {  	s30 =	sld [smem:$0x0];
	_ =	sdelay $0x2  }
0xbf: {  	s31 =	sshll.u32 s1, $0xD;
	s1 =	sshrl.u32 s1, $0x2  }
0xc0: {  	s3 =	sand.u32 $0x4000, s31;
	s1 =	sadd.s32 s1, s30  }
0xc1: {  	s0 =	sor.u32 s3, s0;
	s1 =	sshll.u32 s1, $0x11  }
0xc2: {  	s0 =	sor.u32 s1, s0  }
0xc3: {  	s0 =	sadd.s32 $0x8F2B, s0  }
0xc4: {  	[sflag:s0] =	ssyncadd.remote.s32 $0x1  }
0xc5: {  	_ =	sfence.sel $0xFFFF  }
0xc6: {  	[dreg:$0x0] =	wrdreg $0xFFFFFFFF;
	(pc) =	sbr.abs _section_cstart, $3  }
0xc7: {  	[dreg:$0x1] =	wrdreg $0xFFFFFFFF  }
0xc8: {  	_ =	task.clear_ibuf [dreg:s8], $0x2FFFF;
	_ =	strace $0x9FFFFFFF  }
0xc9: {  	(tm) =	ssettm $0x7FFFFFFF  }
tec
execute0_lowered:
.L_overlay_start_1:
0x0: {  	(tag) =	ssettag $0x1  }
0x1: {  	s0 =	rddreg [dreg:$0x0]  }
0x2: {  	s8 =	rddreg [dreg:$0x1]  }
0x3: {  	s11 =	rddreg [dreg:$0x2];
	s2 =	simm.s32 $0x0;
	s3 =	srdreg.scid  }
0x4: {  	s1 =	stileid.u32;
	s28 =	simm.s32 $0x700;
	s29 =	simm.s32 $0x780  }
0x5: {  	s30 =	simm.s32 $0x800;
	s31 =	simm.s32 $0x880;
	[smem:$0x7FF] =	sst s2  }
0x6: {  	s3 =	sand.u32 $0x1, s3;
	s5 =	sshll.u32 s1, $0xA;
	s6 =	sadd.s32 $0x33A00, s0  }
0x7: {  	s0 =	sadd.s32 $0x34200, s0;
	s23 =	sshll.u32 s1, $0x8;
	s4 =	sshll.u32 s3, $0x6  }
0x8: {  	_ =	strace $0x80000047;
	s3 =	ssub.s32 $0x2, s3;
	s5 =	sor.u32 s4, s5  }
0x9: {  	s7 =	sshrl.u32 s3, $0x1;
	s24 =	sor.u32 s4, s23;
	s5 =	sshrl.u32 s5, $0x3  }
0xa: {  	s23 =	simm.s32 $0x500;
	s12 =	ssub.s32 s3, s7;
	s25 =	sadd.s32 s6, s5  }
0xb: {  	s26 =	sor.u32 $0x10, s5;
	s9 =	sor.u32 $0x20, s5;
	s10 =	sor.u32 $0x30, s5  }
0xc: {  	s13 =	sor.u32 $0x40, s5;
	s21 =	sadd.s32 s0, s5;
	s12 =	smax.u32 s12, $0x1  }
0xd: {  	[dreg:$0x4] =	wrdreg s25;
	s14 =	sadd.s32 s6, s26;
	s15 =	sadd.s32 s6, s9  }
0xe: {  	s16 =	sadd.s32 s6, s10;
	s17 =	sadd.s32 s6, s13;
	[dreg:$0xc] =	wrdreg s21  }
0xf: {  	s22 =	sadd.s32 s0, s26;
	s3 =	sadd.s32 s0, s9;
	[dreg:$0x5] =	wrdreg s14  }
0x10: {  	s25 =	sshrl.u32 s24, $0x3;
	s21 =	simm.s32 $0x400;
	[dreg:$0x6] =	wrdreg s15  }
0x11: {  	s24 =	simm.s32 $0x580;
	[dreg:$0x7] =	wrdreg s16;
	s14 =	sor.u32 $0x50, s5  }
0x12: {  	[dreg:$0x8] =	wrdreg s17;
	s15 =	sor.u32 $0x60, s5;
	s16 =	sor.u32 $0x70, s5  }
0x13: {  	s17 =	sshll.u32 s1, $0x7;
	[dreg:$0xd] =	wrdreg s22;
	s5 =	sadd.s32 s0, s13  }
0x14: {  	s8 =	sadd.s32 s8, s25;
	s13 =	simm.s32 $0x1;
	s22 =	simm.s32 $0x480  }
0x15: {  	s25 =	simm.s32 $0x600;
	s18 =	sadd.s32 s6, s14;
	s19 =	sadd.s32 s6, s15  }
0x16: {  	s20 =	sadd.s32 s6, s16;
	s17 =	sor.u32 s4, s17;
	s4 =	sadd.s32 s0, s10  }
0x17: {  	s6 =	sadd.s32 s0, s14;
	s7 =	sadd.s32 s0, s15;
	s9 =	sadd.s32 s0, s16  }
0x18: {  	s10 =	sadd.s32 $0x10, s8;
	s14 =	simm.s32 $0x80;
	[dreg:$0x9] =	wrdreg s18  }
0x19: {  	s15 =	simm.s32 $0x100;
	s16 =	simm.s32 $0x180;
	[dreg:$0xa] =	wrdreg s19  }
0x1a: {  	s0 =	simm.s32 $0x900;
	[dreg:$0xb] =	wrdreg s20;
	s26 =	sshrl.u32 s17, $0x3  }
0x1b: {  	s17 =	simm.s32 $0x200;
	s18 =	simm.s32 $0x280;
	s19 =	simm.s32 $0x300  }
0x1c: {  	v0 =	vimm.s32 $0x0;
	s20 =	simm.s32 $0x380;
	s11 =	sadd.s32 s11, s26;
	s26 =	simm.s32 $0x680  }
.LBB2_1:
0x1d: {  	s1 =	rddreg [dreg:$0x4]  }
0x1e: {  	[tilespmem:s2], [sflag:$0x1] =	stream.linear.gather [hbm4b:s1+s2], $0x40, $0x38;
	[tilespmem:$0x980] =	vst v63  }
0x1f: {  	_ =	swait.ge [sflag:s13], $0x40  }
0x20: {  	[sflag:s13] =	ssyncset.done $0x0  }
0x21: {  	s1 =	rddreg [dreg:$0x5];
	[sflag:s13] =	ssyncadd.s32 $0xFFFFFFC0  }
0x22: {  	[tilespmem:s14], [sflag:$0x1] =	stream.linear.gather [hbm4b:s1+s2], $0x40, $0x38;
	[tilespmem:$0x980] =	vst v63  }
0x23: {  	_ =	swait.ge [sflag:s13], $0x40  }
0x24: {  	[sflag:s13] =	ssyncset.done $0x0  }
0x25: {  	s1 =	rddreg [dreg:$0x6];
	[sflag:s13] =	ssyncadd.s32 $0xFFFFFFC0  }
0x26: {  	[tilespmem:s15], [sflag:$0x1] =	stream.linear.gather [hbm4b:s1+s2], $0x40, $0x38;
	[tilespmem:$0x980] =	vst v63  }
0x27: {  	_ =	swait.ge [sflag:s13], $0x40  }
0x28: {  	[sflag:s13] =	ssyncset.done $0x0  }
0x29: {  	s1 =	rddreg [dreg:$0x7];
	[sflag:s13] =	ssyncadd.s32 $0xFFFFFFC0  }
0x2a: {  	[tilespmem:s16], [sflag:$0x1] =	stream.linear.gather [hbm4b:s1+s2], $0x40, $0x38;
	[tilespmem:$0x980] =	vst v63  }
0x2b: {  	_ =	swait.ge [sflag:s13], $0x40  }
0x2c: {  	[sflag:s13] =	ssyncset.done $0x0  }
0x2d: {  	s1 =	rddreg [dreg:$0x8];
	[sflag:s13] =	ssyncadd.s32 $0xFFFFFFC0  }
0x2e: {  	[tilespmem:s17], [sflag:$0x1] =	stream.linear.gather [hbm4b:s1+s2], $0x40, $0x38;
	[tilespmem:$0x980] =	vst v63  }
0x2f: {  	_ =	swait.ge [sflag:s13], $0x40  }
0x30: {  	[sflag:s13] =	ssyncset.done $0x0  }
0x31: {  	s1 =	rddreg [dreg:$0x9];
	[sflag:s13] =	ssyncadd.s32 $0xFFFFFFC0  }
0x32: {  	[tilespmem:s18], [sflag:$0x1] =	stream.linear.gather [hbm4b:s1+s2], $0x40, $0x38;
	[tilespmem:$0x980] =	vst v63  }
0x33: {  	_ =	swait.ge [sflag:s13], $0x40  }
0x34: {  	[sflag:s13] =	ssyncset.done $0x0  }
0x35: {  	s1 =	rddreg [dreg:$0xa];
	[sflag:s13] =	ssyncadd.s32 $0xFFFFFFC0  }
0x36: {  	[tilespmem:s19], [sflag:$0x1] =	stream.linear.gather [hbm4b:s1+s2], $0x40, $0x38;
	[tilespmem:$0x980] =	vst v63  }
0x37: {  	_ =	swait.ge [sflag:s13], $0x40  }
0x38: {  	[sflag:s13] =	ssyncset.done $0x0  }
0x39: {  	s1 =	rddreg [dreg:$0xb];
	[sflag:s13] =	ssyncadd.s32 $0xFFFFFFC0  }
0x3a: {  	[tilespmem:s20], [sflag:$0x1] =	stream.linear.gather [hbm4b:s1+s2], $0x40, $0x38;
	[tilespmem:$0x980] =	vst v63  }
0x3b: {  	_ =	swait.ge [sflag:s13], $0x40  }
0x3c: {  	[sflag:s13] =	ssyncset.done $0x0  }
0x3d: {  	[sflag:s13] =	ssyncadd.s32 $0xFFFFFFC0  }
0x3e: {  	v2 =	vld [tilespmem:$0x0]  }
0x3f: {  	v3 =	vld [tilespmem:$0x80];
	_ =	sdelay $0x1  }
0x40: {  	v4 =	vld [tilespmem:$0x100];
	_ =	sdelay $0x1  }
0x41: {  	v5 =	vld [tilespmem:$0x180]  }
0x42: {  	vm0 =	vgt.f32 v3, v2  }
0x43: {  	v6 =	vld [tilespmem:$0x200];
	v1 =	vsel vm0, v3, v2  }
0x44: {  	vm1 =	vgt.f32 v4, v1  }
0x45: {  	v7 =	vld [tilespmem:$0x280];
	v1 =	vsel vm1, v4, v1  }
0x46: {  	vm2 =	vgt.f32 v5, v1  }
0x47: {  	v8 =	vld [tilespmem:$0x300];
	v1 =	vsel vm2, v5, v1  }
0x48: {  	vm3 =	vgt.f32 v6, v1  }
0x49: {  	v9 =	vld [tilespmem:$0x380];
	v1 =	vsel vm3, v6, v1  }
0x4a: {  	v10 =	vsel vm0, $0x1, v0;
	vm12 =	vgt.f32 v7, v1  }
0x4b: {  	v10 =	vsel vm1, $0x2, v10;
	v1 =	vsel vm12, v7, v1  }
0x4c: {  	v10 =	vsel vm2, $0x3, v10;
	vm1 =	vgt.f32 v8, v1  }
0x4d: {  	v10 =	vsel vm3, $0x4, v10;
	v11 =	vsel vm1, v8, v1  }
0x4e: {  	v1 =	vsel vm12, $0x5, v10;
	vm13 =	vgt.f32 v9, v11  }
0x4f: {  	v1 =	vsel vm1, $0x6, v1;
	vm2 =	vmneg vm13  }
0x50: {  	v1 =	vnsel vm2, $0x7, v1  }
0x51: {  	vm4 =	veq.s32 v1, $0x0  }
0x52: {  	v2 =	vsel vm4, $0xF149F2CA, v2  }
0x53: {  	vm8 =	veq.s32 v1, $0x1;
	vm14 =	vgt.f32 v2, $-1.000000020e+30  }
0x54: {  	v3 =	vsel vm8, $0xF149F2CA, v3;
	v2 =	vnsel vm14, $0xF149F2CA, v2  }
0x55: {  	vm9 =	veq.s32 v1, $0x2;
	vm10 =	vgt.f32 v3, v2  }
0x56: {  	v2 =	vsel vm10, v3, v2;
	v3 =	vsel vm9, $0xF149F2CA, v4  }
0x57: {  	vm7 =	veq.s32 v1, $0x3;
	vm11 =	vgt.f32 v3, v2  }
0x58: {  	v2 =	vsel vm11, v3, v2;
	v3 =	vsel vm7, $0xF149F2CA, v5  }
0x59: {  	vm6 =	veq.s32 v1, $0x4;
	vm12 =	vgt.f32 v3, v2  }
0x5a: {  	v2 =	vsel vm12, v3, v2;
	v3 =	vsel vm6, $0xF149F2CA, v6  }
0x5b: {  	vm15 =	veq.s32 v1, $0x5;
	vm13 =	vgt.f32 v3, v2  }
0x5c: {  	v57 =	vimm.s32 $0x0;
	v2 =	vsel vm13, v3, v2;
	v3 =	vsel vm15, $0xF149F2CA, v7  }
0x5d: {  	v58 =	vimm.s32 $0x0;
	vm5 =	vmand vm1, vm2;
	vm14 =	vgt.f32 v3, v2  }
0x5e: {  	v4 =	vsel vm15, $0xFFFFFFFF, v57;
	v2 =	vsel vm14, v3, v2;
	v3 =	vsel vm5, $0xF149F2CA, v8  }
0x5f: {  	[tilespmem:$0x1FE40] =	vst v4;
	v4 =	vsel vm5, $0xFFFFFFFF, v58;
	vm5 =	vgt.f32 v3, v2  }
0x60: {  	v59 =	vnsel vm2, $0xF149F2CA, v9;
	v3 =	vsel vm5, v3, v2  }
0x61: {  	vm15 =	vgt.f32 v59, v3  }
0x62: {  	vm3 =	vmneg vm15  }
0x63: {  	v2 =	vsel vm2, v11, v9;
	v3 =	vsel vm3, v3, v59  }
0x64: {  	[tilespmem:$0x1FE50] =	vst v4;
	v4 =	vsub.f32 v3, v2;
	_ =	sdelay $0x1  }
0x65: {  	v4 =	vmul.f32 $1.442695020e+00, v4;
	_ =	sdelay $0x1  }
0x66: {  	(erf) = vpow2.f32 v4;
	_ =	sdelay $0x1  }
0x67: {  	v60 =	vld [tilespmem:$0x10]  }
0x68: {  	v61 =	vld [tilespmem:$0x90];
	_ =	sdelay $0x1  }
0x69: {  	v62 =	vld [tilespmem:$0x110];
	_ =	sdelay $0x1  }
0x6a: {  	v39 =	vimm.s32 $0x0;
	v15 =	vimm.s32 $0x0;
	v40 =	vimm.s32 $0x0;
	v63 =	vld [tilespmem:$0x190]  }
0x6b: {  	v42 =	vimm.s32 $0x0;
	v44 =	vimm.s32 $0x0;
	v19 =	vld [tilespmem:$0x210];
	vm15 =	vgt.f32 v61, v60  }
0x6c: {  	v47 =	vimm.s32 $0x0;
	v20 =	vld [tilespmem:$0x290];
	v35 =	vsel vm10, $0x1, v0;
	v33 =	vsel vm15, v61, v60;
	v4 =	vpop (erf)  }
0x6d: {  	v28 =	vld [tilespmem:$0x20];
	v10 =	vsel vm11, $0x2, v35;
	vm1 =	vgt.f32 v62, v33;
	v32 =	vadd.f32 $1.000000000e+00, v4  }
0x6e: {  	v51 =	vimm.s32 $0x0;
	v29 =	vld [tilespmem:$0xA0];
	v10 =	vsel vm12, $0x3, v10;
	v34 =	vsel vm1, v62, v33  }
0x6f: {  	v21 =	vld [tilespmem:$0x310];
	v10 =	vsel vm13, $0x4, v10;
	vm0 =	vgt.f32 v63, v34;
	(erf) = vrcp.f32 v32  }
0x70: {  	v24 =	vimm.s32 $0x0;
	v45 =	vld [tilespmem:$0x120];
	v10 =	vsel vm14, $0x5, v10;
	v5 =	vsel vm0, v63, v34  }
0x71: {  	v10 =	vsel vm5, $0x6, v10;
	v36 =	vsel vm15, $0x1, v0;
	vm10 =	vgt.f32 v19, v5  }
0x72: {  	v22 =	vld [tilespmem:$0x390];
	vm5 =	vmand vm5, vm3;
	v11 =	vsel vm1, $0x2, v36;
	v5 =	vsel vm10, v19, v5  }
0x73: {  	v11 =	vsel vm0, $0x3, v11;
	vm0 =	vgt.f32 v29, v28;
	vm11 =	vgt.f32 v20, v5  }
0x74: {  	[tilespmem:$0x800] =	vst v1;
	v1 =	vadd.f32 v3, v2;
	v50 =	vsel vm0, v29, v28;
	v5 =	vsel vm11, v20, v5  }
0x75: {  	v55 =	vsel vm0, $0x1, v0;
	vm1 =	vgt.f32 v45, v50;
	vm14 =	vgt.f32 v21, v5  }
0x76: {  	v49 =	vld [tilespmem:$0x1FE40];
	v11 =	vsel vm10, $0x4, v11;
	v25 =	vsel vm1, $0x2, v55;
	v23 =	vsel vm14, v21, v5  }
0x77: {  	v55 =	vimm.s32 $0x0;
	v37 =	vsel vm11, $0x5, v11;
	vm13 =	vgt.f32 v22, v23  }
0x78: {  	v5 =	vnsel vm3, $0x7, v10;
	v38 =	vsel vm14, $0x6, v37;
	vm11 =	vmneg vm13;
	v26 =	vpop (erf)  }
0x79: {  	vm15 =	veq.s32 v5, $0x0;
	v53 =	vnsel vm11, $0xF149F2CA, v22;
	v27 =	vmul.f32 v26, v4  }
0x7a: {  	v12 =	vnsel vm4, $0x0, v26;
	v4 =	vnsel vm11, $0x7, v38;
	vm4 =	veq.s32 v5, $0x1  }
0x7b: {  	v11 =	vnsel vm9, $0x0, v26;
	v17 =	vnsel vm6, $0x0, v26;
	vm6 =	vnez.u8 v49  }
0x7c: {  	v49 =	vimm.s32 $0x0;
	vm10 =	veq.s32 v4, $0x0;
	vm13 =	veq.s32 v4, $0x1  }
0x7d: {  	v14 =	vnsel vm15, $0x0, v27;
	v10 =	vsel vm10, $0xFFFFFFFF, v39;
	v13 =	vnsel vm4, $0x0, v27  }
0x7e: {  	v6 =	vsel vm10, $0xF149F2CA, v60;
	v15 =	vsel vm13, $0xFFFFFFFF, v15;
	vm15 =	veq.s32 v5, $0x2  }
0x7f: {  	v7 =	vsel vm13, $0xF149F2CA, v61;
	vm10 =	veq.s32 v5, $0x3;
	vm13 =	veq.s32 v4, $0x4  }
0x80: {  	vm4 =	veq.s32 v4, $0x5;
	v61 =	vimm.s32 $0x0;
	[tilespmem:$0x1FE60] =	vst v10;
	v10 =	vnsel vm8, $0x0, v26  }
0x81: {  	vm12 =	vgt.f32 v6, $-1.000000020e+30;
	v16 =	vnsel vm15, $0x0, v27;
	vm8 =	veq.s32 v4, $0x2  }
0x82: {  	v18 =	vnsel vm10, $0x0, v27;
	vm15 =	veq.s32 v5, $0x4;
	v46 =	vsel vm13, $0xF149F2CA, v19  }
0x83: {  	v48 =	vsel vm4, $0xF149F2CA, v20;
	v20 =	vnsel vm6, $0x0, v26;
	vm10 =	veq.s32 v5, $0x5  }
0x84: {  	[tilespmem:$0x1FE80] =	vst v15;
	v6 =	vnsel vm12, $0xF149F2CA, v6;
	v15 =	vsel vm8, $0xFFFFFFFF, v40;
	v41 =	vsel vm8, $0xF149F2CA, v62  }
0x85: {  	vm12 =	veq.s32 v4, $0x3;
	v19 =	vnsel vm15, $0x0, v27;
	vm8 =	vmand vm14, vm11  }
0x86: {  	v40 =	vimm.s32 $0x0;
	v10 =	vadd.f32 v13, v10;
	v11 =	vadd.f32 v16, v11  }
0x87: {  	vm9 =	vgt.f32 v7, v6;
	[tilespmem:$0x1FE90] =	vst v15;
	v15 =	vnsel vm7, $0x0, v26;
	v8 =	vsel vm12, $0xFFFFFFFF, v42  }
0x88: {  	v30 =	vld [tilespmem:$0x1A0];
	v43 =	vsel vm12, $0xF149F2CA, v63;
	v52 =	vsel vm8, $0xF149F2CA, v21;
	v6 =	vsel vm9, v7, v6  }
0x89: {  	v21 =	vnsel vm10, $0x0, v27;
	v63 =	vimm.s32 $0x0;
	vm7 =	vgt.f32 v41, v6  }
0x8a: {  	v58 =	vld [tilespmem:$0x1FE50];
	[tilespmem:$0x1FEA0] =	vst v8;
	v8 =	vsel vm13, $0xFFFFFFFF, v44;
	v7 =	vsel vm8, $0xFFFFFFFF, v51;
	v6 =	vsel vm7, v41, v6  }
0x8b: {  	v31 =	vld [tilespmem:$0x220];
	v60 =	vsel vm9, $0x1, v0;
	[tilespmem:$0x1FEB0] =	vst v8;
	v8 =	vsel vm4, $0xFFFFFFFF, v47;
	vm12 =	vgt.f32 v43, v6  }
0x8c: {  	v51 =	vimm.s32 $0x0;
	[tilespmem:$0x1FEC0] =	vst v8;
	v8 =	vsel vm1, v45, v50;
	v6 =	vsel vm12, v43, v6  }
0x8d: {  	v32 =	vld [tilespmem:$0x2A0];
	[tilespmem:$0x1FED0] =	vst v7;
	v7 =	vsel vm11, v23, v22;
	vm4 =	vgt.f32 v30, v8;
	vm13 =	vgt.f32 v46, v6  }
0x8e: {  	v54 =	vsel vm4, v30, v8;
	v56 =	vsel vm4, $0x3, v25;
	v6 =	vsel vm13, v46, v6  }
0x8f: {  	v33 =	vld [tilespmem:$0x320];
	vm4 =	vnez.u8 v58;
	v25 =	vnsel vm5, $0x0, v27;
	vm15 =	vgt.f32 v48, v6  }
0x90: {  	v27 =	vsel vm3, $0x0, v27;
	vm6 =	vgt.f32 v31, v54;
	v6 =	vsel vm15, v48, v6  }
0x91: {  	v34 =	vld [tilespmem:$0x3A0];
	v43 =	vimm.s32 $0x0;
	v35 =	vsel vm6, v31, v54;
	vm14 =	vgt.f32 v52, v6  }
0x92: {  	v24 =	vsel vm14, $0xFFFFFFFF, v24;
	v6 =	vsel vm14, v52, v6;
	vm14 =	vgt.f32 v32, v35  }
0x93: {  	v22 =	vld [tilespmem:$0x30];
	v58 =	vimm.s32 $0x0;
	vm10 =	vgt.f32 v53, v6;
	v57 =	vsel vm14, v32, v35  }
0x94: {  	[tilespmem:$0x1FE70] =	vst v24;
	v35 =	vld [tilespmem:$0xB0];
	v24 =	vnsel vm4, $0x0, v26;
	vm8 =	vmneg vm10;
	vm4 =	vgt.f32 v33, v57  }
0x95: {  	v8 =	vsel vm8, v6, v53;
	v6 =	vsel vm6, $0x4, v56;
	v36 =	vsel vm4, v33, v57  }
0x96: {  	v23 =	vsub.f32 v8, v7;
	v6 =	vsel vm14, $0x5, v6;
	vm6 =	vgt.f32 v34, v36  }
0x97: {  	v37 =	vld [tilespmem:$0x130];
	v46 =	vimm.s32 $0x0;
	v6 =	vsel vm4, $0x6, v6;
	vm14 =	vmneg vm6  }
0x98: {  	v26 =	vsel vm2, $0x0, v26;
	v23 =	vmul.f32 $1.442695020e+00, v23;
	v6 =	vnsel vm14, $0x7, v6  }
0x99: {  	vm0 =	vgt.f32 v35, v22;
	vm2 =	vmand vm4, vm14;
	v56 =	vnsel vm14, $0xF149F2CA, v34  }
0x9a: {  	v59 =	vsel vm0, v35, v22;
	vm10 =	veq.s32 v6, $0x0;
	v41 =	vsel vm0, $0x1, v0  }
0x9b: {  	vm9 =	veq.s32 v6, $0x1;
	v53 =	vsel vm2, $0xF149F2CA, v33;
	(erf) = vpow2.f32 v23  }
0x9c: {  	v38 =	vld [tilespmem:$0x1B0];
	v40 =	vsel vm10, $0xFFFFFFFF, v40;
	v28 =	vsel vm10, $0xF149F2CA, v28;
	vm5 =	vgt.f32 v37, v59  }
0x9d: {  	v43 =	vsel vm9, $0xFFFFFFFF, v43;
	v29 =	vsel vm9, $0xF149F2CA, v29;
	vm9 =	veq.s32 v6, $0x2  }
0x9e: {  	[tilespmem:$0x1FEE0] =	vst v40;
	v40 =	vsel vm7, $0x2, v60;
	v23 =	vsel vm5, v37, v59;
	vm6 =	vgt.f32 v28, $-1.000000020e+30  }
0x9f: {  	v39 =	vld [tilespmem:$0x230];
	v41 =	vsel vm5, $0x2, v41;
	[tilespmem:$0x1FEF0] =	vst v43;
	v43 =	vsel vm9, $0xFFFFFFFF, v61;
	v9 =	vsel vm9, $0xF149F2CA, v45  }
0xa0: {  	v45 =	vimm.s32 $0x0;
	v60 =	vimm.s32 $0x0;
	v61 =	vimm.s32 $0x0  }
0xa1: {  	v28 =	vnsel vm6, $0xF149F2CA, v28;
	vm7 =	vgt.f32 v38, v23;
	vm6 =	veq.s32 v6, $0x4  }
0xa2: {  	v42 =	vld [tilespmem:$0x2B0];
	v54 =	vsel vm12, $0x3, v40;
	v40 =	vimm.s32 $0x0;
	v23 =	vsel vm7, v38, v23  }
0xa3: {  	v41 =	vsel vm7, $0x3, v41;
	vm7 =	vgt.f32 v29, v28;
	v48 =	vsel vm6, $0xF149F2CA, v31  }
0xa4: {  	v31 =	vsel vm2, $0xFFFFFFFF, v51;
	vm10 =	vgt.f32 v39, v23;
	v28 =	vsel vm7, v29, v28  }
0xa5: {  	[tilespmem:$0x1FF60] =	vst v31;
	v31 =	vsel vm13, $0x4, v54;
	v23 =	vsel vm10, v39, v23;
	v41 =	vsel vm10, $0x4, v41  }
0xa6: {  	v29 =	vld [tilespmem:$0x330];
	vm9 =	vgt.f32 v9, v28;
	vm10 =	veq.s32 v6, $0x3;
	v31 =	vsel vm15, $0x5, v31  }
0xa7: {  	v9 =	vsel vm9, v9, v28;
	v62 =	vsel vm10, $0xF149F2CA, v30;
	vm5 =	vgt.f32 v42, v23  }
0xa8: {  	v45 =	vsel vm10, $0xFFFFFFFF, v45;
	v30 =	vld [tilespmem:$0x3B0];
	v23 =	vsel vm5, v42, v23;
	vm10 =	vgt.f32 v62, v9  }
0xa9: {  	[tilespmem:$0x1FF10] =	vst v45;
	v45 =	vsel vm6, $0xFFFFFFFF, v63;
	v41 =	vsel vm5, $0x5, v41;
	vm5 =	veq.s32 v6, $0x5  }
0xaa: {  	[tilespmem:$0x1FF00] =	vst v43;
	v63 =	vimm.s32 $0x0;
	v9 =	vsel vm10, v62, v9;
	v50 =	vsel vm5, $0xF149F2CA, v32  }
0xab: {  	[tilespmem:$0x1FF20] =	vst v45;
	v45 =	vimm.s32 $0x0;
	v43 =	vpop (erf);
	vm6 =	vgt.f32 v48, v9;
	vm0 =	vgt.f32 v29, v23  }
0xac: {  	v44 =	vadd.f32 $1.000000000e+00, v43;
	v9 =	vsel vm6, v48, v9;
	v28 =	vsel vm0, v29, v23  }
0xad: {  	v23 =	vsel vm5, $0xFFFFFFFF, v49;
	v52 =	vsel vm0, $0x6, v41;
	v41 =	vld [tilespmem:$0x1FE60];
	vm5 =	vgt.f32 v30, v28  }
0xae: {  	v49 =	vimm.s32 $0x0;
	vm4 =	vmneg vm5;
	vm5 =	vgt.f32 v50, v9  }
0xaf: {  	[tilespmem:$0x1FF30] =	vst v23;
	(erf) = vrcp.f32 v44;
	v23 =	vsel vm5, v50, v9;
	v9 =	vnsel vm4, $0x7, v52  }
0xb0: {  	v50 =	vimm.s32 $0x0;
	vm12 =	vgt.f32 v53, v23;
	vm1 =	veq.s32 v9, $0x0  }
0xb1: {  	v52 =	vimm.s32 $0x0;
	v33 =	vsel vm1, $0xFFFFFFFF, v55;
	v23 =	vsel vm12, v53, v23  }
0xb2: {  	v22 =	vsel vm1, $0xF149F2CA, v22;
	vm15 =	vnez.u8 v41;
	v55 =	vnsel vm4, $0xF149F2CA, v30  }
0xb3: {  	v41 =	vadd.f32 v19, v17;
	vm1 =	vgt.f32 v56, v23;
	vm13 =	vgt.f32 v22, $-1.000000020e+30  }
0xb4: {  	v57 =	vnsel vm13, $0xF149F2CA, v22;
	vm3 =	vmneg vm1;
	vm13 =	veq.s32 v9, $0x1  }
0xb5: {  	v47 =	vld [tilespmem:$0x1FE70];
	vm1 =	veq.s32 v9, $0x3;
	v22 =	vsel vm13, $0xFFFFFFFF, v58;
	v23 =	vsel vm3, v23, v56  }
0xb6: {  	v59 =	vsel vm13, $0xF149F2CA, v35;
	vm13 =	veq.s32 v9, $0x2;
	v44 =	vsel vm1, $0xF149F2CA, v38  }
0xb7: {  	v58 =	vadd.f32 v14, v12;
	v12 =	vsel vm4, v28, v30;
	v28 =	vadd.f32 v18, v15  }
0xb8: {  	[tilespmem:$0x1FFA0] =	vst v22;
	v22 =	vsel vm14, v36, v34;
	vm2 =	vgt.f32 v59, v57;
	v62 =	vsel vm13, $0xF149F2CA, v37  }
0xb9: {  	v34 =	vsub.f32 v23, v22;
	v35 =	vsel vm2, $0xFFFFFFFF, v60;
	v32 =	vsel vm2, v59, v57  }
0xba: {  	vm2 =	vnez.u8 v47;
	[tilespmem:$0x1FF40] =	vst v35;
	v35 =	vsel vm13, $0xFFFFFFFF, v61;
	vm13 =	vgt.f32 v62, v32  }
0xbb: {  	v31 =	vsel vm2, $0x6, v31;
	v34 =	vmul.f32 $1.442695020e+00, v34;
	v36 =	vsel vm13, $0xFFFFFFFF, v63  }
0xbc: {  	v32 =	vsel vm13, v62, v32;
	v31 =	vnsel vm8, $0x7, v31;
	[tilespmem:$0x1FF50] =	vst v36;
	v36 =	vsel vm1, $0xFFFFFFFF, v40  }
0xbd: {  	vm13 =	vgt.f32 v44, v32;
	vm1 =	vmand vm0, vm4;
	vm0 =	veq.s32 v31, $0x0  }
0xbe: {  	v53 =	vld [tilespmem:$0x1FE80];
	[tilespmem:$0x1FFB0] =	vst v35;
	v35 =	vpop (erf);
	(erf) = vpow2.f32 v34;
	v34 =	vsel vm13, $0xFFFFFFFF, v45;
	v32 =	vsel vm13, v44, v32  }
0xbf: {  	[tilespmem:$0x1FFC0] =	vst v36;
	v37 =	vsel vm1, $0xFFFFFFFF, v52;
	v36 =	vnsel vm15, $0x0, v35;
	vm15 =	veq.s32 v9, $0x4  }
0xc0: {  	v29 =	vsel vm1, $0xF149F2CA, v29;
	v52 =	vsel vm11, $0x0, v35;
	v48 =	vsel vm15, $0xF149F2CA, v39  }
0xc1: {  	[tilespmem:$0x1FF70] =	vst v34;
	v34 =	vsel vm15, $0xFFFFFFFF, v46;
	vm15 =	veq.s32 v9, $0x5;
	vm13 =	vgt.f32 v48, v32  }
0xc2: {  	v46 =	vadd.f32 v25, v24;
	[tilespmem:$0x1FFD0] =	vst v34;
	v51 =	vsel vm15, $0xF149F2CA, v42;
	v34 =	vsel vm13, $0xFFFFFFFF, v49  }
0xc3: {  	v56 =	vld [tilespmem:$0x1FE90];
	v32 =	vsel vm13, v48, v32;
	vm13 =	vnez.u8 v53;
	[tilespmem:$0x1FF80] =	vst v34;
	v34 =	vsel vm15, $0xFFFFFFFF, v50  }
0xc4: {  	v48 =	vadd.f32 v27, v26;
	vm15 =	vgt.f32 v51, v32;
	[tilespmem:$0x1FFE0] =	vst v34;
	v34 =	vmul.f32 v35, v43  }
0xc5: {  	[tilespmem:$0x1FF90] =	vst v33;
	v47 =	vld [tilespmem:$0x1FEC0];
	v33 =	vnsel vm13, $0x0, v35;
	v32 =	vsel vm15, v51, v32;
	v43 =	vadd.f32 v21, v20  }
0xc6: {  	[tilespmem:$0x1FFF0] =	vst v37;
	vm13 =	vgt.f32 v29, v32;
	v37 =	vnsel vm0, $0x0, v34;
	vm0 =	veq.s32 v31, $0x1  }
0xc7: {  	v29 =	vsel vm13, v29, v32;
	v32 =	vsel vm7, $0x1, v0;
	vm7 =	veq.s32 v31, $0x4  }
0xc8: {  	v50 =	vld [tilespmem:$0x1FED0];
	v2 =	vsel vm8, $0x0, v34;
	v54 =	vnsel vm0, $0x0, v34;
	vm0 =	vnez.u8 v56  }
0xc9: {  	[tilespmem:$0x400] =	vst v58;
	v58 =	vld [tilespmem:$0x1FEF0];
	vm1 =	vgt.f32 v55, v29;
	v44 =	vnsel vm7, $0x0, v34;
	v45 =	vsel vm9, $0x2, v32  }
0xca: {  	v61 =	vld [tilespmem:$0x1FEA0];
	v59 =	vpop (erf);
	vm7 =	vnez.u8 v47;
	vm9 =	veq.s32 v31, $0x5;
	v53 =	vadd.f32 v37, v36  }
0xcb: {  	v39 =	vnsel vm0, $0x0, v35;
	vm0 =	veq.s32 v31, $0x2;
	v60 =	vadd.f32 $1.000000000e+00, v59  }
0xcc: {  	v18 =	vnsel vm7, $0x0, v35;
	v49 =	vnsel vm9, $0x0, v34;
	v17 =	vsel vm10, $0x3, v45  }
0xcd: {  	[tilespmem:$0x900] =	vst v1;
	vm10 =	vmand vm2, vm8;
	vm2 =	vnez.u8 v50;
	v1 =	vadd.f32 v54, v33  }
0xce: {  	vm9 =	vnez.u8 v58;
	v57 =	vnsel vm0, $0x0, v34;
	vm0 =	vmneg vm1  }
0xcf: {  	vm1 =	vnez.u8 v61;
	v14 =	vsel vm0, v29, v55;
	(erf) = vrcp.f32 v60  }
0xd0: {  	[tilespmem:$0x500] =	vst v11;
	v30 =	vld [tilespmem:$0x1FEB0];
	v29 =	vnsel vm1, $0x0, v35;
	vm1 =	veq.s32 v31, $0x3;
	v62 =	vsub.f32 v14, v12  }
0xd1: {  	[tilespmem:$0x600] =	vst v41;
	v50 =	vadd.f32 v23, v22;
	v11 =	vnsel vm2, $0x0, v35;
	v63 =	vnsel vm1, $0x0, v34  }
0xd2: {  	v41 =	vld [tilespmem:$0x1FF80];
	v17 =	vsel vm6, $0x4, v17;
	[tilespmem:$0x490] =	vst v1;
	v1 =	vadd.f32 v63, v29;
	v13 =	vmul.f32 $1.442695020e+00, v62  }
0xd3: {  	[tilespmem:$0x880] =	vst v5;
	v51 =	vnsel vm10, $0x0, v34;
	v17 =	vsel vm5, $0x5, v17;
	v55 =	vld [tilespmem:$0x1FEE0];
	v56 =	vadd.f32 v57, v39  }
0xd4: {  	v20 =	vadd.f32 v51, v11;
	v63 =	vld [tilespmem:$0x1FF00];
	[tilespmem:$0x590] =	vst v1;
	v1 =	vadd.f32 v49, v18;
	(erf) = vpow2.f32 v13  }
0xd5: {  	[tilespmem:$0x810] =	vst v4;
	vm1 =	vnez.u8 v30;
	v17 =	vsel vm12, $0x6, v17;
	v30 =	vld [tilespmem:$0x1FF20];
	v34 =	vadd.f32 v8, v7  }
0xd6: {  	v15 =	vnsel vm1, $0x0, v35;
	v17 =	vnsel vm3, $0x7, v17;
	[tilespmem:$0x690] =	vst v1;
	v1 =	vadd.f32 v2, v52;
	v2 =	vld [tilespmem:$0x1FF10]  }
0xd7: {  	[tilespmem:$0x480] =	vst v10;
	vm8 =	veq.s32 v17, $0x0;
	v60 =	vadd.f32 v44, v15;
	vm10 =	veq.s32 v17, $0x1  }
0xd8: {  	[tilespmem:$0x820] =	vst v6;
	v38 =	vld [tilespmem:$0x1FF60];
	vm5 =	veq.s32 v17, $0x2;
	vm6 =	veq.s32 v17, $0x3;
	vm7 =	vnez.u8 v55;
	v3 =	vpop (erf)  }
0xd9: {  	[tilespmem:$0x830] =	vst v9;
	v33 =	vld [tilespmem:$0x1FF30];
	vm11 =	vnez.u8 v63;
	v54 =	vmul.f32 v3, v59;
	v24 =	vnsel vm7, $0x0, v3  }
0xda: {  	[tilespmem:$0x580] =	vst v28;
	v36 =	vld [tilespmem:$0x1FF50];
	v26 =	vnsel vm9, $0x0, v3;
	v27 =	vnsel vm11, $0x0, v3;
	vm9 =	vnez.u8 v30  }
0xdb: {  	[tilespmem:$0x890] =	vst v31;
	vm7 =	vnez.u8 v2;
	v5 =	vnsel vm9, $0x0, v3;
	vm9 =	vnez.u8 v41  }
0xdc: {  	[tilespmem:$0x790] =	vst v1;
	v1 =	vld [tilespmem:$0x1FF40];
	v57 =	vnsel vm8, $0x0, v54;
	v62 =	vnsel vm10, $0x0, v54;
	v28 =	vnsel vm5, $0x0, v54  }
0xdd: {  	[tilespmem:$0x700] =	vst v46;
	v2 =	vnsel vm7, $0x0, v3;
	v29 =	vnsel vm6, $0x0, v54;
	vm8 =	veq.s32 v17, $0x4;
	v59 =	vpop (erf)  }
0xde: {  	[tilespmem:$0x780] =	vst v48;
	v39 =	vld [tilespmem:$0x1FF70];
	vm10 =	vnez.u8 v33;
	vm5 =	veq.s32 v17, $0x5;
	v61 =	vadd.f32 $1.000000000e+00, v59  }
0xdf: {  	[tilespmem:$0x680] =	vst v43;
	vm6 =	vnez.u8 v36;
	vm7 =	vnez.u8 v38;
	v48 =	vsel vm3, $0x0, v54  }
0xe0: {  	[tilespmem:$0x410] =	vst v53;
	v32 =	vnsel vm8, $0x0, v54;
	v2 =	vadd.f32 v29, v2;
	(erf) = vrcp.f32 v61  }
0xe1: {  	[tilespmem:$0x920] =	vst v50;
	v49 =	vld [tilespmem:$0x1FF90];
	v18 =	vnsel vm10, $0x0, v3;
	vm11 =	vnez.u8 v1;
	v35 =	vnsel vm5, $0x0, v54  }
0xe2: {  	v55 =	vld [tilespmem:$0x1FFC0];
	v19 =	vnsel vm7, $0x0, v3;
	v1 =	vsel vm11, $0x1, v0;
	[tilespmem:$0x5A0] =	vst v2;
	v2 =	vadd.f32 v35, v18  }
0xe3: {  	[tilespmem:$0x510] =	vst v56;
	v56 =	vld [tilespmem:$0x1FFD0];
	vm8 =	vnez.u8 v39;
	v3 =	vsel vm14, $0x0, v3;
	v1 =	vsel vm6, $0x2, v1  }
0xe4: {  	v52 =	vld [tilespmem:$0x1FFB0];
	v37 =	vadd.f32 v57, v24;
	v1 =	vsel vm8, $0x3, v1;
	[tilespmem:$0x6A0] =	vst v2;
	v2 =	vadd.f32 v48, v3  }
0xe5: {  	[tilespmem:$0x710] =	vst v20;
	v40 =	vadd.f32 v62, v26;
	v42 =	vadd.f32 v28, v27;
	v1 =	vsel vm9, $0x4, v1  }
0xe6: {  	vm10 =	vmand vm12, vm3;
	vm12 =	vnez.u8 v49;
	v1 =	vsel vm15, $0x5, v1;
	[tilespmem:$0x7A0] =	vst v2;
	v2 =	vld [tilespmem:$0x1FFA0]  }
0xe7: {  	[tilespmem:$0x910] =	vst v34;
	vm7 =	vnez.u8 v55;
	v43 =	vnsel vm10, $0x0, v54;
	v1 =	vsel vm13, $0x6, v1  }
0xe8: {  	[tilespmem:$0x8A0] =	vst v17;
	v44 =	vadd.f32 v32, v5;
	vm10 =	vnez.u8 v56;
	v1 =	vnsel vm0, $0x7, v1  }
0xe9: {  	v58 =	vld [tilespmem:$0x1FFE0];
	[tilespmem:$0x610] =	vst v60;
	v47 =	vadd.f32 v43, v19;
	vm6 =	vnez.u8 v52;
	vm11 =	veq.s32 v1, $0x0;
	v45 =	vpop (erf)  }
0xea: {  	[tilespmem:$0x420] =	vst v37;
	vm15 =	veq.s32 v1, $0x1;
	vm5 =	veq.s32 v1, $0x2;
	v46 =	vmul.f32 v45, v59  }
0xeb: {  	[tilespmem:$0x4A0] =	vst v40;
	vm8 =	veq.s32 v1, $0x3;
	vm9 =	veq.s32 v1, $0x4;
	vm14 =	vnez.u8 v2  }
0xec: {  	[tilespmem:$0x520] =	vst v42;
	v10 =	vnsel vm12, $0x0, v45;
	v2 =	vnsel vm14, $0x0, v45;
	v3 =	vnsel vm11, $0x0, v46  }
0xed: {  	[tilespmem:$0x620] =	vst v44;
	v8 =	vnsel vm6, $0x0, v45;
	v51 =	vnsel vm15, $0x0, v46;
	v3 =	vadd.f32 v3, v10  }
0xee: {  	v60 =	vld [tilespmem:$0x1FFF0];
	[tilespmem:$0x720] =	vst v47;
	v4 =	vnsel vm7, $0x0, v45;
	vm12 =	vnez.u8 v58;
	v2 =	vadd.f32 v51, v2  }
0xef: {  	vm14 =	vmand vm13, vm0;
	v62 =	vsel vm4, $0x0, v45;
	[tilespmem:$0x430] =	vst v3;
	v3 =	vnsel vm8, $0x0, v46  }
0xf0: {  	v53 =	vnsel vm5, $0x0, v46;
	vm11 =	veq.s32 v1, $0x5;
	[tilespmem:$0x4B0] =	vst v2;
	v2 =	vadd.f32 v3, v4  }
0xf1: {  	[tilespmem:$0x8B0] =	vst v1;
	v54 =	vadd.f32 v53, v8;
	v59 =	vnsel vm11, $0x0, v46;
	v4 =	vnsel vm12, $0x0, v45  }
0xf2: {  	v57 =	vnsel vm9, $0x0, v46;
	v8 =	vnsel vm10, $0x0, v45;
	[tilespmem:$0x5B0] =	vst v2;
	v2 =	vadd.f32 v59, v4  }
0xf3: {  	vm15 =	vnez.u8 v60;
	v63 =	vsel vm0, $0x0, v46;
	[tilespmem:$0x530] =	vst v54;
	v3 =	vadd.f32 v57, v8  }
0xf4: {  	v61 =	vnsel vm14, $0x0, v46;
	v4 =	vnsel vm15, $0x0, v45;
	[tilespmem:$0x6B0] =	vst v2;
	v2 =	vadd.f32 v63, v62  }
0xf5: {  	[tilespmem:$0x630] =	vst v3;
	v3 =	vadd.f32 v61, v4  }
0xf6: {  	[tilespmem:$0x7B0] =	vst v2;
	v2 =	vadd.f32 v14, v12  }
0xf7: {  	[tilespmem:$0x730] =	vst v3  }
0xf8: {  	s1 =	rddreg [dreg:$0xc];
	[tilespmem:$0x930] =	vst v2  }
0xf9: {  	[hbm4b:s1+s2] =	stream.linear.scatter [tilespmem:s21], [sflag:$0x1], $0x40, $0x38;
	[tilespmem:$0x980] =	vst v63  }
0xfa: {  	_ =	swait.ge [sflag:s13], $0x40  }
0xfb: {  	[sflag:s13] =	ssyncset.done $0x0  }
0xfc: {  	s1 =	rddreg [dreg:$0xd];
	[sflag:s13] =	ssyncadd.s32 $0xFFFFFFC0  }
0xfd: {  	[hbm4b:s1+s2] =	stream.linear.scatter [tilespmem:s22], [sflag:$0x1], $0x40, $0x38;
	[tilespmem:$0x980] =	vst v63  }
0xfe: {  	_ =	swait.ge [sflag:s13], $0x40  }
0xff: {  	[sflag:s13] =	ssyncset.done $0x0  }
0x100: {  	[sflag:s13] =	ssyncadd.s32 $0xFFFFFFC0  }
0x101: {  	[hbm4b:s3+s2] =	stream.linear.scatter [tilespmem:s23], [sflag:$0x1], $0x40, $0x38;
	[tilespmem:$0x980] =	vst v63  }
0x102: {  	_ =	swait.ge [sflag:s13], $0x40  }
0x103: {  	[sflag:s13] =	ssyncset.done $0x0  }
0x104: {  	[sflag:s13] =	ssyncadd.s32 $0xFFFFFFC0  }
0x105: {  	[hbm4b:s4+s2] =	stream.linear.scatter [tilespmem:s24], [sflag:$0x1], $0x40, $0x38;
	[tilespmem:$0x980] =	vst v63  }
0x106: {  	_ =	swait.ge [sflag:s13], $0x40  }
0x107: {  	[sflag:s13] =	ssyncset.done $0x0  }
0x108: {  	[sflag:s13] =	ssyncadd.s32 $0xFFFFFFC0  }
0x109: {  	[hbm4b:s5+s2] =	stream.linear.scatter [tilespmem:s25], [sflag:$0x1], $0x40, $0x38;
	[tilespmem:$0x980] =	vst v63  }
0x10a: {  	_ =	swait.ge [sflag:s13], $0x40  }
0x10b: {  	[sflag:s13] =	ssyncset.done $0x0  }
0x10c: {  	[sflag:s13] =	ssyncadd.s32 $0xFFFFFFC0  }
0x10d: {  	[hbm4b:s6+s2] =	stream.linear.scatter [tilespmem:s26], [sflag:$0x1], $0x40, $0x38;
	[tilespmem:$0x980] =	vst v63  }
0x10e: {  	_ =	swait.ge [sflag:s13], $0x40  }
0x10f: {  	[sflag:s13] =	ssyncset.done $0x0  }
0x110: {  	[sflag:s13] =	ssyncadd.s32 $0xFFFFFFC0  }
0x111: {  	[hbm4b:s7+s2] =	stream.linear.scatter [tilespmem:s28], [sflag:$0x1], $0x40, $0x38;
	[tilespmem:$0x980] =	vst v63  }
0x112: {  	_ =	swait.ge [sflag:s13], $0x40  }
0x113: {  	[sflag:s13] =	ssyncset.done $0x0  }
0x114: {  	[sflag:s13] =	ssyncadd.s32 $0xFFFFFFC0  }
0x115: {  	[hbm4b:s9+s2] =	stream.linear.scatter [tilespmem:s29], [sflag:$0x1], $0x40, $0x38;
	[tilespmem:$0x980] =	vst v63  }
0x116: {  	_ =	swait.ge [sflag:s13], $0x40  }
0x117: {  	[sflag:s13] =	ssyncset.done $0x0  }
0x118: {  	[sflag:s13] =	ssyncadd.s32 $0xFFFFFFC0  }
0x119: {  	[hbm4b:s8+s2] =	stream.linear.scatter [tilespmem:s30], [sflag:$0x1], $0x40, $0x38;
	[tilespmem:$0x980] =	vst v63  }
0x11a: {  	_ =	swait.ge [sflag:s13], $0x40  }
0x11b: {  	[sflag:s13] =	ssyncset.done $0x0  }
0x11c: {  	[sflag:s13] =	ssyncadd.s32 $0xFFFFFFC0  }
0x11d: {  	[hbm4b:s10+s2] =	stream.linear.scatter [tilespmem:s31], [sflag:$0x1], $0x40, $0x38;
	[tilespmem:$0x980] =	vst v63  }
0x11e: {  	_ =	swait.ge [sflag:s13], $0x40  }
0x11f: {  	p0 =	sne.s32 s12, $0x1;
	[sflag:s13] =	ssyncset.done $0x0  }
.Ltmp0:
0x120: {  	[sflag:s13] =	ssyncadd.s32 $0xFFFFFFC0;
	(pc) =	sbr.rel @p0 .LBB2_1-.Ltmp0, $4  }
0x121: {  	[hbm4b:s11+s2] =	stream.linear.scatter [tilespmem:s0], [sflag:$0x1], $0x40, $0x38;
	[tilespmem:$0x980] =	vst v63  }
0x122: {  	_ =	swait.ge [sflag:s13], $0x40  }
0x123: {  	[sflag:s13] =	ssyncset.done $0x0  }
0x124: {  	s12 =	sadd.s32 $0xFFFFFFFF, s12;
	[sflag:s13] =	ssyncadd.s32 $0xFFFFFFC0  }
0x125: {  	_ =	sfence.sel $0x180000  }
0x126: {  	[bflag:$0x0] =	sbarrier.arrive $0xFFFF  }
0x127: {  	_ =	strace $0x90000047  }
0x128: {  	s0 =	stileid.u32;
	[bflag:$0x2] =	sbarrier.arrive $0xFFFF  }
0x129: {  	p0 =	sne.s32 s0, $0x0;
	s0 =	rddreg [dreg:$0x3]  }
0x12a: {  	s0 =	sadd.s32 @!p0 $0x100000, s0  }
0x12b: {  	[sflag:s0] =	ssyncadd.tile.s32 @!p0 $0x1;
	_ =	shalt  }
.Lfunc_end2:
_tile_overlayer_lowered:
.L_overlay_start_2:
0x12c: {  	(tag) =	ssettag $0x2  }
0x12d: {  	s0 =	rddreg [dreg:$0x0];
	s2 =	stileid.u32  }
0x12e: {  	s1 =	rddreg [dreg:$0x1];
	p0 =	sne.s32 s2, $0x0  }
0x12f: {  	s3 =	rddreg [dreg:$0x2];
	[bflag:$0x3] =	sbarrier.arrive $0xFFFF;
	s2 =	simm.s32 @!p0 $0x1C01  }
0x130: {  	[timem:s3], [sflag:s2] =	dma.local @!p0 [hbm:s0], s1  }
0x131: {  	s0 =	simm.s32 @!p0 $0x1  }
0x132: {  	_ =	swait.ge @!p0 [sflag:s0], s1  }
0x133: {  	s1 =	ssub.s32 @!p0 $0x0, s1;
	[sflag:s0] =	ssyncset.done @!p0 $0x0  }
0x134: {  	[sflag:s0] =	ssyncadd.s32 @!p0 s1  }
0x135: {  	[bflag:$0x3] =	sbarrier.arrive $0xFFFF  }
0x136: {  	_ =	shalt  }

</sc_bundles>
